<compile_context>
chip_gen: v7x
topology: tpu7x:2x2x1
jax: 0.10.2.dev20260603
libtpu: 0.0.44.dev20260713+nightly
codegen_flags: <defaults>
</compile_context>

<pallas_src>
import functools

import jax
import jax.numpy as jnp
from jax import lax
from jax.experimental import pallas as pl
from jax.experimental.pallas import tpu as pltpu
from jax.experimental.pallas import tpu_sc as plsc

N_NODES = 10000
N_EDGES = 320000
D = 128

NC = 2
NS = 16
EDGES_PER_TILE = N_EDGES // (NC * NS)
CHUNK = 80
E_TILE = EDGES_PER_TILE
N_CHUNKS = E_TILE // CHUNK
NBUF = 4
MAIN_ITERS = 15
N_PAD = 10240
ROWS_PER_TILE = N_PAD // NS
DEG_W = 128
E_PAD = N_EDGES + 256



def _sc_deg_body(dst_hbm, z16_hbm, on16_hbm,
                 deg_out, deg_sh,
                 idxd_v, idxd2_v, s16_v, on_v, si0, si1):
    cid = lax.axis_index("c")
    sid = lax.axis_index("s")
    r0 = sid * ROWS_PER_TILE

    pltpu.sync_copy(z16_hbm, s16_v)
    for j in range(ROWS_PER_TILE // CHUNK):
        pltpu.sync_copy(s16_v, deg_sh.at[pl.ds(r0 + j * CHUNK, CHUNK)])
    pltpu.sync_copy(on16_hbm, on_v)
    plsc.subcore_barrier()

    ebase = (cid * NS + sid) * E_TILE
    bufs = [idxd_v, idxd2_v]
    sems = [si0, si1]

    def issue(i, b):
        e0 = pl.multiple_of(ebase + i * CHUNK, 8)
        pltpu.async_copy(dst_hbm.at[pl.ds(e0, CHUNK)], bufs[b], sems[b])

    def drain(i, b):
        e0 = pl.multiple_of(ebase + i * CHUNK, 8)
        pltpu.make_async_copy(dst_hbm.at[pl.ds(e0, CHUNK)], bufs[b],
                              sems[b]).wait()

    issue(0, 0)
    issue(1, 1)

    def step(it, carry):
        for b in range(2):
            i = 2 * it + b
            drain(i, b)
            pltpu.sync_copy(on_v, deg_sh.at[bufs[b]], add=True)
            issue(i + 2, b)
        return carry

    lax.fori_loop(0, (N_CHUNKS - 1) // 2, step, 0)

    drain(N_CHUNKS - 1, 0)
    pltpu.sync_copy(on_v, deg_sh.at[bufs[0]], add=True)
    drain(N_CHUNKS, 1)

    plsc.subcore_barrier()
    for j in range(ROWS_PER_TILE // CHUNK):
        rr = r0 + j * CHUNK
        pltpu.sync_copy(deg_sh.at[pl.ds(rr, CHUNK)], s16_v)
        pltpu.sync_copy(s16_v, deg_out.at[cid, pl.ds(rr, CHUNK)])


def _sc_body(y_hbm, src_hbm, dst_hbm, zf_hbm,
             agg_out, agg_sh,
             sa0, sa1, sa2, sa3, sb0, sb1, sb2, sb3,
             da0, da1, da2, da3, db0, db1, db2, db3,
             r0_v, r1_v, r2_v, r3_v,
             g0, g1, g2, g3, i0, i1, i2, i3):
    S = [[sa0, sa1, sa2, sa3], [sb0, sb1, sb2, sb3]]
    Dd = [[da0, da1, da2, da3], [db0, db1, db2, db3]]
    rows = [r0_v, r1_v, r2_v, r3_v]
    gsem = [g0, g1, g2, g3]
    isem = [i0, i1, i2, i3]
    cid = lax.axis_index("c")
    sid = lax.axis_index("s")
    r0 = sid * ROWS_PER_TILE

    pltpu.sync_copy(zf_hbm.at[pl.ds(r0, CHUNK)], r0_v)
    for j in range(ROWS_PER_TILE // CHUNK):
        pltpu.sync_copy(r0_v, agg_sh.at[pl.ds(r0 + j * CHUNK, CHUNK)])
    plsc.subcore_barrier()

    ebase = (cid * NS + sid) * E_TILE

    def idx_issue(i, b, p):
        e0 = pl.multiple_of(ebase + i * CHUNK, 8)
        pltpu.async_copy(src_hbm.at[pl.ds(e0, CHUNK)], S[p][b], isem[b])
        pltpu.async_copy(dst_hbm.at[pl.ds(e0, CHUNK)], Dd[p][b], isem[b])

    def idx_drain(i, b, p):
        e0 = pl.multiple_of(ebase + i * CHUNK, 8)
        pltpu.make_async_copy(src_hbm.at[pl.ds(e0, CHUNK)], S[p][b],
                              isem[b]).wait()
        pltpu.make_async_copy(dst_hbm.at[pl.ds(e0, CHUNK)], Dd[p][b],
                              isem[b]).wait()

    def gather_start(b, p):
        pltpu.async_copy(y_hbm.at[S[p][b]], rows[b], gsem[b])

    def gather_drain_scatter(b, p):
        pltpu.make_async_copy(y_hbm.at[S[p][b]], rows[b], gsem[b]).wait()
        pltpu.sync_copy(rows[b], agg_sh.at[Dd[p][b]], add=True)

    for b in range(NBUF):
        e0 = pl.multiple_of(ebase + b * CHUNK, 8)
        pltpu.sync_copy(src_hbm.at[pl.ds(e0, CHUNK)], S[0][b])
        pltpu.sync_copy(dst_hbm.at[pl.ds(e0, CHUNK)], Dd[0][b])
        gather_start(b, 0)
    for b in range(NBUF):
        idx_issue(NBUF + b, b, 1)

    def cycle(g, p):
        for b in range(NBUF):
            gather_drain_scatter(b, p)
            idx_drain(g + NBUF + b, b, 1 - p)
            gather_start(b, 1 - p)
            idx_issue(g + 2 * NBUF + b, b, p)

    def step(it, carry):
        cycle(2 * NBUF * it, 0)
        cycle(2 * NBUF * it + NBUF, 1)
        return carry

    lax.fori_loop(0, MAIN_ITERS, step, 0)

    for b in range(NBUF):
        gather_drain_scatter(b, 0)
    for b in range(NBUF):
        idx_drain(30 * NBUF + b + NBUF, b, 1)

    gather_start(0, 1)
    gather_drain_scatter(0, 1)

    plsc.subcore_barrier()
    for j in range(ROWS_PER_TILE // CHUNK):
        rr = r0 + j * CHUNK
        pltpu.sync_copy(agg_sh.at[pl.ds(rr, CHUNK)], r0_v)
        pltpu.sync_copy(r0_v, agg_out.at[cid, pl.ds(rr, CHUNK)])


_sc_mesh = plsc.VectorSubcoreMesh(core_axis_name="c", subcore_axis_name="s",
                                  num_cores=NC, num_subcores=NS)

_sc_deg = pl.kernel(
    _sc_deg_body,
    out_type=jax.ShapeDtypeStruct((NC, N_PAD, DEG_W), jnp.float32),
    mesh=_sc_mesh,
    scratch_types=[
        pltpu.VMEM_SHARED((N_PAD, DEG_W), jnp.float32),
        pltpu.VMEM((CHUNK,), jnp.int32),
        pltpu.VMEM((CHUNK,), jnp.int32),
        pltpu.VMEM((CHUNK, DEG_W), jnp.float32),
        pltpu.VMEM((CHUNK, DEG_W), jnp.float32),
        pltpu.SemaphoreType.DMA,
        pltpu.SemaphoreType.DMA,
    ],
)

_sc_agg = pl.kernel(
    _sc_body,
    out_type=jax.ShapeDtypeStruct((NC, N_PAD, D), jnp.float32),
    mesh=_sc_mesh,
    scratch_types=[pltpu.VMEM_SHARED((N_PAD, D), jnp.float32)]
      + [pltpu.VMEM((CHUNK,), jnp.int32)] * (4 * NBUF)
      + [pltpu.VMEM((CHUNK, D), jnp.float32)] * NBUF
      + [pltpu.SemaphoreType.DMA] * (2 * NBUF),
)



_BLK = 2000
_GRID = N_NODES // _BLK

_DN = (((1,), (1,)), ((), ()))


def _mm2_body(x_ref, wn_ref, ws_ref, y_ref, s_ref):
    x = x_ref[...]
    y_ref[...] = lax.dot_general(x, wn_ref[...], _DN,
                                 preferred_element_type=jnp.float32)
    s_ref[...] = lax.dot_general(x, ws_ref[...], _DN,
                                 preferred_element_type=jnp.float32)


_mm2 = pl.pallas_call(
    _mm2_body,
    grid=(_GRID,),
    in_specs=[
        pl.BlockSpec((_BLK, D), lambda i: (i, 0)),
        pl.BlockSpec((D, D), lambda i: (0, 0)),
        pl.BlockSpec((D, D), lambda i: (0, 0)),
    ],
    out_specs=(
        pl.BlockSpec((_BLK, D), lambda i: (i, 0)),
        pl.BlockSpec((_BLK, D), lambda i: (i, 0)),
    ),
    out_shape=(
        jax.ShapeDtypeStruct((N_NODES, D), jnp.float32),
        jax.ShapeDtypeStruct((N_NODES, D), jnp.float32),
    ),
)


def _mid_body(s1_ref, agg_ref, deg_ref, wn_ref, ws_ref, b1_ref, y2_ref, s2_ref):
    agg = agg_ref[0] + agg_ref[1]
    deg = deg_ref[0, :, 0:1] + deg_ref[1, :, 0:1]
    inv = 1.0 / jnp.maximum(deg, 1.0)
    h = jnp.maximum(s1_ref[...] + agg * inv + b1_ref[...], 0.0)
    y2_ref[...] = lax.dot_general(h, wn_ref[...], _DN,
                                  preferred_element_type=jnp.float32)
    s2_ref[...] = lax.dot_general(h, ws_ref[...], _DN,
                                  preferred_element_type=jnp.float32)


_mid = pl.pallas_call(
    _mid_body,
    grid=(_GRID,),
    in_specs=[
        pl.BlockSpec((_BLK, D), lambda i: (i, 0)),
        pl.BlockSpec((NC, _BLK, D), lambda i: (0, i, 0)),
        pl.BlockSpec((NC, _BLK, DEG_W), lambda i: (0, i, 0)),
        pl.BlockSpec((D, D), lambda i: (0, 0)),
        pl.BlockSpec((D, D), lambda i: (0, 0)),
        pl.BlockSpec((1, D), lambda i: (0, 0)),
    ],
    out_specs=(
        pl.BlockSpec((_BLK, D), lambda i: (i, 0)),
        pl.BlockSpec((_BLK, D), lambda i: (i, 0)),
    ),
    out_shape=(
        jax.ShapeDtypeStruct((N_NODES, D), jnp.float32),
        jax.ShapeDtypeStruct((N_NODES, D), jnp.float32),
    ),
)


def _fin_body(s2_ref, agg_ref, deg_ref, b2_ref, out_ref):
    agg = agg_ref[0] + agg_ref[1]
    deg = deg_ref[0, :, 0:1] + deg_ref[1, :, 0:1]
    inv = 1.0 / jnp.maximum(deg, 1.0)
    out_ref[...] = s2_ref[...] + agg * inv + b2_ref[...]


_fin = pl.pallas_call(
    _fin_body,
    grid=(_GRID,),
    in_specs=[
        pl.BlockSpec((_BLK, D), lambda i: (i, 0)),
        pl.BlockSpec((NC, _BLK, D), lambda i: (0, i, 0)),
        pl.BlockSpec((NC, _BLK, DEG_W), lambda i: (0, i, 0)),
        pl.BlockSpec((1, D), lambda i: (0, 0)),
    ],
    out_specs=pl.BlockSpec((_BLK, D), lambda i: (i, 0)),
    out_shape=jax.ShapeDtypeStruct((N_NODES, D), jnp.float32),
)


def kernel(in_feat, edge_index, W1_self, W1_neigh, b1, W2_self, W2_neigh, b2):
    pad = jnp.zeros((E_PAD - N_EDGES,), jnp.int32)
    src = jnp.concatenate([edge_index[0].astype(jnp.int32), pad])
    dst = jnp.concatenate([edge_index[1].astype(jnp.int32), pad])
    zf = jnp.zeros((N_PAD, D), jnp.float32)
    z16 = jnp.zeros((CHUNK, DEG_W), jnp.float32)
    on16 = jnp.ones((CHUNK, DEG_W), jnp.float32)

    degp = _sc_deg(dst, z16, on16)
    y1, s1 = _mm2(in_feat, W1_neigh, W1_self)
    agg1 = _sc_agg(y1, src, dst, zf)
    y2, s2 = _mid(s1, agg1, degp, W2_neigh, W2_self, b1.reshape(1, D))
    agg2 = _sc_agg(y2, src, dst, zf)
    return _fin(s2, agg2, degp, b2.reshape(1, D))

# --- scband reference (transcript-rebuilt; emitter-appended) ---
"""Pipeline reference for scband-graph-sage-21251498181087 (READ-ONLY COPY).

The authoritative reference and input builder live on the scoring server;
editing this copy changes nothing except your own understanding.
"""

import jax, jax.numpy as jnp
import numpy as np

N_NODES = 10000
N_EDGES = 320000
D_IN = 128
D_H = 128

def setup_inputs(seed: int = 0) -> dict:
    key = jax.random.key(seed)
    ks = jax.random.split(key, 9)
    in_feat = jax.random.normal(ks[0], (N_NODES, D_IN), dtype=jnp.float32)
    edge_index = jax.random.randint(ks[1], (2, N_EDGES), 0, N_NODES, dtype=jnp.int64)
    s1 = 1.0 / np.sqrt(D_IN)
    s2 = 1.0 / np.sqrt(D_H)
    W1_self = jax.random.uniform(ks[2], (D_H, D_IN), minval=-s1, maxval=s1, dtype=jnp.float32)
    W1_neigh = jax.random.uniform(ks[3], (D_H, D_IN), minval=-s1, maxval=s1, dtype=jnp.float32)
    b1 = jnp.zeros((D_H,), dtype=jnp.float32)
    W2_self = jax.random.uniform(ks[4], (D_H, D_H), minval=-s2, maxval=s2, dtype=jnp.float32)
    W2_neigh = jax.random.uniform(ks[5], (D_H, D_H), minval=-s2, maxval=s2, dtype=jnp.float32)
    b2 = jnp.zeros((D_H,), dtype=jnp.float32)
    return {"in_feat": in_feat, "edge_index": edge_index,
            "W1_self": W1_self, "W1_neigh": W1_neigh, "b1": b1,
            "W2_self": W2_self, "W2_neigh": W2_neigh, "b2": b2}

def _sage_conv(x, edge_index, W_self, W_neigh, b):
    src = edge_index[0]
    dst = edge_index[1]
    msgs = jnp.take(x, src, axis=0)
    agg = jax.ops.segment_sum(msgs, dst, num_segments=N_NODES)
    deg = jax.ops.segment_sum(jnp.ones((msgs.shape[0],), dtype=x.dtype), dst, num_segments=N_NODES)
    mean = agg / jnp.clip(deg, 1.0)[:, None]
    return x @ W_self.T + mean @ W_neigh.T + b

def reference(in_feat, edge_index, W1_self, W1_neigh, b1, W2_self, W2_neigh, b2):
    h = _sage_conv(in_feat, edge_index, W1_self, W1_neigh, b1)
    h = jax.nn.relu(h)
    h = _sage_conv(h, edge_index, W2_self, W2_neigh, b2)
    return h

if __name__ == "__main__":
    import jax
    _d = setup_inputs()
    print(jax.jit(kernel)(*tuple(_d.values())))

</pallas_src>

<mosaic_0001>
#map = affine_map<(d0, d1) -> (0, 0)>
#map1 = affine_map<(d0, d1) -> (0)>
#map2 = affine_map<(d0, d1) -> (0, 0, 0)>
module attributes {stable_mosaic.version = 14 : i64} {
  func.func @_sc_body(%arg0: i32, %arg1: i32, %arg2: memref<10000x128xf32, #tpu.memory_space<hbm>>, %arg3: memref<320256xi32, #tpu.memory_space<hbm>>, %arg4: memref<320256xi32, #tpu.memory_space<hbm>>, %arg5: memref<10240x128xf32, #tpu.memory_space<hbm>>, %arg6: memref<2x10240x128xf32, #tpu.memory_space<hbm>>, %arg7: memref<10240x128xf32, #tpu.memory_space<vmem_shared>>, %arg8: memref<80xi32, #tpu.memory_space<vmem>>, %arg9: memref<80xi32, #tpu.memory_space<vmem>>, %arg10: memref<80xi32, #tpu.memory_space<vmem>>, %arg11: memref<80xi32, #tpu.memory_space<vmem>>, %arg12: memref<80xi32, #tpu.memory_space<vmem>>, %arg13: memref<80xi32, #tpu.memory_space<vmem>>, %arg14: memref<80xi32, #tpu.memory_space<vmem>>, %arg15: memref<80xi32, #tpu.memory_space<vmem>>, %arg16: memref<80xi32, #tpu.memory_space<vmem>>, %arg17: memref<80xi32, #tpu.memory_space<vmem>>, %arg18: memref<80xi32, #tpu.memory_space<vmem>>, %arg19: memref<80xi32, #tpu.memory_space<vmem>>, %arg20: memref<80xi32, #tpu.memory_space<vmem>>, %arg21: memref<80xi32, #tpu.memory_space<vmem>>, %arg22: memref<80xi32, #tpu.memory_space<vmem>>, %arg23: memref<80xi32, #tpu.memory_space<vmem>>, %arg24: memref<80x128xf32, #tpu.memory_space<vmem>>, %arg25: memref<80x128xf32, #tpu.memory_space<vmem>>, %arg26: memref<80x128xf32, #tpu.memory_space<vmem>>, %arg27: memref<80x128xf32, #tpu.memory_space<vmem>>, %arg28: memref<!tpu.dma_semaphore, #tpu.memory_space<semaphore_mem>>, %arg29: memref<!tpu.dma_semaphore, #tpu.memory_space<semaphore_mem>>, %arg30: memref<!tpu.dma_semaphore, #tpu.memory_space<semaphore_mem>>, %arg31: memref<!tpu.dma_semaphore, #tpu.memory_space<semaphore_mem>>, %arg32: memref<!tpu.dma_semaphore, #tpu.memory_space<semaphore_mem>>, %arg33: memref<!tpu.dma_semaphore, #tpu.memory_space<semaphore_mem>>, %arg34: memref<!tpu.dma_semaphore, #tpu.memory_space<semaphore_mem>>, %arg35: memref<!tpu.dma_semaphore, #tpu.memory_space<semaphore_mem>>) attributes {dimension_semantics = [#tpu.dimension_semantics<core_parallel>, #tpu.dimension_semantics<subcore_parallel>], iteration_bounds = array<i64: 2, 16>, scalar_prefetch = 0 : i64, scratch_operands = 29 : i64, tpu.core_type = #tpu.core_type<sc_vector_subcore>, window_params = [{transform_indices = #map}, {transform_indices = #map1}, {transform_indices = #map1}, {transform_indices = #map}, {transform_indices = #map2}]} {
    %mul3A = arith.constant 640 : i32
    %mul3A_0 = arith.muli %arg1, %mul3A : i32
    "tpu.region"() ({
      %run_scoped3A = tpu.sem_alloc : memref<!tpu.dma_semaphore, #tpu.memory_space<semaphore_mem>>
      %dma_start3A_138 = arith.constant 0 : i32
      %dma_start3A_139 = tpu.memref_slice %arg5[%mul3A_0, %dma_start3A_138] : memref<10240x128xf32, #tpu.memory_space<hbm>> -> memref<80x128xf32, #tpu.memory_space<hbm>>
      %dma_start3A_140 = arith.constant 0 : i32
      %dma_start3A_141 = tpu.memref_slice %arg5[%mul3A_0, %dma_start3A_140] : memref<10240x128xf32, #tpu.memory_space<hbm>> -> memref<80x128xf32, #tpu.memory_space<hbm>>
      tpu.enqueue_dma source(%dma_start3A_141 : memref<80x128xf32, #tpu.memory_space<hbm>>) target(%arg24 : memref<80x128xf32, #tpu.memory_space<vmem>>) target_semaphore(%run_scoped3A : memref<!tpu.dma_semaphore, #tpu.memory_space<semaphore_mem>>)
      %dma_wait3A_142 = arith.constant 0 : i32
      %dma_wait3A_143 = tpu.memref_slice %arg5[%mul3A_0, %dma_wait3A_142] : memref<10240x128xf32, #tpu.memory_space<hbm>> -> memref<80x128xf32, #tpu.memory_space<hbm>>
      %dma_wait3A_144 = arith.constant 0 : i32
      %dma_wait3A_145 = tpu.memref_slice %arg5[%mul3A_0, %dma_wait3A_144] : memref<10240x128xf32, #tpu.memory_space<hbm>> -> memref<80x128xf32, #tpu.memory_space<hbm>>
      tpu.wait_dma2 semaphore(%run_scoped3A : memref<!tpu.dma_semaphore, #tpu.memory_space<semaphore_mem>>) src(%dma_wait3A_145 : memref<80x128xf32, #tpu.memory_space<hbm>>) dst(%arg24 : memref<80x128xf32, #tpu.memory_space<vmem>>)
      tpu.yield
    }) : () -> ()
    %add3A = arith.constant 0 : i32
    %add3A_1 = arith.addi %mul3A_0, %add3A : i32
    "tpu.region"() ({
      %run_scoped3A = tpu.sem_alloc : memref<!tpu.dma_semaphore, #tpu.memory_space<semaphore_mem>>
      %dma_start3A_138 = arith.constant 0 : i32
      %dma_start3A_139 = tpu.memref_slice %arg7[%add3A_1, %dma_start3A_138] : memref<10240x128xf32, #tpu.memory_space<vmem_shared>> -> memref<80x128xf32, #tpu.memory_space<vmem_shared>>
      %dma_start3A_140 = arith.constant 0 : i32
      %dma_start3A_141 = tpu.memref_slice %arg7[%add3A_1, %dma_start3A_140] : memref<10240x128xf32, #tpu.memory_space<vmem_shared>> -> memref<80x128xf32, #tpu.memory_space<vmem_shared>>
      tpu.enqueue_dma source(%arg24 : memref<80x128xf32, #tpu.memory_space<vmem>>) target(%dma_start3A_141 : memref<80x128xf32, #tpu.memory_space<vmem_shared>>) target_semaphore(%run_scoped3A : memref<!tpu.dma_semaphore, #tpu.memory_space<semaphore_mem>>)
      %dma_wait3A_142 = arith.constant 0 : i32
      %dma_wait3A_143 = tpu.memref_slice %arg7[%add3A_1, %dma_wait3A_142] : memref<10240x128xf32, #tpu.memory_space<vmem_shared>> -> memref<80x128xf32, #tpu.memory_space<vmem_shared>>
      %dma_wait3A_144 = arith.constant 0 : i32
      %dma_wait3A_145 = tpu.memref_slice %arg7[%add3A_1, %dma_wait3A_144] : memref<10240x128xf32, #tpu.memory_space<vmem_shared>> -> memref<80x128xf32, #tpu.memory_space<vmem_shared>>
      tpu.wait_dma2 semaphore(%run_scoped3A : memref<!tpu.dma_semaphore, #tpu.memory_space<semaphore_mem>>) src(%arg24 : memref<80x128xf32, #tpu.memory_space<vmem>>) dst(%dma_wait3A_145 : memref<80x128xf32, #tpu.memory_space<vmem_shared>>)
      tpu.yield
    }) : () -> ()
    %add3A_2 = arith.constant 80 : i32
    %add3A_3 = arith.addi %mul3A_0, %add3A_2 : i32
    "tpu.region"() ({
      %run_scoped3A = tpu.sem_alloc : memref<!tpu.dma_semaphore, #tpu.memory_space<semaphore_mem>>
      %dma_start3A_138 = arith.constant 0 : i32
      %dma_start3A_139 = tpu.memref_slice %arg7[%add3A_3, %dma_start3A_138] : memref<10240x128xf32, #tpu.memory_space<vmem_shared>> -> memref<80x128xf32, #tpu.memory_space<vmem_shared>>
      %dma_start3A_140 = arith.constant 0 : i32
      %dma_start3A_141 = tpu.memref_slice %arg7[%add3A_3, %dma_start3A_140] : memref<10240x128xf32, #tpu.memory_space<vmem_shared>> -> memref<80x128xf32, #tpu.memory_space<vmem_shared>>
      tpu.enqueue_dma source(%arg24 : memref<80x128xf32, #tpu.memory_space<vmem>>) target(%dma_start3A_141 : memref<80x128xf32, #tpu.memory_space<vmem_shared>>) target_semaphore(%run_scoped3A : memref<!tpu.dma_semaphore, #tpu.memory_space<semaphore_mem>>)
      %dma_wait3A_142 = arith.constant 0 : i32
      %dma_wait3A_143 = tpu.memref_slice %arg7[%add3A_3, %dma_wait3A_142] : memref<10240x128xf32, #tpu.memory_space<vmem_shared>> -> memref<80x128xf32, #tpu.memory_space<vmem_shared>>
      %dma_wait3A_144 = arith.constant 0 : i32
      %dma_wait3A_145 = tpu.memref_slice %arg7[%add3A_3, %dma_wait3A_144] : memref<10240x128xf32, #tpu.memory_space<vmem_shared>> -> memref<80x128xf32, #tpu.memory_space<vmem_shared>>
      tpu.wait_dma2 semaphore(%run_scoped3A : memref<!tpu.dma_semaphore, #tpu.memory_space<semaphore_mem>>) src(%arg24 : memref<80x128xf32, #tpu.memory_space<vmem>>) dst(%dma_wait3A_145 : memref<80x128xf32, #tpu.memory_space<vmem_shared>>)
      tpu.yield
    }) : () -> ()
    %add3A_4 = arith.constant 160 : i32
    %add3A_5 = arith.addi %mul3A_0, %add3A_4 : i32
    "tpu.region"() ({
      %run_scoped3A = tpu.sem_alloc : memref<!tpu.dma_semaphore, #tpu.memory_space<semaphore_mem>>
      %dma_start3A_138 = arith.constant 0 : i32
      %dma_start3A_139 = tpu.memref_slice %arg7[%add3A_5, %dma_start3A_138] : memref<10240x128xf32, #tpu.memory_space<vmem_shared>> -> memref<80x128xf32, #tpu.memory_space<vmem_shared>>
      %dma_start3A_140 = arith.constant 0 : i32
      %dma_start3A_141 = tpu.memref_slice %arg7[%add3A_5, %dma_start3A_140] : memref<10240x128xf32, #tpu.memory_space<vmem_shared>> -> memref<80x128xf32, #tpu.memory_space<vmem_shared>>
      tpu.enqueue_dma source(%arg24 : memref<80x128xf32, #tpu.memory_space<vmem>>) target(%dma_start3A_141 : memref<80x128xf32, #tpu.memory_space<vmem_shared>>) target_semaphore(%run_scoped3A : memref<!tpu.dma_semaphore, #tpu.memory_space<semaphore_mem>>)
      %dma_wait3A_142 = arith.constant 0 : i32
      %dma_wait3A_143 = tpu.memref_slice %arg7[%add3A_5, %dma_wait3A_142] : memref<10240x128xf32, #tpu.memory_space<vmem_shared>> -> memref<80x128xf32, #tpu.memory_space<vmem_shared>>
      %dma_wait3A_144 = arith.constant 0 : i32
      %dma_wait3A_145 = tpu.memref_slice %arg7[%add3A_5, %dma_wait3A_144] : memref<10240x128xf32, #tpu.memory_space<vmem_shared>> -> memref<80x128xf32, #tpu.memory_space<vmem_shared>>
      tpu.wait_dma2 semaphore(%run_scoped3A : memref<!tpu.dma_semaphore, #tpu.memory_space<semaphore_mem>>) src(%arg24 : memref<80x128xf32, #tpu.memory_space<vmem>>) dst(%dma_wait3A_145 : memref<80x128xf32, #tpu.memory_space<vmem_shared>>)
      tpu.yield
    }) : () -> ()
    %add3A_6 = arith.constant 240 : i32
    %add3A_7 = arith.addi %mul3A_0, %add3A_6 : i32
    "tpu.region"() ({
      %run_scoped3A = tpu.sem_alloc : memref<!tpu.dma_semaphore, #tpu.memory_space<semaphore_mem>>
      %dma_start3A_138 = arith.constant 0 : i32
      %dma_start3A_139 = tpu.memref_slice %arg7[%add3A_7, %dma_start3A_138] : memref<10240x128xf32, #tpu.memory_space<vmem_shared>> -> memref<80x128xf32, #tpu.memory_space<vmem_shared>>
      %dma_start3A_140 = arith.constant 0 : i32
      %dma_start3A_141 = tpu.memref_slice %arg7[%add3A_7, %dma_start3A_140] : memref<10240x128xf32, #tpu.memory_space<vmem_shared>> -> memref<80x128xf32, #tpu.memory_space<vmem_shared>>
      tpu.enqueue_dma source(%arg24 : memref<80x128xf32, #tpu.memory_space<vmem>>) target(%dma_start3A_141 : memref<80x128xf32, #tpu.memory_space<vmem_shared>>) target_semaphore(%run_scoped3A : memref<!tpu.dma_semaphore, #tpu.memory_space<semaphore_mem>>)
      %dma_wait3A_142 = arith.constant 0 : i32
      %dma_wait3A_143 = tpu.memref_slice %arg7[%add3A_7, %dma_wait3A_142] : memref<10240x128xf32, #tpu.memory_space<vmem_shared>> -> memref<80x128xf32, #tpu.memory_space<vmem_shared>>
      %dma_wait3A_144 = arith.constant 0 : i32
      %dma_wait3A_145 = tpu.memref_slice %arg7[%add3A_7, %dma_wait3A_144] : memref<10240x128xf32, #tpu.memory_space<vmem_shared>> -> memref<80x128xf32, #tpu.memory_space<vmem_shared>>
      tpu.wait_dma2 semaphore(%run_scoped3A : memref<!tpu.dma_semaphore, #tpu.memory_space<semaphore_mem>>) src(%arg24 : memref<80x128xf32, #tpu.memory_space<vmem>>) dst(%dma_wait3A_145 : memref<80x128xf32, #tpu.memory_space<vmem_shared>>)
      tpu.yield
    }) : () -> ()
    %add3A_8 = arith.constant 320 : i32
    %add3A_9 = arith.addi %mul3A_0, %add3A_8 : i32
    "tpu.region"() ({
      %run_scoped3A = tpu.sem_alloc : memref<!tpu.dma_semaphore, #tpu.memory_space<semaphore_mem>>
      %dma_start3A_138 = arith.constant 0 : i32
      %dma_start3A_139 = tpu.memref_slice %arg7[%add3A_9, %dma_start3A_138] : memref<10240x128xf32, #tpu.memory_space<vmem_shared>> -> memref<80x128xf32, #tpu.memory_space<vmem_shared>>
      %dma_start3A_140 = arith.constant 0 : i32
      %dma_start3A_141 = tpu.memref_slice %arg7[%add3A_9, %dma_start3A_140] : memref<10240x128xf32, #tpu.memory_space<vmem_shared>> -> memref<80x128xf32, #tpu.memory_space<vmem_shared>>
      tpu.enqueue_dma source(%arg24 : memref<80x128xf32, #tpu.memory_space<vmem>>) target(%dma_start3A_141 : memref<80x128xf32, #tpu.memory_space<vmem_shared>>) target_semaphore(%run_scoped3A : memref<!tpu.dma_semaphore, #tpu.memory_space<semaphore_mem>>)
      %dma_wait3A_142 = arith.constant 0 : i32
      %dma_wait3A_143 = tpu.memref_slice %arg7[%add3A_9, %dma_wait3A_142] : memref<10240x128xf32, #tpu.memory_space<vmem_shared>> -> memref<80x128xf32, #tpu.memory_space<vmem_shared>>
      %dma_wait3A_144 = arith.constant 0 : i32
      %dma_wait3A_145 = tpu.memref_slice %arg7[%add3A_9, %dma_wait3A_144] : memref<10240x128xf32, #tpu.memory_space<vmem_shared>> -> memref<80x128xf32, #tpu.memory_space<vmem_shared>>
      tpu.wait_dma2 semaphore(%run_scoped3A : memref<!tpu.dma_semaphore, #tpu.memory_space<semaphore_mem>>) src(%arg24 : memref<80x128xf32, #tpu.memory_space<vmem>>) dst(%dma_wait3A_145 : memref<80x128xf32, #tpu.memory_space<vmem_shared>>)
      tpu.yield
    }) : () -> ()
    %add3A_10 = arith.constant 400 : i32
    %add3A_11 = arith.addi %mul3A_0, %add3A_10 : i32
    "tpu.region"() ({
      %run_scoped3A = tpu.sem_alloc : memref<!tpu.dma_semaphore, #tpu.memory_space<semaphore_mem>>
      %dma_start3A_138 = arith.constant 0 : i32
      %dma_start3A_139 = tpu.memref_slice %arg7[%add3A_11, %dma_start3A_138] : memref<10240x128xf32, #tpu.memory_space<vmem_shared>> -> memref<80x128xf32, #tpu.memory_space<vmem_shared>>
      %dma_start3A_140 = arith.constant 0 : i32
      %dma_start3A_141 = tpu.memref_slice %arg7[%add3A_11, %dma_start3A_140] : memref<10240x128xf32, #tpu.memory_space<vmem_shared>> -> memref<80x128xf32, #tpu.memory_space<vmem_shared>>
      tpu.enqueue_dma source(%arg24 : memref<80x128xf32, #tpu.memory_space<vmem>>) target(%dma_start3A_141 : memref<80x128xf32, #tpu.memory_space<vmem_shared>>) target_semaphore(%run_scoped3A : memref<!tpu.dma_semaphore, #tpu.memory_space<semaphore_mem>>)
      %dma_wait3A_142 = arith.constant 0 : i32
      %dma_wait3A_143 = tpu.memref_slice %arg7[%add3A_11, %dma_wait3A_142] : memref<10240x128xf32, #tpu.memory_space<vmem_shared>> -> memref<80x128xf32, #tpu.memory_space<vmem_shared>>
      %dma_wait3A_144 = arith.constant 0 : i32
      %dma_wait3A_145 = tpu.memref_slice %arg7[%add3A_11, %dma_wait3A_144] : memref<10240x128xf32, #tpu.memory_space<vmem_shared>> -> memref<80x128xf32, #tpu.memory_space<vmem_shared>>
      tpu.wait_dma2 semaphore(%run_scoped3A : memref<!tpu.dma_semaphore, #tpu.memory_space<semaphore_mem>>) src(%arg24 : memref<80x128xf32, #tpu.memory_space<vmem>>) dst(%dma_wait3A_145 : memref<80x128xf32, #tpu.memory_space<vmem_shared>>)
      tpu.yield
    }) : () -> ()
    %add3A_12 = arith.constant 480 : i32
    %add3A_13 = arith.addi %mul3A_0, %add3A_12 : i32
    "tpu.region"() ({
      %run_scoped3A = tpu.sem_alloc : memref<!tpu.dma_semaphore, #tpu.memory_space<semaphore_mem>>
      %dma_start3A_138 = arith.constant 0 : i32
      %dma_start3A_139 = tpu.memref_slice %arg7[%add3A_13, %dma_start3A_138] : memref<10240x128xf32, #tpu.memory_space<vmem_shared>> -> memref<80x128xf32, #tpu.memory_space<vmem_shared>>
      %dma_start3A_140 = arith.constant 0 : i32
      %dma_start3A_141 = tpu.memref_slice %arg7[%add3A_13, %dma_start3A_140] : memref<10240x128xf32, #tpu.memory_space<vmem_shared>> -> memref<80x128xf32, #tpu.memory_space<vmem_shared>>
      tpu.enqueue_dma source(%arg24 : memref<80x128xf32, #tpu.memory_space<vmem>>) target(%dma_start3A_141 : memref<80x128xf32, #tpu.memory_space<vmem_shared>>) target_semaphore(%run_scoped3A : memref<!tpu.dma_semaphore, #tpu.memory_space<semaphore_mem>>)
      %dma_wait3A_142 = arith.constant 0 : i32
      %dma_wait3A_143 = tpu.memref_slice %arg7[%add3A_13, %dma_wait3A_142] : memref<10240x128xf32, #tpu.memory_space<vmem_shared>> -> memref<80x128xf32, #tpu.memory_space<vmem_shared>>
      %dma_wait3A_144 = arith.constant 0 : i32
      %dma_wait3A_145 = tpu.memref_slice %arg7[%add3A_13, %dma_wait3A_144] : memref<10240x128xf32, #tpu.memory_space<vmem_shared>> -> memref<80x128xf32, #tpu.memory_space<vmem_shared>>
      tpu.wait_dma2 semaphore(%run_scoped3A : memref<!tpu.dma_semaphore, #tpu.memory_space<semaphore_mem>>) src(%arg24 : memref<80x128xf32, #tpu.memory_space<vmem>>) dst(%dma_wait3A_145 : memref<80x128xf32, #tpu.memory_space<vmem_shared>>)
      tpu.yield
    }) : () -> ()
    %add3A_14 = arith.constant 560 : i32
    %add3A_15 = arith.addi %mul3A_0, %add3A_14 : i32
    "tpu.region"() ({
      %run_scoped3A = tpu.sem_alloc : memref<!tpu.dma_semaphore, #tpu.memory_space<semaphore_mem>>
      %dma_start3A_138 = arith.constant 0 : i32
      %dma_start3A_139 = tpu.memref_slice %arg7[%add3A_15, %dma_start3A_138] : memref<10240x128xf32, #tpu.memory_space<vmem_shared>> -> memref<80x128xf32, #tpu.memory_space<vmem_shared>>
      %dma_start3A_140 = arith.constant 0 : i32
      %dma_start3A_141 = tpu.memref_slice %arg7[%add3A_15, %dma_start3A_140] : memref<10240x128xf32, #tpu.memory_space<vmem_shared>> -> memref<80x128xf32, #tpu.memory_space<vmem_shared>>
      tpu.enqueue_dma source(%arg24 : memref<80x128xf32, #tpu.memory_space<vmem>>) target(%dma_start3A_141 : memref<80x128xf32, #tpu.memory_space<vmem_shared>>) target_semaphore(%run_scoped3A : memref<!tpu.dma_semaphore, #tpu.memory_space<semaphore_mem>>)
      %dma_wait3A_142 = arith.constant 0 : i32
      %dma_wait3A_143 = tpu.memref_slice %arg7[%add3A_15, %dma_wait3A_142] : memref<10240x128xf32, #tpu.memory_space<vmem_shared>> -> memref<80x128xf32, #tpu.memory_space<vmem_shared>>
      %dma_wait3A_144 = arith.constant 0 : i32
      %dma_wait3A_145 = tpu.memref_slice %arg7[%add3A_15, %dma_wait3A_144] : memref<10240x128xf32, #tpu.memory_space<vmem_shared>> -> memref<80x128xf32, #tpu.memory_space<vmem_shared>>
      tpu.wait_dma2 semaphore(%run_scoped3A : memref<!tpu.dma_semaphore, #tpu.memory_space<semaphore_mem>>) src(%arg24 : memref<80x128xf32, #tpu.memory_space<vmem>>) dst(%dma_wait3A_145 : memref<80x128xf32, #tpu.memory_space<vmem_shared>>)
      tpu.yield
    }) : () -> ()
    %barrier3A = arith.constant 0 : index
    tpu.barrier barrier_id(%barrier3A)
    %mul3A_16 = arith.constant 16 : i32
    %mul3A_17 = arith.muli %arg0, %mul3A_16 : i32
    %add3A_18 = arith.addi %mul3A_17, %arg1 : i32
    %mul3A_19 = arith.constant 10000 : i32
    %mul3A_20 = arith.muli %add3A_18, %mul3A_19 : i32
    %add3A_21 = arith.constant 0 : i32
    %add3A_22 = arith.addi %mul3A_20, %add3A_21 : i32
    %multiple_of3A = tpu.assume_multiple %add3A_22, 8 : i32
    "tpu.region"() ({
      %run_scoped3A = tpu.sem_alloc : memref<!tpu.dma_semaphore, #tpu.memory_space<semaphore_mem>>
      %dma_start3A_138 = tpu.memref_slice %arg3[%multiple_of3A] : memref<320256xi32, #tpu.memory_space<hbm>> -> memref<80xi32, #tpu.memory_space<hbm>>
      %dma_start3A_139 = tpu.memref_slice %arg3[%multiple_of3A] : memref<320256xi32, #tpu.memory_space<hbm>> -> memref<80xi32, #tpu.memory_space<hbm>>
      tpu.enqueue_dma source(%dma_start3A_139 : memref<80xi32, #tpu.memory_space<hbm>>) target(%arg8 : memref<80xi32, #tpu.memory_space<vmem>>) target_semaphore(%run_scoped3A : memref<!tpu.dma_semaphore, #tpu.memory_space<semaphore_mem>>)
      %dma_wait3A_140 = tpu.memref_slice %arg3[%multiple_of3A] : memref<320256xi32, #tpu.memory_space<hbm>> -> memref<80xi32, #tpu.memory_space<hbm>>
      %dma_wait3A_141 = tpu.memref_slice %arg3[%multiple_of3A] : memref<320256xi32, #tpu.memory_space<hbm>> -> memref<80xi32, #tpu.memory_space<hbm>>
      tpu.wait_dma2 semaphore(%run_scoped3A : memref<!tpu.dma_semaphore, #tpu.memory_space<semaphore_mem>>) src(%dma_wait3A_141 : memref<80xi32, #tpu.memory_space<hbm>>) dst(%arg8 : memref<80xi32, #tpu.memory_space<vmem>>)
      tpu.yield
    }) : () -> ()
    "tpu.region"() ({
      %run_scoped3A = tpu.sem_alloc : memref<!tpu.dma_semaphore, #tpu.memory_space<semaphore_mem>>
      %dma_start3A_138 = tpu.memref_slice %arg4[%multiple_of3A] : memref<320256xi32, #tpu.memory_space<hbm>> -> memref<80xi32, #tpu.memory_space<hbm>>
      %dma_start3A_139 = tpu.memref_slice %arg4[%multiple_of3A] : memref<320256xi32, #tpu.memory_space<hbm>> -> memref<80xi32, #tpu.memory_space<hbm>>
      tpu.enqueue_dma source(%dma_start3A_139 : memref<80xi32, #tpu.memory_space<hbm>>) target(%arg16 : memref<80xi32, #tpu.memory_space<vmem>>) target_semaphore(%run_scoped3A : memref<!tpu.dma_semaphore, #tpu.memory_space<semaphore_mem>>)
      %dma_wait3A_140 = tpu.memref_slice %arg4[%multiple_of3A] : memref<320256xi32, #tpu.memory_space<hbm>> -> memref<80xi32, #tpu.memory_space<hbm>>
      %dma_wait3A_141 = tpu.memref_slice %arg4[%multiple_of3A] : memref<320256xi32, #tpu.memory_space<hbm>> -> memref<80xi32, #tpu.memory_space<hbm>>
      tpu.wait_dma2 semaphore(%run_scoped3A : memref<!tpu.dma_semaphore, #tpu.memory_space<semaphore_mem>>) src(%dma_wait3A_141 : memref<80xi32, #tpu.memory_space<hbm>>) dst(%arg16 : memref<80xi32, #tpu.memory_space<vmem>>)
      tpu.yield
    }) : () -> ()
    %dma_start3A = arith.constant 0 : i32
    %dma_start3A_23 = arith.constant 0 : i32
    %dma_start3A_24 = tpu.memref_slice %arg2[%dma_start3A, %dma_start3A_23] : memref<10000x128xf32, #tpu.memory_space<hbm>> -> memref<10000x128xf32, #tpu.memory_space<hbm>>
    tpu.enqueue_indirect_dma source(%dma_start3A_24 : memref<10000x128xf32, #tpu.memory_space<hbm>>) target(%arg24 : memref<80x128xf32, #tpu.memory_space<vmem>>) offsets(%arg8 : memref<80xi32, #tpu.memory_space<vmem>>) semaphore(%arg28 : memref<!tpu.dma_semaphore, #tpu.memory_space<semaphore_mem>>)
    %add3A_25 = arith.constant 80 : i32
    %add3A_26 = arith.addi %mul3A_20, %add3A_25 : i32
    %multiple_of3A_27 = tpu.assume_multiple %add3A_26, 8 : i32
    "tpu.region"() ({
      %run_scoped3A = tpu.sem_alloc : memref<!tpu.dma_semaphore, #tpu.memory_space<semaphore_mem>>
      %dma_start3A_138 = tpu.memref_slice %arg3[%multiple_of3A_27] : memref<320256xi32, #tpu.memory_space<hbm>> -> memref<80xi32, #tpu.memory_space<hbm>>
      %dma_start3A_139 = tpu.memref_slice %arg3[%multiple_of3A_27] : memref<320256xi32, #tpu.memory_space<hbm>> -> memref<80xi32, #tpu.memory_space<hbm>>
      tpu.enqueue_dma source(%dma_start3A_139 : memref<80xi32, #tpu.memory_space<hbm>>) target(%arg9 : memref<80xi32, #tpu.memory_space<vmem>>) target_semaphore(%run_scoped3A : memref<!tpu.dma_semaphore, #tpu.memory_space<semaphore_mem>>)
      %dma_wait3A_140 = tpu.memref_slice %arg3[%multiple_of3A_27] : memref<320256xi32, #tpu.memory_space<hbm>> -> memref<80xi32, #tpu.memory_space<hbm>>
      %dma_wait3A_141 = tpu.memref_slice %arg3[%multiple_of3A_27] : memref<320256xi32, #tpu.memory_space<hbm>> -> memref<80xi32, #tpu.memory_space<hbm>>
      tpu.wait_dma2 semaphore(%run_scoped3A : memref<!tpu.dma_semaphore, #tpu.memory_space<semaphore_mem>>) src(%dma_wait3A_141 : memref<80xi32, #tpu.memory_space<hbm>>) dst(%arg9 : memref<80xi32, #tpu.memory_space<vmem>>)
      tpu.yield
    }) : () -> ()
    "tpu.region"() ({
      %run_scoped3A = tpu.sem_alloc : memref<!tpu.dma_semaphore, #tpu.memory_space<semaphore_mem>>
      %dma_start3A_138 = tpu.memref_slice %arg4[%multiple_of3A_27] : memref<320256xi32, #tpu.memory_space<hbm>> -> memref<80xi32, #tpu.memory_space<hbm>>
      %dma_start3A_139 = tpu.memref_slice %arg4[%multiple_of3A_27] : memref<320256xi32, #tpu.memory_space<hbm>> -> memref<80xi32, #tpu.memory_space<hbm>>
      tpu.enqueue_dma source(%dma_start3A_139 : memref<80xi32, #tpu.memory_space<hbm>>) target(%arg17 : memref<80xi32, #tpu.memory_space<vmem>>) target_semaphore(%run_scoped3A : memref<!tpu.dma_semaphore, #tpu.memory_space<semaphore_mem>>)
      %dma_wait3A_140 = tpu.memref_slice %arg4[%multiple_of3A_27] : memref<320256xi32, #tpu.memory_space<hbm>> -> memref<80xi32, #tpu.memory_space<hbm>>
      %dma_wait3A_141 = tpu.memref_slice %arg4[%multiple_of3A_27] : memref<320256xi32, #tpu.memory_space<hbm>> -> memref<80xi32, #tpu.memory_space<hbm>>
      tpu.wait_dma2 semaphore(%run_scoped3A : memref<!tpu.dma_semaphore, #tpu.memory_space<semaphore_mem>>) src(%dma_wait3A_141 : memref<80xi32, #tpu.memory_space<hbm>>) dst(%arg17 : memref<80xi32, #tpu.memory_space<vmem>>)
      tpu.yield
    }) : () -> ()
    %dma_start3A_28 = arith.constant 0 : i32
    %dma_start3A_29 = arith.constant 0 : i32
    %dma_start3A_30 = tpu.memref_slice %arg2[%dma_start3A_28, %dma_start3A_29] : memref<10000x128xf32, #tpu.memory_space<hbm>> -> memref<10000x128xf32, #tpu.memory_space<hbm>>
    tpu.enqueue_indirect_dma source(%dma_start3A_30 : memref<10000x128xf32, #tpu.memory_space<hbm>>) target(%arg25 : memref<80x128xf32, #tpu.memory_space<vmem>>) offsets(%arg9 : memref<80xi32, #tpu.memory_space<vmem>>) semaphore(%arg29 : memref<!tpu.dma_semaphore, #tpu.memory_space<semaphore_mem>>)
    %add3A_31 = arith.constant 160 : i32
    %add3A_32 = arith.addi %mul3A_20, %add3A_31 : i32
    %multiple_of3A_33 = tpu.assume_multiple %add3A_32, 8 : i32
    "tpu.region"() ({
      %run_scoped3A = tpu.sem_alloc : memref<!tpu.dma_semaphore, #tpu.memory_space<semaphore_mem>>
      %dma_start3A_138 = tpu.memref_slice %arg3[%multiple_of3A_33] : memref<320256xi32, #tpu.memory_space<hbm>> -> memref<80xi32, #tpu.memory_space<hbm>>
      %dma_start3A_139 = tpu.memref_slice %arg3[%multiple_of3A_33] : memref<320256xi32, #tpu.memory_space<hbm>> -> memref<80xi32, #tpu.memory_space<hbm>>
      tpu.enqueue_dma source(%dma_start3A_139 : memref<80xi32, #tpu.memory_space<hbm>>) target(%arg10 : memref<80xi32, #tpu.memory_space<vmem>>) target_semaphore(%run_scoped3A : memref<!tpu.dma_semaphore, #tpu.memory_space<semaphore_mem>>)
      %dma_wait3A_140 = tpu.memref_slice %arg3[%multiple_of3A_33] : memref<320256xi32, #tpu.memory_space<hbm>> -> memref<80xi32, #tpu.memory_space<hbm>>
      %dma_wait3A_141 = tpu.memref_slice %arg3[%multiple_of3A_33] : memref<320256xi32, #tpu.memory_space<hbm>> -> memref<80xi32, #tpu.memory_space<hbm>>
      tpu.wait_dma2 semaphore(%run_scoped3A : memref<!tpu.dma_semaphore, #tpu.memory_space<semaphore_mem>>) src(%dma_wait3A_141 : memref<80xi32, #tpu.memory_space<hbm>>) dst(%arg10 : memref<80xi32, #tpu.memory_space<vmem>>)
      tpu.yield
    }) : () -> ()
    "tpu.region"() ({
      %run_scoped3A = tpu.sem_alloc : memref<!tpu.dma_semaphore, #tpu.memory_space<semaphore_mem>>
      %dma_start3A_138 = tpu.memref_slice %arg4[%multiple_of3A_33] : memref<320256xi32, #tpu.memory_space<hbm>> -> memref<80xi32, #tpu.memory_space<hbm>>
      %dma_start3A_139 = tpu.memref_slice %arg4[%multiple_of3A_33] : memref<320256xi32, #tpu.memory_space<hbm>> -> memref<80xi32, #tpu.memory_space<hbm>>
      tpu.enqueue_dma source(%dma_start3A_139 : memref<80xi32, #tpu.memory_space<hbm>>) target(%arg18 : memref<80xi32, #tpu.memory_space<vmem>>) target_semaphore(%run_scoped3A : memref<!tpu.dma_semaphore, #tpu.memory_space<semaphore_mem>>)
      %dma_wait3A_140 = tpu.memref_slice %arg4[%multiple_of3A_33] : memref<320256xi32, #tpu.memory_space<hbm>> -> memref<80xi32, #tpu.memory_space<hbm>>
      %dma_wait3A_141 = tpu.memref_slice %arg4[%multiple_of3A_33] : memref<320256xi32, #tpu.memory_space<hbm>> -> memref<80xi32, #tpu.memory_space<hbm>>
      tpu.wait_dma2 semaphore(%run_scoped3A : memref<!tpu.dma_semaphore, #tpu.memory_space<semaphore_mem>>) src(%dma_wait3A_141 : memref<80xi32, #tpu.memory_space<hbm>>) dst(%arg18 : memref<80xi32, #tpu.memory_space<vmem>>)
      tpu.yield
    }) : () -> ()
    %dma_start3A_34 = arith.constant 0 : i32
    %dma_start3A_35 = arith.constant 0 : i32
    %dma_start3A_36 = tpu.memref_slice %arg2[%dma_start3A_34, %dma_start3A_35] : memref<10000x128xf32, #tpu.memory_space<hbm>> -> memref<10000x128xf32, #tpu.memory_space<hbm>>
    tpu.enqueue_indirect_dma source(%dma_start3A_36 : memref<10000x128xf32, #tpu.memory_space<hbm>>) target(%arg26 : memref<80x128xf32, #tpu.memory_space<vmem>>) offsets(%arg10 : memref<80xi32, #tpu.memory_space<vmem>>) semaphore(%arg30 : memref<!tpu.dma_semaphore, #tpu.memory_space<semaphore_mem>>)
    %add3A_37 = arith.constant 240 : i32
    %add3A_38 = arith.addi %mul3A_20, %add3A_37 : i32
    %multiple_of3A_39 = tpu.assume_multiple %add3A_38, 8 : i32
    "tpu.region"() ({
      %run_scoped3A = tpu.sem_alloc : memref<!tpu.dma_semaphore, #tpu.memory_space<semaphore_mem>>
      %dma_start3A_138 = tpu.memref_slice %arg3[%multiple_of3A_39] : memref<320256xi32, #tpu.memory_space<hbm>> -> memref<80xi32, #tpu.memory_space<hbm>>
      %dma_start3A_139 = tpu.memref_slice %arg3[%multiple_of3A_39] : memref<320256xi32, #tpu.memory_space<hbm>> -> memref<80xi32, #tpu.memory_space<hbm>>
      tpu.enqueue_dma source(%dma_start3A_139 : memref<80xi32, #tpu.memory_space<hbm>>) target(%arg11 : memref<80xi32, #tpu.memory_space<vmem>>) target_semaphore(%run_scoped3A : memref<!tpu.dma_semaphore, #tpu.memory_space<semaphore_mem>>)
      %dma_wait3A_140 = tpu.memref_slice %arg3[%multiple_of3A_39] : memref<320256xi32, #tpu.memory_space<hbm>> -> memref<80xi32, #tpu.memory_space<hbm>>
      %dma_wait3A_141 = tpu.memref_slice %arg3[%multiple_of3A_39] : memref<320256xi32, #tpu.memory_space<hbm>> -> memref<80xi32, #tpu.memory_space<hbm>>
      tpu.wait_dma2 semaphore(%run_scoped3A : memref<!tpu.dma_semaphore, #tpu.memory_space<semaphore_mem>>) src(%dma_wait3A_141 : memref<80xi32, #tpu.memory_space<hbm>>) dst(%arg11 : memref<80xi32, #tpu.memory_space<vmem>>)
      tpu.yield
    }) : () -> ()
    "tpu.region"() ({
      %run_scoped3A = tpu.sem_alloc : memref<!tpu.dma_semaphore, #tpu.memory_space<semaphore_mem>>
      %dma_start3A_138 = tpu.memref_slice %arg4[%multiple_of3A_39] : memref<320256xi32, #tpu.memory_space<hbm>> -> memref<80xi32, #tpu.memory_space<hbm>>
      %dma_start3A_139 = tpu.memref_slice %arg4[%multiple_of3A_39] : memref<320256xi32, #tpu.memory_space<hbm>> -> memref<80xi32, #tpu.memory_space<hbm>>
      tpu.enqueue_dma source(%dma_start3A_139 : memref<80xi32, #tpu.memory_space<hbm>>) target(%arg19 : memref<80xi32, #tpu.memory_space<vmem>>) target_semaphore(%run_scoped3A : memref<!tpu.dma_semaphore, #tpu.memory_space<semaphore_mem>>)
      %dma_wait3A_140 = tpu.memref_slice %arg4[%multiple_of3A_39] : memref<320256xi32, #tpu.memory_space<hbm>> -> memref<80xi32, #tpu.memory_space<hbm>>
      %dma_wait3A_141 = tpu.memref_slice %arg4[%multiple_of3A_39] : memref<320256xi32, #tpu.memory_space<hbm>> -> memref<80xi32, #tpu.memory_space<hbm>>
      tpu.wait_dma2 semaphore(%run_scoped3A : memref<!tpu.dma_semaphore, #tpu.memory_space<semaphore_mem>>) src(%dma_wait3A_141 : memref<80xi32, #tpu.memory_space<hbm>>) dst(%arg19 : memref<80xi32, #tpu.memory_space<vmem>>)
      tpu.yield
    }) : () -> ()
    %dma_start3A_40 = arith.constant 0 : i32
    %dma_start3A_41 = arith.constant 0 : i32
    %dma_start3A_42 = tpu.memref_slice %arg2[%dma_start3A_40, %dma_start3A_41] : memref<10000x128xf32, #tpu.memory_space<hbm>> -> memref<10000x128xf32, #tpu.memory_space<hbm>>
    tpu.enqueue_indirect_dma source(%dma_start3A_42 : memref<10000x128xf32, #tpu.memory_space<hbm>>) target(%arg27 : memref<80x128xf32, #tpu.memory_space<vmem>>) offsets(%arg11 : memref<80xi32, #tpu.memory_space<vmem>>) semaphore(%arg31 : memref<!tpu.dma_semaphore, #tpu.memory_space<semaphore_mem>>)
    %add3A_43 = arith.constant 320 : i32
    %add3A_44 = arith.addi %mul3A_20, %add3A_43 : i32
    %multiple_of3A_45 = tpu.assume_multiple %add3A_44, 8 : i32
    %dma_start3A_46 = tpu.memref_slice %arg3[%multiple_of3A_45] : memref<320256xi32, #tpu.memory_space<hbm>> -> memref<80xi32, #tpu.memory_space<hbm>>
    %dma_start3A_47 = tpu.memref_slice %arg3[%multiple_of3A_45] : memref<320256xi32, #tpu.memory_space<hbm>> -> memref<80xi32, #tpu.memory_space<hbm>>
    tpu.enqueue_dma source(%dma_start3A_47 : memref<80xi32, #tpu.memory_space<hbm>>) target(%arg12 : memref<80xi32, #tpu.memory_space<vmem>>) target_semaphore(%arg32 : memref<!tpu.dma_semaphore, #tpu.memory_space<semaphore_mem>>)
    %dma_start3A_48 = tpu.memref_slice %arg4[%multiple_of3A_45] : memref<320256xi32, #tpu.memory_space<hbm>> -> memref<80xi32, #tpu.memory_space<hbm>>
    %dma_start3A_49 = tpu.memref_slice %arg4[%multiple_of3A_45] : memref<320256xi32, #tpu.memory_space<hbm>> -> memref<80xi32, #tpu.memory_space<hbm>>
    tpu.enqueue_dma source(%dma_start3A_49 : memref<80xi32, #tpu.memory_space<hbm>>) target(%arg20 : memref<80xi32, #tpu.memory_space<vmem>>) target_semaphore(%arg32 : memref<!tpu.dma_semaphore, #tpu.memory_space<semaphore_mem>>)
    %add3A_50 = arith.constant 400 : i32
    %add3A_51 = arith.addi %mul3A_20, %add3A_50 : i32
    %multiple_of3A_52 = tpu.assume_multiple %add3A_51, 8 : i32
    %dma_start3A_53 = tpu.memref_slice %arg3[%multiple_of3A_52] : memref<320256xi32, #tpu.memory_space<hbm>> -> memref<80xi32, #tpu.memory_space<hbm>>
    %dma_start3A_54 = tpu.memref_slice %arg3[%multiple_of3A_52] : memref<320256xi32, #tpu.memory_space<hbm>> -> memref<80xi32, #tpu.memory_space<hbm>>
    tpu.enqueue_dma source(%dma_start3A_54 : memref<80xi32, #tpu.memory_space<hbm>>) target(%arg13 : memref<80xi32, #tpu.memory_space<vmem>>) target_semaphore(%arg33 : memref<!tpu.dma_semaphore, #tpu.memory_space<semaphore_mem>>)
    %dma_start3A_55 = tpu.memref_slice %arg4[%multiple_of3A_52] : memref<320256xi32, #tpu.memory_space<hbm>> -> memref<80xi32, #tpu.memory_space<hbm>>
    %dma_start3A_56 = tpu.memref_slice %arg4[%multiple_of3A_52] : memref<320256xi32, #tpu.memory_space<hbm>> -> memref<80xi32, #tpu.memory_space<hbm>>
    tpu.enqueue_dma source(%dma_start3A_56 : memref<80xi32, #tpu.memory_space<hbm>>) target(%arg21 : memref<80xi32, #tpu.memory_space<vmem>>) target_semaphore(%arg33 : memref<!tpu.dma_semaphore, #tpu.memory_space<semaphore_mem>>)
    %add3A_57 = arith.constant 480 : i32
    %add3A_58 = arith.addi %mul3A_20, %add3A_57 : i32
    %multiple_of3A_59 = tpu.assume_multiple %add3A_58, 8 : i32
    %dma_start3A_60 = tpu.memref_slice %arg3[%multiple_of3A_59] : memref<320256xi32, #tpu.memory_space<hbm>> -> memref<80xi32, #tpu.memory_space<hbm>>
    %dma_start3A_61 = tpu.memref_slice %arg3[%multiple_of3A_59] : memref<320256xi32, #tpu.memory_space<hbm>> -> memref<80xi32, #tpu.memory_space<hbm>>
    tpu.enqueue_dma source(%dma_start3A_61 : memref<80xi32, #tpu.memory_space<hbm>>) target(%arg14 : memref<80xi32, #tpu.memory_space<vmem>>) target_semaphore(%arg34 : memref<!tpu.dma_semaphore, #tpu.memory_space<semaphore_mem>>)
    %dma_start3A_62 = tpu.memref_slice %arg4[%multiple_of3A_59] : memref<320256xi32, #tpu.memory_space<hbm>> -> memref<80xi32, #tpu.memory_space<hbm>>
    %dma_start3A_63 = tpu.memref_slice %arg4[%multiple_of3A_59] : memref<320256xi32, #tpu.memory_space<hbm>> -> memref<80xi32, #tpu.memory_space<hbm>>
    tpu.enqueue_dma source(%dma_start3A_63 : memref<80xi32, #tpu.memory_space<hbm>>) target(%arg22 : memref<80xi32, #tpu.memory_space<vmem>>) target_semaphore(%arg34 : memref<!tpu.dma_semaphore, #tpu.memory_space<semaphore_mem>>)
    %add3A_64 = arith.constant 560 : i32
    %add3A_65 = arith.addi %mul3A_20, %add3A_64 : i32
    %multiple_of3A_66 = tpu.assume_multiple %add3A_65, 8 : i32
    %dma_start3A_67 = tpu.memref_slice %arg3[%multiple_of3A_66] : memref<320256xi32, #tpu.memory_space<hbm>> -> memref<80xi32, #tpu.memory_space<hbm>>
    %dma_start3A_68 = tpu.memref_slice %arg3[%multiple_of3A_66] : memref<320256xi32, #tpu.memory_space<hbm>> -> memref<80xi32, #tpu.memory_space<hbm>>
    tpu.enqueue_dma source(%dma_start3A_68 : memref<80xi32, #tpu.memory_space<hbm>>) target(%arg15 : memref<80xi32, #tpu.memory_space<vmem>>) target_semaphore(%arg35 : memref<!tpu.dma_semaphore, #tpu.memory_space<semaphore_mem>>)
    %dma_start3A_69 = tpu.memref_slice %arg4[%multiple_of3A_66] : memref<320256xi32, #tpu.memory_space<hbm>> -> memref<80xi32, #tpu.memory_space<hbm>>
    %dma_start3A_70 = tpu.memref_slice %arg4[%multiple_of3A_66] : memref<320256xi32, #tpu.memory_space<hbm>> -> memref<80xi32, #tpu.memory_space<hbm>>
    tpu.enqueue_dma source(%dma_start3A_70 : memref<80xi32, #tpu.memory_space<hbm>>) target(%arg23 : memref<80xi32, #tpu.memory_space<vmem>>) target_semaphore(%arg35 : memref<!tpu.dma_semaphore, #tpu.memory_space<semaphore_mem>>)
    %scan3A = arith.constant 0 : i32
    %scan3A_71 = arith.constant 0 : i32
    %scan3A_72 = arith.constant 15 : i32
    %scan3A_73 = arith.addi %scan3A_71, %scan3A_72 : i32
    %scan3A_74 = arith.constant 1 : i32
    scf.for %scan3A_138 = %scan3A_71 to %scan3A_73 step %scan3A_74  : i32 {
      %mul3A_139 = arith.constant 8 : i32
      %mul3A_140 = arith.muli %mul3A_139, %scan3A_138 : i32
      %dma_wait3A_141 = arith.constant 0 : i32
      %dma_wait3A_142 = arith.constant 0 : i32
      %dma_wait3A_143 = tpu.memref_slice %arg2[%dma_wait3A_141, %dma_wait3A_142] : memref<10000x128xf32, #tpu.memory_space<hbm>> -> memref<10000x128xf32, #tpu.memory_space<hbm>>
      tpu.wait_indirect_dma semaphore(%arg28 : memref<!tpu.dma_semaphore, #tpu.memory_space<semaphore_mem>>) src(%dma_wait3A_143 : memref<10000x128xf32, #tpu.memory_space<hbm>>) dst(%arg24 : memref<80x128xf32, #tpu.memory_space<vmem>>)
      "tpu.region"() ({
        %run_scoped3A = tpu.sem_alloc : memref<!tpu.dma_semaphore, #tpu.memory_space<semaphore_mem>>
        %dma_start3A_385 = arith.constant 0 : i32
        %dma_start3A_386 = arith.constant 0 : i32
        %dma_start3A_387 = tpu.memref_slice %arg7[%dma_start3A_385, %dma_start3A_386] : memref<10240x128xf32, #tpu.memory_space<vmem_shared>> -> memref<10240x128xf32, #tpu.memory_space<vmem_shared>>
        tpu.enqueue_indirect_dma source(%arg24 : memref<80x128xf32, #tpu.memory_space<vmem>>) target(%dma_start3A_387 : memref<10240x128xf32, #tpu.memory_space<vmem_shared>>) offsets(%arg16 : memref<80xi32, #tpu.memory_space<vmem>>) semaphore(%run_scoped3A : memref<!tpu.dma_semaphore, #tpu.memory_space<semaphore_mem>>) {add = true}
        %dma_wait3A_388 = arith.constant 0 : i32
        %dma_wait3A_389 = arith.constant 0 : i32
        %dma_wait3A_390 = tpu.memref_slice %arg7[%dma_wait3A_388, %dma_wait3A_389] : memref<10240x128xf32, #tpu.memory_space<vmem_shared>> -> memref<10240x128xf32, #tpu.memory_space<vmem_shared>>
        tpu.wait_indirect_dma semaphore(%run_scoped3A : memref<!tpu.dma_semaphore, #tpu.memory_space<semaphore_mem>>) src(%arg24 : memref<80x128xf32, #tpu.memory_space<vmem>>) dst(%dma_wait3A_390 : memref<10240x128xf32, #tpu.memory_space<vmem_shared>>)
        tpu.yield
      }) : () -> ()
      %add3A_144 = arith.constant 4 : i32
      %add3A_145 = arith.addi %mul3A_140, %add3A_144 : i32
      %add3A_146 = arith.constant 0 : i32
      %add3A_147 = arith.addi %add3A_145, %add3A_146 : i32
      %mul3A_148 = arith.constant 80 : i32
      %mul3A_149 = arith.muli %add3A_147, %mul3A_148 : i32
      %add3A_150 = arith.addi %mul3A_20, %mul3A_149 : i32
      %multiple_of3A_151 = tpu.assume_multiple %add3A_150, 8 : i32
      %dma_wait3A_152 = tpu.memref_slice %arg3[%multiple_of3A_151] : memref<320256xi32, #tpu.memory_space<hbm>> -> memref<80xi32, #tpu.memory_space<hbm>>
      %dma_wait3A_153 = tpu.memref_slice %arg3[%multiple_of3A_151] : memref<320256xi32, #tpu.memory_space<hbm>> -> memref<80xi32, #tpu.memory_space<hbm>>
      tpu.wait_dma2 semaphore(%arg32 : memref<!tpu.dma_semaphore, #tpu.memory_space<semaphore_mem>>) src(%dma_wait3A_153 : memref<80xi32, #tpu.memory_space<hbm>>) dst(%arg12 : memref<80xi32, #tpu.memory_space<vmem>>)
      %dma_wait3A_154 = tpu.memref_slice %arg4[%multiple_of3A_151] : memref<320256xi32, #tpu.memory_space<hbm>> -> memref<80xi32, #tpu.memory_space<hbm>>
      %dma_wait3A_155 = tpu.memref_slice %arg4[%multiple_of3A_151] : memref<320256xi32, #tpu.memory_space<hbm>> -> memref<80xi32, #tpu.memory_space<hbm>>
      tpu.wait_dma2 semaphore(%arg32 : memref<!tpu.dma_semaphore, #tpu.memory_space<semaphore_mem>>) src(%dma_wait3A_155 : memref<80xi32, #tpu.memory_space<hbm>>) dst(%arg20 : memref<80xi32, #tpu.memory_space<vmem>>)
      %dma_start3A_156 = arith.constant 0 : i32
      %dma_start3A_157 = arith.constant 0 : i32
      %dma_start3A_158 = tpu.memref_slice %arg2[%dma_start3A_156, %dma_start3A_157] : memref<10000x128xf32, #tpu.memory_space<hbm>> -> memref<10000x128xf32, #tpu.memory_space<hbm>>
      tpu.enqueue_indirect_dma source(%dma_start3A_158 : memref<10000x128xf32, #tpu.memory_space<hbm>>) target(%arg24 : memref<80x128xf32, #tpu.memory_space<vmem>>) offsets(%arg12 : memref<80xi32, #tpu.memory_space<vmem>>) semaphore(%arg28 : memref<!tpu.dma_semaphore, #tpu.memory_space<semaphore_mem>>)
      %add3A_159 = arith.constant 8 : i32
      %add3A_160 = arith.addi %mul3A_140, %add3A_159 : i32
      %add3A_161 = arith.constant 0 : i32
      %add3A_162 = arith.addi %add3A_160, %add3A_161 : i32
      %mul3A_163 = arith.constant 80 : i32
      %mul3A_164 = arith.muli %add3A_162, %mul3A_163 : i32
      %add3A_165 = arith.addi %mul3A_20, %mul3A_164 : i32
      %multiple_of3A_166 = tpu.assume_multiple %add3A_165, 8 : i32
      %dma_start3A_167 = tpu.memref_slice %arg3[%multiple_of3A_166] : memref<320256xi32, #tpu.memory_space<hbm>> -> memref<80xi32, #tpu.memory_space<hbm>>
      %dma_start3A_168 = tpu.memref_slice %arg3[%multiple_of3A_166] : memref<320256xi32, #tpu.memory_space<hbm>> -> memref<80xi32, #tpu.memory_space<hbm>>
      tpu.enqueue_dma source(%dma_start3A_168 : memref<80xi32, #tpu.memory_space<hbm>>) target(%arg8 : memref<80xi32, #tpu.memory_space<vmem>>) target_semaphore(%arg32 : memref<!tpu.dma_semaphore, #tpu.memory_space<semaphore_mem>>)
      %dma_start3A_169 = tpu.memref_slice %arg4[%multiple_of3A_166] : memref<320256xi32, #tpu.memory_space<hbm>> -> memref<80xi32, #tpu.memory_space<hbm>>
      %dma_start3A_170 = tpu.memref_slice %arg4[%multiple_of3A_166] : memref<320256xi32, #tpu.memory_space<hbm>> -> memref<80xi32, #tpu.memory_space<hbm>>
      tpu.enqueue_dma source(%dma_start3A_170 : memref<80xi32, #tpu.memory_space<hbm>>) target(%arg16 : memref<80xi32, #tpu.memory_space<vmem>>) target_semaphore(%arg32 : memref<!tpu.dma_semaphore, #tpu.memory_space<semaphore_mem>>)
      %dma_wait3A_171 = arith.constant 0 : i32
      %dma_wait3A_172 = arith.constant 0 : i32
      %dma_wait3A_173 = tpu.memref_slice %arg2[%dma_wait3A_171, %dma_wait3A_172] : memref<10000x128xf32, #tpu.memory_space<hbm>> -> memref<10000x128xf32, #tpu.memory_space<hbm>>
      tpu.wait_indirect_dma semaphore(%arg29 : memref<!tpu.dma_semaphore, #tpu.memory_space<semaphore_mem>>) src(%dma_wait3A_173 : memref<10000x128xf32, #tpu.memory_space<hbm>>) dst(%arg25 : memref<80x128xf32, #tpu.memory_space<vmem>>)
      "tpu.region"() ({
        %run_scoped3A = tpu.sem_alloc : memref<!tpu.dma_semaphore, #tpu.memory_space<semaphore_mem>>
        %dma_start3A_385 = arith.constant 0 : i32
        %dma_start3A_386 = arith.constant 0 : i32
        %dma_start3A_387 = tpu.memref_slice %arg7[%dma_start3A_385, %dma_start3A_386] : memref<10240x128xf32, #tpu.memory_space<vmem_shared>> -> memref<10240x128xf32, #tpu.memory_space<vmem_shared>>
        tpu.enqueue_indirect_dma source(%arg25 : memref<80x128xf32, #tpu.memory_space<vmem>>) target(%dma_start3A_387 : memref<10240x128xf32, #tpu.memory_space<vmem_shared>>) offsets(%arg17 : memref<80xi32, #tpu.memory_space<vmem>>) semaphore(%run_scoped3A : memref<!tpu.dma_semaphore, #tpu.memory_space<semaphore_mem>>) {add = true}
        %dma_wait3A_388 = arith.constant 0 : i32
        %dma_wait3A_389 = arith.constant 0 : i32
        %dma_wait3A_390 = tpu.memref_slice %arg7[%dma_wait3A_388, %dma_wait3A_389] : memref<10240x128xf32, #tpu.memory_space<vmem_shared>> -> memref<10240x128xf32, #tpu.memory_space<vmem_shared>>
        tpu.wait_indirect_dma semaphore(%run_scoped3A : memref<!tpu.dma_semaphore, #tpu.memory_space<semaphore_mem>>) src(%arg25 : memref<80x128xf32, #tpu.memory_space<vmem>>) dst(%dma_wait3A_390 : memref<10240x128xf32, #tpu.memory_space<vmem_shared>>)
        tpu.yield
      }) : () -> ()
      %add3A_174 = arith.constant 4 : i32
      %add3A_175 = arith.addi %mul3A_140, %add3A_174 : i32
      %add3A_176 = arith.constant 1 : i32
      %add3A_177 = arith.addi %add3A_175, %add3A_176 : i32
      %mul3A_178 = arith.constant 80 : i32
      %mul3A_179 = arith.muli %add3A_177, %mul3A_178 : i32
      %add3A_180 = arith.addi %mul3A_20, %mul3A_179 : i32
      %multiple_of3A_181 = tpu.assume_multiple %add3A_180, 8 : i32
      %dma_wait3A_182 = tpu.memref_slice %arg3[%multiple_of3A_181] : memref<320256xi32, #tpu.memory_space<hbm>> -> memref<80xi32, #tpu.memory_space<hbm>>
      %dma_wait3A_183 = tpu.memref_slice %arg3[%multiple_of3A_181] : memref<320256xi32, #tpu.memory_space<hbm>> -> memref<80xi32, #tpu.memory_space<hbm>>
      tpu.wait_dma2 semaphore(%arg33 : memref<!tpu.dma_semaphore, #tpu.memory_space<semaphore_mem>>) src(%dma_wait3A_183 : memref<80xi32, #tpu.memory_space<hbm>>) dst(%arg13 : memref<80xi32, #tpu.memory_space<vmem>>)
      %dma_wait3A_184 = tpu.memref_slice %arg4[%multiple_of3A_181] : memref<320256xi32, #tpu.memory_space<hbm>> -> memref<80xi32, #tpu.memory_space<hbm>>
      %dma_wait3A_185 = tpu.memref_slice %arg4[%multiple_of3A_181] : memref<320256xi32, #tpu.memory_space<hbm>> -> memref<80xi32, #tpu.memory_space<hbm>>
      tpu.wait_dma2 semaphore(%arg33 : memref<!tpu.dma_semaphore, #tpu.memory_space<semaphore_mem>>) src(%dma_wait3A_185 : memref<80xi32, #tpu.memory_space<hbm>>) dst(%arg21 : memref<80xi32, #tpu.memory_space<vmem>>)
      %dma_start3A_186 = arith.constant 0 : i32
      %dma_start3A_187 = arith.constant 0 : i32
      %dma_start3A_188 = tpu.memref_slice %arg2[%dma_start3A_186, %dma_start3A_187] : memref<10000x128xf32, #tpu.memory_space<hbm>> -> memref<10000x128xf32, #tpu.memory_space<hbm>>
      tpu.enqueue_indirect_dma source(%dma_start3A_188 : memref<10000x128xf32, #tpu.memory_space<hbm>>) target(%arg25 : memref<80x128xf32, #tpu.memory_space<vmem>>) offsets(%arg13 : memref<80xi32, #tpu.memory_space<vmem>>) semaphore(%arg29 : memref<!tpu.dma_semaphore, #tpu.memory_space<semaphore_mem>>)
      %add3A_189 = arith.constant 8 : i32
      %add3A_190 = arith.addi %mul3A_140, %add3A_189 : i32
      %add3A_191 = arith.constant 1 : i32
      %add3A_192 = arith.addi %add3A_190, %add3A_191 : i32
      %mul3A_193 = arith.constant 80 : i32
      %mul3A_194 = arith.muli %add3A_192, %mul3A_193 : i32
      %add3A_195 = arith.addi %mul3A_20, %mul3A_194 : i32
      %multiple_of3A_196 = tpu.assume_multiple %add3A_195, 8 : i32
      %dma_start3A_197 = tpu.memref_slice %arg3[%multiple_of3A_196] : memref<320256xi32, #tpu.memory_space<hbm>> -> memref<80xi32, #tpu.memory_space<hbm>>
      %dma_start3A_198 = tpu.memref_slice %arg3[%multiple_of3A_196] : memref<320256xi32, #tpu.memory_space<hbm>> -> memref<80xi32, #tpu.memory_space<hbm>>
      tpu.enqueue_dma source(%dma_start3A_198 : memref<80xi32, #tpu.memory_space<hbm>>) target(%arg9 : memref<80xi32, #tpu.memory_space<vmem>>) target_semaphore(%arg33 : memref<!tpu.dma_semaphore, #tpu.memory_space<semaphore_mem>>)
      %dma_start3A_199 = tpu.memref_slice %arg4[%multiple_of3A_196] : memref<320256xi32, #tpu.memory_space<hbm>> -> memref<80xi32, #tpu.memory_space<hbm>>
      %dma_start3A_200 = tpu.memref_slice %arg4[%multiple_of3A_196] : memref<320256xi32, #tpu.memory_space<hbm>> -> memref<80xi32, #tpu.memory_space<hbm>>
      tpu.enqueue_dma source(%dma_start3A_200 : memref<80xi32, #tpu.memory_space<hbm>>) target(%arg17 : memref<80xi32, #tpu.memory_space<vmem>>) target_semaphore(%arg33 : memref<!tpu.dma_semaphore, #tpu.memory_space<semaphore_mem>>)
      %dma_wait3A_201 = arith.constant 0 : i32
      %dma_wait3A_202 = arith.constant 0 : i32
      %dma_wait3A_203 = tpu.memref_slice %arg2[%dma_wait3A_201, %dma_wait3A_202] : memref<10000x128xf32, #tpu.memory_space<hbm>> -> memref<10000x128xf32, #tpu.memory_space<hbm>>
      tpu.wait_indirect_dma semaphore(%arg30 : memref<!tpu.dma_semaphore, #tpu.memory_space<semaphore_mem>>) src(%dma_wait3A_203 : memref<10000x128xf32, #tpu.memory_space<hbm>>) dst(%arg26 : memref<80x128xf32, #tpu.memory_space<vmem>>)
      "tpu.region"() ({
        %run_scoped3A = tpu.sem_alloc : memref<!tpu.dma_semaphore, #tpu.memory_space<semaphore_mem>>
        %dma_start3A_385 = arith.constant 0 : i32
        %dma_start3A_386 = arith.constant 0 : i32
        %dma_start3A_387 = tpu.memref_slice %arg7[%dma_start3A_385, %dma_start3A_386] : memref<10240x128xf32, #tpu.memory_space<vmem_shared>> -> memref<10240x128xf32, #tpu.memory_space<vmem_shared>>
        tpu.enqueue_indirect_dma source(%arg26 : memref<80x128xf32, #tpu.memory_space<vmem>>) target(%dma_start3A_387 : memref<10240x128xf32, #tpu.memory_space<vmem_shared>>) offsets(%arg18 : memref<80xi32, #tpu.memory_space<vmem>>) semaphore(%run_scoped3A : memref<!tpu.dma_semaphore, #tpu.memory_space<semaphore_mem>>) {add = true}
        %dma_wait3A_388 = arith.constant 0 : i32
        %dma_wait3A_389 = arith.constant 0 : i32
        %dma_wait3A_390 = tpu.memref_slice %arg7[%dma_wait3A_388, %dma_wait3A_389] : memref<10240x128xf32, #tpu.memory_space<vmem_shared>> -> memref<10240x128xf32, #tpu.memory_space<vmem_shared>>
        tpu.wait_indirect_dma semaphore(%run_scoped3A : memref<!tpu.dma_semaphore, #tpu.memory_space<semaphore_mem>>) src(%arg26 : memref<80x128xf32, #tpu.memory_space<vmem>>) dst(%dma_wait3A_390 : memref<10240x128xf32, #tpu.memory_space<vmem_shared>>)
        tpu.yield
      }) : () -> ()
      %add3A_204 = arith.constant 4 : i32
      %add3A_205 = arith.addi %mul3A_140, %add3A_204 : i32
      %add3A_206 = arith.constant 2 : i32
      %add3A_207 = arith.addi %add3A_205, %add3A_206 : i32
      %mul3A_208 = arith.constant 80 : i32
      %mul3A_209 = arith.muli %add3A_207, %mul3A_208 : i32
      %add3A_210 = arith.addi %mul3A_20, %mul3A_209 : i32
      %multiple_of3A_211 = tpu.assume_multiple %add3A_210, 8 : i32
      %dma_wait3A_212 = tpu.memref_slice %arg3[%multiple_of3A_211] : memref<320256xi32, #tpu.memory_space<hbm>> -> memref<80xi32, #tpu.memory_space<hbm>>
      %dma_wait3A_213 = tpu.memref_slice %arg3[%multiple_of3A_211] : memref<320256xi32, #tpu.memory_space<hbm>> -> memref<80xi32, #tpu.memory_space<hbm>>
      tpu.wait_dma2 semaphore(%arg34 : memref<!tpu.dma_semaphore, #tpu.memory_space<semaphore_mem>>) src(%dma_wait3A_213 : memref<80xi32, #tpu.memory_space<hbm>>) dst(%arg14 : memref<80xi32, #tpu.memory_space<vmem>>)
      %dma_wait3A_214 = tpu.memref_slice %arg4[%multiple_of3A_211] : memref<320256xi32, #tpu.memory_space<hbm>> -> memref<80xi32, #tpu.memory_space<hbm>>
      %dma_wait3A_215 = tpu.memref_slice %arg4[%multiple_of3A_211] : memref<320256xi32, #tpu.memory_space<hbm>> -> memref<80xi32, #tpu.memory_space<hbm>>
      tpu.wait_dma2 semaphore(%arg34 : memref<!tpu.dma_semaphore, #tpu.memory_space<semaphore_mem>>) src(%dma_wait3A_215 : memref<80xi32, #tpu.memory_space<hbm>>) dst(%arg22 : memref<80xi32, #tpu.memory_space<vmem>>)
      %dma_start3A_216 = arith.constant 0 : i32
      %dma_start3A_217 = arith.constant 0 : i32
      %dma_start3A_218 = tpu.memref_slice %arg2[%dma_start3A_216, %dma_start3A_217] : memref<10000x128xf32, #tpu.memory_space<hbm>> -> memref<10000x128xf32, #tpu.memory_space<hbm>>
      tpu.enqueue_indirect_dma source(%dma_start3A_218 : memref<10000x128xf32, #tpu.memory_space<hbm>>) target(%arg26 : memref<80x128xf32, #tpu.memory_space<vmem>>) offsets(%arg14 : memref<80xi32, #tpu.memory_space<vmem>>) semaphore(%arg30 : memref<!tpu.dma_semaphore, #tpu.memory_space<semaphore_mem>>)
      %add3A_219 = arith.constant 8 : i32
      %add3A_220 = arith.addi %mul3A_140, %add3A_219 : i32
      %add3A_221 = arith.constant 2 : i32
      %add3A_222 = arith.addi %add3A_220, %add3A_221 : i32
      %mul3A_223 = arith.constant 80 : i32
      %mul3A_224 = arith.muli %add3A_222, %mul3A_223 : i32
      %add3A_225 = arith.addi %mul3A_20, %mul3A_224 : i32
      %multiple_of3A_226 = tpu.assume_multiple %add3A_225, 8 : i32
      %dma_start3A_227 = tpu.memref_slice %arg3[%multiple_of3A_226] : memref<320256xi32, #tpu.memory_space<hbm>> -> memref<80xi32, #tpu.memory_space<hbm>>
      %dma_start3A_228 = tpu.memref_slice %arg3[%multiple_of3A_226] : memref<320256xi32, #tpu.memory_space<hbm>> -> memref<80xi32, #tpu.memory_space<hbm>>
      tpu.enqueue_dma source(%dma_start3A_228 : memref<80xi32, #tpu.memory_space<hbm>>) target(%arg10 : memref<80xi32, #tpu.memory_space<vmem>>) target_semaphore(%arg34 : memref<!tpu.dma_semaphore, #tpu.memory_space<semaphore_mem>>)
      %dma_start3A_229 = tpu.memref_slice %arg4[%multiple_of3A_226] : memref<320256xi32, #tpu.memory_space<hbm>> -> memref<80xi32, #tpu.memory_space<hbm>>
      %dma_start3A_230 = tpu.memref_slice %arg4[%multiple_of3A_226] : memref<320256xi32, #tpu.memory_space<hbm>> -> memref<80xi32, #tpu.memory_space<hbm>>
      tpu.enqueue_dma source(%dma_start3A_230 : memref<80xi32, #tpu.memory_space<hbm>>) target(%arg18 : memref<80xi32, #tpu.memory_space<vmem>>) target_semaphore(%arg34 : memref<!tpu.dma_semaphore, #tpu.memory_space<semaphore_mem>>)
      %dma_wait3A_231 = arith.constant 0 : i32
      %dma_wait3A_232 = arith.constant 0 : i32
      %dma_wait3A_233 = tpu.memref_slice %arg2[%dma_wait3A_231, %dma_wait3A_232] : memref<10000x128xf32, #tpu.memory_space<hbm>> -> memref<10000x128xf32, #tpu.memory_space<hbm>>
      tpu.wait_indirect_dma semaphore(%arg31 : memref<!tpu.dma_semaphore, #tpu.memory_space<semaphore_mem>>) src(%dma_wait3A_233 : memref<10000x128xf32, #tpu.memory_space<hbm>>) dst(%arg27 : memref<80x128xf32, #tpu.memory_space<vmem>>)
      "tpu.region"() ({
        %run_scoped3A = tpu.sem_alloc : memref<!tpu.dma_semaphore, #tpu.memory_space<semaphore_mem>>
        %dma_start3A_385 = arith.constant 0 : i32
        %dma_start3A_386 = arith.constant 0 : i32
        %dma_start3A_387 = tpu.memref_slice %arg7[%dma_start3A_385, %dma_start3A_386] : memref<10240x128xf32, #tpu.memory_space<vmem_shared>> -> memref<10240x128xf32, #tpu.memory_space<vmem_shared>>
        tpu.enqueue_indirect_dma source(%arg27 : memref<80x128xf32, #tpu.memory_space<vmem>>) target(%dma_start3A_387 : memref<10240x128xf32, #tpu.memory_space<vmem_shared>>) offsets(%arg19 : memref<80xi32, #tpu.memory_space<vmem>>) semaphore(%run_scoped3A : memref<!tpu.dma_semaphore, #tpu.memory_space<semaphore_mem>>) {add = true}
        %dma_wait3A_388 = arith.constant 0 : i32
        %dma_wait3A_389 = arith.constant 0 : i32
        %dma_wait3A_390 = tpu.memref_slice %arg7[%dma_wait3A_388, %dma_wait3A_389] : memref<10240x128xf32, #tpu.memory_space<vmem_shared>> -> memref<10240x128xf32, #tpu.memory_space<vmem_shared>>
        tpu.wait_indirect_dma semaphore(%run_scoped3A : memref<!tpu.dma_semaphore, #tpu.memory_space<semaphore_mem>>) src(%arg27 : memref<80x128xf32, #tpu.memory_space<vmem>>) dst(%dma_wait3A_390 : memref<10240x128xf32, #tpu.memory_space<vmem_shared>>)
        tpu.yield
      }) : () -> ()
      %add3A_234 = arith.constant 4 : i32
      %add3A_235 = arith.addi %mul3A_140, %add3A_234 : i32
      %add3A_236 = arith.constant 3 : i32
      %add3A_237 = arith.addi %add3A_235, %add3A_236 : i32
      %mul3A_238 = arith.constant 80 : i32
      %mul3A_239 = arith.muli %add3A_237, %mul3A_238 : i32
      %add3A_240 = arith.addi %mul3A_20, %mul3A_239 : i32
      %multiple_of3A_241 = tpu.assume_multiple %add3A_240, 8 : i32
      %dma_wait3A_242 = tpu.memref_slice %arg3[%multiple_of3A_241] : memref<320256xi32, #tpu.memory_space<hbm>> -> memref<80xi32, #tpu.memory_space<hbm>>
      %dma_wait3A_243 = tpu.memref_slice %arg3[%multiple_of3A_241] : memref<320256xi32, #tpu.memory_space<hbm>> -> memref<80xi32, #tpu.memory_space<hbm>>
      tpu.wait_dma2 semaphore(%arg35 : memref<!tpu.dma_semaphore, #tpu.memory_space<semaphore_mem>>) src(%dma_wait3A_243 : memref<80xi32, #tpu.memory_space<hbm>>) dst(%arg15 : memref<80xi32, #tpu.memory_space<vmem>>)
      %dma_wait3A_244 = tpu.memref_slice %arg4[%multiple_of3A_241] : memref<320256xi32, #tpu.memory_space<hbm>> -> memref<80xi32, #tpu.memory_space<hbm>>
      %dma_wait3A_245 = tpu.memref_slice %arg4[%multiple_of3A_241] : memref<320256xi32, #tpu.memory_space<hbm>> -> memref<80xi32, #tpu.memory_space<hbm>>
      tpu.wait_dma2 semaphore(%arg35 : memref<!tpu.dma_semaphore, #tpu.memory_space<semaphore_mem>>) src(%dma_wait3A_245 : memref<80xi32, #tpu.memory_space<hbm>>) dst(%arg23 : memref<80xi32, #tpu.memory_space<vmem>>)
      %dma_start3A_246 = arith.constant 0 : i32
      %dma_start3A_247 = arith.constant 0 : i32
      %dma_start3A_248 = tpu.memref_slice %arg2[%dma_start3A_246, %dma_start3A_247] : memref<10000x128xf32, #tpu.memory_space<hbm>> -> memref<10000x128xf32, #tpu.memory_space<hbm>>
      tpu.enqueue_indirect_dma source(%dma_start3A_248 : memref<10000x128xf32, #tpu.memory_space<hbm>>) target(%arg27 : memref<80x128xf32, #tpu.memory_space<vmem>>) offsets(%arg15 : memref<80xi32, #tpu.memory_space<vmem>>) semaphore(%arg31 : memref<!tpu.dma_semaphore, #tpu.memory_space<semaphore_mem>>)
      %add3A_249 = arith.constant 8 : i32
      %add3A_250 = arith.addi %mul3A_140, %add3A_249 : i32
      %add3A_251 = arith.constant 3 : i32
      %add3A_252 = arith.addi %add3A_250, %add3A_251 : i32
      %mul3A_253 = arith.constant 80 : i32
      %mul3A_254 = arith.muli %add3A_252, %mul3A_253 : i32
      %add3A_255 = arith.addi %mul3A_20, %mul3A_254 : i32
      %multiple_of3A_256 = tpu.assume_multiple %add3A_255, 8 : i32
      %dma_start3A_257 = tpu.memref_slice %arg3[%multiple_of3A_256] : memref<320256xi32, #tpu.memory_space<hbm>> -> memref<80xi32, #tpu.memory_space<hbm>>
      %dma_start3A_258 = tpu.memref_slice %arg3[%multiple_of3A_256] : memref<320256xi32, #tpu.memory_space<hbm>> -> memref<80xi32, #tpu.memory_space<hbm>>
      tpu.enqueue_dma source(%dma_start3A_258 : memref<80xi32, #tpu.memory_space<hbm>>) target(%arg11 : memref<80xi32, #tpu.memory_space<vmem>>) target_semaphore(%arg35 : memref<!tpu.dma_semaphore, #tpu.memory_space<semaphore_mem>>)
      %dma_start3A_259 = tpu.memref_slice %arg4[%multiple_of3A_256] : memref<320256xi32, #tpu.memory_space<hbm>> -> memref<80xi32, #tpu.memory_space<hbm>>
      %dma_start3A_260 = tpu.memref_slice %arg4[%multiple_of3A_256] : memref<320256xi32, #tpu.memory_space<hbm>> -> memref<80xi32, #tpu.memory_space<hbm>>
      tpu.enqueue_dma source(%dma_start3A_260 : memref<80xi32, #tpu.memory_space<hbm>>) target(%arg19 : memref<80xi32, #tpu.memory_space<vmem>>) target_semaphore(%arg35 : memref<!tpu.dma_semaphore, #tpu.memory_space<semaphore_mem>>)
      %mul3A_261 = arith.constant 8 : i32
      %mul3A_262 = arith.muli %mul3A_261, %scan3A_138 : i32
      %add3A_263 = arith.constant 4 : i32
      %add3A_264 = arith.addi %mul3A_262, %add3A_263 : i32
      %dma_wait3A_265 = arith.constant 0 : i32
      %dma_wait3A_266 = arith.constant 0 : i32
      %dma_wait3A_267 = tpu.memref_slice %arg2[%dma_wait3A_265, %dma_wait3A_266] : memref<10000x128xf32, #tpu.memory_space<hbm>> -> memref<10000x128xf32, #tpu.memory_space<hbm>>
      tpu.wait_indirect_dma semaphore(%arg28 : memref<!tpu.dma_semaphore, #tpu.memory_space<semaphore_mem>>) src(%dma_wait3A_267 : memref<10000x128xf32, #tpu.memory_space<hbm>>) dst(%arg24 : memref<80x128xf32, #tpu.memory_space<vmem>>)
      "tpu.region"() ({
        %run_scoped3A = tpu.sem_alloc : memref<!tpu.dma_semaphore, #tpu.memory_space<semaphore_mem>>
        %dma_start3A_385 = arith.constant 0 : i32
        %dma_start3A_386 = arith.constant 0 : i32
        %dma_start3A_387 = tpu.memref_slice %arg7[%dma_start3A_385, %dma_start3A_386] : memref<10240x128xf32, #tpu.memory_space<vmem_shared>> -> memref<10240x128xf32, #tpu.memory_space<vmem_shared>>
        tpu.enqueue_indirect_dma source(%arg24 : memref<80x128xf32, #tpu.memory_space<vmem>>) target(%dma_start3A_387 : memref<10240x128xf32, #tpu.memory_space<vmem_shared>>) offsets(%arg20 : memref<80xi32, #tpu.memory_space<vmem>>) semaphore(%run_scoped3A : memref<!tpu.dma_semaphore, #tpu.memory_space<semaphore_mem>>) {add = true}
        %dma_wait3A_388 = arith.constant 0 : i32
        %dma_wait3A_389 = arith.constant 0 : i32
        %dma_wait3A_390 = tpu.memref_slice %arg7[%dma_wait3A_388, %dma_wait3A_389] : memref<10240x128xf32, #tpu.memory_space<vmem_shared>> -> memref<10240x128xf32, #tpu.memory_space<vmem_shared>>
        tpu.wait_indirect_dma semaphore(%run_scoped3A : memref<!tpu.dma_semaphore, #tpu.memory_space<semaphore_mem>>) src(%arg24 : memref<80x128xf32, #tpu.memory_space<vmem>>) dst(%dma_wait3A_390 : memref<10240x128xf32, #tpu.memory_space<vmem_shared>>)
        tpu.yield
      }) : () -> ()
      %add3A_268 = arith.constant 4 : i32
      %add3A_269 = arith.addi %add3A_264, %add3A_268 : i32
      %add3A_270 = arith.constant 0 : i32
      %add3A_271 = arith.addi %add3A_269, %add3A_270 : i32
      %mul3A_272 = arith.constant 80 : i32
      %mul3A_273 = arith.muli %add3A_271, %mul3A_272 : i32
      %add3A_274 = arith.addi %mul3A_20, %mul3A_273 : i32
      %multiple_of3A_275 = tpu.assume_multiple %add3A_274, 8 : i32
      %dma_wait3A_276 = tpu.memref_slice %arg3[%multiple_of3A_275] : memref<320256xi32, #tpu.memory_space<hbm>> -> memref<80xi32, #tpu.memory_space<hbm>>
      %dma_wait3A_277 = tpu.memref_slice %arg3[%multiple_of3A_275] : memref<320256xi32, #tpu.memory_space<hbm>> -> memref<80xi32, #tpu.memory_space<hbm>>
      tpu.wait_dma2 semaphore(%arg32 : memref<!tpu.dma_semaphore, #tpu.memory_space<semaphore_mem>>) src(%dma_wait3A_277 : memref<80xi32, #tpu.memory_space<hbm>>) dst(%arg8 : memref<80xi32, #tpu.memory_space<vmem>>)
      %dma_wait3A_278 = tpu.memref_slice %arg4[%multiple_of3A_275] : memref<320256xi32, #tpu.memory_space<hbm>> -> memref<80xi32, #tpu.memory_space<hbm>>
      %dma_wait3A_279 = tpu.memref_slice %arg4[%multiple_of3A_275] : memref<320256xi32, #tpu.memory_space<hbm>> -> memref<80xi32, #tpu.memory_space<hbm>>
      tpu.wait_dma2 semaphore(%arg32 : memref<!tpu.dma_semaphore, #tpu.memory_space<semaphore_mem>>) src(%dma_wait3A_279 : memref<80xi32, #tpu.memory_space<hbm>>) dst(%arg16 : memref<80xi32, #tpu.memory_space<vmem>>)
      %dma_start3A_280 = arith.constant 0 : i32
      %dma_start3A_281 = arith.constant 0 : i32
      %dma_start3A_282 = tpu.memref_slice %arg2[%dma_start3A_280, %dma_start3A_281] : memref<10000x128xf32, #tpu.memory_space<hbm>> -> memref<10000x128xf32, #tpu.memory_space<hbm>>
      tpu.enqueue_indirect_dma source(%dma_start3A_282 : memref<10000x128xf32, #tpu.memory_space<hbm>>) target(%arg24 : memref<80x128xf32, #tpu.memory_space<vmem>>) offsets(%arg8 : memref<80xi32, #tpu.memory_space<vmem>>) semaphore(%arg28 : memref<!tpu.dma_semaphore, #tpu.memory_space<semaphore_mem>>)
      %add3A_283 = arith.constant 8 : i32
      %add3A_284 = arith.addi %add3A_264, %add3A_283 : i32
      %add3A_285 = arith.constant 0 : i32
      %add3A_286 = arith.addi %add3A_284, %add3A_285 : i32
      %mul3A_287 = arith.constant 80 : i32
      %mul3A_288 = arith.muli %add3A_286, %mul3A_287 : i32
      %add3A_289 = arith.addi %mul3A_20, %mul3A_288 : i32
      %multiple_of3A_290 = tpu.assume_multiple %add3A_289, 8 : i32
      %dma_start3A_291 = tpu.memref_slice %arg3[%multiple_of3A_290] : memref<320256xi32, #tpu.memory_space<hbm>> -> memref<80xi32, #tpu.memory_space<hbm>>
      %dma_start3A_292 = tpu.memref_slice %arg3[%multiple_of3A_290] : memref<320256xi32, #tpu.memory_space<hbm>> -> memref<80xi32, #tpu.memory_space<hbm>>
      tpu.enqueue_dma source(%dma_start3A_292 : memref<80xi32, #tpu.memory_space<hbm>>) target(%arg12 : memref<80xi32, #tpu.memory_space<vmem>>) target_semaphore(%arg32 : memref<!tpu.dma_semaphore, #tpu.memory_space<semaphore_mem>>)
      %dma_start3A_293 = tpu.memref_slice %arg4[%multiple_of3A_290] : memref<320256xi32, #tpu.memory_space<hbm>> -> memref<80xi32, #tpu.memory_space<hbm>>
      %dma_start3A_294 = tpu.memref_slice %arg4[%multiple_of3A_290] : memref<320256xi32, #tpu.memory_space<hbm>> -> memref<80xi32, #tpu.memory_space<hbm>>
      tpu.enqueue_dma source(%dma_start3A_294 : memref<80xi32, #tpu.memory_space<hbm>>) target(%arg20 : memref<80xi32, #tpu.memory_space<vmem>>) target_semaphore(%arg32 : memref<!tpu.dma_semaphore, #tpu.memory_space<semaphore_mem>>)
      %dma_wait3A_295 = arith.constant 0 : i32
      %dma_wait3A_296 = arith.constant 0 : i32
      %dma_wait3A_297 = tpu.memref_slice %arg2[%dma_wait3A_295, %dma_wait3A_296] : memref<10000x128xf32, #tpu.memory_space<hbm>> -> memref<10000x128xf32, #tpu.memory_space<hbm>>
      tpu.wait_indirect_dma semaphore(%arg29 : memref<!tpu.dma_semaphore, #tpu.memory_space<semaphore_mem>>) src(%dma_wait3A_297 : memref<10000x128xf32, #tpu.memory_space<hbm>>) dst(%arg25 : memref<80x128xf32, #tpu.memory_space<vmem>>)
      "tpu.region"() ({
        %run_scoped3A = tpu.sem_alloc : memref<!tpu.dma_semaphore, #tpu.memory_space<semaphore_mem>>
        %dma_start3A_385 = arith.constant 0 : i32
        %dma_start3A_386 = arith.constant 0 : i32
        %dma_start3A_387 = tpu.memref_slice %arg7[%dma_start3A_385, %dma_start3A_386] : memref<10240x128xf32, #tpu.memory_space<vmem_shared>> -> memref<10240x128xf32, #tpu.memory_space<vmem_shared>>
        tpu.enqueue_indirect_dma source(%arg25 : memref<80x128xf32, #tpu.memory_space<vmem>>) target(%dma_start3A_387 : memref<10240x128xf32, #tpu.memory_space<vmem_shared>>) offsets(%arg21 : memref<80xi32, #tpu.memory_space<vmem>>) semaphore(%run_scoped3A : memref<!tpu.dma_semaphore, #tpu.memory_space<semaphore_mem>>) {add = true}
        %dma_wait3A_388 = arith.constant 0 : i32
        %dma_wait3A_389 = arith.constant 0 : i32
        %dma_wait3A_390 = tpu.memref_slice %arg7[%dma_wait3A_388, %dma_wait3A_389] : memref<10240x128xf32, #tpu.memory_space<vmem_shared>> -> memref<10240x128xf32, #tpu.memory_space<vmem_shared>>
        tpu.wait_indirect_dma semaphore(%run_scoped3A : memref<!tpu.dma_semaphore, #tpu.memory_space<semaphore_mem>>) src(%arg25 : memref<80x128xf32, #tpu.memory_space<vmem>>) dst(%dma_wait3A_390 : memref<10240x128xf32, #tpu.memory_space<vmem_shared>>)
        tpu.yield
      }) : () -> ()
      %add3A_298 = arith.constant 4 : i32
      %add3A_299 = arith.addi %add3A_264, %add3A_298 : i32
      %add3A_300 = arith.constant 1 : i32
      %add3A_301 = arith.addi %add3A_299, %add3A_300 : i32
      %mul3A_302 = arith.constant 80 : i32
      %mul3A_303 = arith.muli %add3A_301, %mul3A_302 : i32
      %add3A_304 = arith.addi %mul3A_20, %mul3A_303 : i32
      %multiple_of3A_305 = tpu.assume_multiple %add3A_304, 8 : i32
      %dma_wait3A_306 = tpu.memref_slice %arg3[%multiple_of3A_305] : memref<320256xi32, #tpu.memory_space<hbm>> -> memref<80xi32, #tpu.memory_space<hbm>>
      %dma_wait3A_307 = tpu.memref_slice %arg3[%multiple_of3A_305] : memref<320256xi32, #tpu.memory_space<hbm>> -> memref<80xi32, #tpu.memory_space<hbm>>
      tpu.wait_dma2 semaphore(%arg33 : memref<!tpu.dma_semaphore, #tpu.memory_space<semaphore_mem>>) src(%dma_wait3A_307 : memref<80xi32, #tpu.memory_space<hbm>>) dst(%arg9 : memref<80xi32, #tpu.memory_space<vmem>>)
      %dma_wait3A_308 = tpu.memref_slice %arg4[%multiple_of3A_305] : memref<320256xi32, #tpu.memory_space<hbm>> -> memref<80xi32, #tpu.memory_space<hbm>>
      %dma_wait3A_309 = tpu.memref_slice %arg4[%multiple_of3A_305] : memref<320256xi32, #tpu.memory_space<hbm>> -> memref<80xi32, #tpu.memory_space<hbm>>
      tpu.wait_dma2 semaphore(%arg33 : memref<!tpu.dma_semaphore, #tpu.memory_space<semaphore_mem>>) src(%dma_wait3A_309 : memref<80xi32, #tpu.memory_space<hbm>>) dst(%arg17 : memref<80xi32, #tpu.memory_space<vmem>>)
      %dma_start3A_310 = arith.constant 0 : i32
      %dma_start3A_311 = arith.constant 0 : i32
      %dma_start3A_312 = tpu.memref_slice %arg2[%dma_start3A_310, %dma_start3A_311] : memref<10000x128xf32, #tpu.memory_space<hbm>> -> memref<10000x128xf32, #tpu.memory_space<hbm>>
      tpu.enqueue_indirect_dma source(%dma_start3A_312 : memref<10000x128xf32, #tpu.memory_space<hbm>>) target(%arg25 : memref<80x128xf32, #tpu.memory_space<vmem>>) offsets(%arg9 : memref<80xi32, #tpu.memory_space<vmem>>) semaphore(%arg29 : memref<!tpu.dma_semaphore, #tpu.memory_space<semaphore_mem>>)
      %add3A_313 = arith.constant 8 : i32
      %add3A_314 = arith.addi %add3A_264, %add3A_313 : i32
      %add3A_315 = arith.constant 1 : i32
      %add3A_316 = arith.addi %add3A_314, %add3A_315 : i32
      %mul3A_317 = arith.constant 80 : i32
      %mul3A_318 = arith.muli %add3A_316, %mul3A_317 : i32
      %add3A_319 = arith.addi %mul3A_20, %mul3A_318 : i32
      %multiple_of3A_320 = tpu.assume_multiple %add3A_319, 8 : i32
      %dma_start3A_321 = tpu.memref_slice %arg3[%multiple_of3A_320] : memref<320256xi32, #tpu.memory_space<hbm>> -> memref<80xi32, #tpu.memory_space<hbm>>
      %dma_start3A_322 = tpu.memref_slice %arg3[%multiple_of3A_320] : memref<320256xi32, #tpu.memory_space<hbm>> -> memref<80xi32, #tpu.memory_space<hbm>>
      tpu.enqueue_dma source(%dma_start3A_322 : memref<80xi32, #tpu.memory_space<hbm>>) target(%arg13 : memref<80xi32, #tpu.memory_space<vmem>>) target_semaphore(%arg33 : memref<!tpu.dma_semaphore, #tpu.memory_space<semaphore_mem>>)
      %dma_start3A_323 = tpu.memref_slice %arg4[%multiple_of3A_320] : memref<320256xi32, #tpu.memory_space<hbm>> -> memref<80xi32, #tpu.memory_space<hbm>>
      %dma_start3A_324 = tpu.memref_slice %arg4[%multiple_of3A_320] : memref<320256xi32, #tpu.memory_space<hbm>> -> memref<80xi32, #tpu.memory_space<hbm>>
      tpu.enqueue_dma source(%dma_start3A_324 : memref<80xi32, #tpu.memory_space<hbm>>) target(%arg21 : memref<80xi32, #tpu.memory_space<vmem>>) target_semaphore(%arg33 : memref<!tpu.dma_semaphore, #tpu.memory_space<semaphore_mem>>)
      %dma_wait3A_325 = arith.constant 0 : i32
      %dma_wait3A_326 = arith.constant 0 : i32
      %dma_wait3A_327 = tpu.memref_slice %arg2[%dma_wait3A_325, %dma_wait3A_326] : memref<10000x128xf32, #tpu.memory_space<hbm>> -> memref<10000x128xf32, #tpu.memory_space<hbm>>
      tpu.wait_indirect_dma semaphore(%arg30 : memref<!tpu.dma_semaphore, #tpu.memory_space<semaphore_mem>>) src(%dma_wait3A_327 : memref<10000x128xf32, #tpu.memory_space<hbm>>) dst(%arg26 : memref<80x128xf32, #tpu.memory_space<vmem>>)
      "tpu.region"() ({
        %run_scoped3A = tpu.sem_alloc : memref<!tpu.dma_semaphore, #tpu.memory_space<semaphore_mem>>
        %dma_start3A_385 = arith.constant 0 : i32
        %dma_start3A_386 = arith.constant 0 : i32
        %dma_start3A_387 = tpu.memref_slice %arg7[%dma_start3A_385, %dma_start3A_386] : memref<10240x128xf32, #tpu.memory_space<vmem_shared>> -> memref<10240x128xf32, #tpu.memory_space<vmem_shared>>
        tpu.enqueue_indirect_dma source(%arg26 : memref<80x128xf32, #tpu.memory_space<vmem>>) target(%dma_start3A_387 : memref<10240x128xf32, #tpu.memory_space<vmem_shared>>) offsets(%arg22 : memref<80xi32, #tpu.memory_space<vmem>>) semaphore(%run_scoped3A : memref<!tpu.dma_semaphore, #tpu.memory_space<semaphore_mem>>) {add = true}
        %dma_wait3A_388 = arith.constant 0 : i32
        %dma_wait3A_389 = arith.constant 0 : i32
        %dma_wait3A_390 = tpu.memref_slice %arg7[%dma_wait3A_388, %dma_wait3A_389] : memref<10240x128xf32, #tpu.memory_space<vmem_shared>> -> memref<10240x128xf32, #tpu.memory_space<vmem_shared>>
        tpu.wait_indirect_dma semaphore(%run_scoped3A : memref<!tpu.dma_semaphore, #tpu.memory_space<semaphore_mem>>) src(%arg26 : memref<80x128xf32, #tpu.memory_space<vmem>>) dst(%dma_wait3A_390 : memref<10240x128xf32, #tpu.memory_space<vmem_shared>>)
        tpu.yield
      }) : () -> ()
      %add3A_328 = arith.constant 4 : i32
      %add3A_329 = arith.addi %add3A_264, %add3A_328 : i32
      %add3A_330 = arith.constant 2 : i32
      %add3A_331 = arith.addi %add3A_329, %add3A_330 : i32
      %mul3A_332 = arith.constant 80 : i32
      %mul3A_333 = arith.muli %add3A_331, %mul3A_332 : i32
      %add3A_334 = arith.addi %mul3A_20, %mul3A_333 : i32
      %multiple_of3A_335 = tpu.assume_multiple %add3A_334, 8 : i32
      %dma_wait3A_336 = tpu.memref_slice %arg3[%multiple_of3A_335] : memref<320256xi32, #tpu.memory_space<hbm>> -> memref<80xi32, #tpu.memory_space<hbm>>
      %dma_wait3A_337 = tpu.memref_slice %arg3[%multiple_of3A_335] : memref<320256xi32, #tpu.memory_space<hbm>> -> memref<80xi32, #tpu.memory_space<hbm>>
      tpu.wait_dma2 semaphore(%arg34 : memref<!tpu.dma_semaphore, #tpu.memory_space<semaphore_mem>>) src(%dma_wait3A_337 : memref<80xi32, #tpu.memory_space<hbm>>) dst(%arg10 : memref<80xi32, #tpu.memory_space<vmem>>)
      %dma_wait3A_338 = tpu.memref_slice %arg4[%multiple_of3A_335] : memref<320256xi32, #tpu.memory_space<hbm>> -> memref<80xi32, #tpu.memory_space<hbm>>
      %dma_wait3A_339 = tpu.memref_slice %arg4[%multiple_of3A_335] : memref<320256xi32, #tpu.memory_space<hbm>> -> memref<80xi32, #tpu.memory_space<hbm>>
      tpu.wait_dma2 semaphore(%arg34 : memref<!tpu.dma_semaphore, #tpu.memory_space<semaphore_mem>>) src(%dma_wait3A_339 : memref<80xi32, #tpu.memory_space<hbm>>) dst(%arg18 : memref<80xi32, #tpu.memory_space<vmem>>)
      %dma_start3A_340 = arith.constant 0 : i32
      %dma_start3A_341 = arith.constant 0 : i32
      %dma_start3A_342 = tpu.memref_slice %arg2[%dma_start3A_340, %dma_start3A_341] : memref<10000x128xf32, #tpu.memory_space<hbm>> -> memref<10000x128xf32, #tpu.memory_space<hbm>>
      tpu.enqueue_indirect_dma source(%dma_start3A_342 : memref<10000x128xf32, #tpu.memory_space<hbm>>) target(%arg26 : memref<80x128xf32, #tpu.memory_space<vmem>>) offsets(%arg10 : memref<80xi32, #tpu.memory_space<vmem>>) semaphore(%arg30 : memref<!tpu.dma_semaphore, #tpu.memory_space<semaphore_mem>>)
      %add3A_343 = arith.constant 8 : i32
      %add3A_344 = arith.addi %add3A_264, %add3A_343 : i32
      %add3A_345 = arith.constant 2 : i32
      %add3A_346 = arith.addi %add3A_344, %add3A_345 : i32
      %mul3A_347 = arith.constant 80 : i32
      %mul3A_348 = arith.muli %add3A_346, %mul3A_347 : i32
      %add3A_349 = arith.addi %mul3A_20, %mul3A_348 : i32
      %multiple_of3A_350 = tpu.assume_multiple %add3A_349, 8 : i32
      %dma_start3A_351 = tpu.memref_slice %arg3[%multiple_of3A_350] : memref<320256xi32, #tpu.memory_space<hbm>> -> memref<80xi32, #tpu.memory_space<hbm>>
      %dma_start3A_352 = tpu.memref_slice %arg3[%multiple_of3A_350] : memref<320256xi32, #tpu.memory_space<hbm>> -> memref<80xi32, #tpu.memory_space<hbm>>
      tpu.enqueue_dma source(%dma_start3A_352 : memref<80xi32, #tpu.memory_space<hbm>>) target(%arg14 : memref<80xi32, #tpu.memory_space<vmem>>) target_semaphore(%arg34 : memref<!tpu.dma_semaphore, #tpu.memory_space<semaphore_mem>>)
      %dma_start3A_353 = tpu.memref_slice %arg4[%multiple_of3A_350] : memref<320256xi32, #tpu.memory_space<hbm>> -> memref<80xi32, #tpu.memory_space<hbm>>
      %dma_start3A_354 = tpu.memref_slice %arg4[%multiple_of3A_350] : memref<320256xi32, #tpu.memory_space<hbm>> -> memref<80xi32, #tpu.memory_space<hbm>>
      tpu.enqueue_dma source(%dma_start3A_354 : memref<80xi32, #tpu.memory_space<hbm>>) target(%arg22 : memref<80xi32, #tpu.memory_space<vmem>>) target_semaphore(%arg34 : memref<!tpu.dma_semaphore, #tpu.memory_space<semaphore_mem>>)
      %dma_wait3A_355 = arith.constant 0 : i32
      %dma_wait3A_356 = arith.constant 0 : i32
      %dma_wait3A_357 = tpu.memref_slice %arg2[%dma_wait3A_355, %dma_wait3A_356] : memref<10000x128xf32, #tpu.memory_space<hbm>> -> memref<10000x128xf32, #tpu.memory_space<hbm>>
      tpu.wait_indirect_dma semaphore(%arg31 : memref<!tpu.dma_semaphore, #tpu.memory_space<semaphore_mem>>) src(%dma_wait3A_357 : memref<10000x128xf32, #tpu.memory_space<hbm>>) dst(%arg27 : memref<80x128xf32, #tpu.memory_space<vmem>>)
      "tpu.region"() ({
        %run_scoped3A = tpu.sem_alloc : memref<!tpu.dma_semaphore, #tpu.memory_space<semaphore_mem>>
        %dma_start3A_385 = arith.constant 0 : i32
        %dma_start3A_386 = arith.constant 0 : i32
        %dma_start3A_387 = tpu.memref_slice %arg7[%dma_start3A_385, %dma_start3A_386] : memref<10240x128xf32, #tpu.memory_space<vmem_shared>> -> memref<10240x128xf32, #tpu.memory_space<vmem_shared>>
        tpu.enqueue_indirect_dma source(%arg27 : memref<80x128xf32, #tpu.memory_space<vmem>>) target(%dma_start3A_387 : memref<10240x128xf32, #tpu.memory_space<vmem_shared>>) offsets(%arg23 : memref<80xi32, #tpu.memory_space<vmem>>) semaphore(%run_scoped3A : memref<!tpu.dma_semaphore, #tpu.memory_space<semaphore_mem>>) {add = true}
        %dma_wait3A_388 = arith.constant 0 : i32
        %dma_wait3A_389 = arith.constant 0 : i32
        %dma_wait3A_390 = tpu.memref_slice %arg7[%dma_wait3A_388, %dma_wait3A_389] : memref<10240x128xf32, #tpu.memory_space<vmem_shared>> -> memref<10240x128xf32, #tpu.memory_space<vmem_shared>>
        tpu.wait_indirect_dma semaphore(%run_scoped3A : memref<!tpu.dma_semaphore, #tpu.memory_space<semaphore_mem>>) src(%arg27 : memref<80x128xf32, #tpu.memory_space<vmem>>) dst(%dma_wait3A_390 : memref<10240x128xf32, #tpu.memory_space<vmem_shared>>)
        tpu.yield
      }) : () -> ()
      %add3A_358 = arith.constant 4 : i32
      %add3A_359 = arith.addi %add3A_264, %add3A_358 : i32
      %add3A_360 = arith.constant 3 : i32
      %add3A_361 = arith.addi %add3A_359, %add3A_360 : i32
      %mul3A_362 = arith.constant 80 : i32
      %mul3A_363 = arith.muli %add3A_361, %mul3A_362 : i32
      %add3A_364 = arith.addi %mul3A_20, %mul3A_363 : i32
      %multiple_of3A_365 = tpu.assume_multiple %add3A_364, 8 : i32
      %dma_wait3A_366 = tpu.memref_slice %arg3[%multiple_of3A_365] : memref<320256xi32, #tpu.memory_space<hbm>> -> memref<80xi32, #tpu.memory_space<hbm>>
      %dma_wait3A_367 = tpu.memref_slice %arg3[%multiple_of3A_365] : memref<320256xi32, #tpu.memory_space<hbm>> -> memref<80xi32, #tpu.memory_space<hbm>>
      tpu.wait_dma2 semaphore(%arg35 : memref<!tpu.dma_semaphore, #tpu.memory_space<semaphore_mem>>) src(%dma_wait3A_367 : memref<80xi32, #tpu.memory_space<hbm>>) dst(%arg11 : memref<80xi32, #tpu.memory_space<vmem>>)
      %dma_wait3A_368 = tpu.memref_slice %arg4[%multiple_of3A_365] : memref<320256xi32, #tpu.memory_space<hbm>> -> memref<80xi32, #tpu.memory_space<hbm>>
      %dma_wait3A_369 = tpu.memref_slice %arg4[%multiple_of3A_365] : memref<320256xi32, #tpu.memory_space<hbm>> -> memref<80xi32, #tpu.memory_space<hbm>>
      tpu.wait_dma2 semaphore(%arg35 : memref<!tpu.dma_semaphore, #tpu.memory_space<semaphore_mem>>) src(%dma_wait3A_369 : memref<80xi32, #tpu.memory_space<hbm>>) dst(%arg19 : memref<80xi32, #tpu.memory_space<vmem>>)
      %dma_start3A_370 = arith.constant 0 : i32
      %dma_start3A_371 = arith.constant 0 : i32
      %dma_start3A_372 = tpu.memref_slice %arg2[%dma_start3A_370, %dma_start3A_371] : memref<10000x128xf32, #tpu.memory_space<hbm>> -> memref<10000x128xf32, #tpu.memory_space<hbm>>
      tpu.enqueue_indirect_dma source(%dma_start3A_372 : memref<10000x128xf32, #tpu.memory_space<hbm>>) target(%arg27 : memref<80x128xf32, #tpu.memory_space<vmem>>) offsets(%arg11 : memref<80xi32, #tpu.memory_space<vmem>>) semaphore(%arg31 : memref<!tpu.dma_semaphore, #tpu.memory_space<semaphore_mem>>)
      %add3A_373 = arith.constant 8 : i32
      %add3A_374 = arith.addi %add3A_264, %add3A_373 : i32
      %add3A_375 = arith.constant 3 : i32
      %add3A_376 = arith.addi %add3A_374, %add3A_375 : i32
      %mul3A_377 = arith.constant 80 : i32
      %mul3A_378 = arith.muli %add3A_376, %mul3A_377 : i32
      %add3A_379 = arith.addi %mul3A_20, %mul3A_378 : i32
      %multiple_of3A_380 = tpu.assume_multiple %add3A_379, 8 : i32
      %dma_start3A_381 = tpu.memref_slice %arg3[%multiple_of3A_380] : memref<320256xi32, #tpu.memory_space<hbm>> -> memref<80xi32, #tpu.memory_space<hbm>>
      %dma_start3A_382 = tpu.memref_slice %arg3[%multiple_of3A_380] : memref<320256xi32, #tpu.memory_space<hbm>> -> memref<80xi32, #tpu.memory_space<hbm>>
      tpu.enqueue_dma source(%dma_start3A_382 : memref<80xi32, #tpu.memory_space<hbm>>) target(%arg15 : memref<80xi32, #tpu.memory_space<vmem>>) target_semaphore(%arg35 : memref<!tpu.dma_semaphore, #tpu.memory_space<semaphore_mem>>)
      %dma_start3A_383 = tpu.memref_slice %arg4[%multiple_of3A_380] : memref<320256xi32, #tpu.memory_space<hbm>> -> memref<80xi32, #tpu.memory_space<hbm>>
      %dma_start3A_384 = tpu.memref_slice %arg4[%multiple_of3A_380] : memref<320256xi32, #tpu.memory_space<hbm>> -> memref<80xi32, #tpu.memory_space<hbm>>
      tpu.enqueue_dma source(%dma_start3A_384 : memref<80xi32, #tpu.memory_space<hbm>>) target(%arg23 : memref<80xi32, #tpu.memory_space<vmem>>) target_semaphore(%arg35 : memref<!tpu.dma_semaphore, #tpu.memory_space<semaphore_mem>>)
    }
    %scan3A_75 = arith.constant 15 : i32
    %dma_wait3A = arith.constant 0 : i32
    %dma_wait3A_76 = arith.constant 0 : i32
    %dma_wait3A_77 = tpu.memref_slice %arg2[%dma_wait3A, %dma_wait3A_76] : memref<10000x128xf32, #tpu.memory_space<hbm>> -> memref<10000x128xf32, #tpu.memory_space<hbm>>
    tpu.wait_indirect_dma semaphore(%arg28 : memref<!tpu.dma_semaphore, #tpu.memory_space<semaphore_mem>>) src(%dma_wait3A_77 : memref<10000x128xf32, #tpu.memory_space<hbm>>) dst(%arg24 : memref<80x128xf32, #tpu.memory_space<vmem>>)
    "tpu.region"() ({
      %run_scoped3A = tpu.sem_alloc : memref<!tpu.dma_semaphore, #tpu.memory_space<semaphore_mem>>
      %dma_start3A_138 = arith.constant 0 : i32
      %dma_start3A_139 = arith.constant 0 : i32
      %dma_start3A_140 = tpu.memref_slice %arg7[%dma_start3A_138, %dma_start3A_139] : memref<10240x128xf32, #tpu.memory_space<vmem_shared>> -> memref<10240x128xf32, #tpu.memory_space<vmem_shared>>
      tpu.enqueue_indirect_dma source(%arg24 : memref<80x128xf32, #tpu.memory_space<vmem>>) target(%dma_start3A_140 : memref<10240x128xf32, #tpu.memory_space<vmem_shared>>) offsets(%arg16 : memref<80xi32, #tpu.memory_space<vmem>>) semaphore(%run_scoped3A : memref<!tpu.dma_semaphore, #tpu.memory_space<semaphore_mem>>) {add = true}
      %dma_wait3A_141 = arith.constant 0 : i32
      %dma_wait3A_142 = arith.constant 0 : i32
      %dma_wait3A_143 = tpu.memref_slice %arg7[%dma_wait3A_141, %dma_wait3A_142] : memref<10240x128xf32, #tpu.memory_space<vmem_shared>> -> memref<10240x128xf32, #tpu.memory_space<vmem_shared>>
      tpu.wait_indirect_dma semaphore(%run_scoped3A : memref<!tpu.dma_semaphore, #tpu.memory_space<semaphore_mem>>) src(%arg24 : memref<80x128xf32, #tpu.memory_space<vmem>>) dst(%dma_wait3A_143 : memref<10240x128xf32, #tpu.memory_space<vmem_shared>>)
      tpu.yield
    }) : () -> ()
    %dma_wait3A_78 = arith.constant 0 : i32
    %dma_wait3A_79 = arith.constant 0 : i32
    %dma_wait3A_80 = tpu.memref_slice %arg2[%dma_wait3A_78, %dma_wait3A_79] : memref<10000x128xf32, #tpu.memory_space<hbm>> -> memref<10000x128xf32, #tpu.memory_space<hbm>>
    tpu.wait_indirect_dma semaphore(%arg29 : memref<!tpu.dma_semaphore, #tpu.memory_space<semaphore_mem>>) src(%dma_wait3A_80 : memref<10000x128xf32, #tpu.memory_space<hbm>>) dst(%arg25 : memref<80x128xf32, #tpu.memory_space<vmem>>)
    "tpu.region"() ({
      %run_scoped3A = tpu.sem_alloc : memref<!tpu.dma_semaphore, #tpu.memory_space<semaphore_mem>>
      %dma_start3A_138 = arith.constant 0 : i32
      %dma_start3A_139 = arith.constant 0 : i32
      %dma_start3A_140 = tpu.memref_slice %arg7[%dma_start3A_138, %dma_start3A_139] : memref<10240x128xf32, #tpu.memory_space<vmem_shared>> -> memref<10240x128xf32, #tpu.memory_space<vmem_shared>>
      tpu.enqueue_indirect_dma source(%arg25 : memref<80x128xf32, #tpu.memory_space<vmem>>) target(%dma_start3A_140 : memref<10240x128xf32, #tpu.memory_space<vmem_shared>>) offsets(%arg17 : memref<80xi32, #tpu.memory_space<vmem>>) semaphore(%run_scoped3A : memref<!tpu.dma_semaphore, #tpu.memory_space<semaphore_mem>>) {add = true}
      %dma_wait3A_141 = arith.constant 0 : i32
      %dma_wait3A_142 = arith.constant 0 : i32
      %dma_wait3A_143 = tpu.memref_slice %arg7[%dma_wait3A_141, %dma_wait3A_142] : memref<10240x128xf32, #tpu.memory_space<vmem_shared>> -> memref<10240x128xf32, #tpu.memory_space<vmem_shared>>
      tpu.wait_indirect_dma semaphore(%run_scoped3A : memref<!tpu.dma_semaphore, #tpu.memory_space<semaphore_mem>>) src(%arg25 : memref<80x128xf32, #tpu.memory_space<vmem>>) dst(%dma_wait3A_143 : memref<10240x128xf32, #tpu.memory_space<vmem_shared>>)
      tpu.yield
    }) : () -> ()
    %dma_wait3A_81 = arith.constant 0 : i32
    %dma_wait3A_82 = arith.constant 0 : i32
    %dma_wait3A_83 = tpu.memref_slice %arg2[%dma_wait3A_81, %dma_wait3A_82] : memref<10000x128xf32, #tpu.memory_space<hbm>> -> memref<10000x128xf32, #tpu.memory_space<hbm>>
    tpu.wait_indirect_dma semaphore(%arg30 : memref<!tpu.dma_semaphore, #tpu.memory_space<semaphore_mem>>) src(%dma_wait3A_83 : memref<10000x128xf32, #tpu.memory_space<hbm>>) dst(%arg26 : memref<80x128xf32, #tpu.memory_space<vmem>>)
    "tpu.region"() ({
      %run_scoped3A = tpu.sem_alloc : memref<!tpu.dma_semaphore, #tpu.memory_space<semaphore_mem>>
      %dma_start3A_138 = arith.constant 0 : i32
      %dma_start3A_139 = arith.constant 0 : i32
      %dma_start3A_140 = tpu.memref_slice %arg7[%dma_start3A_138, %dma_start3A_139] : memref<10240x128xf32, #tpu.memory_space<vmem_shared>> -> memref<10240x128xf32, #tpu.memory_space<vmem_shared>>
      tpu.enqueue_indirect_dma source(%arg26 : memref<80x128xf32, #tpu.memory_space<vmem>>) target(%dma_start3A_140 : memref<10240x128xf32, #tpu.memory_space<vmem_shared>>) offsets(%arg18 : memref<80xi32, #tpu.memory_space<vmem>>) semaphore(%run_scoped3A : memref<!tpu.dma_semaphore, #tpu.memory_space<semaphore_mem>>) {add = true}
      %dma_wait3A_141 = arith.constant 0 : i32
      %dma_wait3A_142 = arith.constant 0 : i32
      %dma_wait3A_143 = tpu.memref_slice %arg7[%dma_wait3A_141, %dma_wait3A_142] : memref<10240x128xf32, #tpu.memory_space<vmem_shared>> -> memref<10240x128xf32, #tpu.memory_space<vmem_shared>>
      tpu.wait_indirect_dma semaphore(%run_scoped3A : memref<!tpu.dma_semaphore, #tpu.memory_space<semaphore_mem>>) src(%arg26 : memref<80x128xf32, #tpu.memory_space<vmem>>) dst(%dma_wait3A_143 : memref<10240x128xf32, #tpu.memory_space<vmem_shared>>)
      tpu.yield
    }) : () -> ()
    %dma_wait3A_84 = arith.constant 0 : i32
    %dma_wait3A_85 = arith.constant 0 : i32
    %dma_wait3A_86 = tpu.memref_slice %arg2[%dma_wait3A_84, %dma_wait3A_85] : memref<10000x128xf32, #tpu.memory_space<hbm>> -> memref<10000x128xf32, #tpu.memory_space<hbm>>
    tpu.wait_indirect_dma semaphore(%arg31 : memref<!tpu.dma_semaphore, #tpu.memory_space<semaphore_mem>>) src(%dma_wait3A_86 : memref<10000x128xf32, #tpu.memory_space<hbm>>) dst(%arg27 : memref<80x128xf32, #tpu.memory_space<vmem>>)
    "tpu.region"() ({
      %run_scoped3A = tpu.sem_alloc : memref<!tpu.dma_semaphore, #tpu.memory_space<semaphore_mem>>
      %dma_start3A_138 = arith.constant 0 : i32
      %dma_start3A_139 = arith.constant 0 : i32
      %dma_start3A_140 = tpu.memref_slice %arg7[%dma_start3A_138, %dma_start3A_139] : memref<10240x128xf32, #tpu.memory_space<vmem_shared>> -> memref<10240x128xf32, #tpu.memory_space<vmem_shared>>
      tpu.enqueue_indirect_dma source(%arg27 : memref<80x128xf32, #tpu.memory_space<vmem>>) target(%dma_start3A_140 : memref<10240x128xf32, #tpu.memory_space<vmem_shared>>) offsets(%arg19 : memref<80xi32, #tpu.memory_space<vmem>>) semaphore(%run_scoped3A : memref<!tpu.dma_semaphore, #tpu.memory_space<semaphore_mem>>) {add = true}
      %dma_wait3A_141 = arith.constant 0 : i32
      %dma_wait3A_142 = arith.constant 0 : i32
      %dma_wait3A_143 = tpu.memref_slice %arg7[%dma_wait3A_141, %dma_wait3A_142] : memref<10240x128xf32, #tpu.memory_space<vmem_shared>> -> memref<10240x128xf32, #tpu.memory_space<vmem_shared>>
      tpu.wait_indirect_dma semaphore(%run_scoped3A : memref<!tpu.dma_semaphore, #tpu.memory_space<semaphore_mem>>) src(%arg27 : memref<80x128xf32, #tpu.memory_space<vmem>>) dst(%dma_wait3A_143 : memref<10240x128xf32, #tpu.memory_space<vmem_shared>>)
      tpu.yield
    }) : () -> ()
    %add3A_87 = arith.constant 9920 : i32
    %add3A_88 = arith.addi %mul3A_20, %add3A_87 : i32
    %multiple_of3A_89 = tpu.assume_multiple %add3A_88, 8 : i32
    %dma_wait3A_90 = tpu.memref_slice %arg3[%multiple_of3A_89] : memref<320256xi32, #tpu.memory_space<hbm>> -> memref<80xi32, #tpu.memory_space<hbm>>
    %dma_wait3A_91 = tpu.memref_slice %arg3[%multiple_of3A_89] : memref<320256xi32, #tpu.memory_space<hbm>> -> memref<80xi32, #tpu.memory_space<hbm>>
    tpu.wait_dma2 semaphore(%arg32 : memref<!tpu.dma_semaphore, #tpu.memory_space<semaphore_mem>>) src(%dma_wait3A_91 : memref<80xi32, #tpu.memory_space<hbm>>) dst(%arg12 : memref<80xi32, #tpu.memory_space<vmem>>)
    %dma_wait3A_92 = tpu.memref_slice %arg4[%multiple_of3A_89] : memref<320256xi32, #tpu.memory_space<hbm>> -> memref<80xi32, #tpu.memory_space<hbm>>
    %dma_wait3A_93 = tpu.memref_slice %arg4[%multiple_of3A_89] : memref<320256xi32, #tpu.memory_space<hbm>> -> memref<80xi32, #tpu.memory_space<hbm>>
    tpu.wait_dma2 semaphore(%arg32 : memref<!tpu.dma_semaphore, #tpu.memory_space<semaphore_mem>>) src(%dma_wait3A_93 : memref<80xi32, #tpu.memory_space<hbm>>) dst(%arg20 : memref<80xi32, #tpu.memory_space<vmem>>)
    %add3A_94 = arith.constant 10000 : i32
    %add3A_95 = arith.addi %mul3A_20, %add3A_94 : i32
    %multiple_of3A_96 = tpu.assume_multiple %add3A_95, 8 : i32
    %dma_wait3A_97 = tpu.memref_slice %arg3[%multiple_of3A_96] : memref<320256xi32, #tpu.memory_space<hbm>> -> memref<80xi32, #tpu.memory_space<hbm>>
    %dma_wait3A_98 = tpu.memref_slice %arg3[%multiple_of3A_96] : memref<320256xi32, #tpu.memory_space<hbm>> -> memref<80xi32, #tpu.memory_space<hbm>>
    tpu.wait_dma2 semaphore(%arg33 : memref<!tpu.dma_semaphore, #tpu.memory_space<semaphore_mem>>) src(%dma_wait3A_98 : memref<80xi32, #tpu.memory_space<hbm>>) dst(%arg13 : memref<80xi32, #tpu.memory_space<vmem>>)
    %dma_wait3A_99 = tpu.memref_slice %arg4[%multiple_of3A_96] : memref<320256xi32, #tpu.memory_space<hbm>> -> memref<80xi32, #tpu.memory_space<hbm>>
    %dma_wait3A_100 = tpu.memref_slice %arg4[%multiple_of3A_96] : memref<320256xi32, #tpu.memory_space<hbm>> -> memref<80xi32, #tpu.memory_space<hbm>>
    tpu.wait_dma2 semaphore(%arg33 : memref<!tpu.dma_semaphore, #tpu.memory_space<semaphore_mem>>) src(%dma_wait3A_100 : memref<80xi32, #tpu.memory_space<hbm>>) dst(%arg21 : memref<80xi32, #tpu.memory_space<vmem>>)
    %add3A_101 = arith.constant 10080 : i32
    %add3A_102 = arith.addi %mul3A_20, %add3A_101 : i32
    %multiple_of3A_103 = tpu.assume_multiple %add3A_102, 8 : i32
    %dma_wait3A_104 = tpu.memref_slice %arg3[%multiple_of3A_103] : memref<320256xi32, #tpu.memory_space<hbm>> -> memref<80xi32, #tpu.memory_space<hbm>>
    %dma_wait3A_105 = tpu.memref_slice %arg3[%multiple_of3A_103] : memref<320256xi32, #tpu.memory_space<hbm>> -> memref<80xi32, #tpu.memory_space<hbm>>
    tpu.wait_dma2 semaphore(%arg34 : memref<!tpu.dma_semaphore, #tpu.memory_space<semaphore_mem>>) src(%dma_wait3A_105 : memref<80xi32, #tpu.memory_space<hbm>>) dst(%arg14 : memref<80xi32, #tpu.memory_space<vmem>>)
    %dma_wait3A_106 = tpu.memref_slice %arg4[%multiple_of3A_103] : memref<320256xi32, #tpu.memory_space<hbm>> -> memref<80xi32, #tpu.memory_space<hbm>>
    %dma_wait3A_107 = tpu.memref_slice %arg4[%multiple_of3A_103] : memref<320256xi32, #tpu.memory_space<hbm>> -> memref<80xi32, #tpu.memory_space<hbm>>
    tpu.wait_dma2 semaphore(%arg34 : memref<!tpu.dma_semaphore, #tpu.memory_space<semaphore_mem>>) src(%dma_wait3A_107 : memref<80xi32, #tpu.memory_space<hbm>>) dst(%arg22 : memref<80xi32, #tpu.memory_space<vmem>>)
    %add3A_108 = arith.constant 10160 : i32
    %add3A_109 = arith.addi %mul3A_20, %add3A_108 : i32
    %multiple_of3A_110 = tpu.assume_multiple %add3A_109, 8 : i32
    %dma_wait3A_111 = tpu.memref_slice %arg3[%multiple_of3A_110] : memref<320256xi32, #tpu.memory_space<hbm>> -> memref<80xi32, #tpu.memory_space<hbm>>
    %dma_wait3A_112 = tpu.memref_slice %arg3[%multiple_of3A_110] : memref<320256xi32, #tpu.memory_space<hbm>> -> memref<80xi32, #tpu.memory_space<hbm>>
    tpu.wait_dma2 semaphore(%arg35 : memref<!tpu.dma_semaphore, #tpu.memory_space<semaphore_mem>>) src(%dma_wait3A_112 : memref<80xi32, #tpu.memory_space<hbm>>) dst(%arg15 : memref<80xi32, #tpu.memory_space<vmem>>)
    %dma_wait3A_113 = tpu.memref_slice %arg4[%multiple_of3A_110] : memref<320256xi32, #tpu.memory_space<hbm>> -> memref<80xi32, #tpu.memory_space<hbm>>
    %dma_wait3A_114 = tpu.memref_slice %arg4[%multiple_of3A_110] : memref<320256xi32, #tpu.memory_space<hbm>> -> memref<80xi32, #tpu.memory_space<hbm>>
    tpu.wait_dma2 semaphore(%arg35 : memref<!tpu.dma_semaphore, #tpu.memory_space<semaphore_mem>>) src(%dma_wait3A_114 : memref<80xi32, #tpu.memory_space<hbm>>) dst(%arg23 : memref<80xi32, #tpu.memory_space<vmem>>)
    %dma_start3A_115 = arith.constant 0 : i32
    %dma_start3A_116 = arith.constant 0 : i32
    %dma_start3A_117 = tpu.memref_slice %arg2[%dma_start3A_115, %dma_start3A_116] : memref<10000x128xf32, #tpu.memory_space<hbm>> -> memref<10000x128xf32, #tpu.memory_space<hbm>>
    tpu.enqueue_indirect_dma source(%dma_start3A_117 : memref<10000x128xf32, #tpu.memory_space<hbm>>) target(%arg24 : memref<80x128xf32, #tpu.memory_space<vmem>>) offsets(%arg12 : memref<80xi32, #tpu.memory_space<vmem>>) semaphore(%arg28 : memref<!tpu.dma_semaphore, #tpu.memory_space<semaphore_mem>>)
    %dma_wait3A_118 = arith.constant 0 : i32
    %dma_wait3A_119 = arith.constant 0 : i32
    %dma_wait3A_120 = tpu.memref_slice %arg2[%dma_wait3A_118, %dma_wait3A_119] : memref<10000x128xf32, #tpu.memory_space<hbm>> -> memref<10000x128xf32, #tpu.memory_space<hbm>>
    tpu.wait_indirect_dma semaphore(%arg28 : memref<!tpu.dma_semaphore, #tpu.memory_space<semaphore_mem>>) src(%dma_wait3A_120 : memref<10000x128xf32, #tpu.memory_space<hbm>>) dst(%arg24 : memref<80x128xf32, #tpu.memory_space<vmem>>)
    "tpu.region"() ({
      %run_scoped3A = tpu.sem_alloc : memref<!tpu.dma_semaphore, #tpu.memory_space<semaphore_mem>>
      %dma_start3A_138 = arith.constant 0 : i32
      %dma_start3A_139 = arith.constant 0 : i32
      %dma_start3A_140 = tpu.memref_slice %arg7[%dma_start3A_138, %dma_start3A_139] : memref<10240x128xf32, #tpu.memory_space<vmem_shared>> -> memref<10240x128xf32, #tpu.memory_space<vmem_shared>>
      tpu.enqueue_indirect_dma source(%arg24 : memref<80x128xf32, #tpu.memory_space<vmem>>) target(%dma_start3A_140 : memref<10240x128xf32, #tpu.memory_space<vmem_shared>>) offsets(%arg20 : memref<80xi32, #tpu.memory_space<vmem>>) semaphore(%run_scoped3A : memref<!tpu.dma_semaphore, #tpu.memory_space<semaphore_mem>>) {add = true}
      %dma_wait3A_141 = arith.constant 0 : i32
      %dma_wait3A_142 = arith.constant 0 : i32
      %dma_wait3A_143 = tpu.memref_slice %arg7[%dma_wait3A_141, %dma_wait3A_142] : memref<10240x128xf32, #tpu.memory_space<vmem_shared>> -> memref<10240x128xf32, #tpu.memory_space<vmem_shared>>
      tpu.wait_indirect_dma semaphore(%run_scoped3A : memref<!tpu.dma_semaphore, #tpu.memory_space<semaphore_mem>>) src(%arg24 : memref<80x128xf32, #tpu.memory_space<vmem>>) dst(%dma_wait3A_143 : memref<10240x128xf32, #tpu.memory_space<vmem_shared>>)
      tpu.yield
    }) : () -> ()
    %barrier3A_121 = arith.constant 0 : index
    tpu.barrier barrier_id(%barrier3A_121)
    %add3A_122 = arith.constant 0 : i32
    %add3A_123 = arith.addi %mul3A_0, %add3A_122 : i32
    "tpu.region"() ({
      %run_scoped3A = tpu.sem_alloc : memref<!tpu.dma_semaphore, #tpu.memory_space<semaphore_mem>>
      %dma_start3A_138 = arith.constant 0 : i32
      %dma_start3A_139 = tpu.memref_slice %arg7[%add3A_123, %dma_start3A_138] : memref<10240x128xf32, #tpu.memory_space<vmem_shared>> -> memref<80x128xf32, #tpu.memory_space<vmem_shared>>
      %dma_start3A_140 = arith.constant 0 : i32
      %dma_start3A_141 = tpu.memref_slice %arg7[%add3A_123, %dma_start3A_140] : memref<10240x128xf32, #tpu.memory_space<vmem_shared>> -> memref<80x128xf32, #tpu.memory_space<vmem_shared>>
      tpu.enqueue_dma source(%dma_start3A_141 : memref<80x128xf32, #tpu.memory_space<vmem_shared>>) target(%arg24 : memref<80x128xf32, #tpu.memory_space<vmem>>) target_semaphore(%run_scoped3A : memref<!tpu.dma_semaphore, #tpu.memory_space<semaphore_mem>>)
      %dma_wait3A_142 = arith.constant 0 : i32
      %dma_wait3A_143 = tpu.memref_slice %arg7[%add3A_123, %dma_wait3A_142] : memref<10240x128xf32, #tpu.memory_space<vmem_shared>> -> memref<80x128xf32, #tpu.memory_space<vmem_shared>>
      %dma_wait3A_144 = arith.constant 0 : i32
      %dma_wait3A_145 = tpu.memref_slice %arg7[%add3A_123, %dma_wait3A_144] : memref<10240x128xf32, #tpu.memory_space<vmem_shared>> -> memref<80x128xf32, #tpu.memory_space<vmem_shared>>
      tpu.wait_dma2 semaphore(%run_scoped3A : memref<!tpu.dma_semaphore, #tpu.memory_space<semaphore_mem>>) src(%dma_wait3A_145 : memref<80x128xf32, #tpu.memory_space<vmem_shared>>) dst(%arg24 : memref<80x128xf32, #tpu.memory_space<vmem>>)
      tpu.yield
    }) : () -> ()
    "tpu.region"() ({
      %run_scoped3A = tpu.sem_alloc : memref<!tpu.dma_semaphore, #tpu.memory_space<semaphore_mem>>
      %dma_start3A_138 = arith.constant 0 : i32
      %dma_start3A_139 = tpu.memref_slice %arg6[%arg0, %add3A_123, %dma_start3A_138] : memref<2x10240x128xf32, #tpu.memory_space<hbm>> -> memref<1x80x128xf32, #tpu.memory_space<hbm>>
      %dma_start3A_140 = tpu.memref_squeeze %dma_start3A_139 : memref<1x80x128xf32, #tpu.memory_space<hbm>> -> memref<80x128xf32, #tpu.memory_space<hbm>>
      %dma_start3A_141 = arith.constant 0 : i32
      %dma_start3A_142 = tpu.memref_slice %arg6[%arg0, %add3A_123, %dma_start3A_141] : memref<2x10240x128xf32, #tpu.memory_space<hbm>> -> memref<1x80x128xf32, #tpu.memory_space<hbm>>
      %dma_start3A_143 = tpu.memref_squeeze %dma_start3A_142 : memref<1x80x128xf32, #tpu.memory_space<hbm>> -> memref<80x128xf32, #tpu.memory_space<hbm>>
      tpu.enqueue_dma source(%arg24 : memref<80x128xf32, #tpu.memory_space<vmem>>) target(%dma_start3A_143 : memref<80x128xf32, #tpu.memory_space<hbm>>) target_semaphore(%run_scoped3A : memref<!tpu.dma_semaphore, #tpu.memory_space<semaphore_mem>>)
      %dma_wait3A_144 = arith.constant 0 : i32
      %dma_wait3A_145 = tpu.memref_slice %arg6[%arg0, %add3A_123, %dma_wait3A_144] : memref<2x10240x128xf32, #tpu.memory_space<hbm>> -> memref<1x80x128xf32, #tpu.memory_space<hbm>>
      %dma_wait3A_146 = tpu.memref_squeeze %dma_wait3A_145 : memref<1x80x128xf32, #tpu.memory_space<hbm>> -> memref<80x128xf32, #tpu.memory_space<hbm>>
      %dma_wait3A_147 = arith.constant 0 : i32
      %dma_wait3A_148 = tpu.memref_slice %arg6[%arg0, %add3A_123, %dma_wait3A_147] : memref<2x10240x128xf32, #tpu.memory_space<hbm>> -> memref<1x80x128xf32, #tpu.memory_space<hbm>>
      %dma_wait3A_149 = tpu.memref_squeeze %dma_wait3A_148 : memref<1x80x128xf32, #tpu.memory_space<hbm>> -> memref<80x128xf32, #tpu.memory_space<hbm>>
      tpu.wait_dma2 semaphore(%run_scoped3A : memref<!tpu.dma_semaphore, #tpu.memory_space<semaphore_mem>>) src(%arg24 : memref<80x128xf32, #tpu.memory_space<vmem>>) dst(%dma_wait3A_149 : memref<80x128xf32, #tpu.memory_space<hbm>>)
      tpu.yield
    }) : () -> ()
    %add3A_124 = arith.constant 80 : i32
    %add3A_125 = arith.addi %mul3A_0, %add3A_124 : i32
    "tpu.region"() ({
      %run_scoped3A = tpu.sem_alloc : memref<!tpu.dma_semaphore, #tpu.memory_space<semaphore_mem>>
      %dma_start3A_138 = arith.constant 0 : i32
      %dma_start3A_139 = tpu.memref_slice %arg7[%add3A_125, %dma_start3A_138] : memref<10240x128xf32, #tpu.memory_space<vmem_shared>> -> memref<80x128xf32, #tpu.memory_space<vmem_shared>>
      %dma_start3A_140 = arith.constant 0 : i32
      %dma_start3A_141 = tpu.memref_slice %arg7[%add3A_125, %dma_start3A_140] : memref<10240x128xf32, #tpu.memory_space<vmem_shared>> -> memref<80x128xf32, #tpu.memory_space<vmem_shared>>
      tpu.enqueue_dma source(%dma_start3A_141 : memref<80x128xf32, #tpu.memory_space<vmem_shared>>) target(%arg24 : memref<80x128xf32, #tpu.memory_space<vmem>>) target_semaphore(%run_scoped3A : memref<!tpu.dma_semaphore, #tpu.memory_space<semaphore_mem>>)
      %dma_wait3A_142 = arith.constant 0 : i32
      %dma_wait3A_143 = tpu.memref_slice %arg7[%add3A_125, %dma_wait3A_142] : memref<10240x128xf32, #tpu.memory_space<vmem_shared>> -> memref<80x128xf32, #tpu.memory_space<vmem_shared>>
      %dma_wait3A_144 = arith.constant 0 : i32
      %dma_wait3A_145 = tpu.memref_slice %arg7[%add3A_125, %dma_wait3A_144] : memref<10240x128xf32, #tpu.memory_space<vmem_shared>> -> memref<80x128xf32, #tpu.memory_space<vmem_shared>>
      tpu.wait_dma2 semaphore(%run_scoped3A : memref<!tpu.dma_semaphore, #tpu.memory_space<semaphore_mem>>) src(%dma_wait3A_145 : memref<80x128xf32, #tpu.memory_space<vmem_shared>>) dst(%arg24 : memref<80x128xf32, #tpu.memory_space<vmem>>)
      tpu.yield
    }) : () -> ()
    "tpu.region"() ({
      %run_scoped3A = tpu.sem_alloc : memref<!tpu.dma_semaphore, #tpu.memory_space<semaphore_mem>>
      %dma_start3A_138 = arith.constant 0 : i32
      %dma_start3A_139 = tpu.memref_slice %arg6[%arg0, %add3A_125, %dma_start3A_138] : memref<2x10240x128xf32, #tpu.memory_space<hbm>> -> memref<1x80x128xf32, #tpu.memory_space<hbm>>
      %dma_start3A_140 = tpu.memref_squeeze %dma_start3A_139 : memref<1x80x128xf32, #tpu.memory_space<hbm>> -> memref<80x128xf32, #tpu.memory_space<hbm>>
      %dma_start3A_141 = arith.constant 0 : i32
      %dma_start3A_142 = tpu.memref_slice %arg6[%arg0, %add3A_125, %dma_start3A_141] : memref<2x10240x128xf32, #tpu.memory_space<hbm>> -> memref<1x80x128xf32, #tpu.memory_space<hbm>>
      %dma_start3A_143 = tpu.memref_squeeze %dma_start3A_142 : memref<1x80x128xf32, #tpu.memory_space<hbm>> -> memref<80x128xf32, #tpu.memory_space<hbm>>
      tpu.enqueue_dma source(%arg24 : memref<80x128xf32, #tpu.memory_space<vmem>>) target(%dma_start3A_143 : memref<80x128xf32, #tpu.memory_space<hbm>>) target_semaphore(%run_scoped3A : memref<!tpu.dma_semaphore, #tpu.memory_space<semaphore_mem>>)
      %dma_wait3A_144 = arith.constant 0 : i32
      %dma_wait3A_145 = tpu.memref_slice %arg6[%arg0, %add3A_125, %dma_wait3A_144] : memref<2x10240x128xf32, #tpu.memory_space<hbm>> -> memref<1x80x128xf32, #tpu.memory_space<hbm>>
      %dma_wait3A_146 = tpu.memref_squeeze %dma_wait3A_145 : memref<1x80x128xf32, #tpu.memory_space<hbm>> -> memref<80x128xf32, #tpu.memory_space<hbm>>
      %dma_wait3A_147 = arith.constant 0 : i32
      %dma_wait3A_148 = tpu.memref_slice %arg6[%arg0, %add3A_125, %dma_wait3A_147] : memref<2x10240x128xf32, #tpu.memory_space<hbm>> -> memref<1x80x128xf32, #tpu.memory_space<hbm>>
      %dma_wait3A_149 = tpu.memref_squeeze %dma_wait3A_148 : memref<1x80x128xf32, #tpu.memory_space<hbm>> -> memref<80x128xf32, #tpu.memory_space<hbm>>
      tpu.wait_dma2 semaphore(%run_scoped3A : memref<!tpu.dma_semaphore, #tpu.memory_space<semaphore_mem>>) src(%arg24 : memref<80x128xf32, #tpu.memory_space<vmem>>) dst(%dma_wait3A_149 : memref<80x128xf32, #tpu.memory_space<hbm>>)
      tpu.yield
    }) : () -> ()
    %add3A_126 = arith.constant 160 : i32
    %add3A_127 = arith.addi %mul3A_0, %add3A_126 : i32
    "tpu.region"() ({
      %run_scoped3A = tpu.sem_alloc : memref<!tpu.dma_semaphore, #tpu.memory_space<semaphore_mem>>
      %dma_start3A_138 = arith.constant 0 : i32
      %dma_start3A_139 = tpu.memref_slice %arg7[%add3A_127, %dma_start3A_138] : memref<10240x128xf32, #tpu.memory_space<vmem_shared>> -> memref<80x128xf32, #tpu.memory_space<vmem_shared>>
      %dma_start3A_140 = arith.constant 0 : i32
      %dma_start3A_141 = tpu.memref_slice %arg7[%add3A_127, %dma_start3A_140] : memref<10240x128xf32, #tpu.memory_space<vmem_shared>> -> memref<80x128xf32, #tpu.memory_space<vmem_shared>>
      tpu.enqueue_dma source(%dma_start3A_141 : memref<80x128xf32, #tpu.memory_space<vmem_shared>>) target(%arg24 : memref<80x128xf32, #tpu.memory_space<vmem>>) target_semaphore(%run_scoped3A : memref<!tpu.dma_semaphore, #tpu.memory_space<semaphore_mem>>)
      %dma_wait3A_142 = arith.constant 0 : i32
      %dma_wait3A_143 = tpu.memref_slice %arg7[%add3A_127, %dma_wait3A_142] : memref<10240x128xf32, #tpu.memory_space<vmem_shared>> -> memref<80x128xf32, #tpu.memory_space<vmem_shared>>
      %dma_wait3A_144 = arith.constant 0 : i32
      %dma_wait3A_145 = tpu.memref_slice %arg7[%add3A_127, %dma_wait3A_144] : memref<10240x128xf32, #tpu.memory_space<vmem_shared>> -> memref<80x128xf32, #tpu.memory_space<vmem_shared>>
      tpu.wait_dma2 semaphore(%run_scoped3A : memref<!tpu.dma_semaphore, #tpu.memory_space<semaphore_mem>>) src(%dma_wait3A_145 : memref<80x128xf32, #tpu.memory_space<vmem_shared>>) dst(%arg24 : memref<80x128xf32, #tpu.memory_space<vmem>>)
      tpu.yield
    }) : () -> ()
    "tpu.region"() ({
      %run_scoped3A = tpu.sem_alloc : memref<!tpu.dma_semaphore, #tpu.memory_space<semaphore_mem>>
      %dma_start3A_138 = arith.constant 0 : i32
      %dma_start3A_139 = tpu.memref_slice %arg6[%arg0, %add3A_127, %dma_start3A_138] : memref<2x10240x128xf32, #tpu.memory_space<hbm>> -> memref<1x80x128xf32, #tpu.memory_space<hbm>>
      %dma_start3A_140 = tpu.memref_squeeze %dma_start3A_139 : memref<1x80x128xf32, #tpu.memory_space<hbm>> -> memref<80x128xf32, #tpu.memory_space<hbm>>
      %dma_start3A_141 = arith.constant 0 : i32
      %dma_start3A_142 = tpu.memref_slice %arg6[%arg0, %add3A_127, %dma_start3A_141] : memref<2x10240x128xf32, #tpu.memory_space<hbm>> -> memref<1x80x128xf32, #tpu.memory_space<hbm>>
      %dma_start3A_143 = tpu.memref_squeeze %dma_start3A_142 : memref<1x80x128xf32, #tpu.memory_space<hbm>> -> memref<80x128xf32, #tpu.memory_space<hbm>>
      tpu.enqueue_dma source(%arg24 : memref<80x128xf32, #tpu.memory_space<vmem>>) target(%dma_start3A_143 : memref<80x128xf32, #tpu.memory_space<hbm>>) target_semaphore(%run_scoped3A : memref<!tpu.dma_semaphore, #tpu.memory_space<semaphore_mem>>)
      %dma_wait3A_144 = arith.constant 0 : i32
      %dma_wait3A_145 = tpu.memref_slice %arg6[%arg0, %add3A_127, %dma_wait3A_144] : memref<2x10240x128xf32, #tpu.memory_space<hbm>> -> memref<1x80x128xf32, #tpu.memory_space<hbm>>
      %dma_wait3A_146 = tpu.memref_squeeze %dma_wait3A_145 : memref<1x80x128xf32, #tpu.memory_space<hbm>> -> memref<80x128xf32, #tpu.memory_space<hbm>>
      %dma_wait3A_147 = arith.constant 0 : i32
      %dma_wait3A_148 = tpu.memref_slice %arg6[%arg0, %add3A_127, %dma_wait3A_147] : memref<2x10240x128xf32, #tpu.memory_space<hbm>> -> memref<1x80x128xf32, #tpu.memory_space<hbm>>
      %dma_wait3A_149 = tpu.memref_squeeze %dma_wait3A_148 : memref<1x80x128xf32, #tpu.memory_space<hbm>> -> memref<80x128xf32, #tpu.memory_space<hbm>>
      tpu.wait_dma2 semaphore(%run_scoped3A : memref<!tpu.dma_semaphore, #tpu.memory_space<semaphore_mem>>) src(%arg24 : memref<80x128xf32, #tpu.memory_space<vmem>>) dst(%dma_wait3A_149 : memref<80x128xf32, #tpu.memory_space<hbm>>)
      tpu.yield
    }) : () -> ()
    %add3A_128 = arith.constant 240 : i32
    %add3A_129 = arith.addi %mul3A_0, %add3A_128 : i32
    "tpu.region"() ({
      %run_scoped3A = tpu.sem_alloc : memref<!tpu.dma_semaphore, #tpu.memory_space<semaphore_mem>>
      %dma_start3A_138 = arith.constant 0 : i32
      %dma_start3A_139 = tpu.memref_slice %arg7[%add3A_129, %dma_start3A_138] : memref<10240x128xf32, #tpu.memory_space<vmem_shared>> -> memref<80x128xf32, #tpu.memory_space<vmem_shared>>
      %dma_start3A_140 = arith.constant 0 : i32
      %dma_start3A_141 = tpu.memref_slice %arg7[%add3A_129, %dma_start3A_140] : memref<10240x128xf32, #tpu.memory_space<vmem_shared>> -> memref<80x128xf32, #tpu.memory_space<vmem_shared>>
      tpu.enqueue_dma source(%dma_start3A_141 : memref<80x128xf32, #tpu.memory_space<vmem_shared>>) target(%arg24 : memref<80x128xf32, #tpu.memory_space<vmem>>) target_semaphore(%run_scoped3A : memref<!tpu.dma_semaphore, #tpu.memory_space<semaphore_mem>>)
      %dma_wait3A_142 = arith.constant 0 : i32
      %dma_wait3A_143 = tpu.memref_slice %arg7[%add3A_129, %dma_wait3A_142] : memref<10240x128xf32, #tpu.memory_space<vmem_shared>> -> memref<80x128xf32, #tpu.memory_space<vmem_shared>>
      %dma_wait3A_144 = arith.constant 0 : i32
      %dma_wait3A_145 = tpu.memref_slice %arg7[%add3A_129, %dma_wait3A_144] : memref<10240x128xf32, #tpu.memory_space<vmem_shared>> -> memref<80x128xf32, #tpu.memory_space<vmem_shared>>
      tpu.wait_dma2 semaphore(%run_scoped3A : memref<!tpu.dma_semaphore, #tpu.memory_space<semaphore_mem>>) src(%dma_wait3A_145 : memref<80x128xf32, #tpu.memory_space<vmem_shared>>) dst(%arg24 : memref<80x128xf32, #tpu.memory_space<vmem>>)
      tpu.yield
    }) : () -> ()
    "tpu.region"() ({
      %run_scoped3A = tpu.sem_alloc : memref<!tpu.dma_semaphore, #tpu.memory_space<semaphore_mem>>
      %dma_start3A_138 = arith.constant 0 : i32
      %dma_start3A_139 = tpu.memref_slice %arg6[%arg0, %add3A_129, %dma_start3A_138] : memref<2x10240x128xf32, #tpu.memory_space<hbm>> -> memref<1x80x128xf32, #tpu.memory_space<hbm>>
      %dma_start3A_140 = tpu.memref_squeeze %dma_start3A_139 : memref<1x80x128xf32, #tpu.memory_space<hbm>> -> memref<80x128xf32, #tpu.memory_space<hbm>>
      %dma_start3A_141 = arith.constant 0 : i32
      %dma_start3A_142 = tpu.memref_slice %arg6[%arg0, %add3A_129, %dma_start3A_141] : memref<2x10240x128xf32, #tpu.memory_space<hbm>> -> memref<1x80x128xf32, #tpu.memory_space<hbm>>
      %dma_start3A_143 = tpu.memref_squeeze %dma_start3A_142 : memref<1x80x128xf32, #tpu.memory_space<hbm>> -> memref<80x128xf32, #tpu.memory_space<hbm>>
      tpu.enqueue_dma source(%arg24 : memref<80x128xf32, #tpu.memory_space<vmem>>) target(%dma_start3A_143 : memref<80x128xf32, #tpu.memory_space<hbm>>) target_semaphore(%run_scoped3A : memref<!tpu.dma_semaphore, #tpu.memory_space<semaphore_mem>>)
      %dma_wait3A_144 = arith.constant 0 : i32
      %dma_wait3A_145 = tpu.memref_slice %arg6[%arg0, %add3A_129, %dma_wait3A_144] : memref<2x10240x128xf32, #tpu.memory_space<hbm>> -> memref<1x80x128xf32, #tpu.memory_space<hbm>>
      %dma_wait3A_146 = tpu.memref_squeeze %dma_wait3A_145 : memref<1x80x128xf32, #tpu.memory_space<hbm>> -> memref<80x128xf32, #tpu.memory_space<hbm>>
      %dma_wait3A_147 = arith.constant 0 : i32
      %dma_wait3A_148 = tpu.memref_slice %arg6[%arg0, %add3A_129, %dma_wait3A_147] : memref<2x10240x128xf32, #tpu.memory_space<hbm>> -> memref<1x80x128xf32, #tpu.memory_space<hbm>>
      %dma_wait3A_149 = tpu.memref_squeeze %dma_wait3A_148 : memref<1x80x128xf32, #tpu.memory_space<hbm>> -> memref<80x128xf32, #tpu.memory_space<hbm>>
      tpu.wait_dma2 semaphore(%run_scoped3A : memref<!tpu.dma_semaphore, #tpu.memory_space<semaphore_mem>>) src(%arg24 : memref<80x128xf32, #tpu.memory_space<vmem>>) dst(%dma_wait3A_149 : memref<80x128xf32, #tpu.memory_space<hbm>>)
      tpu.yield
    }) : () -> ()
    %add3A_130 = arith.constant 320 : i32
    %add3A_131 = arith.addi %mul3A_0, %add3A_130 : i32
    "tpu.region"() ({
      %run_scoped3A = tpu.sem_alloc : memref<!tpu.dma_semaphore, #tpu.memory_space<semaphore_mem>>
      %dma_start3A_138 = arith.constant 0 : i32
      %dma_start3A_139 = tpu.memref_slice %arg7[%add3A_131, %dma_start3A_138] : memref<10240x128xf32, #tpu.memory_space<vmem_shared>> -> memref<80x128xf32, #tpu.memory_space<vmem_shared>>
      %dma_start3A_140 = arith.constant 0 : i32
      %dma_start3A_141 = tpu.memref_slice %arg7[%add3A_131, %dma_start3A_140] : memref<10240x128xf32, #tpu.memory_space<vmem_shared>> -> memref<80x128xf32, #tpu.memory_space<vmem_shared>>
      tpu.enqueue_dma source(%dma_start3A_141 : memref<80x128xf32, #tpu.memory_space<vmem_shared>>) target(%arg24 : memref<80x128xf32, #tpu.memory_space<vmem>>) target_semaphore(%run_scoped3A : memref<!tpu.dma_semaphore, #tpu.memory_space<semaphore_mem>>)
      %dma_wait3A_142 = arith.constant 0 : i32
      %dma_wait3A_143 = tpu.memref_slice %arg7[%add3A_131, %dma_wait3A_142] : memref<10240x128xf32, #tpu.memory_space<vmem_shared>> -> memref<80x128xf32, #tpu.memory_space<vmem_shared>>
      %dma_wait3A_144 = arith.constant 0 : i32
      %dma_wait3A_145 = tpu.memref_slice %arg7[%add3A_131, %dma_wait3A_144] : memref<10240x128xf32, #tpu.memory_space<vmem_shared>> -> memref<80x128xf32, #tpu.memory_space<vmem_shared>>
      tpu.wait_dma2 semaphore(%run_scoped3A : memref<!tpu.dma_semaphore, #tpu.memory_space<semaphore_mem>>) src(%dma_wait3A_145 : memref<80x128xf32, #tpu.memory_space<vmem_shared>>) dst(%arg24 : memref<80x128xf32, #tpu.memory_space<vmem>>)
      tpu.yield
    }) : () -> ()
    "tpu.region"() ({
      %run_scoped3A = tpu.sem_alloc : memref<!tpu.dma_semaphore, #tpu.memory_space<semaphore_mem>>
      %dma_start3A_138 = arith.constant 0 : i32
      %dma_start3A_139 = tpu.memref_slice %arg6[%arg0, %add3A_131, %dma_start3A_138] : memref<2x10240x128xf32, #tpu.memory_space<hbm>> -> memref<1x80x128xf32, #tpu.memory_space<hbm>>
      %dma_start3A_140 = tpu.memref_squeeze %dma_start3A_139 : memref<1x80x128xf32, #tpu.memory_space<hbm>> -> memref<80x128xf32, #tpu.memory_space<hbm>>
      %dma_start3A_141 = arith.constant 0 : i32
      %dma_start3A_142 = tpu.memref_slice %arg6[%arg0, %add3A_131, %dma_start3A_141] : memref<2x10240x128xf32, #tpu.memory_space<hbm>> -> memref<1x80x128xf32, #tpu.memory_space<hbm>>
      %dma_start3A_143 = tpu.memref_squeeze %dma_start3A_142 : memref<1x80x128xf32, #tpu.memory_space<hbm>> -> memref<80x128xf32, #tpu.memory_space<hbm>>
      tpu.enqueue_dma source(%arg24 : memref<80x128xf32, #tpu.memory_space<vmem>>) target(%dma_start3A_143 : memref<80x128xf32, #tpu.memory_space<hbm>>) target_semaphore(%run_scoped3A : memref<!tpu.dma_semaphore, #tpu.memory_space<semaphore_mem>>)
      %dma_wait3A_144 = arith.constant 0 : i32
      %dma_wait3A_145 = tpu.memref_slice %arg6[%arg0, %add3A_131, %dma_wait3A_144] : memref<2x10240x128xf32, #tpu.memory_space<hbm>> -> memref<1x80x128xf32, #tpu.memory_space<hbm>>
      %dma_wait3A_146 = tpu.memref_squeeze %dma_wait3A_145 : memref<1x80x128xf32, #tpu.memory_space<hbm>> -> memref<80x128xf32, #tpu.memory_space<hbm>>
      %dma_wait3A_147 = arith.constant 0 : i32
      %dma_wait3A_148 = tpu.memref_slice %arg6[%arg0, %add3A_131, %dma_wait3A_147] : memref<2x10240x128xf32, #tpu.memory_space<hbm>> -> memref<1x80x128xf32, #tpu.memory_space<hbm>>
      %dma_wait3A_149 = tpu.memref_squeeze %dma_wait3A_148 : memref<1x80x128xf32, #tpu.memory_space<hbm>> -> memref<80x128xf32, #tpu.memory_space<hbm>>
      tpu.wait_dma2 semaphore(%run_scoped3A : memref<!tpu.dma_semaphore, #tpu.memory_space<semaphore_mem>>) src(%arg24 : memref<80x128xf32, #tpu.memory_space<vmem>>) dst(%dma_wait3A_149 : memref<80x128xf32, #tpu.memory_space<hbm>>)
      tpu.yield
    }) : () -> ()
    %add3A_132 = arith.constant 400 : i32
    %add3A_133 = arith.addi %mul3A_0, %add3A_132 : i32
    "tpu.region"() ({
      %run_scoped3A = tpu.sem_alloc : memref<!tpu.dma_semaphore, #tpu.memory_space<semaphore_mem>>
      %dma_start3A_138 = arith.constant 0 : i32
      %dma_start3A_139 = tpu.memref_slice %arg7[%add3A_133, %dma_start3A_138] : memref<10240x128xf32, #tpu.memory_space<vmem_shared>> -> memref<80x128xf32, #tpu.memory_space<vmem_shared>>
      %dma_start3A_140 = arith.constant 0 : i32
      %dma_start3A_141 = tpu.memref_slice %arg7[%add3A_133, %dma_start3A_140] : memref<10240x128xf32, #tpu.memory_space<vmem_shared>> -> memref<80x128xf32, #tpu.memory_space<vmem_shared>>
      tpu.enqueue_dma source(%dma_start3A_141 : memref<80x128xf32, #tpu.memory_space<vmem_shared>>) target(%arg24 : memref<80x128xf32, #tpu.memory_space<vmem>>) target_semaphore(%run_scoped3A : memref<!tpu.dma_semaphore, #tpu.memory_space<semaphore_mem>>)
      %dma_wait3A_142 = arith.constant 0 : i32
      %dma_wait3A_143 = tpu.memref_slice %arg7[%add3A_133, %dma_wait3A_142] : memref<10240x128xf32, #tpu.memory_space<vmem_shared>> -> memref<80x128xf32, #tpu.memory_space<vmem_shared>>
      %dma_wait3A_144 = arith.constant 0 : i32
      %dma_wait3A_145 = tpu.memref_slice %arg7[%add3A_133, %dma_wait3A_144] : memref<10240x128xf32, #tpu.memory_space<vmem_shared>> -> memref<80x128xf32, #tpu.memory_space<vmem_shared>>
      tpu.wait_dma2 semaphore(%run_scoped3A : memref<!tpu.dma_semaphore, #tpu.memory_space<semaphore_mem>>) src(%dma_wait3A_145 : memref<80x128xf32, #tpu.memory_space<vmem_shared>>) dst(%arg24 : memref<80x128xf32, #tpu.memory_space<vmem>>)
      tpu.yield
    }) : () -> ()
    "tpu.region"() ({
      %run_scoped3A = tpu.sem_alloc : memref<!tpu.dma_semaphore, #tpu.memory_space<semaphore_mem>>
      %dma_start3A_138 = arith.constant 0 : i32
      %dma_start3A_139 = tpu.memref_slice %arg6[%arg0, %add3A_133, %dma_start3A_138] : memref<2x10240x128xf32, #tpu.memory_space<hbm>> -> memref<1x80x128xf32, #tpu.memory_space<hbm>>
      %dma_start3A_140 = tpu.memref_squeeze %dma_start3A_139 : memref<1x80x128xf32, #tpu.memory_space<hbm>> -> memref<80x128xf32, #tpu.memory_space<hbm>>
      %dma_start3A_141 = arith.constant 0 : i32
      %dma_start3A_142 = tpu.memref_slice %arg6[%arg0, %add3A_133, %dma_start3A_141] : memref<2x10240x128xf32, #tpu.memory_space<hbm>> -> memref<1x80x128xf32, #tpu.memory_space<hbm>>
      %dma_start3A_143 = tpu.memref_squeeze %dma_start3A_142 : memref<1x80x128xf32, #tpu.memory_space<hbm>> -> memref<80x128xf32, #tpu.memory_space<hbm>>
      tpu.enqueue_dma source(%arg24 : memref<80x128xf32, #tpu.memory_space<vmem>>) target(%dma_start3A_143 : memref<80x128xf32, #tpu.memory_space<hbm>>) target_semaphore(%run_scoped3A : memref<!tpu.dma_semaphore, #tpu.memory_space<semaphore_mem>>)
      %dma_wait3A_144 = arith.constant 0 : i32
      %dma_wait3A_145 = tpu.memref_slice %arg6[%arg0, %add3A_133, %dma_wait3A_144] : memref<2x10240x128xf32, #tpu.memory_space<hbm>> -> memref<1x80x128xf32, #tpu.memory_space<hbm>>
      %dma_wait3A_146 = tpu.memref_squeeze %dma_wait3A_145 : memref<1x80x128xf32, #tpu.memory_space<hbm>> -> memref<80x128xf32, #tpu.memory_space<hbm>>
      %dma_wait3A_147 = arith.constant 0 : i32
      %dma_wait3A_148 = tpu.memref_slice %arg6[%arg0, %add3A_133, %dma_wait3A_147] : memref<2x10240x128xf32, #tpu.memory_space<hbm>> -> memref<1x80x128xf32, #tpu.memory_space<hbm>>
      %dma_wait3A_149 = tpu.memref_squeeze %dma_wait3A_148 : memref<1x80x128xf32, #tpu.memory_space<hbm>> -> memref<80x128xf32, #tpu.memory_space<hbm>>
      tpu.wait_dma2 semaphore(%run_scoped3A : memref<!tpu.dma_semaphore, #tpu.memory_space<semaphore_mem>>) src(%arg24 : memref<80x128xf32, #tpu.memory_space<vmem>>) dst(%dma_wait3A_149 : memref<80x128xf32, #tpu.memory_space<hbm>>)
      tpu.yield
    }) : () -> ()
    %add3A_134 = arith.constant 480 : i32
    %add3A_135 = arith.addi %mul3A_0, %add3A_134 : i32
    "tpu.region"() ({
      %run_scoped3A = tpu.sem_alloc : memref<!tpu.dma_semaphore, #tpu.memory_space<semaphore_mem>>
      %dma_start3A_138 = arith.constant 0 : i32
      %dma_start3A_139 = tpu.memref_slice %arg7[%add3A_135, %dma_start3A_138] : memref<10240x128xf32, #tpu.memory_space<vmem_shared>> -> memref<80x128xf32, #tpu.memory_space<vmem_shared>>
      %dma_start3A_140 = arith.constant 0 : i32
      %dma_start3A_141 = tpu.memref_slice %arg7[%add3A_135, %dma_start3A_140] : memref<10240x128xf32, #tpu.memory_space<vmem_shared>> -> memref<80x128xf32, #tpu.memory_space<vmem_shared>>
      tpu.enqueue_dma source(%dma_start3A_141 : memref<80x128xf32, #tpu.memory_space<vmem_shared>>) target(%arg24 : memref<80x128xf32, #tpu.memory_space<vmem>>) target_semaphore(%run_scoped3A : memref<!tpu.dma_semaphore, #tpu.memory_space<semaphore_mem>>)
      %dma_wait3A_142 = arith.constant 0 : i32
      %dma_wait3A_143 = tpu.memref_slice %arg7[%add3A_135, %dma_wait3A_142] : memref<10240x128xf32, #tpu.memory_space<vmem_shared>> -> memref<80x128xf32, #tpu.memory_space<vmem_shared>>
      %dma_wait3A_144 = arith.constant 0 : i32
      %dma_wait3A_145 = tpu.memref_slice %arg7[%add3A_135, %dma_wait3A_144] : memref<10240x128xf32, #tpu.memory_space<vmem_shared>> -> memref<80x128xf32, #tpu.memory_space<vmem_shared>>
      tpu.wait_dma2 semaphore(%run_scoped3A : memref<!tpu.dma_semaphore, #tpu.memory_space<semaphore_mem>>) src(%dma_wait3A_145 : memref<80x128xf32, #tpu.memory_space<vmem_shared>>) dst(%arg24 : memref<80x128xf32, #tpu.memory_space<vmem>>)
      tpu.yield
    }) : () -> ()
    "tpu.region"() ({
      %run_scoped3A = tpu.sem_alloc : memref<!tpu.dma_semaphore, #tpu.memory_space<semaphore_mem>>
      %dma_start3A_138 = arith.constant 0 : i32
      %dma_start3A_139 = tpu.memref_slice %arg6[%arg0, %add3A_135, %dma_start3A_138] : memref<2x10240x128xf32, #tpu.memory_space<hbm>> -> memref<1x80x128xf32, #tpu.memory_space<hbm>>
      %dma_start3A_140 = tpu.memref_squeeze %dma_start3A_139 : memref<1x80x128xf32, #tpu.memory_space<hbm>> -> memref<80x128xf32, #tpu.memory_space<hbm>>
      %dma_start3A_141 = arith.constant 0 : i32
      %dma_start3A_142 = tpu.memref_slice %arg6[%arg0, %add3A_135, %dma_start3A_141] : memref<2x10240x128xf32, #tpu.memory_space<hbm>> -> memref<1x80x128xf32, #tpu.memory_space<hbm>>
      %dma_start3A_143 = tpu.memref_squeeze %dma_start3A_142 : memref<1x80x128xf32, #tpu.memory_space<hbm>> -> memref<80x128xf32, #tpu.memory_space<hbm>>
      tpu.enqueue_dma source(%arg24 : memref<80x128xf32, #tpu.memory_space<vmem>>) target(%dma_start3A_143 : memref<80x128xf32, #tpu.memory_space<hbm>>) target_semaphore(%run_scoped3A : memref<!tpu.dma_semaphore, #tpu.memory_space<semaphore_mem>>)
      %dma_wait3A_144 = arith.constant 0 : i32
      %dma_wait3A_145 = tpu.memref_slice %arg6[%arg0, %add3A_135, %dma_wait3A_144] : memref<2x10240x128xf32, #tpu.memory_space<hbm>> -> memref<1x80x128xf32, #tpu.memory_space<hbm>>
      %dma_wait3A_146 = tpu.memref_squeeze %dma_wait3A_145 : memref<1x80x128xf32, #tpu.memory_space<hbm>> -> memref<80x128xf32, #tpu.memory_space<hbm>>
      %dma_wait3A_147 = arith.constant 0 : i32
      %dma_wait3A_148 = tpu.memref_slice %arg6[%arg0, %add3A_135, %dma_wait3A_147] : memref<2x10240x128xf32, #tpu.memory_space<hbm>> -> memref<1x80x128xf32, #tpu.memory_space<hbm>>
      %dma_wait3A_149 = tpu.memref_squeeze %dma_wait3A_148 : memref<1x80x128xf32, #tpu.memory_space<hbm>> -> memref<80x128xf32, #tpu.memory_space<hbm>>
      tpu.wait_dma2 semaphore(%run_scoped3A : memref<!tpu.dma_semaphore, #tpu.memory_space<semaphore_mem>>) src(%arg24 : memref<80x128xf32, #tpu.memory_space<vmem>>) dst(%dma_wait3A_149 : memref<80x128xf32, #tpu.memory_space<hbm>>)
      tpu.yield
    }) : () -> ()
    %add3A_136 = arith.constant 560 : i32
    %add3A_137 = arith.addi %mul3A_0, %add3A_136 : i32
    "tpu.region"() ({
      %run_scoped3A = tpu.sem_alloc : memref<!tpu.dma_semaphore, #tpu.memory_space<semaphore_mem>>
      %dma_start3A_138 = arith.constant 0 : i32
      %dma_start3A_139 = tpu.memref_slice %arg7[%add3A_137, %dma_start3A_138] : memref<10240x128xf32, #tpu.memory_space<vmem_shared>> -> memref<80x128xf32, #tpu.memory_space<vmem_shared>>
      %dma_start3A_140 = arith.constant 0 : i32
      %dma_start3A_141 = tpu.memref_slice %arg7[%add3A_137, %dma_start3A_140] : memref<10240x128xf32, #tpu.memory_space<vmem_shared>> -> memref<80x128xf32, #tpu.memory_space<vmem_shared>>
      tpu.enqueue_dma source(%dma_start3A_141 : memref<80x128xf32, #tpu.memory_space<vmem_shared>>) target(%arg24 : memref<80x128xf32, #tpu.memory_space<vmem>>) target_semaphore(%run_scoped3A : memref<!tpu.dma_semaphore, #tpu.memory_space<semaphore_mem>>)
      %dma_wait3A_142 = arith.constant 0 : i32
      %dma_wait3A_143 = tpu.memref_slice %arg7[%add3A_137, %dma_wait3A_142] : memref<10240x128xf32, #tpu.memory_space<vmem_shared>> -> memref<80x128xf32, #tpu.memory_space<vmem_shared>>
      %dma_wait3A_144 = arith.constant 0 : i32
      %dma_wait3A_145 = tpu.memref_slice %arg7[%add3A_137, %dma_wait3A_144] : memref<10240x128xf32, #tpu.memory_space<vmem_shared>> -> memref<80x128xf32, #tpu.memory_space<vmem_shared>>
      tpu.wait_dma2 semaphore(%run_scoped3A : memref<!tpu.dma_semaphore, #tpu.memory_space<semaphore_mem>>) src(%dma_wait3A_145 : memref<80x128xf32, #tpu.memory_space<vmem_shared>>) dst(%arg24 : memref<80x128xf32, #tpu.memory_space<vmem>>)
      tpu.yield
    }) : () -> ()
    "tpu.region"() ({
      %run_scoped3A = tpu.sem_alloc : memref<!tpu.dma_semaphore, #tpu.memory_space<semaphore_mem>>
      %dma_start3A_138 = arith.constant 0 : i32
      %dma_start3A_139 = tpu.memref_slice %arg6[%arg0, %add3A_137, %dma_start3A_138] : memref<2x10240x128xf32, #tpu.memory_space<hbm>> -> memref<1x80x128xf32, #tpu.memory_space<hbm>>
      %dma_start3A_140 = tpu.memref_squeeze %dma_start3A_139 : memref<1x80x128xf32, #tpu.memory_space<hbm>> -> memref<80x128xf32, #tpu.memory_space<hbm>>
      %dma_start3A_141 = arith.constant 0 : i32
      %dma_start3A_142 = tpu.memref_slice %arg6[%arg0, %add3A_137, %dma_start3A_141] : memref<2x10240x128xf32, #tpu.memory_space<hbm>> -> memref<1x80x128xf32, #tpu.memory_space<hbm>>
      %dma_start3A_143 = tpu.memref_squeeze %dma_start3A_142 : memref<1x80x128xf32, #tpu.memory_space<hbm>> -> memref<80x128xf32, #tpu.memory_space<hbm>>
      tpu.enqueue_dma source(%arg24 : memref<80x128xf32, #tpu.memory_space<vmem>>) target(%dma_start3A_143 : memref<80x128xf32, #tpu.memory_space<hbm>>) target_semaphore(%run_scoped3A : memref<!tpu.dma_semaphore, #tpu.memory_space<semaphore_mem>>)
      %dma_wait3A_144 = arith.constant 0 : i32
      %dma_wait3A_145 = tpu.memref_slice %arg6[%arg0, %add3A_137, %dma_wait3A_144] : memref<2x10240x128xf32, #tpu.memory_space<hbm>> -> memref<1x80x128xf32, #tpu.memory_space<hbm>>
      %dma_wait3A_146 = tpu.memref_squeeze %dma_wait3A_145 : memref<1x80x128xf32, #tpu.memory_space<hbm>> -> memref<80x128xf32, #tpu.memory_space<hbm>>
      %dma_wait3A_147 = arith.constant 0 : i32
      %dma_wait3A_148 = tpu.memref_slice %arg6[%arg0, %add3A_137, %dma_wait3A_147] : memref<2x10240x128xf32, #tpu.memory_space<hbm>> -> memref<1x80x128xf32, #tpu.memory_space<hbm>>
      %dma_wait3A_149 = tpu.memref_squeeze %dma_wait3A_148 : memref<1x80x128xf32, #tpu.memory_space<hbm>> -> memref<80x128xf32, #tpu.memory_space<hbm>>
      tpu.wait_dma2 semaphore(%run_scoped3A : memref<!tpu.dma_semaphore, #tpu.memory_space<semaphore_mem>>) src(%arg24 : memref<80x128xf32, #tpu.memory_space<vmem>>) dst(%dma_wait3A_149 : memref<80x128xf32, #tpu.memory_space<hbm>>)
      tpu.yield
    }) : () -> ()
    return
  }
}

#map = affine_map<(d0, d1) -> (0, 0)>
#map1 = affine_map<(d0, d1) -> (0)>
#map2 = affine_map<(d0, d1) -> (0, 0, 0)>
module attributes {stable_mosaic.version = 14 : i64} {
  func.func @_sc_body(%arg0: i32, %arg1: i32, %arg2: memref<10000x128xf32, #tpu.memory_space<hbm>>, %arg3: memref<320256xi32, #tpu.memory_space<hbm>>, %arg4: memref<320256xi32, #tpu.memory_space<hbm>>, %arg5: memref<10240x128xf32, #tpu.memory_space<hbm>>, %arg6: memref<2x10240x128xf32, #tpu.memory_space<hbm>>, %arg7: memref<10240x128xf32, #tpu.memory_space<vmem_shared>>, %arg8: memref<80xi32, #tpu.memory_space<vmem>>, %arg9: memref<80xi32, #tpu.memory_space<vmem>>, %arg10: memref<80xi32, #tpu.memory_space<vmem>>, %arg11: memref<80xi32, #tpu.memory_space<vmem>>, %arg12: memref<80xi32, #tpu.memory_space<vmem>>, %arg13: memref<80xi32, #tpu.memory_space<vmem>>, %arg14: memref<80xi32, #tpu.memory_space<vmem>>, %arg15: memref<80xi32, #tpu.memory_space<vmem>>, %arg16: memref<80xi32, #tpu.memory_space<vmem>>, %arg17: memref<80xi32, #tpu.memory_space<vmem>>, %arg18: memref<80xi32, #tpu.memory_space<vmem>>, %arg19: memref<80xi32, #tpu.memory_space<vmem>>, %arg20: memref<80xi32, #tpu.memory_space<vmem>>, %arg21: memref<80xi32, #tpu.memory_space<vmem>>, %arg22: memref<80xi32, #tpu.memory_space<vmem>>, %arg23: memref<80xi32, #tpu.memory_space<vmem>>, %arg24: memref<80x128xf32, #tpu.memory_space<vmem>>, %arg25: memref<80x128xf32, #tpu.memory_space<vmem>>, %arg26: memref<80x128xf32, #tpu.memory_space<vmem>>, %arg27: memref<80x128xf32, #tpu.memory_space<vmem>>, %arg28: memref<!tpu.dma_semaphore, #tpu.memory_space<semaphore_mem>>, %arg29: memref<!tpu.dma_semaphore, #tpu.memory_space<semaphore_mem>>, %arg30: memref<!tpu.dma_semaphore, #tpu.memory_space<semaphore_mem>>, %arg31: memref<!tpu.dma_semaphore, #tpu.memory_space<semaphore_mem>>, %arg32: memref<!tpu.dma_semaphore, #tpu.memory_space<semaphore_mem>>, %arg33: memref<!tpu.dma_semaphore, #tpu.memory_space<semaphore_mem>>, %arg34: memref<!tpu.dma_semaphore, #tpu.memory_space<semaphore_mem>>, %arg35: memref<!tpu.dma_semaphore, #tpu.memory_space<semaphore_mem>>) attributes {dimension_semantics = [#tpu.dimension_semantics<core_parallel>, #tpu.dimension_semantics<subcore_parallel>], iteration_bounds = array<i64: 2, 16>, scalar_prefetch = 0 : i64, scratch_operands = 29 : i64, tpu.core_type = #tpu.core_type<sc_vector_subcore>, window_params = [{transform_indices = #map}, {transform_indices = #map1}, {transform_indices = #map1}, {transform_indices = #map}, {transform_indices = #map2}]} {
    %mul3A = arith.constant 640 : i32
    %mul3A_0 = arith.muli %arg1, %mul3A : i32
    "tpu.region"() ({
      %run_scoped3A = tpu.sem_alloc : memref<!tpu.dma_semaphore, #tpu.memory_space<semaphore_mem>>
      %dma_start3A_138 = arith.constant 0 : i32
      %dma_start3A_139 = tpu.memref_slice %arg5[%mul3A_0, %dma_start3A_138] : memref<10240x128xf32, #tpu.memory_space<hbm>> -> memref<80x128xf32, #tpu.memory_space<hbm>>
      %dma_start3A_140 = arith.constant 0 : i32
      %dma_start3A_141 = tpu.memref_slice %arg5[%mul3A_0, %dma_start3A_140] : memref<10240x128xf32, #tpu.memory_space<hbm>> -> memref<80x128xf32, #tpu.memory_space<hbm>>
      tpu.enqueue_dma source(%dma_start3A_141 : memref<80x128xf32, #tpu.memory_space<hbm>>) target(%arg24 : memref<80x128xf32, #tpu.memory_space<vmem>>) target_semaphore(%run_scoped3A : memref<!tpu.dma_semaphore, #tpu.memory_space<semaphore_mem>>)
      %dma_wait3A_142 = arith.constant 0 : i32
      %dma_wait3A_143 = tpu.memref_slice %arg5[%mul3A_0, %dma_wait3A_142] : memref<10240x128xf32, #tpu.memory_space<hbm>> -> memref<80x128xf32, #tpu.memory_space<hbm>>
      %dma_wait3A_144 = arith.constant 0 : i32
      %dma_wait3A_145 = tpu.memref_slice %arg5[%mul3A_0, %dma_wait3A_144] : memref<10240x128xf32, #tpu.memory_space<hbm>> -> memref<80x128xf32, #tpu.memory_space<hbm>>
      tpu.wait_dma2 semaphore(%run_scoped3A : memref<!tpu.dma_semaphore, #tpu.memory_space<semaphore_mem>>) src(%dma_wait3A_145 : memref<80x128xf32, #tpu.memory_space<hbm>>) dst(%arg24 : memref<80x128xf32, #tpu.memory_space<vmem>>)
      tpu.yield
    }) : () -> ()
    %add3A = arith.constant 0 : i32
    %add3A_1 = arith.addi %mul3A_0, %add3A : i32
    "tpu.region"() ({
      %run_scoped3A = tpu.sem_alloc : memref<!tpu.dma_semaphore, #tpu.memory_space<semaphore_mem>>
      %dma_start3A_138 = arith.constant 0 : i32
      %dma_start3A_139 = tpu.memref_slice %arg7[%add3A_1, %dma_start3A_138] : memref<10240x128xf32, #tpu.memory_space<vmem_shared>> -> memref<80x128xf32, #tpu.memory_space<vmem_shared>>
      %dma_start3A_140 = arith.constant 0 : i32
      %dma_start3A_141 = tpu.memref_slice %arg7[%add3A_1, %dma_start3A_140] : memref<10240x128xf32, #tpu.memory_space<vmem_shared>> -> memref<80x128xf32, #tpu.memory_space<vmem_shared>>
      tpu.enqueue_dma source(%arg24 : memref<80x128xf32, #tpu.memory_space<vmem>>) target(%dma_start3A_141 : memref<80x128xf32, #tpu.memory_space<vmem_shared>>) target_semaphore(%run_scoped3A : memref<!tpu.dma_semaphore, #tpu.memory_space<semaphore_mem>>)
      %dma_wait3A_142 = arith.constant 0 : i32
      %dma_wait3A_143 = tpu.memref_slice %arg7[%add3A_1, %dma_wait3A_142] : memref<10240x128xf32, #tpu.memory_space<vmem_shared>> -> memref<80x128xf32, #tpu.memory_space<vmem_shared>>
      %dma_wait3A_144 = arith.constant 0 : i32
      %dma_wait3A_145 = tpu.memref_slice %arg7[%add3A_1, %dma_wait3A_144] : memref<10240x128xf32, #tpu.memory_space<vmem_shared>> -> memref<80x128xf32, #tpu.memory_space<vmem_shared>>
      tpu.wait_dma2 semaphore(%run_scoped3A : memref<!tpu.dma_semaphore, #tpu.memory_space<semaphore_mem>>) src(%arg24 : memref<80x128xf32, #tpu.memory_space<vmem>>) dst(%dma_wait3A_145 : memref<80x128xf32, #tpu.memory_space<vmem_shared>>)
      tpu.yield
    }) : () -> ()
    %add3A_2 = arith.constant 80 : i32
    %add3A_3 = arith.addi %mul3A_0, %add3A_2 : i32
    "tpu.region"() ({
      %run_scoped3A = tpu.sem_alloc : memref<!tpu.dma_semaphore, #tpu.memory_space<semaphore_mem>>
      %dma_start3A_138 = arith.constant 0 : i32
      %dma_start3A_139 = tpu.memref_slice %arg7[%add3A_3, %dma_start3A_138] : memref<10240x128xf32, #tpu.memory_space<vmem_shared>> -> memref<80x128xf32, #tpu.memory_space<vmem_shared>>
      %dma_start3A_140 = arith.constant 0 : i32
      %dma_start3A_141 = tpu.memref_slice %arg7[%add3A_3, %dma_start3A_140] : memref<10240x128xf32, #tpu.memory_space<vmem_shared>> -> memref<80x128xf32, #tpu.memory_space<vmem_shared>>
      tpu.enqueue_dma source(%arg24 : memref<80x128xf32, #tpu.memory_space<vmem>>) target(%dma_start3A_141 : memref<80x128xf32, #tpu.memory_space<vmem_shared>>) target_semaphore(%run_scoped3A : memref<!tpu.dma_semaphore, #tpu.memory_space<semaphore_mem>>)
      %dma_wait3A_142 = arith.constant 0 : i32
      %dma_wait3A_143 = tpu.memref_slice %arg7[%add3A_3, %dma_wait3A_142] : memref<10240x128xf32, #tpu.memory_space<vmem_shared>> -> memref<80x128xf32, #tpu.memory_space<vmem_shared>>
      %dma_wait3A_144 = arith.constant 0 : i32
      %dma_wait3A_145 = tpu.memref_slice %arg7[%add3A_3, %dma_wait3A_144] : memref<10240x128xf32, #tpu.memory_space<vmem_shared>> -> memref<80x128xf32, #tpu.memory_space<vmem_shared>>
      tpu.wait_dma2 semaphore(%run_scoped3A : memref<!tpu.dma_semaphore, #tpu.memory_space<semaphore_mem>>) src(%arg24 : memref<80x128xf32, #tpu.memory_space<vmem>>) dst(%dma_wait3A_145 : memref<80x128xf32, #tpu.memory_space<vmem_shared>>)
      tpu.yield
    }) : () -> ()
    %add3A_4 = arith.constant 160 : i32
    %add3A_5 = arith.addi %mul3A_0, %add3A_4 : i32
    "tpu.region"() ({
      %run_scoped3A = tpu.sem_alloc : memref<!tpu.dma_semaphore, #tpu.memory_space<semaphore_mem>>
      %dma_start3A_138 = arith.constant 0 : i32
      %dma_start3A_139 = tpu.memref_slice %arg7[%add3A_5, %dma_start3A_138] : memref<10240x128xf32, #tpu.memory_space<vmem_shared>> -> memref<80x128xf32, #tpu.memory_space<vmem_shared>>
      %dma_start3A_140 = arith.constant 0 : i32
      %dma_start3A_141 = tpu.memref_slice %arg7[%add3A_5, %dma_start3A_140] : memref<10240x128xf32, #tpu.memory_space<vmem_shared>> -> memref<80x128xf32, #tpu.memory_space<vmem_shared>>
      tpu.enqueue_dma source(%arg24 : memref<80x128xf32, #tpu.memory_space<vmem>>) target(%dma_start3A_141 : memref<80x128xf32, #tpu.memory_space<vmem_shared>>) target_semaphore(%run_scoped3A : memref<!tpu.dma_semaphore, #tpu.memory_space<semaphore_mem>>)
      %dma_wait3A_142 = arith.constant 0 : i32
      %dma_wait3A_143 = tpu.memref_slice %arg7[%add3A_5, %dma_wait3A_142] : memref<10240x128xf32, #tpu.memory_space<vmem_shared>> -> memref<80x128xf32, #tpu.memory_space<vmem_shared>>
      %dma_wait3A_144 = arith.constant 0 : i32
      %dma_wait3A_145 = tpu.memref_slice %arg7[%add3A_5, %dma_wait3A_144] : memref<10240x128xf32, #tpu.memory_space<vmem_shared>> -> memref<80x128xf32, #tpu.memory_space<vmem_shared>>
      tpu.wait_dma2 semaphore(%run_scoped3A : memref<!tpu.dma_semaphore, #tpu.memory_space<semaphore_mem>>) src(%arg24 : memref<80x128xf32, #tpu.memory_space<vmem>>) dst(%dma_wait3A_145 : memref<80x128xf32, #tpu.memory_space<vmem_shared>>)
      tpu.yield
    }) : () -> ()
    %add3A_6 = arith.constant 240 : i32
    %add3A_7 = arith.addi %mul3A_0, %add3A_6 : i32
    "tpu.region"() ({
      %run_scoped3A = tpu.sem_alloc : memref<!tpu.dma_semaphore, #tpu.memory_space<semaphore_mem>>
      %dma_start3A_138 = arith.constant 0 : i32
      %dma_start3A_139 = tpu.memref_slice %arg7[%add3A_7, %dma_start3A_138] : memref<10240x128xf32, #tpu.memory_space<vmem_shared>> -> memref<80x128xf32, #tpu.memory_space<vmem_shared>>
      %dma_start3A_140 = arith.constant 0 : i32
      %dma_start3A_141 = tpu.memref_slice %arg7[%add3A_7, %dma_start3A_140] : memref<10240x128xf32, #tpu.memory_space<vmem_shared>> -> memref<80x128xf32, #tpu.memory_space<vmem_shared>>
      tpu.enqueue_dma source(%arg24 : memref<80x128xf32, #tpu.memory_space<vmem>>) target(%dma_start3A_141 : memref<80x128xf32, #tpu.memory_space<vmem_shared>>) target_semaphore(%run_scoped3A : memref<!tpu.dma_semaphore, #tpu.memory_space<semaphore_mem>>)
      %dma_wait3A_142 = arith.constant 0 : i32
      %dma_wait3A_143 = tpu.memref_slice %arg7[%add3A_7, %dma_wait3A_142] : memref<10240x128xf32, #tpu.memory_space<vmem_shared>> -> memref<80x128xf32, #tpu.memory_space<vmem_shared>>
      %dma_wait3A_144 = arith.constant 0 : i32
      %dma_wait3A_145 = tpu.memref_slice %arg7[%add3A_7, %dma_wait3A_144] : memref<10240x128xf32, #tpu.memory_space<vmem_shared>> -> memref<80x128xf32, #tpu.memory_space<vmem_shared>>
      tpu.wait_dma2 semaphore(%run_scoped3A : memref<!tpu.dma_semaphore, #tpu.memory_space<semaphore_mem>>) src(%arg24 : memref<80x128xf32, #tpu.memory_space<vmem>>) dst(%dma_wait3A_145 : memref<80x128xf32, #tpu.memory_space<vmem_shared>>)
      tpu.yield
    }) : () -> ()
    %add3A_8 = arith.constant 320 : i32
    %add3A_9 = arith.addi %mul3A_0, %add3A_8 : i32
    "tpu.region"() ({
      %run_scoped3A = tpu.sem_alloc : memref<!tpu.dma_semaphore, #tpu.memory_space<semaphore_mem>>
      %dma_start3A_138 = arith.constant 0 : i32
      %dma_start3A_139 = tpu.memref_slice %arg7[%add3A_9, %dma_start3A_138] : memref<10240x128xf32, #tpu.memory_space<vmem_shared>> -> memref<80x128xf32, #tpu.memory_space<vmem_shared>>
      %dma_start3A_140 = arith.constant 0 : i32
      %dma_start3A_141 = tpu.memref_slice %arg7[%add3A_9, %dma_start3A_140] : memref<10240x128xf32, #tpu.memory_space<vmem_shared>> -> memref<80x128xf32, #tpu.memory_space<vmem_shared>>
      tpu.enqueue_dma source(%arg24 : memref<80x128xf32, #tpu.memory_space<vmem>>) target(%dma_start3A_141 : memref<80x128xf32, #tpu.memory_space<vmem_shared>>) target_semaphore(%run_scoped3A : memref<!tpu.dma_semaphore, #tpu.memory_space<semaphore_mem>>)
      %dma_wait3A_142 = arith.constant 0 : i32
      %dma_wait3A_143 = tpu.memref_slice %arg7[%add3A_9, %dma_wait3A_142] : memref<10240x128xf32, #tpu.memory_space<vmem_shared>> -> memref<80x128xf32, #tpu.memory_space<vmem_shared>>
      %dma_wait3A_144 = arith.constant 0 : i32
      %dma_wait3A_145 = tpu.memref_slice %arg7[%add3A_9, %dma_wait3A_144] : memref<10240x128xf32, #tpu.memory_space<vmem_shared>> -> memref<80x128xf32, #tpu.memory_space<vmem_shared>>
      tpu.wait_dma2 semaphore(%run_scoped3A : memref<!tpu.dma_semaphore, #tpu.memory_space<semaphore_mem>>) src(%arg24 : memref<80x128xf32, #tpu.memory_space<vmem>>) dst(%dma_wait3A_145 : memref<80x128xf32, #tpu.memory_space<vmem_shared>>)
      tpu.yield
    }) : () -> ()
    %add3A_10 = arith.constant 400 : i32
    %add3A_11 = arith.addi %mul3A_0, %add3A_10 : i32
    "tpu.region"() ({
      %run_scoped3A = tpu.sem_alloc : memref<!tpu.dma_semaphore, #tpu.memory_space<semaphore_mem>>
      %dma_start3A_138 = arith.constant 0 : i32
      %dma_start3A_139 = tpu.memref_slice %arg7[%add3A_11, %dma_start3A_138] : memref<10240x128xf32, #tpu.memory_space<vmem_shared>> -> memref<80x128xf32, #tpu.memory_space<vmem_shared>>
      %dma_start3A_140 = arith.constant 0 : i32
      %dma_start3A_141 = tpu.memref_slice %arg7[%add3A_11, %dma_start3A_140] : memref<10240x128xf32, #tpu.memory_space<vmem_shared>> -> memref<80x128xf32, #tpu.memory_space<vmem_shared>>
      tpu.enqueue_dma source(%arg24 : memref<80x128xf32, #tpu.memory_space<vmem>>) target(%dma_start3A_141 : memref<80x128xf32, #tpu.memory_space<vmem_shared>>) target_semaphore(%run_scoped3A : memref<!tpu.dma_semaphore, #tpu.memory_space<semaphore_mem>>)
      %dma_wait3A_142 = arith.constant 0 : i32
      %dma_wait3A_143 = tpu.memref_slice %arg7[%add3A_11, %dma_wait3A_142] : memref<10240x128xf32, #tpu.memory_space<vmem_shared>> -> memref<80x128xf32, #tpu.memory_space<vmem_shared>>
      %dma_wait3A_144 = arith.constant 0 : i32
      %dma_wait3A_145 = tpu.memref_slice %arg7[%add3A_11, %dma_wait3A_144] : memref<10240x128xf32, #tpu.memory_space<vmem_shared>> -> memref<80x128xf32, #tpu.memory_space<vmem_shared>>
      tpu.wait_dma2 semaphore(%run_scoped3A : memref<!tpu.dma_semaphore, #tpu.memory_space<semaphore_mem>>) src(%arg24 : memref<80x128xf32, #tpu.memory_space<vmem>>) dst(%dma_wait3A_145 : memref<80x128xf32, #tpu.memory_space<vmem_shared>>)
      tpu.yield
    }) : () -> ()
    %add3A_12 = arith.constant 480 : i32
    %add3A_13 = arith.addi %mul3A_0, %add3A_12 : i32
    "tpu.region"() ({
      %run_scoped3A = tpu.sem_alloc : memref<!tpu.dma_semaphore, #tpu.memory_space<semaphore_mem>>
      %dma_start3A_138 = arith.constant 0 : i32
      %dma_start3A_139 = tpu.memref_slice %arg7[%add3A_13, %dma_start3A_138] : memref<10240x128xf32, #tpu.memory_space<vmem_shared>> -> memref<80x128xf32, #tpu.memory_space<vmem_shared>>
      %dma_start3A_140 = arith.constant 0 : i32
      %dma_start3A_141 = tpu.memref_slice %arg7[%add3A_13, %dma_start3A_140] : memref<10240x128xf32, #tpu.memory_space<vmem_shared>> -> memref<80x128xf32, #tpu.memory_space<vmem_shared>>
      tpu.enqueue_dma source(%arg24 : memref<80x128xf32, #tpu.memory_space<vmem>>) target(%dma_start3A_141 : memref<80x128xf32, #tpu.memory_space<vmem_shared>>) target_semaphore(%run_scoped3A : memref<!tpu.dma_semaphore, #tpu.memory_space<semaphore_mem>>)
      %dma_wait3A_142 = arith.constant 0 : i32
      %dma_wait3A_143 = tpu.memref_slice %arg7[%add3A_13, %dma_wait3A_142] : memref<10240x128xf32, #tpu.memory_space<vmem_shared>> -> memref<80x128xf32, #tpu.memory_space<vmem_shared>>
      %dma_wait3A_144 = arith.constant 0 : i32
      %dma_wait3A_145 = tpu.memref_slice %arg7[%add3A_13, %dma_wait3A_144] : memref<10240x128xf32, #tpu.memory_space<vmem_shared>> -> memref<80x128xf32, #tpu.memory_space<vmem_shared>>
      tpu.wait_dma2 semaphore(%run_scoped3A : memref<!tpu.dma_semaphore, #tpu.memory_space<semaphore_mem>>) src(%arg24 : memref<80x128xf32, #tpu.memory_space<vmem>>) dst(%dma_wait3A_145 : memref<80x128xf32, #tpu.memory_space<vmem_shared>>)
      tpu.yield
    }) : () -> ()
    %add3A_14 = arith.constant 560 : i32
    %add3A_15 = arith.addi %mul3A_0, %add3A_14 : i32
    "tpu.region"() ({
      %run_scoped3A = tpu.sem_alloc : memref<!tpu.dma_semaphore, #tpu.memory_space<semaphore_mem>>
      %dma_start3A_138 = arith.constant 0 : i32
      %dma_start3A_139 = tpu.memref_slice %arg7[%add3A_15, %dma_start3A_138] : memref<10240x128xf32, #tpu.memory_space<vmem_shared>> -> memref<80x128xf32, #tpu.memory_space<vmem_shared>>
      %dma_start3A_140 = arith.constant 0 : i32
      %dma_start3A_141 = tpu.memref_slice %arg7[%add3A_15, %dma_start3A_140] : memref<10240x128xf32, #tpu.memory_space<vmem_shared>> -> memref<80x128xf32, #tpu.memory_space<vmem_shared>>
      tpu.enqueue_dma source(%arg24 : memref<80x128xf32, #tpu.memory_space<vmem>>) target(%dma_start3A_141 : memref<80x128xf32, #tpu.memory_space<vmem_shared>>) target_semaphore(%run_scoped3A : memref<!tpu.dma_semaphore, #tpu.memory_space<semaphore_mem>>)
      %dma_wait3A_142 = arith.constant 0 : i32
      %dma_wait3A_143 = tpu.memref_slice %arg7[%add3A_15, %dma_wait3A_142] : memref<10240x128xf32, #tpu.memory_space<vmem_shared>> -> memref<80x128xf32, #tpu.memory_space<vmem_shared>>
      %dma_wait3A_144 = arith.constant 0 : i32
      %dma_wait3A_145 = tpu.memref_slice %arg7[%add3A_15, %dma_wait3A_144] : memref<10240x128xf32, #tpu.memory_space<vmem_shared>> -> memref<80x128xf32, #tpu.memory_space<vmem_shared>>
      tpu.wait_dma2 semaphore(%run_scoped3A : memref<!tpu.dma_semaphore, #tpu.memory_space<semaphore_mem>>) src(%arg24 : memref<80x128xf32, #tpu.memory_space<vmem>>) dst(%dma_wait3A_145 : memref<80x128xf32, #tpu.memory_space<vmem_shared>>)
      tpu.yield
    }) : () -> ()
    %barrier3A = arith.constant 0 : index
    tpu.barrier barrier_id(%barrier3A)
    %mul3A_16 = arith.constant 16 : i32
    %mul3A_17 = arith.muli %arg0, %mul3A_16 : i32
    %add3A_18 = arith.addi %mul3A_17, %arg1 : i32
    %mul3A_19 = arith.constant 10000 : i32
    %mul3A_20 = arith.muli %add3A_18, %mul3A_19 : i32
    %add3A_21 = arith.constant 0 : i32
    %add3A_22 = arith.addi %mul3A_20, %add3A_21 : i32
    %multiple_of3A = tpu.assume_multiple %add3A_22, 8 : i32
    "tpu.region"() ({
      %run_scoped3A = tpu.sem_alloc : memref<!tpu.dma_semaphore, #tpu.memory_space<semaphore_mem>>
      %dma_start3A_138 = tpu.memref_slice %arg3[%multiple_of3A] : memref<320256xi32, #tpu.memory_space<hbm>> -> memref<80xi32, #tpu.memory_space<hbm>>
      %dma_start3A_139 = tpu.memref_slice %arg3[%multiple_of3A] : memref<320256xi32, #tpu.memory_space<hbm>> -> memref<80xi32, #tpu.memory_space<hbm>>
      tpu.enqueue_dma source(%dma_start3A_139 : memref<80xi32, #tpu.memory_space<hbm>>) target(%arg8 : memref<80xi32, #tpu.memory_space<vmem>>) target_semaphore(%run_scoped3A : memref<!tpu.dma_semaphore, #tpu.memory_space<semaphore_mem>>)
      %dma_wait3A_140 = tpu.memref_slice %arg3[%multiple_of3A] : memref<320256xi32, #tpu.memory_space<hbm>> -> memref<80xi32, #tpu.memory_space<hbm>>
      %dma_wait3A_141 = tpu.memref_slice %arg3[%multiple_of3A] : memref<320256xi32, #tpu.memory_space<hbm>> -> memref<80xi32, #tpu.memory_space<hbm>>
      tpu.wait_dma2 semaphore(%run_scoped3A : memref<!tpu.dma_semaphore, #tpu.memory_space<semaphore_mem>>) src(%dma_wait3A_141 : memref<80xi32, #tpu.memory_space<hbm>>) dst(%arg8 : memref<80xi32, #tpu.memory_space<vmem>>)
      tpu.yield
    }) : () -> ()
    "tpu.region"() ({
      %run_scoped3A = tpu.sem_alloc : memref<!tpu.dma_semaphore, #tpu.memory_space<semaphore_mem>>
      %dma_start3A_138 = tpu.memref_slice %arg4[%multiple_of3A] : memref<320256xi32, #tpu.memory_space<hbm>> -> memref<80xi32, #tpu.memory_space<hbm>>
      %dma_start3A_139 = tpu.memref_slice %arg4[%multiple_of3A] : memref<320256xi32, #tpu.memory_space<hbm>> -> memref<80xi32, #tpu.memory_space<hbm>>
      tpu.enqueue_dma source(%dma_start3A_139 : memref<80xi32, #tpu.memory_space<hbm>>) target(%arg16 : memref<80xi32, #tpu.memory_space<vmem>>) target_semaphore(%run_scoped3A : memref<!tpu.dma_semaphore, #tpu.memory_space<semaphore_mem>>)
      %dma_wait3A_140 = tpu.memref_slice %arg4[%multiple_of3A] : memref<320256xi32, #tpu.memory_space<hbm>> -> memref<80xi32, #tpu.memory_space<hbm>>
      %dma_wait3A_141 = tpu.memref_slice %arg4[%multiple_of3A] : memref<320256xi32, #tpu.memory_space<hbm>> -> memref<80xi32, #tpu.memory_space<hbm>>
      tpu.wait_dma2 semaphore(%run_scoped3A : memref<!tpu.dma_semaphore, #tpu.memory_space<semaphore_mem>>) src(%dma_wait3A_141 : memref<80xi32, #tpu.memory_space<hbm>>) dst(%arg16 : memref<80xi32, #tpu.memory_space<vmem>>)
      tpu.yield
    }) : () -> ()
    %dma_start3A = arith.constant 0 : i32
    %dma_start3A_23 = arith.constant 0 : i32
    %dma_start3A_24 = tpu.memref_slice %arg2[%dma_start3A, %dma_start3A_23] : memref<10000x128xf32, #tpu.memory_space<hbm>> -> memref<10000x128xf32, #tpu.memory_space<hbm>>
    tpu.enqueue_indirect_dma source(%dma_start3A_24 : memref<10000x128xf32, #tpu.memory_space<hbm>>) target(%arg24 : memref<80x128xf32, #tpu.memory_space<vmem>>) offsets(%arg8 : memref<80xi32, #tpu.memory_space<vmem>>) semaphore(%arg28 : memref<!tpu.dma_semaphore, #tpu.memory_space<semaphore_mem>>)
    %add3A_25 = arith.constant 80 : i32
    %add3A_26 = arith.addi %mul3A_20, %add3A_25 : i32
    %multiple_of3A_27 = tpu.assume_multiple %add3A_26, 8 : i32
    "tpu.region"() ({
      %run_scoped3A = tpu.sem_alloc : memref<!tpu.dma_semaphore, #tpu.memory_space<semaphore_mem>>
      %dma_start3A_138 = tpu.memref_slice %arg3[%multiple_of3A_27] : memref<320256xi32, #tpu.memory_space<hbm>> -> memref<80xi32, #tpu.memory_space<hbm>>
      %dma_start3A_139 = tpu.memref_slice %arg3[%multiple_of3A_27] : memref<320256xi32, #tpu.memory_space<hbm>> -> memref<80xi32, #tpu.memory_space<hbm>>
      tpu.enqueue_dma source(%dma_start3A_139 : memref<80xi32, #tpu.memory_space<hbm>>) target(%arg9 : memref<80xi32, #tpu.memory_space<vmem>>) target_semaphore(%run_scoped3A : memref<!tpu.dma_semaphore, #tpu.memory_space<semaphore_mem>>)
      %dma_wait3A_140 = tpu.memref_slice %arg3[%multiple_of3A_27] : memref<320256xi32, #tpu.memory_space<hbm>> -> memref<80xi32, #tpu.memory_space<hbm>>
      %dma_wait3A_141 = tpu.memref_slice %arg3[%multiple_of3A_27] : memref<320256xi32, #tpu.memory_space<hbm>> -> memref<80xi32, #tpu.memory_space<hbm>>
      tpu.wait_dma2 semaphore(%run_scoped3A : memref<!tpu.dma_semaphore, #tpu.memory_space<semaphore_mem>>) src(%dma_wait3A_141 : memref<80xi32, #tpu.memory_space<hbm>>) dst(%arg9 : memref<80xi32, #tpu.memory_space<vmem>>)
      tpu.yield
    }) : () -> ()
    "tpu.region"() ({
      %run_scoped3A = tpu.sem_alloc : memref<!tpu.dma_semaphore, #tpu.memory_space<semaphore_mem>>
      %dma_start3A_138 = tpu.memref_slice %arg4[%multiple_of3A_27] : memref<320256xi32, #tpu.memory_space<hbm>> -> memref<80xi32, #tpu.memory_space<hbm>>
      %dma_start3A_139 = tpu.memref_slice %arg4[%multiple_of3A_27] : memref<320256xi32, #tpu.memory_space<hbm>> -> memref<80xi32, #tpu.memory_space<hbm>>
      tpu.enqueue_dma source(%dma_start3A_139 : memref<80xi32, #tpu.memory_space<hbm>>) target(%arg17 : memref<80xi32, #tpu.memory_space<vmem>>) target_semaphore(%run_scoped3A : memref<!tpu.dma_semaphore, #tpu.memory_space<semaphore_mem>>)
      %dma_wait3A_140 = tpu.memref_slice %arg4[%multiple_of3A_27] : memref<320256xi32, #tpu.memory_space<hbm>> -> memref<80xi32, #tpu.memory_space<hbm>>
      %dma_wait3A_141 = tpu.memref_slice %arg4[%multiple_of3A_27] : memref<320256xi32, #tpu.memory_space<hbm>> -> memref<80xi32, #tpu.memory_space<hbm>>
      tpu.wait_dma2 semaphore(%run_scoped3A : memref<!tpu.dma_semaphore, #tpu.memory_space<semaphore_mem>>) src(%dma_wait3A_141 : memref<80xi32, #tpu.memory_space<hbm>>) dst(%arg17 : memref<80xi32, #tpu.memory_space<vmem>>)
      tpu.yield
    }) : () -> ()
    %dma_start3A_28 = arith.constant 0 : i32
    %dma_start3A_29 = arith.constant 0 : i32
    %dma_start3A_30 = tpu.memref_slice %arg2[%dma_start3A_28, %dma_start3A_29] : memref<10000x128xf32, #tpu.memory_space<hbm>> -> memref<10000x128xf32, #tpu.memory_space<hbm>>
    tpu.enqueue_indirect_dma source(%dma_start3A_30 : memref<10000x128xf32, #tpu.memory_space<hbm>>) target(%arg25 : memref<80x128xf32, #tpu.memory_space<vmem>>) offsets(%arg9 : memref<80xi32, #tpu.memory_space<vmem>>) semaphore(%arg29 : memref<!tpu.dma_semaphore, #tpu.memory_space<semaphore_mem>>)
    %add3A_31 = arith.constant 160 : i32
    %add3A_32 = arith.addi %mul3A_20, %add3A_31 : i32
    %multiple_of3A_33 = tpu.assume_multiple %add3A_32, 8 : i32
    "tpu.region"() ({
      %run_scoped3A = tpu.sem_alloc : memref<!tpu.dma_semaphore, #tpu.memory_space<semaphore_mem>>
      %dma_start3A_138 = tpu.memref_slice %arg3[%multiple_of3A_33] : memref<320256xi32, #tpu.memory_space<hbm>> -> memref<80xi32, #tpu.memory_space<hbm>>
      %dma_start3A_139 = tpu.memref_slice %arg3[%multiple_of3A_33] : memref<320256xi32, #tpu.memory_space<hbm>> -> memref<80xi32, #tpu.memory_space<hbm>>
      tpu.enqueue_dma source(%dma_start3A_139 : memref<80xi32, #tpu.memory_space<hbm>>) target(%arg10 : memref<80xi32, #tpu.memory_space<vmem>>) target_semaphore(%run_scoped3A : memref<!tpu.dma_semaphore, #tpu.memory_space<semaphore_mem>>)
      %dma_wait3A_140 = tpu.memref_slice %arg3[%multiple_of3A_33] : memref<320256xi32, #tpu.memory_space<hbm>> -> memref<80xi32, #tpu.memory_space<hbm>>
      %dma_wait3A_141 = tpu.memref_slice %arg3[%multiple_of3A_33] : memref<320256xi32, #tpu.memory_space<hbm>> -> memref<80xi32, #tpu.memory_space<hbm>>
      tpu.wait_dma2 semaphore(%run_scoped3A : memref<!tpu.dma_semaphore, #tpu.memory_space<semaphore_mem>>) src(%dma_wait3A_141 : memref<80xi32, #tpu.memory_space<hbm>>) dst(%arg10 : memref<80xi32, #tpu.memory_space<vmem>>)
      tpu.yield
    }) : () -> ()
    "tpu.region"() ({
      %run_scoped3A = tpu.sem_alloc : memref<!tpu.dma_semaphore, #tpu.memory_space<semaphore_mem>>
      %dma_start3A_138 = tpu.memref_slice %arg4[%multiple_of3A_33] : memref<320256xi32, #tpu.memory_space<hbm>> -> memref<80xi32, #tpu.memory_space<hbm>>
      %dma_start3A_139 = tpu.memref_slice %arg4[%multiple_of3A_33] : memref<320256xi32, #tpu.memory_space<hbm>> -> memref<80xi32, #tpu.memory_space<hbm>>
      tpu.enqueue_dma source(%dma_start3A_139 : memref<80xi32, #tpu.memory_space<hbm>>) target(%arg18 : memref<80xi32, #tpu.memory_space<vmem>>) target_semaphore(%run_scoped3A : memref<!tpu.dma_semaphore, #tpu.memory_space<semaphore_mem>>)
      %dma_wait3A_140 = tpu.memref_slice %arg4[%multiple_of3A_33] : memref<320256xi32, #tpu.memory_space<hbm>> -> memref<80xi32, #tpu.memory_space<hbm>>
      %dma_wait3A_141 = tpu.memref_slice %arg4[%multiple_of3A_33] : memref<320256xi32, #tpu.memory_space<hbm>> -> memref<80xi32, #tpu.memory_space<hbm>>
      tpu.wait_dma2 semaphore(%run_scoped3A : memref<!tpu.dma_semaphore, #tpu.memory_space<semaphore_mem>>) src(%dma_wait3A_141 : memref<80xi32, #tpu.memory_space<hbm>>) dst(%arg18 : memref<80xi32, #tpu.memory_space<vmem>>)
      tpu.yield
    }) : () -> ()
    %dma_start3A_34 = arith.constant 0 : i32
    %dma_start3A_35 = arith.constant 0 : i32
    %dma_start3A_36 = tpu.memref_slice %arg2[%dma_start3A_34, %dma_start3A_35] : memref<10000x128xf32, #tpu.memory_space<hbm>> -> memref<10000x128xf32, #tpu.memory_space<hbm>>
    tpu.enqueue_indirect_dma source(%dma_start3A_36 : memref<10000x128xf32, #tpu.memory_space<hbm>>) target(%arg26 : memref<80x128xf32, #tpu.memory_space<vmem>>) offsets(%arg10 : memref<80xi32, #tpu.memory_space<vmem>>) semaphore(%arg30 : memref<!tpu.dma_semaphore, #tpu.memory_space<semaphore_mem>>)
    %add3A_37 = arith.constant 240 : i32
    %add3A_38 = arith.addi %mul3A_20, %add3A_37 : i32
    %multiple_of3A_39 = tpu.assume_multiple %add3A_38, 8 : i32
    "tpu.region"() ({
      %run_scoped3A = tpu.sem_alloc : memref<!tpu.dma_semaphore, #tpu.memory_space<semaphore_mem>>
      %dma_start3A_138 = tpu.memref_slice %arg3[%multiple_of3A_39] : memref<320256xi32, #tpu.memory_space<hbm>> -> memref<80xi32, #tpu.memory_space<hbm>>
      %dma_start3A_139 = tpu.memref_slice %arg3[%multiple_of3A_39] : memref<320256xi32, #tpu.memory_space<hbm>> -> memref<80xi32, #tpu.memory_space<hbm>>
      tpu.enqueue_dma source(%dma_start3A_139 : memref<80xi32, #tpu.memory_space<hbm>>) target(%arg11 : memref<80xi32, #tpu.memory_space<vmem>>) target_semaphore(%run_scoped3A : memref<!tpu.dma_semaphore, #tpu.memory_space<semaphore_mem>>)
      %dma_wait3A_140 = tpu.memref_slice %arg3[%multiple_of3A_39] : memref<320256xi32, #tpu.memory_space<hbm>> -> memref<80xi32, #tpu.memory_space<hbm>>
      %dma_wait3A_141 = tpu.memref_slice %arg3[%multiple_of3A_39] : memref<320256xi32, #tpu.memory_space<hbm>> -> memref<80xi32, #tpu.memory_space<hbm>>
      tpu.wait_dma2 semaphore(%run_scoped3A : memref<!tpu.dma_semaphore, #tpu.memory_space<semaphore_mem>>) src(%dma_wait3A_141 : memref<80xi32, #tpu.memory_space<hbm>>) dst(%arg11 : memref<80xi32, #tpu.memory_space<vmem>>)
      tpu.yield
    }) : () -> ()
    "tpu.region"() ({
      %run_scoped3A = tpu.sem_alloc : memref<!tpu.dma_semaphore, #tpu.memory_space<semaphore_mem>>
      %dma_start3A_138 = tpu.memref_slice %arg4[%multiple_of3A_39] : memref<320256xi32, #tpu.memory_space<hbm>> -> memref<80xi32, #tpu.memory_space<hbm>>
      %dma_start3A_139 = tpu.memref_slice %arg4[%multiple_of3A_39] : memref<320256xi32, #tpu.memory_space<hbm>> -> memref<80xi32, #tpu.memory_space<hbm>>
      tpu.enqueue_dma source(%dma_start3A_139 : memref<80xi32, #tpu.memory_space<hbm>>) target(%arg19 : memref<80xi32, #tpu.memory_space<vmem>>) target_semaphore(%run_scoped3A : memref<!tpu.dma_semaphore, #tpu.memory_space<semaphore_mem>>)
      %dma_wait3A_140 = tpu.memref_slice %arg4[%multiple_of3A_39] : memref<320256xi32, #tpu.memory_space<hbm>> -> memref<80xi32, #tpu.memory_space<hbm>>
      %dma_wait3A_141 = tpu.memref_slice %arg4[%multiple_of3A_39] : memref<320256xi32, #tpu.memory_space<hbm>> -> memref<80xi32, #tpu.memory_space<hbm>>
      tpu.wait_dma2 semaphore(%run_scoped3A : memref<!tpu.dma_semaphore, #tpu.memory_space<semaphore_mem>>) src(%dma_wait3A_141 : memref<80xi32, #tpu.memory_space<hbm>>) dst(%arg19 : memref<80xi32, #tpu.memory_space<vmem>>)
      tpu.yield
    }) : () -> ()
    %dma_start3A_40 = arith.constant 0 : i32
    %dma_start3A_41 = arith.constant 0 : i32
    %dma_start3A_42 = tpu.memref_slice %arg2[%dma_start3A_40, %dma_start3A_41] : memref<10000x128xf32, #tpu.memory_space<hbm>> -> memref<10000x128xf32, #tpu.memory_space<hbm>>
    tpu.enqueue_indirect_dma source(%dma_start3A_42 : memref<10000x128xf32, #tpu.memory_space<hbm>>) target(%arg27 : memref<80x128xf32, #tpu.memory_space<vmem>>) offsets(%arg11 : memref<80xi32, #tpu.memory_space<vmem>>) semaphore(%arg31 : memref<!tpu.dma_semaphore, #tpu.memory_space<semaphore_mem>>)
    %add3A_43 = arith.constant 320 : i32
    %add3A_44 = arith.addi %mul3A_20, %add3A_43 : i32
    %multiple_of3A_45 = tpu.assume_multiple %add3A_44, 8 : i32
    %dma_start3A_46 = tpu.memref_slice %arg3[%multiple_of3A_45] : memref<320256xi32, #tpu.memory_space<hbm>> -> memref<80xi32, #tpu.memory_space<hbm>>
    %dma_start3A_47 = tpu.memref_slice %arg3[%multiple_of3A_45] : memref<320256xi32, #tpu.memory_space<hbm>> -> memref<80xi32, #tpu.memory_space<hbm>>
    tpu.enqueue_dma source(%dma_start3A_47 : memref<80xi32, #tpu.memory_space<hbm>>) target(%arg12 : memref<80xi32, #tpu.memory_space<vmem>>) target_semaphore(%arg32 : memref<!tpu.dma_semaphore, #tpu.memory_space<semaphore_mem>>)
    %dma_start3A_48 = tpu.memref_slice %arg4[%multiple_of3A_45] : memref<320256xi32, #tpu.memory_space<hbm>> -> memref<80xi32, #tpu.memory_space<hbm>>
    %dma_start3A_49 = tpu.memref_slice %arg4[%multiple_of3A_45] : memref<320256xi32, #tpu.memory_space<hbm>> -> memref<80xi32, #tpu.memory_space<hbm>>
    tpu.enqueue_dma source(%dma_start3A_49 : memref<80xi32, #tpu.memory_space<hbm>>) target(%arg20 : memref<80xi32, #tpu.memory_space<vmem>>) target_semaphore(%arg32 : memref<!tpu.dma_semaphore, #tpu.memory_space<semaphore_mem>>)
    %add3A_50 = arith.constant 400 : i32
    %add3A_51 = arith.addi %mul3A_20, %add3A_50 : i32
    %multiple_of3A_52 = tpu.assume_multiple %add3A_51, 8 : i32
    %dma_start3A_53 = tpu.memref_slice %arg3[%multiple_of3A_52] : memref<320256xi32, #tpu.memory_space<hbm>> -> memref<80xi32, #tpu.memory_space<hbm>>
    %dma_start3A_54 = tpu.memref_slice %arg3[%multiple_of3A_52] : memref<320256xi32, #tpu.memory_space<hbm>> -> memref<80xi32, #tpu.memory_space<hbm>>
    tpu.enqueue_dma source(%dma_start3A_54 : memref<80xi32, #tpu.memory_space<hbm>>) target(%arg13 : memref<80xi32, #tpu.memory_space<vmem>>) target_semaphore(%arg33 : memref<!tpu.dma_semaphore, #tpu.memory_space<semaphore_mem>>)
    %dma_start3A_55 = tpu.memref_slice %arg4[%multiple_of3A_52] : memref<320256xi32, #tpu.memory_space<hbm>> -> memref<80xi32, #tpu.memory_space<hbm>>
    %dma_start3A_56 = tpu.memref_slice %arg4[%multiple_of3A_52] : memref<320256xi32, #tpu.memory_space<hbm>> -> memref<80xi32, #tpu.memory_space<hbm>>
    tpu.enqueue_dma source(%dma_start3A_56 : memref<80xi32, #tpu.memory_space<hbm>>) target(%arg21 : memref<80xi32, #tpu.memory_space<vmem>>) target_semaphore(%arg33 : memref<!tpu.dma_semaphore, #tpu.memory_space<semaphore_mem>>)
    %add3A_57 = arith.constant 480 : i32
    %add3A_58 = arith.addi %mul3A_20, %add3A_57 : i32
    %multiple_of3A_59 = tpu.assume_multiple %add3A_58, 8 : i32
    %dma_start3A_60 = tpu.memref_slice %arg3[%multiple_of3A_59] : memref<320256xi32, #tpu.memory_space<hbm>> -> memref<80xi32, #tpu.memory_space<hbm>>
    %dma_start3A_61 = tpu.memref_slice %arg3[%multiple_of3A_59] : memref<320256xi32, #tpu.memory_space<hbm>> -> memref<80xi32, #tpu.memory_space<hbm>>
    tpu.enqueue_dma source(%dma_start3A_61 : memref<80xi32, #tpu.memory_space<hbm>>) target(%arg14 : memref<80xi32, #tpu.memory_space<vmem>>) target_semaphore(%arg34 : memref<!tpu.dma_semaphore, #tpu.memory_space<semaphore_mem>>)
    %dma_start3A_62 = tpu.memref_slice %arg4[%multiple_of3A_59] : memref<320256xi32, #tpu.memory_space<hbm>> -> memref<80xi32, #tpu.memory_space<hbm>>
    %dma_start3A_63 = tpu.memref_slice %arg4[%multiple_of3A_59] : memref<320256xi32, #tpu.memory_space<hbm>> -> memref<80xi32, #tpu.memory_space<hbm>>
    tpu.enqueue_dma source(%dma_start3A_63 : memref<80xi32, #tpu.memory_space<hbm>>) target(%arg22 : memref<80xi32, #tpu.memory_space<vmem>>) target_semaphore(%arg34 : memref<!tpu.dma_semaphore, #tpu.memory_space<semaphore_mem>>)
    %add3A_64 = arith.constant 560 : i32
    %add3A_65 = arith.addi %mul3A_20, %add3A_64 : i32
    %multiple_of3A_66 = tpu.assume_multiple %add3A_65, 8 : i32
    %dma_start3A_67 = tpu.memref_slice %arg3[%multiple_of3A_66] : memref<320256xi32, #tpu.memory_space<hbm>> -> memref<80xi32, #tpu.memory_space<hbm>>
    %dma_start3A_68 = tpu.memref_slice %arg3[%multiple_of3A_66] : memref<320256xi32, #tpu.memory_space<hbm>> -> memref<80xi32, #tpu.memory_space<hbm>>
    tpu.enqueue_dma source(%dma_start3A_68 : memref<80xi32, #tpu.memory_space<hbm>>) target(%arg15 : memref<80xi32, #tpu.memory_space<vmem>>) target_semaphore(%arg35 : memref<!tpu.dma_semaphore, #tpu.memory_space<semaphore_mem>>)
    %dma_start3A_69 = tpu.memref_slice %arg4[%multiple_of3A_66] : memref<320256xi32, #tpu.memory_space<hbm>> -> memref<80xi32, #tpu.memory_space<hbm>>
    %dma_start3A_70 = tpu.memref_slice %arg4[%multiple_of3A_66] : memref<320256xi32, #tpu.memory_space<hbm>> -> memref<80xi32, #tpu.memory_space<hbm>>
    tpu.enqueue_dma source(%dma_start3A_70 : memref<80xi32, #tpu.memory_space<hbm>>) target(%arg23 : memref<80xi32, #tpu.memory_space<vmem>>) target_semaphore(%arg35 : memref<!tpu.dma_semaphore, #tpu.memory_space<semaphore_mem>>)
    %scan3A = arith.constant 0 : i32
    %scan3A_71 = arith.constant 0 : i32
    %scan3A_72 = arith.constant 15 : i32
    %scan3A_73 = arith.addi %scan3A_71, %scan3A_72 : i32
    %scan3A_74 = arith.constant 1 : i32
    scf.for %scan3A_138 = %scan3A_71 to %scan3A_73 step %scan3A_74  : i32 {
      %mul3A_139 = arith.constant 8 : i32
      %mul3A_140 = arith.muli %mul3A_139, %scan3A_138 : i32
      %dma_wait3A_141 = arith.constant 0 : i32
      %dma_wait3A_142 = arith.constant 0 : i32
      %dma_wait3A_143 = tpu.memref_slice %arg2[%dma_wait3A_141, %dma_wait3A_142] : memref<10000x128xf32, #tpu.memory_space<hbm>> -> memref<10000x128xf32, #tpu.memory_space<hbm>>
      tpu.wait_indirect_dma semaphore(%arg28 : memref<!tpu.dma_semaphore, #tpu.memory_space<semaphore_mem>>) src(%dma_wait3A_143 : memref<10000x128xf32, #tpu.memory_space<hbm>>) dst(%arg24 : memref<80x128xf32, #tpu.memory_space<vmem>>)
      "tpu.region"() ({
        %run_scoped3A = tpu.sem_alloc : memref<!tpu.dma_semaphore, #tpu.memory_space<semaphore_mem>>
        %dma_start3A_385 = arith.constant 0 : i32
        %dma_start3A_386 = arith.constant 0 : i32
        %dma_start3A_387 = tpu.memref_slice %arg7[%dma_start3A_385, %dma_start3A_386] : memref<10240x128xf32, #tpu.memory_space<vmem_shared>> -> memref<10240x128xf32, #tpu.memory_space<vmem_shared>>
        tpu.enqueue_indirect_dma source(%arg24 : memref<80x128xf32, #tpu.memory_space<vmem>>) target(%dma_start3A_387 : memref<10240x128xf32, #tpu.memory_space<vmem_shared>>) offsets(%arg16 : memref<80xi32, #tpu.memory_space<vmem>>) semaphore(%run_scoped3A : memref<!tpu.dma_semaphore, #tpu.memory_space<semaphore_mem>>) {add = true}
        %dma_wait3A_388 = arith.constant 0 : i32
        %dma_wait3A_389 = arith.constant 0 : i32
        %dma_wait3A_390 = tpu.memref_slice %arg7[%dma_wait3A_388, %dma_wait3A_389] : memref<10240x128xf32, #tpu.memory_space<vmem_shared>> -> memref<10240x128xf32, #tpu.memory_space<vmem_shared>>
        tpu.wait_indirect_dma semaphore(%run_scoped3A : memref<!tpu.dma_semaphore, #tpu.memory_space<semaphore_mem>>) src(%arg24 : memref<80x128xf32, #tpu.memory_space<vmem>>) dst(%dma_wait3A_390 : memref<10240x128xf32, #tpu.memory_space<vmem_shared>>)
        tpu.yield
      }) : () -> ()
      %add3A_144 = arith.constant 4 : i32
      %add3A_145 = arith.addi %mul3A_140, %add3A_144 : i32
      %add3A_146 = arith.constant 0 : i32
      %add3A_147 = arith.addi %add3A_145, %add3A_146 : i32
      %mul3A_148 = arith.constant 80 : i32
      %mul3A_149 = arith.muli %add3A_147, %mul3A_148 : i32
      %add3A_150 = arith.addi %mul3A_20, %mul3A_149 : i32
      %multiple_of3A_151 = tpu.assume_multiple %add3A_150, 8 : i32
      %dma_wait3A_152 = tpu.memref_slice %arg3[%multiple_of3A_151] : memref<320256xi32, #tpu.memory_space<hbm>> -> memref<80xi32, #tpu.memory_space<hbm>>
      %dma_wait3A_153 = tpu.memref_slice %arg3[%multiple_of3A_151] : memref<320256xi32, #tpu.memory_space<hbm>> -> memref<80xi32, #tpu.memory_space<hbm>>
      tpu.wait_dma2 semaphore(%arg32 : memref<!tpu.dma_semaphore, #tpu.memory_space<semaphore_mem>>) src(%dma_wait3A_153 : memref<80xi32, #tpu.memory_space<hbm>>) dst(%arg12 : memref<80xi32, #tpu.memory_space<vmem>>)
      %dma_wait3A_154 = tpu.memref_slice %arg4[%multiple_of3A_151] : memref<320256xi32, #tpu.memory_space<hbm>> -> memref<80xi32, #tpu.memory_space<hbm>>
      %dma_wait3A_155 = tpu.memref_slice %arg4[%multiple_of3A_151] : memref<320256xi32, #tpu.memory_space<hbm>> -> memref<80xi32, #tpu.memory_space<hbm>>
      tpu.wait_dma2 semaphore(%arg32 : memref<!tpu.dma_semaphore, #tpu.memory_space<semaphore_mem>>) src(%dma_wait3A_155 : memref<80xi32, #tpu.memory_space<hbm>>) dst(%arg20 : memref<80xi32, #tpu.memory_space<vmem>>)
      %dma_start3A_156 = arith.constant 0 : i32
      %dma_start3A_157 = arith.constant 0 : i32
      %dma_start3A_158 = tpu.memref_slice %arg2[%dma_start3A_156, %dma_start3A_157] : memref<10000x128xf32, #tpu.memory_space<hbm>> -> memref<10000x128xf32, #tpu.memory_space<hbm>>
      tpu.enqueue_indirect_dma source(%dma_start3A_158 : memref<10000x128xf32, #tpu.memory_space<hbm>>) target(%arg24 : memref<80x128xf32, #tpu.memory_space<vmem>>) offsets(%arg12 : memref<80xi32, #tpu.memory_space<vmem>>) semaphore(%arg28 : memref<!tpu.dma_semaphore, #tpu.memory_space<semaphore_mem>>)
      %add3A_159 = arith.constant 8 : i32
      %add3A_160 = arith.addi %mul3A_140, %add3A_159 : i32
      %add3A_161 = arith.constant 0 : i32
      %add3A_162 = arith.addi %add3A_160, %add3A_161 : i32
      %mul3A_163 = arith.constant 80 : i32
      %mul3A_164 = arith.muli %add3A_162, %mul3A_163 : i32
      %add3A_165 = arith.addi %mul3A_20, %mul3A_164 : i32
      %multiple_of3A_166 = tpu.assume_multiple %add3A_165, 8 : i32
      %dma_start3A_167 = tpu.memref_slice %arg3[%multiple_of3A_166] : memref<320256xi32, #tpu.memory_space<hbm>> -> memref<80xi32, #tpu.memory_space<hbm>>
      %dma_start3A_168 = tpu.memref_slice %arg3[%multiple_of3A_166] : memref<320256xi32, #tpu.memory_space<hbm>> -> memref<80xi32, #tpu.memory_space<hbm>>
      tpu.enqueue_dma source(%dma_start3A_168 : memref<80xi32, #tpu.memory_space<hbm>>) target(%arg8 : memref<80xi32, #tpu.memory_space<vmem>>) target_semaphore(%arg32 : memref<!tpu.dma_semaphore, #tpu.memory_space<semaphore_mem>>)
      %dma_start3A_169 = tpu.memref_slice %arg4[%multiple_of3A_166] : memref<320256xi32, #tpu.memory_space<hbm>> -> memref<80xi32, #tpu.memory_space<hbm>>
      %dma_start3A_170 = tpu.memref_slice %arg4[%multiple_of3A_166] : memref<320256xi32, #tpu.memory_space<hbm>> -> memref<80xi32, #tpu.memory_space<hbm>>
      tpu.enqueue_dma source(%dma_start3A_170 : memref<80xi32, #tpu.memory_space<hbm>>) target(%arg16 : memref<80xi32, #tpu.memory_space<vmem>>) target_semaphore(%arg32 : memref<!tpu.dma_semaphore, #tpu.memory_space<semaphore_mem>>)
      %dma_wait3A_171 = arith.constant 0 : i32
      %dma_wait3A_172 = arith.constant 0 : i32
      %dma_wait3A_173 = tpu.memref_slice %arg2[%dma_wait3A_171, %dma_wait3A_172] : memref<10000x128xf32, #tpu.memory_space<hbm>> -> memref<10000x128xf32, #tpu.memory_space<hbm>>
      tpu.wait_indirect_dma semaphore(%arg29 : memref<!tpu.dma_semaphore, #tpu.memory_space<semaphore_mem>>) src(%dma_wait3A_173 : memref<10000x128xf32, #tpu.memory_space<hbm>>) dst(%arg25 : memref<80x128xf32, #tpu.memory_space<vmem>>)
      "tpu.region"() ({
        %run_scoped3A = tpu.sem_alloc : memref<!tpu.dma_semaphore, #tpu.memory_space<semaphore_mem>>
        %dma_start3A_385 = arith.constant 0 : i32
        %dma_start3A_386 = arith.constant 0 : i32
        %dma_start3A_387 = tpu.memref_slice %arg7[%dma_start3A_385, %dma_start3A_386] : memref<10240x128xf32, #tpu.memory_space<vmem_shared>> -> memref<10240x128xf32, #tpu.memory_space<vmem_shared>>
        tpu.enqueue_indirect_dma source(%arg25 : memref<80x128xf32, #tpu.memory_space<vmem>>) target(%dma_start3A_387 : memref<10240x128xf32, #tpu.memory_space<vmem_shared>>) offsets(%arg17 : memref<80xi32, #tpu.memory_space<vmem>>) semaphore(%run_scoped3A : memref<!tpu.dma_semaphore, #tpu.memory_space<semaphore_mem>>) {add = true}
        %dma_wait3A_388 = arith.constant 0 : i32
        %dma_wait3A_389 = arith.constant 0 : i32
        %dma_wait3A_390 = tpu.memref_slice %arg7[%dma_wait3A_388, %dma_wait3A_389] : memref<10240x128xf32, #tpu.memory_space<vmem_shared>> -> memref<10240x128xf32, #tpu.memory_space<vmem_shared>>
        tpu.wait_indirect_dma semaphore(%run_scoped3A : memref<!tpu.dma_semaphore, #tpu.memory_space<semaphore_mem>>) src(%arg25 : memref<80x128xf32, #tpu.memory_space<vmem>>) dst(%dma_wait3A_390 : memref<10240x128xf32, #tpu.memory_space<vmem_shared>>)
        tpu.yield
      }) : () -> ()
      %add3A_174 = arith.constant 4 : i32
      %add3A_175 = arith.addi %mul3A_140, %add3A_174 : i32
      %add3A_176 = arith.constant 1 : i32
      %add3A_177 = arith.addi %add3A_175, %add3A_176 : i32
      %mul3A_178 = arith.constant 80 : i32
      %mul3A_179 = arith.muli %add3A_177, %mul3A_178 : i32
      %add3A_180 = arith.addi %mul3A_20, %mul3A_179 : i32
      %multiple_of3A_181 = tpu.assume_multiple %add3A_180, 8 : i32
      %dma_wait3A_182 = tpu.memref_slice %arg3[%multiple_of3A_181] : memref<320256xi32, #tpu.memory_space<hbm>> -> memref<80xi32, #tpu.memory_space<hbm>>
      %dma_wait3A_183 = tpu.memref_slice %arg3[%multiple_of3A_181] : memref<320256xi32, #tpu.memory_space<hbm>> -> memref<80xi32, #tpu.memory_space<hbm>>
      tpu.wait_dma2 semaphore(%arg33 : memref<!tpu.dma_semaphore, #tpu.memory_space<semaphore_mem>>) src(%dma_wait3A_183 : memref<80xi32, #tpu.memory_space<hbm>>) dst(%arg13 : memref<80xi32, #tpu.memory_space<vmem>>)
      %dma_wait3A_184 = tpu.memref_slice %arg4[%multiple_of3A_181] : memref<320256xi32, #tpu.memory_space<hbm>> -> memref<80xi32, #tpu.memory_space<hbm>>
      %dma_wait3A_185 = tpu.memref_slice %arg4[%multiple_of3A_181] : memref<320256xi32, #tpu.memory_space<hbm>> -> memref<80xi32, #tpu.memory_space<hbm>>
      tpu.wait_dma2 semaphore(%arg33 : memref<!tpu.dma_semaphore, #tpu.memory_space<semaphore_mem>>) src(%dma_wait3A_185 : memref<80xi32, #tpu.memory_space<hbm>>) dst(%arg21 : memref<80xi32, #tpu.memory_space<vmem>>)
      %dma_start3A_186 = arith.constant 0 : i32
      %dma_start3A_187 = arith.constant 0 : i32
      %dma_start3A_188 = tpu.memref_slice %arg2[%dma_start3A_186, %dma_start3A_187] : memref<10000x128xf32, #tpu.memory_space<hbm>> -> memref<10000x128xf32, #tpu.memory_space<hbm>>
      tpu.enqueue_indirect_dma source(%dma_start3A_188 : memref<10000x128xf32, #tpu.memory_space<hbm>>) target(%arg25 : memref<80x128xf32, #tpu.memory_space<vmem>>) offsets(%arg13 : memref<80xi32, #tpu.memory_space<vmem>>) semaphore(%arg29 : memref<!tpu.dma_semaphore, #tpu.memory_space<semaphore_mem>>)
      %add3A_189 = arith.constant 8 : i32
      %add3A_190 = arith.addi %mul3A_140, %add3A_189 : i32
      %add3A_191 = arith.constant 1 : i32
      %add3A_192 = arith.addi %add3A_190, %add3A_191 : i32
      %mul3A_193 = arith.constant 80 : i32
      %mul3A_194 = arith.muli %add3A_192, %mul3A_193 : i32
      %add3A_195 = arith.addi %mul3A_20, %mul3A_194 : i32
      %multiple_of3A_196 = tpu.assume_multiple %add3A_195, 8 : i32
      %dma_start3A_197 = tpu.memref_slice %arg3[%multiple_of3A_196] : memref<320256xi32, #tpu.memory_space<hbm>> -> memref<80xi32, #tpu.memory_space<hbm>>
      %dma_start3A_198 = tpu.memref_slice %arg3[%multiple_of3A_196] : memref<320256xi32, #tpu.memory_space<hbm>> -> memref<80xi32, #tpu.memory_space<hbm>>
      tpu.enqueue_dma source(%dma_start3A_198 : memref<80xi32, #tpu.memory_space<hbm>>) target(%arg9 : memref<80xi32, #tpu.memory_space<vmem>>) target_semaphore(%arg33 : memref<!tpu.dma_semaphore, #tpu.memory_space<semaphore_mem>>)
      %dma_start3A_199 = tpu.memref_slice %arg4[%multiple_of3A_196] : memref<320256xi32, #tpu.memory_space<hbm>> -> memref<80xi32, #tpu.memory_space<hbm>>
      %dma_start3A_200 = tpu.memref_slice %arg4[%multiple_of3A_196] : memref<320256xi32, #tpu.memory_space<hbm>> -> memref<80xi32, #tpu.memory_space<hbm>>
      tpu.enqueue_dma source(%dma_start3A_200 : memref<80xi32, #tpu.memory_space<hbm>>) target(%arg17 : memref<80xi32, #tpu.memory_space<vmem>>) target_semaphore(%arg33 : memref<!tpu.dma_semaphore, #tpu.memory_space<semaphore_mem>>)
      %dma_wait3A_201 = arith.constant 0 : i32
      %dma_wait3A_202 = arith.constant 0 : i32
      %dma_wait3A_203 = tpu.memref_slice %arg2[%dma_wait3A_201, %dma_wait3A_202] : memref<10000x128xf32, #tpu.memory_space<hbm>> -> memref<10000x128xf32, #tpu.memory_space<hbm>>
      tpu.wait_indirect_dma semaphore(%arg30 : memref<!tpu.dma_semaphore, #tpu.memory_space<semaphore_mem>>) src(%dma_wait3A_203 : memref<10000x128xf32, #tpu.memory_space<hbm>>) dst(%arg26 : memref<80x128xf32, #tpu.memory_space<vmem>>)
      "tpu.region"() ({
        %run_scoped3A = tpu.sem_alloc : memref<!tpu.dma_semaphore, #tpu.memory_space<semaphore_mem>>
        %dma_start3A_385 = arith.constant 0 : i32
        %dma_start3A_386 = arith.constant 0 : i32
        %dma_start3A_387 = tpu.memref_slice %arg7[%dma_start3A_385, %dma_start3A_386] : memref<10240x128xf32, #tpu.memory_space<vmem_shared>> -> memref<10240x128xf32, #tpu.memory_space<vmem_shared>>
        tpu.enqueue_indirect_dma source(%arg26 : memref<80x128xf32, #tpu.memory_space<vmem>>) target(%dma_start3A_387 : memref<10240x128xf32, #tpu.memory_space<vmem_shared>>) offsets(%arg18 : memref<80xi32, #tpu.memory_space<vmem>>) semaphore(%run_scoped3A : memref<!tpu.dma_semaphore, #tpu.memory_space<semaphore_mem>>) {add = true}
        %dma_wait3A_388 = arith.constant 0 : i32
        %dma_wait3A_389 = arith.constant 0 : i32
        %dma_wait3A_390 = tpu.memref_slice %arg7[%dma_wait3A_388, %dma_wait3A_389] : memref<10240x128xf32, #tpu.memory_space<vmem_shared>> -> memref<10240x128xf32, #tpu.memory_space<vmem_shared>>
        tpu.wait_indirect_dma semaphore(%run_scoped3A : memref<!tpu.dma_semaphore, #tpu.memory_space<semaphore_mem>>) src(%arg26 : memref<80x128xf32, #tpu.memory_space<vmem>>) dst(%dma_wait3A_390 : memref<10240x128xf32, #tpu.memory_space<vmem_shared>>)
        tpu.yield
      }) : () -> ()
      %add3A_204 = arith.constant 4 : i32
      %add3A_205 = arith.addi %mul3A_140, %add3A_204 : i32
      %add3A_206 = arith.constant 2 : i32
      %add3A_207 = arith.addi %add3A_205, %add3A_206 : i32
      %mul3A_208 = arith.constant 80 : i32
      %mul3A_209 = arith.muli %add3A_207, %mul3A_208 : i32
      %add3A_210 = arith.addi %mul3A_20, %mul3A_209 : i32
      %multiple_of3A_211 = tpu.assume_multiple %add3A_210, 8 : i32
      %dma_wait3A_212 = tpu.memref_slice %arg3[%multiple_of3A_211] : memref<320256xi32, #tpu.memory_space<hbm>> -> memref<80xi32, #tpu.memory_space<hbm>>
      %dma_wait3A_213 = tpu.memref_slice %arg3[%multiple_of3A_211] : memref<320256xi32, #tpu.memory_space<hbm>> -> memref<80xi32, #tpu.memory_space<hbm>>
      tpu.wait_dma2 semaphore(%arg34 : memref<!tpu.dma_semaphore, #tpu.memory_space<semaphore_mem>>) src(%dma_wait3A_213 : memref<80xi32, #tpu.memory_space<hbm>>) dst(%arg14 : memref<80xi32, #tpu.memory_space<vmem>>)
      %dma_wait3A_214 = tpu.memref_slice %arg4[%multiple_of3A_211] : memref<320256xi32, #tpu.memory_space<hbm>> -> memref<80xi32, #tpu.memory_space<hbm>>
      %dma_wait3A_215 = tpu.memref_slice %arg4[%multiple_of3A_211] : memref<320256xi32, #tpu.memory_space<hbm>> -> memref<80xi32, #tpu.memory_space<hbm>>
      tpu.wait_dma2 semaphore(%arg34 : memref<!tpu.dma_semaphore, #tpu.memory_space<semaphore_mem>>) src(%dma_wait3A_215 : memref<80xi32, #tpu.memory_space<hbm>>) dst(%arg22 : memref<80xi32, #tpu.memory_space<vmem>>)
      %dma_start3A_216 = arith.constant 0 : i32
      %dma_start3A_217 = arith.constant 0 : i32
      %dma_start3A_218 = tpu.memref_slice %arg2[%dma_start3A_216, %dma_start3A_217] : memref<10000x128xf32, #tpu.memory_space<hbm>> -> memref<10000x128xf32, #tpu.memory_space<hbm>>
      tpu.enqueue_indirect_dma source(%dma_start3A_218 : memref<10000x128xf32, #tpu.memory_space<hbm>>) target(%arg26 : memref<80x128xf32, #tpu.memory_space<vmem>>) offsets(%arg14 : memref<80xi32, #tpu.memory_space<vmem>>) semaphore(%arg30 : memref<!tpu.dma_semaphore, #tpu.memory_space<semaphore_mem>>)
      %add3A_219 = arith.constant 8 : i32
      %add3A_220 = arith.addi %mul3A_140, %add3A_219 : i32
      %add3A_221 = arith.constant 2 : i32
      %add3A_222 = arith.addi %add3A_220, %add3A_221 : i32
      %mul3A_223 = arith.constant 80 : i32
      %mul3A_224 = arith.muli %add3A_222, %mul3A_223 : i32
      %add3A_225 = arith.addi %mul3A_20, %mul3A_224 : i32
      %multiple_of3A_226 = tpu.assume_multiple %add3A_225, 8 : i32
      %dma_start3A_227 = tpu.memref_slice %arg3[%multiple_of3A_226] : memref<320256xi32, #tpu.memory_space<hbm>> -> memref<80xi32, #tpu.memory_space<hbm>>
      %dma_start3A_228 = tpu.memref_slice %arg3[%multiple_of3A_226] : memref<320256xi32, #tpu.memory_space<hbm>> -> memref<80xi32, #tpu.memory_space<hbm>>
      tpu.enqueue_dma source(%dma_start3A_228 : memref<80xi32, #tpu.memory_space<hbm>>) target(%arg10 : memref<80xi32, #tpu.memory_space<vmem>>) target_semaphore(%arg34 : memref<!tpu.dma_semaphore, #tpu.memory_space<semaphore_mem>>)
      %dma_start3A_229 = tpu.memref_slice %arg4[%multiple_of3A_226] : memref<320256xi32, #tpu.memory_space<hbm>> -> memref<80xi32, #tpu.memory_space<hbm>>
      %dma_start3A_230 = tpu.memref_slice %arg4[%multiple_of3A_226] : memref<320256xi32, #tpu.memory_space<hbm>> -> memref<80xi32, #tpu.memory_space<hbm>>
      tpu.enqueue_dma source(%dma_start3A_230 : memref<80xi32, #tpu.memory_space<hbm>>) target(%arg18 : memref<80xi32, #tpu.memory_space<vmem>>) target_semaphore(%arg34 : memref<!tpu.dma_semaphore, #tpu.memory_space<semaphore_mem>>)
      %dma_wait3A_231 = arith.constant 0 : i32
      %dma_wait3A_232 = arith.constant 0 : i32
      %dma_wait3A_233 = tpu.memref_slice %arg2[%dma_wait3A_231, %dma_wait3A_232] : memref<10000x128xf32, #tpu.memory_space<hbm>> -> memref<10000x128xf32, #tpu.memory_space<hbm>>
      tpu.wait_indirect_dma semaphore(%arg31 : memref<!tpu.dma_semaphore, #tpu.memory_space<semaphore_mem>>) src(%dma_wait3A_233 : memref<10000x128xf32, #tpu.memory_space<hbm>>) dst(%arg27 : memref<80x128xf32, #tpu.memory_space<vmem>>)
      "tpu.region"() ({
        %run_scoped3A = tpu.sem_alloc : memref<!tpu.dma_semaphore, #tpu.memory_space<semaphore_mem>>
        %dma_start3A_385 = arith.constant 0 : i32
        %dma_start3A_386 = arith.constant 0 : i32
        %dma_start3A_387 = tpu.memref_slice %arg7[%dma_start3A_385, %dma_start3A_386] : memref<10240x128xf32, #tpu.memory_space<vmem_shared>> -> memref<10240x128xf32, #tpu.memory_space<vmem_shared>>
        tpu.enqueue_indirect_dma source(%arg27 : memref<80x128xf32, #tpu.memory_space<vmem>>) target(%dma_start3A_387 : memref<10240x128xf32, #tpu.memory_space<vmem_shared>>) offsets(%arg19 : memref<80xi32, #tpu.memory_space<vmem>>) semaphore(%run_scoped3A : memref<!tpu.dma_semaphore, #tpu.memory_space<semaphore_mem>>) {add = true}
        %dma_wait3A_388 = arith.constant 0 : i32
        %dma_wait3A_389 = arith.constant 0 : i32
        %dma_wait3A_390 = tpu.memref_slice %arg7[%dma_wait3A_388, %dma_wait3A_389] : memref<10240x128xf32, #tpu.memory_space<vmem_shared>> -> memref<10240x128xf32, #tpu.memory_space<vmem_shared>>
        tpu.wait_indirect_dma semaphore(%run_scoped3A : memref<!tpu.dma_semaphore, #tpu.memory_space<semaphore_mem>>) src(%arg27 : memref<80x128xf32, #tpu.memory_space<vmem>>) dst(%dma_wait3A_390 : memref<10240x128xf32, #tpu.memory_space<vmem_shared>>)
        tpu.yield
      }) : () -> ()
      %add3A_234 = arith.constant 4 : i32
      %add3A_235 = arith.addi %mul3A_140, %add3A_234 : i32
      %add3A_236 = arith.constant 3 : i32
      %add3A_237 = arith.addi %add3A_235, %add3A_236 : i32
      %mul3A_238 = arith.constant 80 : i32
      %mul3A_239 = arith.muli %add3A_237, %mul3A_238 : i32
      %add3A_240 = arith.addi %mul3A_20, %mul3A_239 : i32
      %multiple_of3A_241 = tpu.assume_multiple %add3A_240, 8 : i32
      %dma_wait3A_242 = tpu.memref_slice %arg3[%multiple_of3A_241] : memref<320256xi32, #tpu.memory_space<hbm>> -> memref<80xi32, #tpu.memory_space<hbm>>
      %dma_wait3A_243 = tpu.memref_slice %arg3[%multiple_of3A_241] : memref<320256xi32, #tpu.memory_space<hbm>> -> memref<80xi32, #tpu.memory_space<hbm>>
      tpu.wait_dma2 semaphore(%arg35 : memref<!tpu.dma_semaphore, #tpu.memory_space<semaphore_mem>>) src(%dma_wait3A_243 : memref<80xi32, #tpu.memory_space<hbm>>) dst(%arg15 : memref<80xi32, #tpu.memory_space<vmem>>)
      %dma_wait3A_244 = tpu.memref_slice %arg4[%multiple_of3A_241] : memref<320256xi32, #tpu.memory_space<hbm>> -> memref<80xi32, #tpu.memory_space<hbm>>
      %dma_wait3A_245 = tpu.memref_slice %arg4[%multiple_of3A_241] : memref<320256xi32, #tpu.memory_space<hbm>> -> memref<80xi32, #tpu.memory_space<hbm>>
      tpu.wait_dma2 semaphore(%arg35 : memref<!tpu.dma_semaphore, #tpu.memory_space<semaphore_mem>>) src(%dma_wait3A_245 : memref<80xi32, #tpu.memory_space<hbm>>) dst(%arg23 : memref<80xi32, #tpu.memory_space<vmem>>)
      %dma_start3A_246 = arith.constant 0 : i32
      %dma_start3A_247 = arith.constant 0 : i32
      %dma_start3A_248 = tpu.memref_slice %arg2[%dma_start3A_246, %dma_start3A_247] : memref<10000x128xf32, #tpu.memory_space<hbm>> -> memref<10000x128xf32, #tpu.memory_space<hbm>>
      tpu.enqueue_indirect_dma source(%dma_start3A_248 : memref<10000x128xf32, #tpu.memory_space<hbm>>) target(%arg27 : memref<80x128xf32, #tpu.memory_space<vmem>>) offsets(%arg15 : memref<80xi32, #tpu.memory_space<vmem>>) semaphore(%arg31 : memref<!tpu.dma_semaphore, #tpu.memory_space<semaphore_mem>>)
      %add3A_249 = arith.constant 8 : i32
      %add3A_250 = arith.addi %mul3A_140, %add3A_249 : i32
      %add3A_251 = arith.constant 3 : i32
      %add3A_252 = arith.addi %add3A_250, %add3A_251 : i32
      %mul3A_253 = arith.constant 80 : i32
      %mul3A_254 = arith.muli %add3A_252, %mul3A_253 : i32
      %add3A_255 = arith.addi %mul3A_20, %mul3A_254 : i32
      %multiple_of3A_256 = tpu.assume_multiple %add3A_255, 8 : i32
      %dma_start3A_257 = tpu.memref_slice %arg3[%multiple_of3A_256] : memref<320256xi32, #tpu.memory_space<hbm>> -> memref<80xi32, #tpu.memory_space<hbm>>
      %dma_start3A_258 = tpu.memref_slice %arg3[%multiple_of3A_256] : memref<320256xi32, #tpu.memory_space<hbm>> -> memref<80xi32, #tpu.memory_space<hbm>>
      tpu.enqueue_dma source(%dma_start3A_258 : memref<80xi32, #tpu.memory_space<hbm>>) target(%arg11 : memref<80xi32, #tpu.memory_space<vmem>>) target_semaphore(%arg35 : memref<!tpu.dma_semaphore, #tpu.memory_space<semaphore_mem>>)
      %dma_start3A_259 = tpu.memref_slice %arg4[%multiple_of3A_256] : memref<320256xi32, #tpu.memory_space<hbm>> -> memref<80xi32, #tpu.memory_space<hbm>>
      %dma_start3A_260 = tpu.memref_slice %arg4[%multiple_of3A_256] : memref<320256xi32, #tpu.memory_space<hbm>> -> memref<80xi32, #tpu.memory_space<hbm>>
      tpu.enqueue_dma source(%dma_start3A_260 : memref<80xi32, #tpu.memory_space<hbm>>) target(%arg19 : memref<80xi32, #tpu.memory_space<vmem>>) target_semaphore(%arg35 : memref<!tpu.dma_semaphore, #tpu.memory_space<semaphore_mem>>)
      %mul3A_261 = arith.constant 8 : i32
      %mul3A_262 = arith.muli %mul3A_261, %scan3A_138 : i32
      %add3A_263 = arith.constant 4 : i32
      %add3A_264 = arith.addi %mul3A_262, %add3A_263 : i32
      %dma_wait3A_265 = arith.constant 0 : i32
      %dma_wait3A_266 = arith.constant 0 : i32
      %dma_wait3A_267 = tpu.memref_slice %arg2[%dma_wait3A_265, %dma_wait3A_266] : memref<10000x128xf32, #tpu.memory_space<hbm>> -> memref<10000x128xf32, #tpu.memory_space<hbm>>
      tpu.wait_indirect_dma semaphore(%arg28 : memref<!tpu.dma_semaphore, #tpu.memory_space<semaphore_mem>>) src(%dma_wait3A_267 : memref<10000x128xf32, #tpu.memory_space<hbm>>) dst(%arg24 : memref<80x128xf32, #tpu.memory_space<vmem>>)
      "tpu.region"() ({
        %run_scoped3A = tpu.sem_alloc : memref<!tpu.dma_semaphore, #tpu.memory_space<semaphore_mem>>
        %dma_start3A_385 = arith.constant 0 : i32
        %dma_start3A_386 = arith.constant 0 : i32
        %dma_start3A_387 = tpu.memref_slice %arg7[%dma_start3A_385, %dma_start3A_386] : memref<10240x128xf32, #tpu.memory_space<vmem_shared>> -> memref<10240x128xf32, #tpu.memory_space<vmem_shared>>
        tpu.enqueue_indirect_dma source(%arg24 : memref<80x128xf32, #tpu.memory_space<vmem>>) target(%dma_start3A_387 : memref<10240x128xf32, #tpu.memory_space<vmem_shared>>) offsets(%arg20 : memref<80xi32, #tpu.memory_space<vmem>>) semaphore(%run_scoped3A : memref<!tpu.dma_semaphore, #tpu.memory_space<semaphore_mem>>) {add = true}
        %dma_wait3A_388 = arith.constant 0 : i32
        %dma_wait3A_389 = arith.constant 0 : i32
        %dma_wait3A_390 = tpu.memref_slice %arg7[%dma_wait3A_388, %dma_wait3A_389] : memref<10240x128xf32, #tpu.memory_space<vmem_shared>> -> memref<10240x128xf32, #tpu.memory_space<vmem_shared>>
        tpu.wait_indirect_dma semaphore(%run_scoped3A : memref<!tpu.dma_semaphore, #tpu.memory_space<semaphore_mem>>) src(%arg24 : memref<80x128xf32, #tpu.memory_space<vmem>>) dst(%dma_wait3A_390 : memref<10240x128xf32, #tpu.memory_space<vmem_shared>>)
        tpu.yield
      }) : () -> ()
      %add3A_268 = arith.constant 4 : i32
      %add3A_269 = arith.addi %add3A_264, %add3A_268 : i32
      %add3A_270 = arith.constant 0 : i32
      %add3A_271 = arith.addi %add3A_269, %add3A_270 : i32
      %mul3A_272 = arith.constant 80 : i32
      %mul3A_273 = arith.muli %add3A_271, %mul3A_272 : i32
      %add3A_274 = arith.addi %mul3A_20, %mul3A_273 : i32
      %multiple_of3A_275 = tpu.assume_multiple %add3A_274, 8 : i32
      %dma_wait3A_276 = tpu.memref_slice %arg3[%multiple_of3A_275] : memref<320256xi32, #tpu.memory_space<hbm>> -> memref<80xi32, #tpu.memory_space<hbm>>
      %dma_wait3A_277 = tpu.memref_slice %arg3[%multiple_of3A_275] : memref<320256xi32, #tpu.memory_space<hbm>> -> memref<80xi32, #tpu.memory_space<hbm>>
      tpu.wait_dma2 semaphore(%arg32 : memref<!tpu.dma_semaphore, #tpu.memory_space<semaphore_mem>>) src(%dma_wait3A_277 : memref<80xi32, #tpu.memory_space<hbm>>) dst(%arg8 : memref<80xi32, #tpu.memory_space<vmem>>)
      %dma_wait3A_278 = tpu.memref_slice %arg4[%multiple_of3A_275] : memref<320256xi32, #tpu.memory_space<hbm>> -> memref<80xi32, #tpu.memory_space<hbm>>
      %dma_wait3A_279 = tpu.memref_slice %arg4[%multiple_of3A_275] : memref<320256xi32, #tpu.memory_space<hbm>> -> memref<80xi32, #tpu.memory_space<hbm>>
      tpu.wait_dma2 semaphore(%arg32 : memref<!tpu.dma_semaphore, #tpu.memory_space<semaphore_mem>>) src(%dma_wait3A_279 : memref<80xi32, #tpu.memory_space<hbm>>) dst(%arg16 : memref<80xi32, #tpu.memory_space<vmem>>)
      %dma_start3A_280 = arith.constant 0 : i32
      %dma_start3A_281 = arith.constant 0 : i32
      %dma_start3A_282 = tpu.memref_slice %arg2[%dma_start3A_280, %dma_start3A_281] : memref<10000x128xf32, #tpu.memory_space<hbm>> -> memref<10000x128xf32, #tpu.memory_space<hbm>>
      tpu.enqueue_indirect_dma source(%dma_start3A_282 : memref<10000x128xf32, #tpu.memory_space<hbm>>) target(%arg24 : memref<80x128xf32, #tpu.memory_space<vmem>>) offsets(%arg8 : memref<80xi32, #tpu.memory_space<vmem>>) semaphore(%arg28 : memref<!tpu.dma_semaphore, #tpu.memory_space<semaphore_mem>>)
      %add3A_283 = arith.constant 8 : i32
      %add3A_284 = arith.addi %add3A_264, %add3A_283 : i32
      %add3A_285 = arith.constant 0 : i32
      %add3A_286 = arith.addi %add3A_284, %add3A_285 : i32
      %mul3A_287 = arith.constant 80 : i32
      %mul3A_288 = arith.muli %add3A_286, %mul3A_287 : i32
      %add3A_289 = arith.addi %mul3A_20, %mul3A_288 : i32
      %multiple_of3A_290 = tpu.assume_multiple %add3A_289, 8 : i32
      %dma_start3A_291 = tpu.memref_slice %arg3[%multiple_of3A_290] : memref<320256xi32, #tpu.memory_space<hbm>> -> memref<80xi32, #tpu.memory_space<hbm>>
      %dma_start3A_292 = tpu.memref_slice %arg3[%multiple_of3A_290] : memref<320256xi32, #tpu.memory_space<hbm>> -> memref<80xi32, #tpu.memory_space<hbm>>
      tpu.enqueue_dma source(%dma_start3A_292 : memref<80xi32, #tpu.memory_space<hbm>>) target(%arg12 : memref<80xi32, #tpu.memory_space<vmem>>) target_semaphore(%arg32 : memref<!tpu.dma_semaphore, #tpu.memory_space<semaphore_mem>>)
      %dma_start3A_293 = tpu.memref_slice %arg4[%multiple_of3A_290] : memref<320256xi32, #tpu.memory_space<hbm>> -> memref<80xi32, #tpu.memory_space<hbm>>
      %dma_start3A_294 = tpu.memref_slice %arg4[%multiple_of3A_290] : memref<320256xi32, #tpu.memory_space<hbm>> -> memref<80xi32, #tpu.memory_space<hbm>>
      tpu.enqueue_dma source(%dma_start3A_294 : memref<80xi32, #tpu.memory_space<hbm>>) target(%arg20 : memref<80xi32, #tpu.memory_space<vmem>>) target_semaphore(%arg32 : memref<!tpu.dma_semaphore, #tpu.memory_space<semaphore_mem>>)
      %dma_wait3A_295 = arith.constant 0 : i32
      %dma_wait3A_296 = arith.constant 0 : i32
      %dma_wait3A_297 = tpu.memref_slice %arg2[%dma_wait3A_295, %dma_wait3A_296] : memref<10000x128xf32, #tpu.memory_space<hbm>> -> memref<10000x128xf32, #tpu.memory_space<hbm>>
      tpu.wait_indirect_dma semaphore(%arg29 : memref<!tpu.dma_semaphore, #tpu.memory_space<semaphore_mem>>) src(%dma_wait3A_297 : memref<10000x128xf32, #tpu.memory_space<hbm>>) dst(%arg25 : memref<80x128xf32, #tpu.memory_space<vmem>>)
      "tpu.region"() ({
        %run_scoped3A = tpu.sem_alloc : memref<!tpu.dma_semaphore, #tpu.memory_space<semaphore_mem>>
        %dma_start3A_385 = arith.constant 0 : i32
        %dma_start3A_386 = arith.constant 0 : i32
        %dma_start3A_387 = tpu.memref_slice %arg7[%dma_start3A_385, %dma_start3A_386] : memref<10240x128xf32, #tpu.memory_space<vmem_shared>> -> memref<10240x128xf32, #tpu.memory_space<vmem_shared>>
        tpu.enqueue_indirect_dma source(%arg25 : memref<80x128xf32, #tpu.memory_space<vmem>>) target(%dma_start3A_387 : memref<10240x128xf32, #tpu.memory_space<vmem_shared>>) offsets(%arg21 : memref<80xi32, #tpu.memory_space<vmem>>) semaphore(%run_scoped3A : memref<!tpu.dma_semaphore, #tpu.memory_space<semaphore_mem>>) {add = true}
        %dma_wait3A_388 = arith.constant 0 : i32
        %dma_wait3A_389 = arith.constant 0 : i32
        %dma_wait3A_390 = tpu.memref_slice %arg7[%dma_wait3A_388, %dma_wait3A_389] : memref<10240x128xf32, #tpu.memory_space<vmem_shared>> -> memref<10240x128xf32, #tpu.memory_space<vmem_shared>>
        tpu.wait_indirect_dma semaphore(%run_scoped3A : memref<!tpu.dma_semaphore, #tpu.memory_space<semaphore_mem>>) src(%arg25 : memref<80x128xf32, #tpu.memory_space<vmem>>) dst(%dma_wait3A_390 : memref<10240x128xf32, #tpu.memory_space<vmem_shared>>)
        tpu.yield
      }) : () -> ()
      %add3A_298 = arith.constant 4 : i32
      %add3A_299 = arith.addi %add3A_264, %add3A_298 : i32
      %add3A_300 = arith.constant 1 : i32
      %add3A_301 = arith.addi %add3A_299, %add3A_300 : i32
      %mul3A_302 = arith.constant 80 : i32
      %mul3A_303 = arith.muli %add3A_301, %mul3A_302 : i32
      %add3A_304 = arith.addi %mul3A_20, %mul3A_303 : i32
      %multiple_of3A_305 = tpu.assume_multiple %add3A_304, 8 : i32
      %dma_wait3A_306 = tpu.memref_slice %arg3[%multiple_of3A_305] : memref<320256xi32, #tpu.memory_space<hbm>> -> memref<80xi32, #tpu.memory_space<hbm>>
      %dma_wait3A_307 = tpu.memref_slice %arg3[%multiple_of3A_305] : memref<320256xi32, #tpu.memory_space<hbm>> -> memref<80xi32, #tpu.memory_space<hbm>>
      tpu.wait_dma2 semaphore(%arg33 : memref<!tpu.dma_semaphore, #tpu.memory_space<semaphore_mem>>) src(%dma_wait3A_307 : memref<80xi32, #tpu.memory_space<hbm>>) dst(%arg9 : memref<80xi32, #tpu.memory_space<vmem>>)
      %dma_wait3A_308 = tpu.memref_slice %arg4[%multiple_of3A_305] : memref<320256xi32, #tpu.memory_space<hbm>> -> memref<80xi32, #tpu.memory_space<hbm>>
      %dma_wait3A_309 = tpu.memref_slice %arg4[%multiple_of3A_305] : memref<320256xi32, #tpu.memory_space<hbm>> -> memref<80xi32, #tpu.memory_space<hbm>>
      tpu.wait_dma2 semaphore(%arg33 : memref<!tpu.dma_semaphore, #tpu.memory_space<semaphore_mem>>) src(%dma_wait3A_309 : memref<80xi32, #tpu.memory_space<hbm>>) dst(%arg17 : memref<80xi32, #tpu.memory_space<vmem>>)
      %dma_start3A_310 = arith.constant 0 : i32
      %dma_start3A_311 = arith.constant 0 : i32
      %dma_start3A_312 = tpu.memref_slice %arg2[%dma_start3A_310, %dma_start3A_311] : memref<10000x128xf32, #tpu.memory_space<hbm>> -> memref<10000x128xf32, #tpu.memory_space<hbm>>
      tpu.enqueue_indirect_dma source(%dma_start3A_312 : memref<10000x128xf32, #tpu.memory_space<hbm>>) target(%arg25 : memref<80x128xf32, #tpu.memory_space<vmem>>) offsets(%arg9 : memref<80xi32, #tpu.memory_space<vmem>>) semaphore(%arg29 : memref<!tpu.dma_semaphore, #tpu.memory_space<semaphore_mem>>)
      %add3A_313 = arith.constant 8 : i32
      %add3A_314 = arith.addi %add3A_264, %add3A_313 : i32
      %add3A_315 = arith.constant 1 : i32
      %add3A_316 = arith.addi %add3A_314, %add3A_315 : i32
      %mul3A_317 = arith.constant 80 : i32
      %mul3A_318 = arith.muli %add3A_316, %mul3A_317 : i32
      %add3A_319 = arith.addi %mul3A_20, %mul3A_318 : i32
      %multiple_of3A_320 = tpu.assume_multiple %add3A_319, 8 : i32
      %dma_start3A_321 = tpu.memref_slice %arg3[%multiple_of3A_320] : memref<320256xi32, #tpu.memory_space<hbm>> -> memref<80xi32, #tpu.memory_space<hbm>>
      %dma_start3A_322 = tpu.memref_slice %arg3[%multiple_of3A_320] : memref<320256xi32, #tpu.memory_space<hbm>> -> memref<80xi32, #tpu.memory_space<hbm>>
      tpu.enqueue_dma source(%dma_start3A_322 : memref<80xi32, #tpu.memory_space<hbm>>) target(%arg13 : memref<80xi32, #tpu.memory_space<vmem>>) target_semaphore(%arg33 : memref<!tpu.dma_semaphore, #tpu.memory_space<semaphore_mem>>)
      %dma_start3A_323 = tpu.memref_slice %arg4[%multiple_of3A_320] : memref<320256xi32, #tpu.memory_space<hbm>> -> memref<80xi32, #tpu.memory_space<hbm>>
      %dma_start3A_324 = tpu.memref_slice %arg4[%multiple_of3A_320] : memref<320256xi32, #tpu.memory_space<hbm>> -> memref<80xi32, #tpu.memory_space<hbm>>
      tpu.enqueue_dma source(%dma_start3A_324 : memref<80xi32, #tpu.memory_space<hbm>>) target(%arg21 : memref<80xi32, #tpu.memory_space<vmem>>) target_semaphore(%arg33 : memref<!tpu.dma_semaphore, #tpu.memory_space<semaphore_mem>>)
      %dma_wait3A_325 = arith.constant 0 : i32
      %dma_wait3A_326 = arith.constant 0 : i32
      %dma_wait3A_327 = tpu.memref_slice %arg2[%dma_wait3A_325, %dma_wait3A_326] : memref<10000x128xf32, #tpu.memory_space<hbm>> -> memref<10000x128xf32, #tpu.memory_space<hbm>>
      tpu.wait_indirect_dma semaphore(%arg30 : memref<!tpu.dma_semaphore, #tpu.memory_space<semaphore_mem>>) src(%dma_wait3A_327 : memref<10000x128xf32, #tpu.memory_space<hbm>>) dst(%arg26 : memref<80x128xf32, #tpu.memory_space<vmem>>)
      "tpu.region"() ({
        %run_scoped3A = tpu.sem_alloc : memref<!tpu.dma_semaphore, #tpu.memory_space<semaphore_mem>>
        %dma_start3A_385 = arith.constant 0 : i32
        %dma_start3A_386 = arith.constant 0 : i32
        %dma_start3A_387 = tpu.memref_slice %arg7[%dma_start3A_385, %dma_start3A_386] : memref<10240x128xf32, #tpu.memory_space<vmem_shared>> -> memref<10240x128xf32, #tpu.memory_space<vmem_shared>>
        tpu.enqueue_indirect_dma source(%arg26 : memref<80x128xf32, #tpu.memory_space<vmem>>) target(%dma_start3A_387 : memref<10240x128xf32, #tpu.memory_space<vmem_shared>>) offsets(%arg22 : memref<80xi32, #tpu.memory_space<vmem>>) semaphore(%run_scoped3A : memref<!tpu.dma_semaphore, #tpu.memory_space<semaphore_mem>>) {add = true}
        %dma_wait3A_388 = arith.constant 0 : i32
        %dma_wait3A_389 = arith.constant 0 : i32
        %dma_wait3A_390 = tpu.memref_slice %arg7[%dma_wait3A_388, %dma_wait3A_389] : memref<10240x128xf32, #tpu.memory_space<vmem_shared>> -> memref<10240x128xf32, #tpu.memory_space<vmem_shared>>
        tpu.wait_indirect_dma semaphore(%run_scoped3A : memref<!tpu.dma_semaphore, #tpu.memory_space<semaphore_mem>>) src(%arg26 : memref<80x128xf32, #tpu.memory_space<vmem>>) dst(%dma_wait3A_390 : memref<10240x128xf32, #tpu.memory_space<vmem_shared>>)
        tpu.yield
      }) : () -> ()
      %add3A_328 = arith.constant 4 : i32
      %add3A_329 = arith.addi %add3A_264, %add3A_328 : i32
      %add3A_330 = arith.constant 2 : i32
      %add3A_331 = arith.addi %add3A_329, %add3A_330 : i32
      %mul3A_332 = arith.constant 80 : i32
      %mul3A_333 = arith.muli %add3A_331, %mul3A_332 : i32
      %add3A_334 = arith.addi %mul3A_20, %mul3A_333 : i32
      %multiple_of3A_335 = tpu.assume_multiple %add3A_334, 8 : i32
      %dma_wait3A_336 = tpu.memref_slice %arg3[%multiple_of3A_335] : memref<320256xi32, #tpu.memory_space<hbm>> -> memref<80xi32, #tpu.memory_space<hbm>>
      %dma_wait3A_337 = tpu.memref_slice %arg3[%multiple_of3A_335] : memref<320256xi32, #tpu.memory_space<hbm>> -> memref<80xi32, #tpu.memory_space<hbm>>
      tpu.wait_dma2 semaphore(%arg34 : memref<!tpu.dma_semaphore, #tpu.memory_space<semaphore_mem>>) src(%dma_wait3A_337 : memref<80xi32, #tpu.memory_space<hbm>>) dst(%arg10 : memref<80xi32, #tpu.memory_space<vmem>>)
      %dma_wait3A_338 = tpu.memref_slice %arg4[%multiple_of3A_335] : memref<320256xi32, #tpu.memory_space<hbm>> -> memref<80xi32, #tpu.memory_space<hbm>>
      %dma_wait3A_339 = tpu.memref_slice %arg4[%multiple_of3A_335] : memref<320256xi32, #tpu.memory_space<hbm>> -> memref<80xi32, #tpu.memory_space<hbm>>
      tpu.wait_dma2 semaphore(%arg34 : memref<!tpu.dma_semaphore, #tpu.memory_space<semaphore_mem>>) src(%dma_wait3A_339 : memref<80xi32, #tpu.memory_space<hbm>>) dst(%arg18 : memref<80xi32, #tpu.memory_space<vmem>>)
      %dma_start3A_340 = arith.constant 0 : i32
      %dma_start3A_341 = arith.constant 0 : i32
      %dma_start3A_342 = tpu.memref_slice %arg2[%dma_start3A_340, %dma_start3A_341] : memref<10000x128xf32, #tpu.memory_space<hbm>> -> memref<10000x128xf32, #tpu.memory_space<hbm>>
      tpu.enqueue_indirect_dma source(%dma_start3A_342 : memref<10000x128xf32, #tpu.memory_space<hbm>>) target(%arg26 : memref<80x128xf32, #tpu.memory_space<vmem>>) offsets(%arg10 : memref<80xi32, #tpu.memory_space<vmem>>) semaphore(%arg30 : memref<!tpu.dma_semaphore, #tpu.memory_space<semaphore_mem>>)
      %add3A_343 = arith.constant 8 : i32
      %add3A_344 = arith.addi %add3A_264, %add3A_343 : i32
      %add3A_345 = arith.constant 2 : i32
      %add3A_346 = arith.addi %add3A_344, %add3A_345 : i32
      %mul3A_347 = arith.constant 80 : i32
      %mul3A_348 = arith.muli %add3A_346, %mul3A_347 : i32
      %add3A_349 = arith.addi %mul3A_20, %mul3A_348 : i32
      %multiple_of3A_350 = tpu.assume_multiple %add3A_349, 8 : i32
      %dma_start3A_351 = tpu.memref_slice %arg3[%multiple_of3A_350] : memref<320256xi32, #tpu.memory_space<hbm>> -> memref<80xi32, #tpu.memory_space<hbm>>
      %dma_start3A_352 = tpu.memref_slice %arg3[%multiple_of3A_350] : memref<320256xi32, #tpu.memory_space<hbm>> -> memref<80xi32, #tpu.memory_space<hbm>>
      tpu.enqueue_dma source(%dma_start3A_352 : memref<80xi32, #tpu.memory_space<hbm>>) target(%arg14 : memref<80xi32, #tpu.memory_space<vmem>>) target_semaphore(%arg34 : memref<!tpu.dma_semaphore, #tpu.memory_space<semaphore_mem>>)
      %dma_start3A_353 = tpu.memref_slice %arg4[%multiple_of3A_350] : memref<320256xi32, #tpu.memory_space<hbm>> -> memref<80xi32, #tpu.memory_space<hbm>>
      %dma_start3A_354 = tpu.memref_slice %arg4[%multiple_of3A_350] : memref<320256xi32, #tpu.memory_space<hbm>> -> memref<80xi32, #tpu.memory_space<hbm>>
      tpu.enqueue_dma source(%dma_start3A_354 : memref<80xi32, #tpu.memory_space<hbm>>) target(%arg22 : memref<80xi32, #tpu.memory_space<vmem>>) target_semaphore(%arg34 : memref<!tpu.dma_semaphore, #tpu.memory_space<semaphore_mem>>)
      %dma_wait3A_355 = arith.constant 0 : i32
      %dma_wait3A_356 = arith.constant 0 : i32
      %dma_wait3A_357 = tpu.memref_slice %arg2[%dma_wait3A_355, %dma_wait3A_356] : memref<10000x128xf32, #tpu.memory_space<hbm>> -> memref<10000x128xf32, #tpu.memory_space<hbm>>
      tpu.wait_indirect_dma semaphore(%arg31 : memref<!tpu.dma_semaphore, #tpu.memory_space<semaphore_mem>>) src(%dma_wait3A_357 : memref<10000x128xf32, #tpu.memory_space<hbm>>) dst(%arg27 : memref<80x128xf32, #tpu.memory_space<vmem>>)
      "tpu.region"() ({
        %run_scoped3A = tpu.sem_alloc : memref<!tpu.dma_semaphore, #tpu.memory_space<semaphore_mem>>
        %dma_start3A_385 = arith.constant 0 : i32
        %dma_start3A_386 = arith.constant 0 : i32
        %dma_start3A_387 = tpu.memref_slice %arg7[%dma_start3A_385, %dma_start3A_386] : memref<10240x128xf32, #tpu.memory_space<vmem_shared>> -> memref<10240x128xf32, #tpu.memory_space<vmem_shared>>
        tpu.enqueue_indirect_dma source(%arg27 : memref<80x128xf32, #tpu.memory_space<vmem>>) target(%dma_start3A_387 : memref<10240x128xf32, #tpu.memory_space<vmem_shared>>) offsets(%arg23 : memref<80xi32, #tpu.memory_space<vmem>>) semaphore(%run_scoped3A : memref<!tpu.dma_semaphore, #tpu.memory_space<semaphore_mem>>) {add = true}
        %dma_wait3A_388 = arith.constant 0 : i32
        %dma_wait3A_389 = arith.constant 0 : i32
        %dma_wait3A_390 = tpu.memref_slice %arg7[%dma_wait3A_388, %dma_wait3A_389] : memref<10240x128xf32, #tpu.memory_space<vmem_shared>> -> memref<10240x128xf32, #tpu.memory_space<vmem_shared>>
        tpu.wait_indirect_dma semaphore(%run_scoped3A : memref<!tpu.dma_semaphore, #tpu.memory_space<semaphore_mem>>) src(%arg27 : memref<80x128xf32, #tpu.memory_space<vmem>>) dst(%dma_wait3A_390 : memref<10240x128xf32, #tpu.memory_space<vmem_shared>>)
        tpu.yield
      }) : () -> ()
      %add3A_358 = arith.constant 4 : i32
      %add3A_359 = arith.addi %add3A_264, %add3A_358 : i32
      %add3A_360 = arith.constant 3 : i32
      %add3A_361 = arith.addi %add3A_359, %add3A_360 : i32
      %mul3A_362 = arith.constant 80 : i32
      %mul3A_363 = arith.muli %add3A_361, %mul3A_362 : i32
      %add3A_364 = arith.addi %mul3A_20, %mul3A_363 : i32
      %multiple_of3A_365 = tpu.assume_multiple %add3A_364, 8 : i32
      %dma_wait3A_366 = tpu.memref_slice %arg3[%multiple_of3A_365] : memref<320256xi32, #tpu.memory_space<hbm>> -> memref<80xi32, #tpu.memory_space<hbm>>
      %dma_wait3A_367 = tpu.memref_slice %arg3[%multiple_of3A_365] : memref<320256xi32, #tpu.memory_space<hbm>> -> memref<80xi32, #tpu.memory_space<hbm>>
      tpu.wait_dma2 semaphore(%arg35 : memref<!tpu.dma_semaphore, #tpu.memory_space<semaphore_mem>>) src(%dma_wait3A_367 : memref<80xi32, #tpu.memory_space<hbm>>) dst(%arg11 : memref<80xi32, #tpu.memory_space<vmem>>)
      %dma_wait3A_368 = tpu.memref_slice %arg4[%multiple_of3A_365] : memref<320256xi32, #tpu.memory_space<hbm>> -> memref<80xi32, #tpu.memory_space<hbm>>
      %dma_wait3A_369 = tpu.memref_slice %arg4[%multiple_of3A_365] : memref<320256xi32, #tpu.memory_space<hbm>> -> memref<80xi32, #tpu.memory_space<hbm>>
      tpu.wait_dma2 semaphore(%arg35 : memref<!tpu.dma_semaphore, #tpu.memory_space<semaphore_mem>>) src(%dma_wait3A_369 : memref<80xi32, #tpu.memory_space<hbm>>) dst(%arg19 : memref<80xi32, #tpu.memory_space<vmem>>)
      %dma_start3A_370 = arith.constant 0 : i32
      %dma_start3A_371 = arith.constant 0 : i32
      %dma_start3A_372 = tpu.memref_slice %arg2[%dma_start3A_370, %dma_start3A_371] : memref<10000x128xf32, #tpu.memory_space<hbm>> -> memref<10000x128xf32, #tpu.memory_space<hbm>>
      tpu.enqueue_indirect_dma source(%dma_start3A_372 : memref<10000x128xf32, #tpu.memory_space<hbm>>) target(%arg27 : memref<80x128xf32, #tpu.memory_space<vmem>>) offsets(%arg11 : memref<80xi32, #tpu.memory_space<vmem>>) semaphore(%arg31 : memref<!tpu.dma_semaphore, #tpu.memory_space<semaphore_mem>>)
      %add3A_373 = arith.constant 8 : i32
      %add3A_374 = arith.addi %add3A_264, %add3A_373 : i32
      %add3A_375 = arith.constant 3 : i32
      %add3A_376 = arith.addi %add3A_374, %add3A_375 : i32
      %mul3A_377 = arith.constant 80 : i32
      %mul3A_378 = arith.muli %add3A_376, %mul3A_377 : i32
      %add3A_379 = arith.addi %mul3A_20, %mul3A_378 : i32
      %multiple_of3A_380 = tpu.assume_multiple %add3A_379, 8 : i32
      %dma_start3A_381 = tpu.memref_slice %arg3[%multiple_of3A_380] : memref<320256xi32, #tpu.memory_space<hbm>> -> memref<80xi32, #tpu.memory_space<hbm>>
      %dma_start3A_382 = tpu.memref_slice %arg3[%multiple_of3A_380] : memref<320256xi32, #tpu.memory_space<hbm>> -> memref<80xi32, #tpu.memory_space<hbm>>
      tpu.enqueue_dma source(%dma_start3A_382 : memref<80xi32, #tpu.memory_space<hbm>>) target(%arg15 : memref<80xi32, #tpu.memory_space<vmem>>) target_semaphore(%arg35 : memref<!tpu.dma_semaphore, #tpu.memory_space<semaphore_mem>>)
      %dma_start3A_383 = tpu.memref_slice %arg4[%multiple_of3A_380] : memref<320256xi32, #tpu.memory_space<hbm>> -> memref<80xi32, #tpu.memory_space<hbm>>
      %dma_start3A_384 = tpu.memref_slice %arg4[%multiple_of3A_380] : memref<320256xi32, #tpu.memory_space<hbm>> -> memref<80xi32, #tpu.memory_space<hbm>>
      tpu.enqueue_dma source(%dma_start3A_384 : memref<80xi32, #tpu.memory_space<hbm>>) target(%arg23 : memref<80xi32, #tpu.memory_space<vmem>>) target_semaphore(%arg35 : memref<!tpu.dma_semaphore, #tpu.memory_space<semaphore_mem>>)
    }
    %scan3A_75 = arith.constant 15 : i32
    %dma_wait3A = arith.constant 0 : i32
    %dma_wait3A_76 = arith.constant 0 : i32
    %dma_wait3A_77 = tpu.memref_slice %arg2[%dma_wait3A, %dma_wait3A_76] : memref<10000x128xf32, #tpu.memory_space<hbm>> -> memref<10000x128xf32, #tpu.memory_space<hbm>>
    tpu.wait_indirect_dma semaphore(%arg28 : memref<!tpu.dma_semaphore, #tpu.memory_space<semaphore_mem>>) src(%dma_wait3A_77 : memref<10000x128xf32, #tpu.memory_space<hbm>>) dst(%arg24 : memref<80x128xf32, #tpu.memory_space<vmem>>)
    "tpu.region"() ({
      %run_scoped3A = tpu.sem_alloc : memref<!tpu.dma_semaphore, #tpu.memory_space<semaphore_mem>>
      %dma_start3A_138 = arith.constant 0 : i32
      %dma_start3A_139 = arith.constant 0 : i32
      %dma_start3A_140 = tpu.memref_slice %arg7[%dma_start3A_138, %dma_start3A_139] : memref<10240x128xf32, #tpu.memory_space<vmem_shared>> -> memref<10240x128xf32, #tpu.memory_space<vmem_shared>>
      tpu.enqueue_indirect_dma source(%arg24 : memref<80x128xf32, #tpu.memory_space<vmem>>) target(%dma_start3A_140 : memref<10240x128xf32, #tpu.memory_space<vmem_shared>>) offsets(%arg16 : memref<80xi32, #tpu.memory_space<vmem>>) semaphore(%run_scoped3A : memref<!tpu.dma_semaphore, #tpu.memory_space<semaphore_mem>>) {add = true}
      %dma_wait3A_141 = arith.constant 0 : i32
      %dma_wait3A_142 = arith.constant 0 : i32
      %dma_wait3A_143 = tpu.memref_slice %arg7[%dma_wait3A_141, %dma_wait3A_142] : memref<10240x128xf32, #tpu.memory_space<vmem_shared>> -> memref<10240x128xf32, #tpu.memory_space<vmem_shared>>
      tpu.wait_indirect_dma semaphore(%run_scoped3A : memref<!tpu.dma_semaphore, #tpu.memory_space<semaphore_mem>>) src(%arg24 : memref<80x128xf32, #tpu.memory_space<vmem>>) dst(%dma_wait3A_143 : memref<10240x128xf32, #tpu.memory_space<vmem_shared>>)
      tpu.yield
    }) : () -> ()
    %dma_wait3A_78 = arith.constant 0 : i32
    %dma_wait3A_79 = arith.constant 0 : i32
    %dma_wait3A_80 = tpu.memref_slice %arg2[%dma_wait3A_78, %dma_wait3A_79] : memref<10000x128xf32, #tpu.memory_space<hbm>> -> memref<10000x128xf32, #tpu.memory_space<hbm>>
    tpu.wait_indirect_dma semaphore(%arg29 : memref<!tpu.dma_semaphore, #tpu.memory_space<semaphore_mem>>) src(%dma_wait3A_80 : memref<10000x128xf32, #tpu.memory_space<hbm>>) dst(%arg25 : memref<80x128xf32, #tpu.memory_space<vmem>>)
    "tpu.region"() ({
      %run_scoped3A = tpu.sem_alloc : memref<!tpu.dma_semaphore, #tpu.memory_space<semaphore_mem>>
      %dma_start3A_138 = arith.constant 0 : i32
      %dma_start3A_139 = arith.constant 0 : i32
      %dma_start3A_140 = tpu.memref_slice %arg7[%dma_start3A_138, %dma_start3A_139] : memref<10240x128xf32, #tpu.memory_space<vmem_shared>> -> memref<10240x128xf32, #tpu.memory_space<vmem_shared>>
      tpu.enqueue_indirect_dma source(%arg25 : memref<80x128xf32, #tpu.memory_space<vmem>>) target(%dma_start3A_140 : memref<10240x128xf32, #tpu.memory_space<vmem_shared>>) offsets(%arg17 : memref<80xi32, #tpu.memory_space<vmem>>) semaphore(%run_scoped3A : memref<!tpu.dma_semaphore, #tpu.memory_space<semaphore_mem>>) {add = true}
      %dma_wait3A_141 = arith.constant 0 : i32
      %dma_wait3A_142 = arith.constant 0 : i32
      %dma_wait3A_143 = tpu.memref_slice %arg7[%dma_wait3A_141, %dma_wait3A_142] : memref<10240x128xf32, #tpu.memory_space<vmem_shared>> -> memref<10240x128xf32, #tpu.memory_space<vmem_shared>>
      tpu.wait_indirect_dma semaphore(%run_scoped3A : memref<!tpu.dma_semaphore, #tpu.memory_space<semaphore_mem>>) src(%arg25 : memref<80x128xf32, #tpu.memory_space<vmem>>) dst(%dma_wait3A_143 : memref<10240x128xf32, #tpu.memory_space<vmem_shared>>)
      tpu.yield
    }) : () -> ()
    %dma_wait3A_81 = arith.constant 0 : i32
    %dma_wait3A_82 = arith.constant 0 : i32
    %dma_wait3A_83 = tpu.memref_slice %arg2[%dma_wait3A_81, %dma_wait3A_82] : memref<10000x128xf32, #tpu.memory_space<hbm>> -> memref<10000x128xf32, #tpu.memory_space<hbm>>
    tpu.wait_indirect_dma semaphore(%arg30 : memref<!tpu.dma_semaphore, #tpu.memory_space<semaphore_mem>>) src(%dma_wait3A_83 : memref<10000x128xf32, #tpu.memory_space<hbm>>) dst(%arg26 : memref<80x128xf32, #tpu.memory_space<vmem>>)
    "tpu.region"() ({
      %run_scoped3A = tpu.sem_alloc : memref<!tpu.dma_semaphore, #tpu.memory_space<semaphore_mem>>
      %dma_start3A_138 = arith.constant 0 : i32
      %dma_start3A_139 = arith.constant 0 : i32
      %dma_start3A_140 = tpu.memref_slice %arg7[%dma_start3A_138, %dma_start3A_139] : memref<10240x128xf32, #tpu.memory_space<vmem_shared>> -> memref<10240x128xf32, #tpu.memory_space<vmem_shared>>
      tpu.enqueue_indirect_dma source(%arg26 : memref<80x128xf32, #tpu.memory_space<vmem>>) target(%dma_start3A_140 : memref<10240x128xf32, #tpu.memory_space<vmem_shared>>) offsets(%arg18 : memref<80xi32, #tpu.memory_space<vmem>>) semaphore(%run_scoped3A : memref<!tpu.dma_semaphore, #tpu.memory_space<semaphore_mem>>) {add = true}
      %dma_wait3A_141 = arith.constant 0 : i32
      %dma_wait3A_142 = arith.constant 0 : i32
      %dma_wait3A_143 = tpu.memref_slice %arg7[%dma_wait3A_141, %dma_wait3A_142] : memref<10240x128xf32, #tpu.memory_space<vmem_shared>> -> memref<10240x128xf32, #tpu.memory_space<vmem_shared>>
      tpu.wait_indirect_dma semaphore(%run_scoped3A : memref<!tpu.dma_semaphore, #tpu.memory_space<semaphore_mem>>) src(%arg26 : memref<80x128xf32, #tpu.memory_space<vmem>>) dst(%dma_wait3A_143 : memref<10240x128xf32, #tpu.memory_space<vmem_shared>>)
      tpu.yield
    }) : () -> ()
    %dma_wait3A_84 = arith.constant 0 : i32
    %dma_wait3A_85 = arith.constant 0 : i32
    %dma_wait3A_86 = tpu.memref_slice %arg2[%dma_wait3A_84, %dma_wait3A_85] : memref<10000x128xf32, #tpu.memory_space<hbm>> -> memref<10000x128xf32, #tpu.memory_space<hbm>>
    tpu.wait_indirect_dma semaphore(%arg31 : memref<!tpu.dma_semaphore, #tpu.memory_space<semaphore_mem>>) src(%dma_wait3A_86 : memref<10000x128xf32, #tpu.memory_space<hbm>>) dst(%arg27 : memref<80x128xf32, #tpu.memory_space<vmem>>)
    "tpu.region"() ({
      %run_scoped3A = tpu.sem_alloc : memref<!tpu.dma_semaphore, #tpu.memory_space<semaphore_mem>>
      %dma_start3A_138 = arith.constant 0 : i32
      %dma_start3A_139 = arith.constant 0 : i32
      %dma_start3A_140 = tpu.memref_slice %arg7[%dma_start3A_138, %dma_start3A_139] : memref<10240x128xf32, #tpu.memory_space<vmem_shared>> -> memref<10240x128xf32, #tpu.memory_space<vmem_shared>>
      tpu.enqueue_indirect_dma source(%arg27 : memref<80x128xf32, #tpu.memory_space<vmem>>) target(%dma_start3A_140 : memref<10240x128xf32, #tpu.memory_space<vmem_shared>>) offsets(%arg19 : memref<80xi32, #tpu.memory_space<vmem>>) semaphore(%run_scoped3A : memref<!tpu.dma_semaphore, #tpu.memory_space<semaphore_mem>>) {add = true}
      %dma_wait3A_141 = arith.constant 0 : i32
      %dma_wait3A_142 = arith.constant 0 : i32
      %dma_wait3A_143 = tpu.memref_slice %arg7[%dma_wait3A_141, %dma_wait3A_142] : memref<10240x128xf32, #tpu.memory_space<vmem_shared>> -> memref<10240x128xf32, #tpu.memory_space<vmem_shared>>
      tpu.wait_indirect_dma semaphore(%run_scoped3A : memref<!tpu.dma_semaphore, #tpu.memory_space<semaphore_mem>>) src(%arg27 : memref<80x128xf32, #tpu.memory_space<vmem>>) dst(%dma_wait3A_143 : memref<10240x128xf32, #tpu.memory_space<vmem_shared>>)
      tpu.yield
    }) : () -> ()
    %add3A_87 = arith.constant 9920 : i32
    %add3A_88 = arith.addi %mul3A_20, %add3A_87 : i32
    %multiple_of3A_89 = tpu.assume_multiple %add3A_88, 8 : i32
    %dma_wait3A_90 = tpu.memref_slice %arg3[%multiple_of3A_89] : memref<320256xi32, #tpu.memory_space<hbm>> -> memref<80xi32, #tpu.memory_space<hbm>>
    %dma_wait3A_91 = tpu.memref_slice %arg3[%multiple_of3A_89] : memref<320256xi32, #tpu.memory_space<hbm>> -> memref<80xi32, #tpu.memory_space<hbm>>
    tpu.wait_dma2 semaphore(%arg32 : memref<!tpu.dma_semaphore, #tpu.memory_space<semaphore_mem>>) src(%dma_wait3A_91 : memref<80xi32, #tpu.memory_space<hbm>>) dst(%arg12 : memref<80xi32, #tpu.memory_space<vmem>>)
    %dma_wait3A_92 = tpu.memref_slice %arg4[%multiple_of3A_89] : memref<320256xi32, #tpu.memory_space<hbm>> -> memref<80xi32, #tpu.memory_space<hbm>>
    %dma_wait3A_93 = tpu.memref_slice %arg4[%multiple_of3A_89] : memref<320256xi32, #tpu.memory_space<hbm>> -> memref<80xi32, #tpu.memory_space<hbm>>
    tpu.wait_dma2 semaphore(%arg32 : memref<!tpu.dma_semaphore, #tpu.memory_space<semaphore_mem>>) src(%dma_wait3A_93 : memref<80xi32, #tpu.memory_space<hbm>>) dst(%arg20 : memref<80xi32, #tpu.memory_space<vmem>>)
    %add3A_94 = arith.constant 10000 : i32
    %add3A_95 = arith.addi %mul3A_20, %add3A_94 : i32
    %multiple_of3A_96 = tpu.assume_multiple %add3A_95, 8 : i32
    %dma_wait3A_97 = tpu.memref_slice %arg3[%multiple_of3A_96] : memref<320256xi32, #tpu.memory_space<hbm>> -> memref<80xi32, #tpu.memory_space<hbm>>
    %dma_wait3A_98 = tpu.memref_slice %arg3[%multiple_of3A_96] : memref<320256xi32, #tpu.memory_space<hbm>> -> memref<80xi32, #tpu.memory_space<hbm>>
    tpu.wait_dma2 semaphore(%arg33 : memref<!tpu.dma_semaphore, #tpu.memory_space<semaphore_mem>>) src(%dma_wait3A_98 : memref<80xi32, #tpu.memory_space<hbm>>) dst(%arg13 : memref<80xi32, #tpu.memory_space<vmem>>)
    %dma_wait3A_99 = tpu.memref_slice %arg4[%multiple_of3A_96] : memref<320256xi32, #tpu.memory_space<hbm>> -> memref<80xi32, #tpu.memory_space<hbm>>
    %dma_wait3A_100 = tpu.memref_slice %arg4[%multiple_of3A_96] : memref<320256xi32, #tpu.memory_space<hbm>> -> memref<80xi32, #tpu.memory_space<hbm>>
    tpu.wait_dma2 semaphore(%arg33 : memref<!tpu.dma_semaphore, #tpu.memory_space<semaphore_mem>>) src(%dma_wait3A_100 : memref<80xi32, #tpu.memory_space<hbm>>) dst(%arg21 : memref<80xi32, #tpu.memory_space<vmem>>)
    %add3A_101 = arith.constant 10080 : i32
    %add3A_102 = arith.addi %mul3A_20, %add3A_101 : i32
    %multiple_of3A_103 = tpu.assume_multiple %add3A_102, 8 : i32
    %dma_wait3A_104 = tpu.memref_slice %arg3[%multiple_of3A_103] : memref<320256xi32, #tpu.memory_space<hbm>> -> memref<80xi32, #tpu.memory_space<hbm>>
    %dma_wait3A_105 = tpu.memref_slice %arg3[%multiple_of3A_103] : memref<320256xi32, #tpu.memory_space<hbm>> -> memref<80xi32, #tpu.memory_space<hbm>>
    tpu.wait_dma2 semaphore(%arg34 : memref<!tpu.dma_semaphore, #tpu.memory_space<semaphore_mem>>) src(%dma_wait3A_105 : memref<80xi32, #tpu.memory_space<hbm>>) dst(%arg14 : memref<80xi32, #tpu.memory_space<vmem>>)
    %dma_wait3A_106 = tpu.memref_slice %arg4[%multiple_of3A_103] : memref<320256xi32, #tpu.memory_space<hbm>> -> memref<80xi32, #tpu.memory_space<hbm>>
    %dma_wait3A_107 = tpu.memref_slice %arg4[%multiple_of3A_103] : memref<320256xi32, #tpu.memory_space<hbm>> -> memref<80xi32, #tpu.memory_space<hbm>>
    tpu.wait_dma2 semaphore(%arg34 : memref<!tpu.dma_semaphore, #tpu.memory_space<semaphore_mem>>) src(%dma_wait3A_107 : memref<80xi32, #tpu.memory_space<hbm>>) dst(%arg22 : memref<80xi32, #tpu.memory_space<vmem>>)
    %add3A_108 = arith.constant 10160 : i32
    %add3A_109 = arith.addi %mul3A_20, %add3A_108 : i32
    %multiple_of3A_110 = tpu.assume_multiple %add3A_109, 8 : i32
    %dma_wait3A_111 = tpu.memref_slice %arg3[%multiple_of3A_110] : memref<320256xi32, #tpu.memory_space<hbm>> -> memref<80xi32, #tpu.memory_space<hbm>>
    %dma_wait3A_112 = tpu.memref_slice %arg3[%multiple_of3A_110] : memref<320256xi32, #tpu.memory_space<hbm>> -> memref<80xi32, #tpu.memory_space<hbm>>
    tpu.wait_dma2 semaphore(%arg35 : memref<!tpu.dma_semaphore, #tpu.memory_space<semaphore_mem>>) src(%dma_wait3A_112 : memref<80xi32, #tpu.memory_space<hbm>>) dst(%arg15 : memref<80xi32, #tpu.memory_space<vmem>>)
    %dma_wait3A_113 = tpu.memref_slice %arg4[%multiple_of3A_110] : memref<320256xi32, #tpu.memory_space<hbm>> -> memref<80xi32, #tpu.memory_space<hbm>>
    %dma_wait3A_114 = tpu.memref_slice %arg4[%multiple_of3A_110] : memref<320256xi32, #tpu.memory_space<hbm>> -> memref<80xi32, #tpu.memory_space<hbm>>
    tpu.wait_dma2 semaphore(%arg35 : memref<!tpu.dma_semaphore, #tpu.memory_space<semaphore_mem>>) src(%dma_wait3A_114 : memref<80xi32, #tpu.memory_space<hbm>>) dst(%arg23 : memref<80xi32, #tpu.memory_space<vmem>>)
    %dma_start3A_115 = arith.constant 0 : i32
    %dma_start3A_116 = arith.constant 0 : i32
    %dma_start3A_117 = tpu.memref_slice %arg2[%dma_start3A_115, %dma_start3A_116] : memref<10000x128xf32, #tpu.memory_space<hbm>> -> memref<10000x128xf32, #tpu.memory_space<hbm>>
    tpu.enqueue_indirect_dma source(%dma_start3A_117 : memref<10000x128xf32, #tpu.memory_space<hbm>>) target(%arg24 : memref<80x128xf32, #tpu.memory_space<vmem>>) offsets(%arg12 : memref<80xi32, #tpu.memory_space<vmem>>) semaphore(%arg28 : memref<!tpu.dma_semaphore, #tpu.memory_space<semaphore_mem>>)
    %dma_wait3A_118 = arith.constant 0 : i32
    %dma_wait3A_119 = arith.constant 0 : i32
    %dma_wait3A_120 = tpu.memref_slice %arg2[%dma_wait3A_118, %dma_wait3A_119] : memref<10000x128xf32, #tpu.memory_space<hbm>> -> memref<10000x128xf32, #tpu.memory_space<hbm>>
    tpu.wait_indirect_dma semaphore(%arg28 : memref<!tpu.dma_semaphore, #tpu.memory_space<semaphore_mem>>) src(%dma_wait3A_120 : memref<10000x128xf32, #tpu.memory_space<hbm>>) dst(%arg24 : memref<80x128xf32, #tpu.memory_space<vmem>>)
    "tpu.region"() ({
      %run_scoped3A = tpu.sem_alloc : memref<!tpu.dma_semaphore, #tpu.memory_space<semaphore_mem>>
      %dma_start3A_138 = arith.constant 0 : i32
      %dma_start3A_139 = arith.constant 0 : i32
      %dma_start3A_140 = tpu.memref_slice %arg7[%dma_start3A_138, %dma_start3A_139] : memref<10240x128xf32, #tpu.memory_space<vmem_shared>> -> memref<10240x128xf32, #tpu.memory_space<vmem_shared>>
      tpu.enqueue_indirect_dma source(%arg24 : memref<80x128xf32, #tpu.memory_space<vmem>>) target(%dma_start3A_140 : memref<10240x128xf32, #tpu.memory_space<vmem_shared>>) offsets(%arg20 : memref<80xi32, #tpu.memory_space<vmem>>) semaphore(%run_scoped3A : memref<!tpu.dma_semaphore, #tpu.memory_space<semaphore_mem>>) {add = true}
      %dma_wait3A_141 = arith.constant 0 : i32
      %dma_wait3A_142 = arith.constant 0 : i32
      %dma_wait3A_143 = tpu.memref_slice %arg7[%dma_wait3A_141, %dma_wait3A_142] : memref<10240x128xf32, #tpu.memory_space<vmem_shared>> -> memref<10240x128xf32, #tpu.memory_space<vmem_shared>>
      tpu.wait_indirect_dma semaphore(%run_scoped3A : memref<!tpu.dma_semaphore, #tpu.memory_space<semaphore_mem>>) src(%arg24 : memref<80x128xf32, #tpu.memory_space<vmem>>) dst(%dma_wait3A_143 : memref<10240x128xf32, #tpu.memory_space<vmem_shared>>)
      tpu.yield
    }) : () -> ()
    %barrier3A_121 = arith.constant 0 : index
    tpu.barrier barrier_id(%barrier3A_121)
    %add3A_122 = arith.constant 0 : i32
    %add3A_123 = arith.addi %mul3A_0, %add3A_122 : i32
    "tpu.region"() ({
      %run_scoped3A = tpu.sem_alloc : memref<!tpu.dma_semaphore, #tpu.memory_space<semaphore_mem>>
      %dma_start3A_138 = arith.constant 0 : i32
      %dma_start3A_139 = tpu.memref_slice %arg7[%add3A_123, %dma_start3A_138] : memref<10240x128xf32, #tpu.memory_space<vmem_shared>> -> memref<80x128xf32, #tpu.memory_space<vmem_shared>>
      %dma_start3A_140 = arith.constant 0 : i32
      %dma_start3A_141 = tpu.memref_slice %arg7[%add3A_123, %dma_start3A_140] : memref<10240x128xf32, #tpu.memory_space<vmem_shared>> -> memref<80x128xf32, #tpu.memory_space<vmem_shared>>
      tpu.enqueue_dma source(%dma_start3A_141 : memref<80x128xf32, #tpu.memory_space<vmem_shared>>) target(%arg24 : memref<80x128xf32, #tpu.memory_space<vmem>>) target_semaphore(%run_scoped3A : memref<!tpu.dma_semaphore, #tpu.memory_space<semaphore_mem>>)
      %dma_wait3A_142 = arith.constant 0 : i32
      %dma_wait3A_143 = tpu.memref_slice %arg7[%add3A_123, %dma_wait3A_142] : memref<10240x128xf32, #tpu.memory_space<vmem_shared>> -> memref<80x128xf32, #tpu.memory_space<vmem_shared>>
      %dma_wait3A_144 = arith.constant 0 : i32
      %dma_wait3A_145 = tpu.memref_slice %arg7[%add3A_123, %dma_wait3A_144] : memref<10240x128xf32, #tpu.memory_space<vmem_shared>> -> memref<80x128xf32, #tpu.memory_space<vmem_shared>>
      tpu.wait_dma2 semaphore(%run_scoped3A : memref<!tpu.dma_semaphore, #tpu.memory_space<semaphore_mem>>) src(%dma_wait3A_145 : memref<80x128xf32, #tpu.memory_space<vmem_shared>>) dst(%arg24 : memref<80x128xf32, #tpu.memory_space<vmem>>)
      tpu.yield
    }) : () -> ()
    "tpu.region"() ({
      %run_scoped3A = tpu.sem_alloc : memref<!tpu.dma_semaphore, #tpu.memory_space<semaphore_mem>>
      %dma_start3A_138 = arith.constant 0 : i32
      %dma_start3A_139 = tpu.memref_slice %arg6[%arg0, %add3A_123, %dma_start3A_138] : memref<2x10240x128xf32, #tpu.memory_space<hbm>> -> memref<1x80x128xf32, #tpu.memory_space<hbm>>
      %dma_start3A_140 = tpu.memref_squeeze %dma_start3A_139 : memref<1x80x128xf32, #tpu.memory_space<hbm>> -> memref<80x128xf32, #tpu.memory_space<hbm>>
      %dma_start3A_141 = arith.constant 0 : i32
      %dma_start3A_142 = tpu.memref_slice %arg6[%arg0, %add3A_123, %dma_start3A_141] : memref<2x10240x128xf32, #tpu.memory_space<hbm>> -> memref<1x80x128xf32, #tpu.memory_space<hbm>>
      %dma_start3A_143 = tpu.memref_squeeze %dma_start3A_142 : memref<1x80x128xf32, #tpu.memory_space<hbm>> -> memref<80x128xf32, #tpu.memory_space<hbm>>
      tpu.enqueue_dma source(%arg24 : memref<80x128xf32, #tpu.memory_space<vmem>>) target(%dma_start3A_143 : memref<80x128xf32, #tpu.memory_space<hbm>>) target_semaphore(%run_scoped3A : memref<!tpu.dma_semaphore, #tpu.memory_space<semaphore_mem>>)
      %dma_wait3A_144 = arith.constant 0 : i32
      %dma_wait3A_145 = tpu.memref_slice %arg6[%arg0, %add3A_123, %dma_wait3A_144] : memref<2x10240x128xf32, #tpu.memory_space<hbm>> -> memref<1x80x128xf32, #tpu.memory_space<hbm>>
      %dma_wait3A_146 = tpu.memref_squeeze %dma_wait3A_145 : memref<1x80x128xf32, #tpu.memory_space<hbm>> -> memref<80x128xf32, #tpu.memory_space<hbm>>
      %dma_wait3A_147 = arith.constant 0 : i32
      %dma_wait3A_148 = tpu.memref_slice %arg6[%arg0, %add3A_123, %dma_wait3A_147] : memref<2x10240x128xf32, #tpu.memory_space<hbm>> -> memref<1x80x128xf32, #tpu.memory_space<hbm>>
      %dma_wait3A_149 = tpu.memref_squeeze %dma_wait3A_148 : memref<1x80x128xf32, #tpu.memory_space<hbm>> -> memref<80x128xf32, #tpu.memory_space<hbm>>
      tpu.wait_dma2 semaphore(%run_scoped3A : memref<!tpu.dma_semaphore, #tpu.memory_space<semaphore_mem>>) src(%arg24 : memref<80x128xf32, #tpu.memory_space<vmem>>) dst(%dma_wait3A_149 : memref<80x128xf32, #tpu.memory_space<hbm>>)
      tpu.yield
    }) : () -> ()
    %add3A_124 = arith.constant 80 : i32
    %add3A_125 = arith.addi %mul3A_0, %add3A_124 : i32
    "tpu.region"() ({
      %run_scoped3A = tpu.sem_alloc : memref<!tpu.dma_semaphore, #tpu.memory_space<semaphore_mem>>
      %dma_start3A_138 = arith.constant 0 : i32
      %dma_start3A_139 = tpu.memref_slice %arg7[%add3A_125, %dma_start3A_138] : memref<10240x128xf32, #tpu.memory_space<vmem_shared>> -> memref<80x128xf32, #tpu.memory_space<vmem_shared>>
      %dma_start3A_140 = arith.constant 0 : i32
      %dma_start3A_141 = tpu.memref_slice %arg7[%add3A_125, %dma_start3A_140] : memref<10240x128xf32, #tpu.memory_space<vmem_shared>> -> memref<80x128xf32, #tpu.memory_space<vmem_shared>>
      tpu.enqueue_dma source(%dma_start3A_141 : memref<80x128xf32, #tpu.memory_space<vmem_shared>>) target(%arg24 : memref<80x128xf32, #tpu.memory_space<vmem>>) target_semaphore(%run_scoped3A : memref<!tpu.dma_semaphore, #tpu.memory_space<semaphore_mem>>)
      %dma_wait3A_142 = arith.constant 0 : i32
      %dma_wait3A_143 = tpu.memref_slice %arg7[%add3A_125, %dma_wait3A_142] : memref<10240x128xf32, #tpu.memory_space<vmem_shared>> -> memref<80x128xf32, #tpu.memory_space<vmem_shared>>
      %dma_wait3A_144 = arith.constant 0 : i32
      %dma_wait3A_145 = tpu.memref_slice %arg7[%add3A_125, %dma_wait3A_144] : memref<10240x128xf32, #tpu.memory_space<vmem_shared>> -> memref<80x128xf32, #tpu.memory_space<vmem_shared>>
      tpu.wait_dma2 semaphore(%run_scoped3A : memref<!tpu.dma_semaphore, #tpu.memory_space<semaphore_mem>>) src(%dma_wait3A_145 : memref<80x128xf32, #tpu.memory_space<vmem_shared>>) dst(%arg24 : memref<80x128xf32, #tpu.memory_space<vmem>>)
      tpu.yield
    }) : () -> ()
    "tpu.region"() ({
      %run_scoped3A = tpu.sem_alloc : memref<!tpu.dma_semaphore, #tpu.memory_space<semaphore_mem>>
      %dma_start3A_138 = arith.constant 0 : i32
      %dma_start3A_139 = tpu.memref_slice %arg6[%arg0, %add3A_125, %dma_start3A_138] : memref<2x10240x128xf32, #tpu.memory_space<hbm>> -> memref<1x80x128xf32, #tpu.memory_space<hbm>>
      %dma_start3A_140 = tpu.memref_squeeze %dma_start3A_139 : memref<1x80x128xf32, #tpu.memory_space<hbm>> -> memref<80x128xf32, #tpu.memory_space<hbm>>
      %dma_start3A_141 = arith.constant 0 : i32
      %dma_start3A_142 = tpu.memref_slice %arg6[%arg0, %add3A_125, %dma_start3A_141] : memref<2x10240x128xf32, #tpu.memory_space<hbm>> -> memref<1x80x128xf32, #tpu.memory_space<hbm>>
      %dma_start3A_143 = tpu.memref_squeeze %dma_start3A_142 : memref<1x80x128xf32, #tpu.memory_space<hbm>> -> memref<80x128xf32, #tpu.memory_space<hbm>>
      tpu.enqueue_dma source(%arg24 : memref<80x128xf32, #tpu.memory_space<vmem>>) target(%dma_start3A_143 : memref<80x128xf32, #tpu.memory_space<hbm>>) target_semaphore(%run_scoped3A : memref<!tpu.dma_semaphore, #tpu.memory_space<semaphore_mem>>)
      %dma_wait3A_144 = arith.constant 0 : i32
      %dma_wait3A_145 = tpu.memref_slice %arg6[%arg0, %add3A_125, %dma_wait3A_144] : memref<2x10240x128xf32, #tpu.memory_space<hbm>> -> memref<1x80x128xf32, #tpu.memory_space<hbm>>
      %dma_wait3A_146 = tpu.memref_squeeze %dma_wait3A_145 : memref<1x80x128xf32, #tpu.memory_space<hbm>> -> memref<80x128xf32, #tpu.memory_space<hbm>>
      %dma_wait3A_147 = arith.constant 0 : i32
      %dma_wait3A_148 = tpu.memref_slice %arg6[%arg0, %add3A_125, %dma_wait3A_147] : memref<2x10240x128xf32, #tpu.memory_space<hbm>> -> memref<1x80x128xf32, #tpu.memory_space<hbm>>
      %dma_wait3A_149 = tpu.memref_squeeze %dma_wait3A_148 : memref<1x80x128xf32, #tpu.memory_space<hbm>> -> memref<80x128xf32, #tpu.memory_space<hbm>>
      tpu.wait_dma2 semaphore(%run_scoped3A : memref<!tpu.dma_semaphore, #tpu.memory_space<semaphore_mem>>) src(%arg24 : memref<80x128xf32, #tpu.memory_space<vmem>>) dst(%dma_wait3A_149 : memref<80x128xf32, #tpu.memory_space<hbm>>)
      tpu.yield
    }) : () -> ()
    %add3A_126 = arith.constant 160 : i32
    %add3A_127 = arith.addi %mul3A_0, %add3A_126 : i32
    "tpu.region"() ({
      %run_scoped3A = tpu.sem_alloc : memref<!tpu.dma_semaphore, #tpu.memory_space<semaphore_mem>>
      %dma_start3A_138 = arith.constant 0 : i32
      %dma_start3A_139 = tpu.memref_slice %arg7[%add3A_127, %dma_start3A_138] : memref<10240x128xf32, #tpu.memory_space<vmem_shared>> -> memref<80x128xf32, #tpu.memory_space<vmem_shared>>
      %dma_start3A_140 = arith.constant 0 : i32
      %dma_start3A_141 = tpu.memref_slice %arg7[%add3A_127, %dma_start3A_140] : memref<10240x128xf32, #tpu.memory_space<vmem_shared>> -> memref<80x128xf32, #tpu.memory_space<vmem_shared>>
      tpu.enqueue_dma source(%dma_start3A_141 : memref<80x128xf32, #tpu.memory_space<vmem_shared>>) target(%arg24 : memref<80x128xf32, #tpu.memory_space<vmem>>) target_semaphore(%run_scoped3A : memref<!tpu.dma_semaphore, #tpu.memory_space<semaphore_mem>>)
      %dma_wait3A_142 = arith.constant 0 : i32
      %dma_wait3A_143 = tpu.memref_slice %arg7[%add3A_127, %dma_wait3A_142] : memref<10240x128xf32, #tpu.memory_space<vmem_shared>> -> memref<80x128xf32, #tpu.memory_space<vmem_shared>>
      %dma_wait3A_144 = arith.constant 0 : i32
      %dma_wait3A_145 = tpu.memref_slice %arg7[%add3A_127, %dma_wait3A_144] : memref<10240x128xf32, #tpu.memory_space<vmem_shared>> -> memref<80x128xf32, #tpu.memory_space<vmem_shared>>
      tpu.wait_dma2 semaphore(%run_scoped3A : memref<!tpu.dma_semaphore, #tpu.memory_space<semaphore_mem>>) src(%dma_wait3A_145 : memref<80x128xf32, #tpu.memory_space<vmem_shared>>) dst(%arg24 : memref<80x128xf32, #tpu.memory_space<vmem>>)
      tpu.yield
    }) : () -> ()
    "tpu.region"() ({
      %run_scoped3A = tpu.sem_alloc : memref<!tpu.dma_semaphore, #tpu.memory_space<semaphore_mem>>
      %dma_start3A_138 = arith.constant 0 : i32
      %dma_start3A_139 = tpu.memref_slice %arg6[%arg0, %add3A_127, %dma_start3A_138] : memref<2x10240x128xf32, #tpu.memory_space<hbm>> -> memref<1x80x128xf32, #tpu.memory_space<hbm>>
      %dma_start3A_140 = tpu.memref_squeeze %dma_start3A_139 : memref<1x80x128xf32, #tpu.memory_space<hbm>> -> memref<80x128xf32, #tpu.memory_space<hbm>>
      %dma_start3A_141 = arith.constant 0 : i32
      %dma_start3A_142 = tpu.memref_slice %arg6[%arg0, %add3A_127, %dma_start3A_141] : memref<2x10240x128xf32, #tpu.memory_space<hbm>> -> memref<1x80x128xf32, #tpu.memory_space<hbm>>
      %dma_start3A_143 = tpu.memref_squeeze %dma_start3A_142 : memref<1x80x128xf32, #tpu.memory_space<hbm>> -> memref<80x128xf32, #tpu.memory_space<hbm>>
      tpu.enqueue_dma source(%arg24 : memref<80x128xf32, #tpu.memory_space<vmem>>) target(%dma_start3A_143 : memref<80x128xf32, #tpu.memory_space<hbm>>) target_semaphore(%run_scoped3A : memref<!tpu.dma_semaphore, #tpu.memory_space<semaphore_mem>>)
      %dma_wait3A_144 = arith.constant 0 : i32
      %dma_wait3A_145 = tpu.memref_slice %arg6[%arg0, %add3A_127, %dma_wait3A_144] : memref<2x10240x128xf32, #tpu.memory_space<hbm>> -> memref<1x80x128xf32, #tpu.memory_space<hbm>>
      %dma_wait3A_146 = tpu.memref_squeeze %dma_wait3A_145 : memref<1x80x128xf32, #tpu.memory_space<hbm>> -> memref<80x128xf32, #tpu.memory_space<hbm>>
      %dma_wait3A_147 = arith.constant 0 : i32
      %dma_wait3A_148 = tpu.memref_slice %arg6[%arg0, %add3A_127, %dma_wait3A_147] : memref<2x10240x128xf32, #tpu.memory_space<hbm>> -> memref<1x80x128xf32, #tpu.memory_space<hbm>>
      %dma_wait3A_149 = tpu.memref_squeeze %dma_wait3A_148 : memref<1x80x128xf32, #tpu.memory_space<hbm>> -> memref<80x128xf32, #tpu.memory_space<hbm>>
      tpu.wait_dma2 semaphore(%run_scoped3A : memref<!tpu.dma_semaphore, #tpu.memory_space<semaphore_mem>>) src(%arg24 : memref<80x128xf32, #tpu.memory_space<vmem>>) dst(%dma_wait3A_149 : memref<80x128xf32, #tpu.memory_space<hbm>>)
      tpu.yield
    }) : () -> ()
    %add3A_128 = arith.constant 240 : i32
    %add3A_129 = arith.addi %mul3A_0, %add3A_128 : i32
    "tpu.region"() ({
      %run_scoped3A = tpu.sem_alloc : memref<!tpu.dma_semaphore, #tpu.memory_space<semaphore_mem>>
      %dma_start3A_138 = arith.constant 0 : i32
      %dma_start3A_139 = tpu.memref_slice %arg7[%add3A_129, %dma_start3A_138] : memref<10240x128xf32, #tpu.memory_space<vmem_shared>> -> memref<80x128xf32, #tpu.memory_space<vmem_shared>>
      %dma_start3A_140 = arith.constant 0 : i32
      %dma_start3A_141 = tpu.memref_slice %arg7[%add3A_129, %dma_start3A_140] : memref<10240x128xf32, #tpu.memory_space<vmem_shared>> -> memref<80x128xf32, #tpu.memory_space<vmem_shared>>
      tpu.enqueue_dma source(%dma_start3A_141 : memref<80x128xf32, #tpu.memory_space<vmem_shared>>) target(%arg24 : memref<80x128xf32, #tpu.memory_space<vmem>>) target_semaphore(%run_scoped3A : memref<!tpu.dma_semaphore, #tpu.memory_space<semaphore_mem>>)
      %dma_wait3A_142 = arith.constant 0 : i32
      %dma_wait3A_143 = tpu.memref_slice %arg7[%add3A_129, %dma_wait3A_142] : memref<10240x128xf32, #tpu.memory_space<vmem_shared>> -> memref<80x128xf32, #tpu.memory_space<vmem_shared>>
      %dma_wait3A_144 = arith.constant 0 : i32
      %dma_wait3A_145 = tpu.memref_slice %arg7[%add3A_129, %dma_wait3A_144] : memref<10240x128xf32, #tpu.memory_space<vmem_shared>> -> memref<80x128xf32, #tpu.memory_space<vmem_shared>>
      tpu.wait_dma2 semaphore(%run_scoped3A : memref<!tpu.dma_semaphore, #tpu.memory_space<semaphore_mem>>) src(%dma_wait3A_145 : memref<80x128xf32, #tpu.memory_space<vmem_shared>>) dst(%arg24 : memref<80x128xf32, #tpu.memory_space<vmem>>)
      tpu.yield
    }) : () -> ()
    "tpu.region"() ({
      %run_scoped3A = tpu.sem_alloc : memref<!tpu.dma_semaphore, #tpu.memory_space<semaphore_mem>>
      %dma_start3A_138 = arith.constant 0 : i32
      %dma_start3A_139 = tpu.memref_slice %arg6[%arg0, %add3A_129, %dma_start3A_138] : memref<2x10240x128xf32, #tpu.memory_space<hbm>> -> memref<1x80x128xf32, #tpu.memory_space<hbm>>
      %dma_start3A_140 = tpu.memref_squeeze %dma_start3A_139 : memref<1x80x128xf32, #tpu.memory_space<hbm>> -> memref<80x128xf32, #tpu.memory_space<hbm>>
      %dma_start3A_141 = arith.constant 0 : i32
      %dma_start3A_142 = tpu.memref_slice %arg6[%arg0, %add3A_129, %dma_start3A_141] : memref<2x10240x128xf32, #tpu.memory_space<hbm>> -> memref<1x80x128xf32, #tpu.memory_space<hbm>>
      %dma_start3A_143 = tpu.memref_squeeze %dma_start3A_142 : memref<1x80x128xf32, #tpu.memory_space<hbm>> -> memref<80x128xf32, #tpu.memory_space<hbm>>
      tpu.enqueue_dma source(%arg24 : memref<80x128xf32, #tpu.memory_space<vmem>>) target(%dma_start3A_143 : memref<80x128xf32, #tpu.memory_space<hbm>>) target_semaphore(%run_scoped3A : memref<!tpu.dma_semaphore, #tpu.memory_space<semaphore_mem>>)
      %dma_wait3A_144 = arith.constant 0 : i32
      %dma_wait3A_145 = tpu.memref_slice %arg6[%arg0, %add3A_129, %dma_wait3A_144] : memref<2x10240x128xf32, #tpu.memory_space<hbm>> -> memref<1x80x128xf32, #tpu.memory_space<hbm>>
      %dma_wait3A_146 = tpu.memref_squeeze %dma_wait3A_145 : memref<1x80x128xf32, #tpu.memory_space<hbm>> -> memref<80x128xf32, #tpu.memory_space<hbm>>
      %dma_wait3A_147 = arith.constant 0 : i32
      %dma_wait3A_148 = tpu.memref_slice %arg6[%arg0, %add3A_129, %dma_wait3A_147] : memref<2x10240x128xf32, #tpu.memory_space<hbm>> -> memref<1x80x128xf32, #tpu.memory_space<hbm>>
      %dma_wait3A_149 = tpu.memref_squeeze %dma_wait3A_148 : memref<1x80x128xf32, #tpu.memory_space<hbm>> -> memref<80x128xf32, #tpu.memory_space<hbm>>
      tpu.wait_dma2 semaphore(%run_scoped3A : memref<!tpu.dma_semaphore, #tpu.memory_space<semaphore_mem>>) src(%arg24 : memref<80x128xf32, #tpu.memory_space<vmem>>) dst(%dma_wait3A_149 : memref<80x128xf32, #tpu.memory_space<hbm>>)
      tpu.yield
    }) : () -> ()
    %add3A_130 = arith.constant 320 : i32
    %add3A_131 = arith.addi %mul3A_0, %add3A_130 : i32
    "tpu.region"() ({
      %run_scoped3A = tpu.sem_alloc : memref<!tpu.dma_semaphore, #tpu.memory_space<semaphore_mem>>
      %dma_start3A_138 = arith.constant 0 : i32
      %dma_start3A_139 = tpu.memref_slice %arg7[%add3A_131, %dma_start3A_138] : memref<10240x128xf32, #tpu.memory_space<vmem_shared>> -> memref<80x128xf32, #tpu.memory_space<vmem_shared>>
      %dma_start3A_140 = arith.constant 0 : i32
      %dma_start3A_141 = tpu.memref_slice %arg7[%add3A_131, %dma_start3A_140] : memref<10240x128xf32, #tpu.memory_space<vmem_shared>> -> memref<80x128xf32, #tpu.memory_space<vmem_shared>>
      tpu.enqueue_dma source(%dma_start3A_141 : memref<80x128xf32, #tpu.memory_space<vmem_shared>>) target(%arg24 : memref<80x128xf32, #tpu.memory_space<vmem>>) target_semaphore(%run_scoped3A : memref<!tpu.dma_semaphore, #tpu.memory_space<semaphore_mem>>)
      %dma_wait3A_142 = arith.constant 0 : i32
      %dma_wait3A_143 = tpu.memref_slice %arg7[%add3A_131, %dma_wait3A_142] : memref<10240x128xf32, #tpu.memory_space<vmem_shared>> -> memref<80x128xf32, #tpu.memory_space<vmem_shared>>
      %dma_wait3A_144 = arith.constant 0 : i32
      %dma_wait3A_145 = tpu.memref_slice %arg7[%add3A_131, %dma_wait3A_144] : memref<10240x128xf32, #tpu.memory_space<vmem_shared>> -> memref<80x128xf32, #tpu.memory_space<vmem_shared>>
      tpu.wait_dma2 semaphore(%run_scoped3A : memref<!tpu.dma_semaphore, #tpu.memory_space<semaphore_mem>>) src(%dma_wait3A_145 : memref<80x128xf32, #tpu.memory_space<vmem_shared>>) dst(%arg24 : memref<80x128xf32, #tpu.memory_space<vmem>>)
      tpu.yield
    }) : () -> ()
    "tpu.region"() ({
      %run_scoped3A = tpu.sem_alloc : memref<!tpu.dma_semaphore, #tpu.memory_space<semaphore_mem>>
      %dma_start3A_138 = arith.constant 0 : i32
      %dma_start3A_139 = tpu.memref_slice %arg6[%arg0, %add3A_131, %dma_start3A_138] : memref<2x10240x128xf32, #tpu.memory_space<hbm>> -> memref<1x80x128xf32, #tpu.memory_space<hbm>>
      %dma_start3A_140 = tpu.memref_squeeze %dma_start3A_139 : memref<1x80x128xf32, #tpu.memory_space<hbm>> -> memref<80x128xf32, #tpu.memory_space<hbm>>
      %dma_start3A_141 = arith.constant 0 : i32
      %dma_start3A_142 = tpu.memref_slice %arg6[%arg0, %add3A_131, %dma_start3A_141] : memref<2x10240x128xf32, #tpu.memory_space<hbm>> -> memref<1x80x128xf32, #tpu.memory_space<hbm>>
      %dma_start3A_143 = tpu.memref_squeeze %dma_start3A_142 : memref<1x80x128xf32, #tpu.memory_space<hbm>> -> memref<80x128xf32, #tpu.memory_space<hbm>>
      tpu.enqueue_dma source(%arg24 : memref<80x128xf32, #tpu.memory_space<vmem>>) target(%dma_start3A_143 : memref<80x128xf32, #tpu.memory_space<hbm>>) target_semaphore(%run_scoped3A : memref<!tpu.dma_semaphore, #tpu.memory_space<semaphore_mem>>)
      %dma_wait3A_144 = arith.constant 0 : i32
      %dma_wait3A_145 = tpu.memref_slice %arg6[%arg0, %add3A_131, %dma_wait3A_144] : memref<2x10240x128xf32, #tpu.memory_space<hbm>> -> memref<1x80x128xf32, #tpu.memory_space<hbm>>
      %dma_wait3A_146 = tpu.memref_squeeze %dma_wait3A_145 : memref<1x80x128xf32, #tpu.memory_space<hbm>> -> memref<80x128xf32, #tpu.memory_space<hbm>>
      %dma_wait3A_147 = arith.constant 0 : i32
      %dma_wait3A_148 = tpu.memref_slice %arg6[%arg0, %add3A_131, %dma_wait3A_147] : memref<2x10240x128xf32, #tpu.memory_space<hbm>> -> memref<1x80x128xf32, #tpu.memory_space<hbm>>
      %dma_wait3A_149 = tpu.memref_squeeze %dma_wait3A_148 : memref<1x80x128xf32, #tpu.memory_space<hbm>> -> memref<80x128xf32, #tpu.memory_space<hbm>>
      tpu.wait_dma2 semaphore(%run_scoped3A : memref<!tpu.dma_semaphore, #tpu.memory_space<semaphore_mem>>) src(%arg24 : memref<80x128xf32, #tpu.memory_space<vmem>>) dst(%dma_wait3A_149 : memref<80x128xf32, #tpu.memory_space<hbm>>)
      tpu.yield
    }) : () -> ()
    %add3A_132 = arith.constant 400 : i32
    %add3A_133 = arith.addi %mul3A_0, %add3A_132 : i32
    "tpu.region"() ({
      %run_scoped3A = tpu.sem_alloc : memref<!tpu.dma_semaphore, #tpu.memory_space<semaphore_mem>>
      %dma_start3A_138 = arith.constant 0 : i32
      %dma_start3A_139 = tpu.memref_slice %arg7[%add3A_133, %dma_start3A_138] : memref<10240x128xf32, #tpu.memory_space<vmem_shared>> -> memref<80x128xf32, #tpu.memory_space<vmem_shared>>
      %dma_start3A_140 = arith.constant 0 : i32
      %dma_start3A_141 = tpu.memref_slice %arg7[%add3A_133, %dma_start3A_140] : memref<10240x128xf32, #tpu.memory_space<vmem_shared>> -> memref<80x128xf32, #tpu.memory_space<vmem_shared>>
      tpu.enqueue_dma source(%dma_start3A_141 : memref<80x128xf32, #tpu.memory_space<vmem_shared>>) target(%arg24 : memref<80x128xf32, #tpu.memory_space<vmem>>) target_semaphore(%run_scoped3A : memref<!tpu.dma_semaphore, #tpu.memory_space<semaphore_mem>>)
      %dma_wait3A_142 = arith.constant 0 : i32
      %dma_wait3A_143 = tpu.memref_slice %arg7[%add3A_133, %dma_wait3A_142] : memref<10240x128xf32, #tpu.memory_space<vmem_shared>> -> memref<80x128xf32, #tpu.memory_space<vmem_shared>>
      %dma_wait3A_144 = arith.constant 0 : i32
      %dma_wait3A_145 = tpu.memref_slice %arg7[%add3A_133, %dma_wait3A_144] : memref<10240x128xf32, #tpu.memory_space<vmem_shared>> -> memref<80x128xf32, #tpu.memory_space<vmem_shared>>
      tpu.wait_dma2 semaphore(%run_scoped3A : memref<!tpu.dma_semaphore, #tpu.memory_space<semaphore_mem>>) src(%dma_wait3A_145 : memref<80x128xf32, #tpu.memory_space<vmem_shared>>) dst(%arg24 : memref<80x128xf32, #tpu.memory_space<vmem>>)
      tpu.yield
    }) : () -> ()
    "tpu.region"() ({
      %run_scoped3A = tpu.sem_alloc : memref<!tpu.dma_semaphore, #tpu.memory_space<semaphore_mem>>
      %dma_start3A_138 = arith.constant 0 : i32
      %dma_start3A_139 = tpu.memref_slice %arg6[%arg0, %add3A_133, %dma_start3A_138] : memref<2x10240x128xf32, #tpu.memory_space<hbm>> -> memref<1x80x128xf32, #tpu.memory_space<hbm>>
      %dma_start3A_140 = tpu.memref_squeeze %dma_start3A_139 : memref<1x80x128xf32, #tpu.memory_space<hbm>> -> memref<80x128xf32, #tpu.memory_space<hbm>>
      %dma_start3A_141 = arith.constant 0 : i32
      %dma_start3A_142 = tpu.memref_slice %arg6[%arg0, %add3A_133, %dma_start3A_141] : memref<2x10240x128xf32, #tpu.memory_space<hbm>> -> memref<1x80x128xf32, #tpu.memory_space<hbm>>
      %dma_start3A_143 = tpu.memref_squeeze %dma_start3A_142 : memref<1x80x128xf32, #tpu.memory_space<hbm>> -> memref<80x128xf32, #tpu.memory_space<hbm>>
      tpu.enqueue_dma source(%arg24 : memref<80x128xf32, #tpu.memory_space<vmem>>) target(%dma_start3A_143 : memref<80x128xf32, #tpu.memory_space<hbm>>) target_semaphore(%run_scoped3A : memref<!tpu.dma_semaphore, #tpu.memory_space<semaphore_mem>>)
      %dma_wait3A_144 = arith.constant 0 : i32
      %dma_wait3A_145 = tpu.memref_slice %arg6[%arg0, %add3A_133, %dma_wait3A_144] : memref<2x10240x128xf32, #tpu.memory_space<hbm>> -> memref<1x80x128xf32, #tpu.memory_space<hbm>>
      %dma_wait3A_146 = tpu.memref_squeeze %dma_wait3A_145 : memref<1x80x128xf32, #tpu.memory_space<hbm>> -> memref<80x128xf32, #tpu.memory_space<hbm>>
      %dma_wait3A_147 = arith.constant 0 : i32
      %dma_wait3A_148 = tpu.memref_slice %arg6[%arg0, %add3A_133, %dma_wait3A_147] : memref<2x10240x128xf32, #tpu.memory_space<hbm>> -> memref<1x80x128xf32, #tpu.memory_space<hbm>>
      %dma_wait3A_149 = tpu.memref_squeeze %dma_wait3A_148 : memref<1x80x128xf32, #tpu.memory_space<hbm>> -> memref<80x128xf32, #tpu.memory_space<hbm>>
      tpu.wait_dma2 semaphore(%run_scoped3A : memref<!tpu.dma_semaphore, #tpu.memory_space<semaphore_mem>>) src(%arg24 : memref<80x128xf32, #tpu.memory_space<vmem>>) dst(%dma_wait3A_149 : memref<80x128xf32, #tpu.memory_space<hbm>>)
      tpu.yield
    }) : () -> ()
    %add3A_134 = arith.constant 480 : i32
    %add3A_135 = arith.addi %mul3A_0, %add3A_134 : i32
    "tpu.region"() ({
      %run_scoped3A = tpu.sem_alloc : memref<!tpu.dma_semaphore, #tpu.memory_space<semaphore_mem>>
      %dma_start3A_138 = arith.constant 0 : i32
      %dma_start3A_139 = tpu.memref_slice %arg7[%add3A_135, %dma_start3A_138] : memref<10240x128xf32, #tpu.memory_space<vmem_shared>> -> memref<80x128xf32, #tpu.memory_space<vmem_shared>>
      %dma_start3A_140 = arith.constant 0 : i32
      %dma_start3A_141 = tpu.memref_slice %arg7[%add3A_135, %dma_start3A_140] : memref<10240x128xf32, #tpu.memory_space<vmem_shared>> -> memref<80x128xf32, #tpu.memory_space<vmem_shared>>
      tpu.enqueue_dma source(%dma_start3A_141 : memref<80x128xf32, #tpu.memory_space<vmem_shared>>) target(%arg24 : memref<80x128xf32, #tpu.memory_space<vmem>>) target_semaphore(%run_scoped3A : memref<!tpu.dma_semaphore, #tpu.memory_space<semaphore_mem>>)
      %dma_wait3A_142 = arith.constant 0 : i32
      %dma_wait3A_143 = tpu.memref_slice %arg7[%add3A_135, %dma_wait3A_142] : memref<10240x128xf32, #tpu.memory_space<vmem_shared>> -> memref<80x128xf32, #tpu.memory_space<vmem_shared>>
      %dma_wait3A_144 = arith.constant 0 : i32
      %dma_wait3A_145 = tpu.memref_slice %arg7[%add3A_135, %dma_wait3A_144] : memref<10240x128xf32, #tpu.memory_space<vmem_shared>> -> memref<80x128xf32, #tpu.memory_space<vmem_shared>>
      tpu.wait_dma2 semaphore(%run_scoped3A : memref<!tpu.dma_semaphore, #tpu.memory_space<semaphore_mem>>) src(%dma_wait3A_145 : memref<80x128xf32, #tpu.memory_space<vmem_shared>>) dst(%arg24 : memref<80x128xf32, #tpu.memory_space<vmem>>)
      tpu.yield
    }) : () -> ()
    "tpu.region"() ({
      %run_scoped3A = tpu.sem_alloc : memref<!tpu.dma_semaphore, #tpu.memory_space<semaphore_mem>>
      %dma_start3A_138 = arith.constant 0 : i32
      %dma_start3A_139 = tpu.memref_slice %arg6[%arg0, %add3A_135, %dma_start3A_138] : memref<2x10240x128xf32, #tpu.memory_space<hbm>> -> memref<1x80x128xf32, #tpu.memory_space<hbm>>
      %dma_start3A_140 = tpu.memref_squeeze %dma_start3A_139 : memref<1x80x128xf32, #tpu.memory_space<hbm>> -> memref<80x128xf32, #tpu.memory_space<hbm>>
      %dma_start3A_141 = arith.constant 0 : i32
      %dma_start3A_142 = tpu.memref_slice %arg6[%arg0, %add3A_135, %dma_start3A_141] : memref<2x10240x128xf32, #tpu.memory_space<hbm>> -> memref<1x80x128xf32, #tpu.memory_space<hbm>>
      %dma_start3A_143 = tpu.memref_squeeze %dma_start3A_142 : memref<1x80x128xf32, #tpu.memory_space<hbm>> -> memref<80x128xf32, #tpu.memory_space<hbm>>
      tpu.enqueue_dma source(%arg24 : memref<80x128xf32, #tpu.memory_space<vmem>>) target(%dma_start3A_143 : memref<80x128xf32, #tpu.memory_space<hbm>>) target_semaphore(%run_scoped3A : memref<!tpu.dma_semaphore, #tpu.memory_space<semaphore_mem>>)
      %dma_wait3A_144 = arith.constant 0 : i32
      %dma_wait3A_145 = tpu.memref_slice %arg6[%arg0, %add3A_135, %dma_wait3A_144] : memref<2x10240x128xf32, #tpu.memory_space<hbm>> -> memref<1x80x128xf32, #tpu.memory_space<hbm>>
      %dma_wait3A_146 = tpu.memref_squeeze %dma_wait3A_145 : memref<1x80x128xf32, #tpu.memory_space<hbm>> -> memref<80x128xf32, #tpu.memory_space<hbm>>
      %dma_wait3A_147 = arith.constant 0 : i32
      %dma_wait3A_148 = tpu.memref_slice %arg6[%arg0, %add3A_135, %dma_wait3A_147] : memref<2x10240x128xf32, #tpu.memory_space<hbm>> -> memref<1x80x128xf32, #tpu.memory_space<hbm>>
      %dma_wait3A_149 = tpu.memref_squeeze %dma_wait3A_148 : memref<1x80x128xf32, #tpu.memory_space<hbm>> -> memref<80x128xf32, #tpu.memory_space<hbm>>
      tpu.wait_dma2 semaphore(%run_scoped3A : memref<!tpu.dma_semaphore, #tpu.memory_space<semaphore_mem>>) src(%arg24 : memref<80x128xf32, #tpu.memory_space<vmem>>) dst(%dma_wait3A_149 : memref<80x128xf32, #tpu.memory_space<hbm>>)
      tpu.yield
    }) : () -> ()
    %add3A_136 = arith.constant 560 : i32
    %add3A_137 = arith.addi %mul3A_0, %add3A_136 : i32
    "tpu.region"() ({
      %run_scoped3A = tpu.sem_alloc : memref<!tpu.dma_semaphore, #tpu.memory_space<semaphore_mem>>
      %dma_start3A_138 = arith.constant 0 : i32
      %dma_start3A_139 = tpu.memref_slice %arg7[%add3A_137, %dma_start3A_138] : memref<10240x128xf32, #tpu.memory_space<vmem_shared>> -> memref<80x128xf32, #tpu.memory_space<vmem_shared>>
      %dma_start3A_140 = arith.constant 0 : i32
      %dma_start3A_141 = tpu.memref_slice %arg7[%add3A_137, %dma_start3A_140] : memref<10240x128xf32, #tpu.memory_space<vmem_shared>> -> memref<80x128xf32, #tpu.memory_space<vmem_shared>>
      tpu.enqueue_dma source(%dma_start3A_141 : memref<80x128xf32, #tpu.memory_space<vmem_shared>>) target(%arg24 : memref<80x128xf32, #tpu.memory_space<vmem>>) target_semaphore(%run_scoped3A : memref<!tpu.dma_semaphore, #tpu.memory_space<semaphore_mem>>)
      %dma_wait3A_142 = arith.constant 0 : i32
      %dma_wait3A_143 = tpu.memref_slice %arg7[%add3A_137, %dma_wait3A_142] : memref<10240x128xf32, #tpu.memory_space<vmem_shared>> -> memref<80x128xf32, #tpu.memory_space<vmem_shared>>
      %dma_wait3A_144 = arith.constant 0 : i32
      %dma_wait3A_145 = tpu.memref_slice %arg7[%add3A_137, %dma_wait3A_144] : memref<10240x128xf32, #tpu.memory_space<vmem_shared>> -> memref<80x128xf32, #tpu.memory_space<vmem_shared>>
      tpu.wait_dma2 semaphore(%run_scoped3A : memref<!tpu.dma_semaphore, #tpu.memory_space<semaphore_mem>>) src(%dma_wait3A_145 : memref<80x128xf32, #tpu.memory_space<vmem_shared>>) dst(%arg24 : memref<80x128xf32, #tpu.memory_space<vmem>>)
      tpu.yield
    }) : () -> ()
    "tpu.region"() ({
      %run_scoped3A = tpu.sem_alloc : memref<!tpu.dma_semaphore, #tpu.memory_space<semaphore_mem>>
      %dma_start3A_138 = arith.constant 0 : i32
      %dma_start3A_139 = tpu.memref_slice %arg6[%arg0, %add3A_137, %dma_start3A_138] : memref<2x10240x128xf32, #tpu.memory_space<hbm>> -> memref<1x80x128xf32, #tpu.memory_space<hbm>>
      %dma_start3A_140 = tpu.memref_squeeze %dma_start3A_139 : memref<1x80x128xf32, #tpu.memory_space<hbm>> -> memref<80x128xf32, #tpu.memory_space<hbm>>
      %dma_start3A_141 = arith.constant 0 : i32
      %dma_start3A_142 = tpu.memref_slice %arg6[%arg0, %add3A_137, %dma_start3A_141] : memref<2x10240x128xf32, #tpu.memory_space<hbm>> -> memref<1x80x128xf32, #tpu.memory_space<hbm>>
      %dma_start3A_143 = tpu.memref_squeeze %dma_start3A_142 : memref<1x80x128xf32, #tpu.memory_space<hbm>> -> memref<80x128xf32, #tpu.memory_space<hbm>>
      tpu.enqueue_dma source(%arg24 : memref<80x128xf32, #tpu.memory_space<vmem>>) target(%dma_start3A_143 : memref<80x128xf32, #tpu.memory_space<hbm>>) target_semaphore(%run_scoped3A : memref<!tpu.dma_semaphore, #tpu.memory_space<semaphore_mem>>)
      %dma_wait3A_144 = arith.constant 0 : i32
      %dma_wait3A_145 = tpu.memref_slice %arg6[%arg0, %add3A_137, %dma_wait3A_144] : memref<2x10240x128xf32, #tpu.memory_space<hbm>> -> memref<1x80x128xf32, #tpu.memory_space<hbm>>
      %dma_wait3A_146 = tpu.memref_squeeze %dma_wait3A_145 : memref<1x80x128xf32, #tpu.memory_space<hbm>> -> memref<80x128xf32, #tpu.memory_space<hbm>>
      %dma_wait3A_147 = arith.constant 0 : i32
      %dma_wait3A_148 = tpu.memref_slice %arg6[%arg0, %add3A_137, %dma_wait3A_147] : memref<2x10240x128xf32, #tpu.memory_space<hbm>> -> memref<1x80x128xf32, #tpu.memory_space<hbm>>
      %dma_wait3A_149 = tpu.memref_squeeze %dma_wait3A_148 : memref<1x80x128xf32, #tpu.memory_space<hbm>> -> memref<80x128xf32, #tpu.memory_space<hbm>>
      tpu.wait_dma2 semaphore(%run_scoped3A : memref<!tpu.dma_semaphore, #tpu.memory_space<semaphore_mem>>) src(%arg24 : memref<80x128xf32, #tpu.memory_space<vmem>>) dst(%dma_wait3A_149 : memref<80x128xf32, #tpu.memory_space<hbm>>)
      tpu.yield
    }) : () -> ()
    return
  }
}

#map = affine_map<(d0, d1) -> (0)>
#map1 = affine_map<(d0, d1) -> (0, 0)>
#map2 = affine_map<(d0, d1) -> (0, 0, 0)>
module attributes {stable_mosaic.version = 14 : i64} {
  func.func @_sc_deg_body(%arg0: i32, %arg1: i32, %arg2: memref<320256xi32, #tpu.memory_space<hbm>>, %arg3: memref<80x128xf32, #tpu.memory_space<hbm>>, %arg4: memref<80x128xf32, #tpu.memory_space<hbm>>, %arg5: memref<2x10240x128xf32, #tpu.memory_space<hbm>>, %arg6: memref<10240x128xf32, #tpu.memory_space<vmem_shared>>, %arg7: memref<80xi32, #tpu.memory_space<vmem>>, %arg8: memref<80xi32, #tpu.memory_space<vmem>>, %arg9: memref<80x128xf32, #tpu.memory_space<vmem>>, %arg10: memref<80x128xf32, #tpu.memory_space<vmem>>, %arg11: memref<!tpu.dma_semaphore, #tpu.memory_space<semaphore_mem>>, %arg12: memref<!tpu.dma_semaphore, #tpu.memory_space<semaphore_mem>>) attributes {dimension_semantics = [#tpu.dimension_semantics<core_parallel>, #tpu.dimension_semantics<subcore_parallel>], iteration_bounds = array<i64: 2, 16>, scalar_prefetch = 0 : i64, scratch_operands = 7 : i64, tpu.core_type = #tpu.core_type<sc_vector_subcore>, window_params = [{transform_indices = #map}, {transform_indices = #map1}, {transform_indices = #map1}, {transform_indices = #map2}]} {
    %mul3A = arith.constant 640 : i32
    %mul3A_0 = arith.muli %arg1, %mul3A : i32
    "tpu.region"() ({
      %run_scoped3A = tpu.sem_alloc : memref<!tpu.dma_semaphore, #tpu.memory_space<semaphore_mem>>
      tpu.enqueue_dma source(%arg3 : memref<80x128xf32, #tpu.memory_space<hbm>>) target(%arg9 : memref<80x128xf32, #tpu.memory_space<vmem>>) target_semaphore(%run_scoped3A : memref<!tpu.dma_semaphore, #tpu.memory_space<semaphore_mem>>)
      tpu.wait_dma2 semaphore(%run_scoped3A : memref<!tpu.dma_semaphore, #tpu.memory_space<semaphore_mem>>) src(%arg3 : memref<80x128xf32, #tpu.memory_space<hbm>>) dst(%arg9 : memref<80x128xf32, #tpu.memory_space<vmem>>)
      tpu.yield
    }) : () -> ()
    %add3A = arith.constant 0 : i32
    %add3A_1 = arith.addi %mul3A_0, %add3A : i32
    "tpu.region"() ({
      %run_scoped3A = tpu.sem_alloc : memref<!tpu.dma_semaphore, #tpu.memory_space<semaphore_mem>>
      %dma_start3A_60 = arith.constant 0 : i32
      %dma_start3A_61 = tpu.memref_slice %arg6[%add3A_1, %dma_start3A_60] : memref<10240x128xf32, #tpu.memory_space<vmem_shared>> -> memref<80x128xf32, #tpu.memory_space<vmem_shared>>
      %dma_start3A_62 = arith.constant 0 : i32
      %dma_start3A_63 = tpu.memref_slice %arg6[%add3A_1, %dma_start3A_62] : memref<10240x128xf32, #tpu.memory_space<vmem_shared>> -> memref<80x128xf32, #tpu.memory_space<vmem_shared>>
      tpu.enqueue_dma source(%arg9 : memref<80x128xf32, #tpu.memory_space<vmem>>) target(%dma_start3A_63 : memref<80x128xf32, #tpu.memory_space<vmem_shared>>) target_semaphore(%run_scoped3A : memref<!tpu.dma_semaphore, #tpu.memory_space<semaphore_mem>>)
      %dma_wait3A_64 = arith.constant 0 : i32
      %dma_wait3A_65 = tpu.memref_slice %arg6[%add3A_1, %dma_wait3A_64] : memref<10240x128xf32, #tpu.memory_space<vmem_shared>> -> memref<80x128xf32, #tpu.memory_space<vmem_shared>>
      %dma_wait3A_66 = arith.constant 0 : i32
      %dma_wait3A_67 = tpu.memref_slice %arg6[%add3A_1, %dma_wait3A_66] : memref<10240x128xf32, #tpu.memory_space<vmem_shared>> -> memref<80x128xf32, #tpu.memory_space<vmem_shared>>
      tpu.wait_dma2 semaphore(%run_scoped3A : memref<!tpu.dma_semaphore, #tpu.memory_space<semaphore_mem>>) src(%arg9 : memref<80x128xf32, #tpu.memory_space<vmem>>) dst(%dma_wait3A_67 : memref<80x128xf32, #tpu.memory_space<vmem_shared>>)
      tpu.yield
    }) : () -> ()
    %add3A_2 = arith.constant 80 : i32
    %add3A_3 = arith.addi %mul3A_0, %add3A_2 : i32
    "tpu.region"() ({
      %run_scoped3A = tpu.sem_alloc : memref<!tpu.dma_semaphore, #tpu.memory_space<semaphore_mem>>
      %dma_start3A_60 = arith.constant 0 : i32
      %dma_start3A_61 = tpu.memref_slice %arg6[%add3A_3, %dma_start3A_60] : memref<10240x128xf32, #tpu.memory_space<vmem_shared>> -> memref<80x128xf32, #tpu.memory_space<vmem_shared>>
      %dma_start3A_62 = arith.constant 0 : i32
      %dma_start3A_63 = tpu.memref_slice %arg6[%add3A_3, %dma_start3A_62] : memref<10240x128xf32, #tpu.memory_space<vmem_shared>> -> memref<80x128xf32, #tpu.memory_space<vmem_shared>>
      tpu.enqueue_dma source(%arg9 : memref<80x128xf32, #tpu.memory_space<vmem>>) target(%dma_start3A_63 : memref<80x128xf32, #tpu.memory_space<vmem_shared>>) target_semaphore(%run_scoped3A : memref<!tpu.dma_semaphore, #tpu.memory_space<semaphore_mem>>)
      %dma_wait3A_64 = arith.constant 0 : i32
      %dma_wait3A_65 = tpu.memref_slice %arg6[%add3A_3, %dma_wait3A_64] : memref<10240x128xf32, #tpu.memory_space<vmem_shared>> -> memref<80x128xf32, #tpu.memory_space<vmem_shared>>
      %dma_wait3A_66 = arith.constant 0 : i32
      %dma_wait3A_67 = tpu.memref_slice %arg6[%add3A_3, %dma_wait3A_66] : memref<10240x128xf32, #tpu.memory_space<vmem_shared>> -> memref<80x128xf32, #tpu.memory_space<vmem_shared>>
      tpu.wait_dma2 semaphore(%run_scoped3A : memref<!tpu.dma_semaphore, #tpu.memory_space<semaphore_mem>>) src(%arg9 : memref<80x128xf32, #tpu.memory_space<vmem>>) dst(%dma_wait3A_67 : memref<80x128xf32, #tpu.memory_space<vmem_shared>>)
      tpu.yield
    }) : () -> ()
    %add3A_4 = arith.constant 160 : i32
    %add3A_5 = arith.addi %mul3A_0, %add3A_4 : i32
    "tpu.region"() ({
      %run_scoped3A = tpu.sem_alloc : memref<!tpu.dma_semaphore, #tpu.memory_space<semaphore_mem>>
      %dma_start3A_60 = arith.constant 0 : i32
      %dma_start3A_61 = tpu.memref_slice %arg6[%add3A_5, %dma_start3A_60] : memref<10240x128xf32, #tpu.memory_space<vmem_shared>> -> memref<80x128xf32, #tpu.memory_space<vmem_shared>>
      %dma_start3A_62 = arith.constant 0 : i32
      %dma_start3A_63 = tpu.memref_slice %arg6[%add3A_5, %dma_start3A_62] : memref<10240x128xf32, #tpu.memory_space<vmem_shared>> -> memref<80x128xf32, #tpu.memory_space<vmem_shared>>
      tpu.enqueue_dma source(%arg9 : memref<80x128xf32, #tpu.memory_space<vmem>>) target(%dma_start3A_63 : memref<80x128xf32, #tpu.memory_space<vmem_shared>>) target_semaphore(%run_scoped3A : memref<!tpu.dma_semaphore, #tpu.memory_space<semaphore_mem>>)
      %dma_wait3A_64 = arith.constant 0 : i32
      %dma_wait3A_65 = tpu.memref_slice %arg6[%add3A_5, %dma_wait3A_64] : memref<10240x128xf32, #tpu.memory_space<vmem_shared>> -> memref<80x128xf32, #tpu.memory_space<vmem_shared>>
      %dma_wait3A_66 = arith.constant 0 : i32
      %dma_wait3A_67 = tpu.memref_slice %arg6[%add3A_5, %dma_wait3A_66] : memref<10240x128xf32, #tpu.memory_space<vmem_shared>> -> memref<80x128xf32, #tpu.memory_space<vmem_shared>>
      tpu.wait_dma2 semaphore(%run_scoped3A : memref<!tpu.dma_semaphore, #tpu.memory_space<semaphore_mem>>) src(%arg9 : memref<80x128xf32, #tpu.memory_space<vmem>>) dst(%dma_wait3A_67 : memref<80x128xf32, #tpu.memory_space<vmem_shared>>)
      tpu.yield
    }) : () -> ()
    %add3A_6 = arith.constant 240 : i32
    %add3A_7 = arith.addi %mul3A_0, %add3A_6 : i32
    "tpu.region"() ({
      %run_scoped3A = tpu.sem_alloc : memref<!tpu.dma_semaphore, #tpu.memory_space<semaphore_mem>>
      %dma_start3A_60 = arith.constant 0 : i32
      %dma_start3A_61 = tpu.memref_slice %arg6[%add3A_7, %dma_start3A_60] : memref<10240x128xf32, #tpu.memory_space<vmem_shared>> -> memref<80x128xf32, #tpu.memory_space<vmem_shared>>
      %dma_start3A_62 = arith.constant 0 : i32
      %dma_start3A_63 = tpu.memref_slice %arg6[%add3A_7, %dma_start3A_62] : memref<10240x128xf32, #tpu.memory_space<vmem_shared>> -> memref<80x128xf32, #tpu.memory_space<vmem_shared>>
      tpu.enqueue_dma source(%arg9 : memref<80x128xf32, #tpu.memory_space<vmem>>) target(%dma_start3A_63 : memref<80x128xf32, #tpu.memory_space<vmem_shared>>) target_semaphore(%run_scoped3A : memref<!tpu.dma_semaphore, #tpu.memory_space<semaphore_mem>>)
      %dma_wait3A_64 = arith.constant 0 : i32
      %dma_wait3A_65 = tpu.memref_slice %arg6[%add3A_7, %dma_wait3A_64] : memref<10240x128xf32, #tpu.memory_space<vmem_shared>> -> memref<80x128xf32, #tpu.memory_space<vmem_shared>>
      %dma_wait3A_66 = arith.constant 0 : i32
      %dma_wait3A_67 = tpu.memref_slice %arg6[%add3A_7, %dma_wait3A_66] : memref<10240x128xf32, #tpu.memory_space<vmem_shared>> -> memref<80x128xf32, #tpu.memory_space<vmem_shared>>
      tpu.wait_dma2 semaphore(%run_scoped3A : memref<!tpu.dma_semaphore, #tpu.memory_space<semaphore_mem>>) src(%arg9 : memref<80x128xf32, #tpu.memory_space<vmem>>) dst(%dma_wait3A_67 : memref<80x128xf32, #tpu.memory_space<vmem_shared>>)
      tpu.yield
    }) : () -> ()
    %add3A_8 = arith.constant 320 : i32
    %add3A_9 = arith.addi %mul3A_0, %add3A_8 : i32
    "tpu.region"() ({
      %run_scoped3A = tpu.sem_alloc : memref<!tpu.dma_semaphore, #tpu.memory_space<semaphore_mem>>
      %dma_start3A_60 = arith.constant 0 : i32
      %dma_start3A_61 = tpu.memref_slice %arg6[%add3A_9, %dma_start3A_60] : memref<10240x128xf32, #tpu.memory_space<vmem_shared>> -> memref<80x128xf32, #tpu.memory_space<vmem_shared>>
      %dma_start3A_62 = arith.constant 0 : i32
      %dma_start3A_63 = tpu.memref_slice %arg6[%add3A_9, %dma_start3A_62] : memref<10240x128xf32, #tpu.memory_space<vmem_shared>> -> memref<80x128xf32, #tpu.memory_space<vmem_shared>>
      tpu.enqueue_dma source(%arg9 : memref<80x128xf32, #tpu.memory_space<vmem>>) target(%dma_start3A_63 : memref<80x128xf32, #tpu.memory_space<vmem_shared>>) target_semaphore(%run_scoped3A : memref<!tpu.dma_semaphore, #tpu.memory_space<semaphore_mem>>)
      %dma_wait3A_64 = arith.constant 0 : i32
      %dma_wait3A_65 = tpu.memref_slice %arg6[%add3A_9, %dma_wait3A_64] : memref<10240x128xf32, #tpu.memory_space<vmem_shared>> -> memref<80x128xf32, #tpu.memory_space<vmem_shared>>
      %dma_wait3A_66 = arith.constant 0 : i32
      %dma_wait3A_67 = tpu.memref_slice %arg6[%add3A_9, %dma_wait3A_66] : memref<10240x128xf32, #tpu.memory_space<vmem_shared>> -> memref<80x128xf32, #tpu.memory_space<vmem_shared>>
      tpu.wait_dma2 semaphore(%run_scoped3A : memref<!tpu.dma_semaphore, #tpu.memory_space<semaphore_mem>>) src(%arg9 : memref<80x128xf32, #tpu.memory_space<vmem>>) dst(%dma_wait3A_67 : memref<80x128xf32, #tpu.memory_space<vmem_shared>>)
      tpu.yield
    }) : () -> ()
    %add3A_10 = arith.constant 400 : i32
    %add3A_11 = arith.addi %mul3A_0, %add3A_10 : i32
    "tpu.region"() ({
      %run_scoped3A = tpu.sem_alloc : memref<!tpu.dma_semaphore, #tpu.memory_space<semaphore_mem>>
      %dma_start3A_60 = arith.constant 0 : i32
      %dma_start3A_61 = tpu.memref_slice %arg6[%add3A_11, %dma_start3A_60] : memref<10240x128xf32, #tpu.memory_space<vmem_shared>> -> memref<80x128xf32, #tpu.memory_space<vmem_shared>>
      %dma_start3A_62 = arith.constant 0 : i32
      %dma_start3A_63 = tpu.memref_slice %arg6[%add3A_11, %dma_start3A_62] : memref<10240x128xf32, #tpu.memory_space<vmem_shared>> -> memref<80x128xf32, #tpu.memory_space<vmem_shared>>
      tpu.enqueue_dma source(%arg9 : memref<80x128xf32, #tpu.memory_space<vmem>>) target(%dma_start3A_63 : memref<80x128xf32, #tpu.memory_space<vmem_shared>>) target_semaphore(%run_scoped3A : memref<!tpu.dma_semaphore, #tpu.memory_space<semaphore_mem>>)
      %dma_wait3A_64 = arith.constant 0 : i32
      %dma_wait3A_65 = tpu.memref_slice %arg6[%add3A_11, %dma_wait3A_64] : memref<10240x128xf32, #tpu.memory_space<vmem_shared>> -> memref<80x128xf32, #tpu.memory_space<vmem_shared>>
      %dma_wait3A_66 = arith.constant 0 : i32
      %dma_wait3A_67 = tpu.memref_slice %arg6[%add3A_11, %dma_wait3A_66] : memref<10240x128xf32, #tpu.memory_space<vmem_shared>> -> memref<80x128xf32, #tpu.memory_space<vmem_shared>>
      tpu.wait_dma2 semaphore(%run_scoped3A : memref<!tpu.dma_semaphore, #tpu.memory_space<semaphore_mem>>) src(%arg9 : memref<80x128xf32, #tpu.memory_space<vmem>>) dst(%dma_wait3A_67 : memref<80x128xf32, #tpu.memory_space<vmem_shared>>)
      tpu.yield
    }) : () -> ()
    %add3A_12 = arith.constant 480 : i32
    %add3A_13 = arith.addi %mul3A_0, %add3A_12 : i32
    "tpu.region"() ({
      %run_scoped3A = tpu.sem_alloc : memref<!tpu.dma_semaphore, #tpu.memory_space<semaphore_mem>>
      %dma_start3A_60 = arith.constant 0 : i32
      %dma_start3A_61 = tpu.memref_slice %arg6[%add3A_13, %dma_start3A_60] : memref<10240x128xf32, #tpu.memory_space<vmem_shared>> -> memref<80x128xf32, #tpu.memory_space<vmem_shared>>
      %dma_start3A_62 = arith.constant 0 : i32
      %dma_start3A_63 = tpu.memref_slice %arg6[%add3A_13, %dma_start3A_62] : memref<10240x128xf32, #tpu.memory_space<vmem_shared>> -> memref<80x128xf32, #tpu.memory_space<vmem_shared>>
      tpu.enqueue_dma source(%arg9 : memref<80x128xf32, #tpu.memory_space<vmem>>) target(%dma_start3A_63 : memref<80x128xf32, #tpu.memory_space<vmem_shared>>) target_semaphore(%run_scoped3A : memref<!tpu.dma_semaphore, #tpu.memory_space<semaphore_mem>>)
      %dma_wait3A_64 = arith.constant 0 : i32
      %dma_wait3A_65 = tpu.memref_slice %arg6[%add3A_13, %dma_wait3A_64] : memref<10240x128xf32, #tpu.memory_space<vmem_shared>> -> memref<80x128xf32, #tpu.memory_space<vmem_shared>>
      %dma_wait3A_66 = arith.constant 0 : i32
      %dma_wait3A_67 = tpu.memref_slice %arg6[%add3A_13, %dma_wait3A_66] : memref<10240x128xf32, #tpu.memory_space<vmem_shared>> -> memref<80x128xf32, #tpu.memory_space<vmem_shared>>
      tpu.wait_dma2 semaphore(%run_scoped3A : memref<!tpu.dma_semaphore, #tpu.memory_space<semaphore_mem>>) src(%arg9 : memref<80x128xf32, #tpu.memory_space<vmem>>) dst(%dma_wait3A_67 : memref<80x128xf32, #tpu.memory_space<vmem_shared>>)
      tpu.yield
    }) : () -> ()
    %add3A_14 = arith.constant 560 : i32
    %add3A_15 = arith.addi %mul3A_0, %add3A_14 : i32
    "tpu.region"() ({
      %run_scoped3A = tpu.sem_alloc : memref<!tpu.dma_semaphore, #tpu.memory_space<semaphore_mem>>
      %dma_start3A_60 = arith.constant 0 : i32
      %dma_start3A_61 = tpu.memref_slice %arg6[%add3A_15, %dma_start3A_60] : memref<10240x128xf32, #tpu.memory_space<vmem_shared>> -> memref<80x128xf32, #tpu.memory_space<vmem_shared>>
      %dma_start3A_62 = arith.constant 0 : i32
      %dma_start3A_63 = tpu.memref_slice %arg6[%add3A_15, %dma_start3A_62] : memref<10240x128xf32, #tpu.memory_space<vmem_shared>> -> memref<80x128xf32, #tpu.memory_space<vmem_shared>>
      tpu.enqueue_dma source(%arg9 : memref<80x128xf32, #tpu.memory_space<vmem>>) target(%dma_start3A_63 : memref<80x128xf32, #tpu.memory_space<vmem_shared>>) target_semaphore(%run_scoped3A : memref<!tpu.dma_semaphore, #tpu.memory_space<semaphore_mem>>)
      %dma_wait3A_64 = arith.constant 0 : i32
      %dma_wait3A_65 = tpu.memref_slice %arg6[%add3A_15, %dma_wait3A_64] : memref<10240x128xf32, #tpu.memory_space<vmem_shared>> -> memref<80x128xf32, #tpu.memory_space<vmem_shared>>
      %dma_wait3A_66 = arith.constant 0 : i32
      %dma_wait3A_67 = tpu.memref_slice %arg6[%add3A_15, %dma_wait3A_66] : memref<10240x128xf32, #tpu.memory_space<vmem_shared>> -> memref<80x128xf32, #tpu.memory_space<vmem_shared>>
      tpu.wait_dma2 semaphore(%run_scoped3A : memref<!tpu.dma_semaphore, #tpu.memory_space<semaphore_mem>>) src(%arg9 : memref<80x128xf32, #tpu.memory_space<vmem>>) dst(%dma_wait3A_67 : memref<80x128xf32, #tpu.memory_space<vmem_shared>>)
      tpu.yield
    }) : () -> ()
    "tpu.region"() ({
      %run_scoped3A = tpu.sem_alloc : memref<!tpu.dma_semaphore, #tpu.memory_space<semaphore_mem>>
      tpu.enqueue_dma source(%arg4 : memref<80x128xf32, #tpu.memory_space<hbm>>) target(%arg10 : memref<80x128xf32, #tpu.memory_space<vmem>>) target_semaphore(%run_scoped3A : memref<!tpu.dma_semaphore, #tpu.memory_space<semaphore_mem>>)
      tpu.wait_dma2 semaphore(%run_scoped3A : memref<!tpu.dma_semaphore, #tpu.memory_space<semaphore_mem>>) src(%arg4 : memref<80x128xf32, #tpu.memory_space<hbm>>) dst(%arg10 : memref<80x128xf32, #tpu.memory_space<vmem>>)
      tpu.yield
    }) : () -> ()
    %barrier3A = arith.constant 0 : index
    tpu.barrier barrier_id(%barrier3A)
    %mul3A_16 = arith.constant 16 : i32
    %mul3A_17 = arith.muli %arg0, %mul3A_16 : i32
    %add3A_18 = arith.addi %mul3A_17, %arg1 : i32
    %mul3A_19 = arith.constant 10000 : i32
    %mul3A_20 = arith.muli %add3A_18, %mul3A_19 : i32
    %add3A_21 = arith.constant 0 : i32
    %add3A_22 = arith.addi %mul3A_20, %add3A_21 : i32
    %multiple_of3A = tpu.assume_multiple %add3A_22, 8 : i32
    %dma_start3A = tpu.memref_slice %arg2[%multiple_of3A] : memref<320256xi32, #tpu.memory_space<hbm>> -> memref<80xi32, #tpu.memory_space<hbm>>
    %dma_start3A_23 = tpu.memref_slice %arg2[%multiple_of3A] : memref<320256xi32, #tpu.memory_space<hbm>> -> memref<80xi32, #tpu.memory_space<hbm>>
    tpu.enqueue_dma source(%dma_start3A_23 : memref<80xi32, #tpu.memory_space<hbm>>) target(%arg7 : memref<80xi32, #tpu.memory_space<vmem>>) target_semaphore(%arg11 : memref<!tpu.dma_semaphore, #tpu.memory_space<semaphore_mem>>)
    %add3A_24 = arith.constant 80 : i32
    %add3A_25 = arith.addi %mul3A_20, %add3A_24 : i32
    %multiple_of3A_26 = tpu.assume_multiple %add3A_25, 8 : i32
    %dma_start3A_27 = tpu.memref_slice %arg2[%multiple_of3A_26] : memref<320256xi32, #tpu.memory_space<hbm>> -> memref<80xi32, #tpu.memory_space<hbm>>
    %dma_start3A_28 = tpu.memref_slice %arg2[%multiple_of3A_26] : memref<320256xi32, #tpu.memory_space<hbm>> -> memref<80xi32, #tpu.memory_space<hbm>>
    tpu.enqueue_dma source(%dma_start3A_28 : memref<80xi32, #tpu.memory_space<hbm>>) target(%arg8 : memref<80xi32, #tpu.memory_space<vmem>>) target_semaphore(%arg12 : memref<!tpu.dma_semaphore, #tpu.memory_space<semaphore_mem>>)
    %scan3A = arith.constant 0 : i32
    %scan3A_29 = arith.constant 0 : i32
    %scan3A_30 = arith.constant 62 : i32
    %scan3A_31 = arith.addi %scan3A_29, %scan3A_30 : i32
    %scan3A_32 = arith.constant 1 : i32
    scf.for %scan3A_60 = %scan3A_29 to %scan3A_31 step %scan3A_32  : i32 {
      %mul3A_61 = arith.constant 2 : i32
      %mul3A_62 = arith.muli %mul3A_61, %scan3A_60 : i32
      %add3A_63 = arith.constant 0 : i32
      %add3A_64 = arith.addi %mul3A_62, %add3A_63 : i32
      %mul3A_65 = arith.constant 80 : i32
      %mul3A_66 = arith.muli %add3A_64, %mul3A_65 : i32
      %add3A_67 = arith.addi %mul3A_20, %mul3A_66 : i32
      %multiple_of3A_68 = tpu.assume_multiple %add3A_67, 8 : i32
      %dma_wait3A_69 = tpu.memref_slice %arg2[%multiple_of3A_68] : memref<320256xi32, #tpu.memory_space<hbm>> -> memref<80xi32, #tpu.memory_space<hbm>>
      %dma_wait3A_70 = tpu.memref_slice %arg2[%multiple_of3A_68] : memref<320256xi32, #tpu.memory_space<hbm>> -> memref<80xi32, #tpu.memory_space<hbm>>
      tpu.wait_dma2 semaphore(%arg11 : memref<!tpu.dma_semaphore, #tpu.memory_space<semaphore_mem>>) src(%dma_wait3A_70 : memref<80xi32, #tpu.memory_space<hbm>>) dst(%arg7 : memref<80xi32, #tpu.memory_space<vmem>>)
      "tpu.region"() ({
        %run_scoped3A = tpu.sem_alloc : memref<!tpu.dma_semaphore, #tpu.memory_space<semaphore_mem>>
        %dma_start3A_97 = arith.constant 0 : i32
        %dma_start3A_98 = arith.constant 0 : i32
        %dma_start3A_99 = tpu.memref_slice %arg6[%dma_start3A_97, %dma_start3A_98] : memref<10240x128xf32, #tpu.memory_space<vmem_shared>> -> memref<10240x128xf32, #tpu.memory_space<vmem_shared>>
        tpu.enqueue_indirect_dma source(%arg10 : memref<80x128xf32, #tpu.memory_space<vmem>>) target(%dma_start3A_99 : memref<10240x128xf32, #tpu.memory_space<vmem_shared>>) offsets(%arg7 : memref<80xi32, #tpu.memory_space<vmem>>) semaphore(%run_scoped3A : memref<!tpu.dma_semaphore, #tpu.memory_space<semaphore_mem>>) {add = true}
        %dma_wait3A_100 = arith.constant 0 : i32
        %dma_wait3A_101 = arith.constant 0 : i32
        %dma_wait3A_102 = tpu.memref_slice %arg6[%dma_wait3A_100, %dma_wait3A_101] : memref<10240x128xf32, #tpu.memory_space<vmem_shared>> -> memref<10240x128xf32, #tpu.memory_space<vmem_shared>>
        tpu.wait_indirect_dma semaphore(%run_scoped3A : memref<!tpu.dma_semaphore, #tpu.memory_space<semaphore_mem>>) src(%arg10 : memref<80x128xf32, #tpu.memory_space<vmem>>) dst(%dma_wait3A_102 : memref<10240x128xf32, #tpu.memory_space<vmem_shared>>)
        tpu.yield
      }) : () -> ()
      %add3A_71 = arith.constant 2 : i32
      %add3A_72 = arith.addi %add3A_64, %add3A_71 : i32
      %mul3A_73 = arith.constant 80 : i32
      %mul3A_74 = arith.muli %add3A_72, %mul3A_73 : i32
      %add3A_75 = arith.addi %mul3A_20, %mul3A_74 : i32
      %multiple_of3A_76 = tpu.assume_multiple %add3A_75, 8 : i32
      %dma_start3A_77 = tpu.memref_slice %arg2[%multiple_of3A_76] : memref<320256xi32, #tpu.memory_space<hbm>> -> memref<80xi32, #tpu.memory_space<hbm>>
      %dma_start3A_78 = tpu.memref_slice %arg2[%multiple_of3A_76] : memref<320256xi32, #tpu.memory_space<hbm>> -> memref<80xi32, #tpu.memory_space<hbm>>
      tpu.enqueue_dma source(%dma_start3A_78 : memref<80xi32, #tpu.memory_space<hbm>>) target(%arg7 : memref<80xi32, #tpu.memory_space<vmem>>) target_semaphore(%arg11 : memref<!tpu.dma_semaphore, #tpu.memory_space<semaphore_mem>>)
      %mul3A_79 = arith.constant 2 : i32
      %mul3A_80 = arith.muli %mul3A_79, %scan3A_60 : i32
      %add3A_81 = arith.constant 1 : i32
      %add3A_82 = arith.addi %mul3A_80, %add3A_81 : i32
      %mul3A_83 = arith.constant 80 : i32
      %mul3A_84 = arith.muli %add3A_82, %mul3A_83 : i32
      %add3A_85 = arith.addi %mul3A_20, %mul3A_84 : i32
      %multiple_of3A_86 = tpu.assume_multiple %add3A_85, 8 : i32
      %dma_wait3A_87 = tpu.memref_slice %arg2[%multiple_of3A_86] : memref<320256xi32, #tpu.memory_space<hbm>> -> memref<80xi32, #tpu.memory_space<hbm>>
      %dma_wait3A_88 = tpu.memref_slice %arg2[%multiple_of3A_86] : memref<320256xi32, #tpu.memory_space<hbm>> -> memref<80xi32, #tpu.memory_space<hbm>>
      tpu.wait_dma2 semaphore(%arg12 : memref<!tpu.dma_semaphore, #tpu.memory_space<semaphore_mem>>) src(%dma_wait3A_88 : memref<80xi32, #tpu.memory_space<hbm>>) dst(%arg8 : memref<80xi32, #tpu.memory_space<vmem>>)
      "tpu.region"() ({
        %run_scoped3A = tpu.sem_alloc : memref<!tpu.dma_semaphore, #tpu.memory_space<semaphore_mem>>
        %dma_start3A_97 = arith.constant 0 : i32
        %dma_start3A_98 = arith.constant 0 : i32
        %dma_start3A_99 = tpu.memref_slice %arg6[%dma_start3A_97, %dma_start3A_98] : memref<10240x128xf32, #tpu.memory_space<vmem_shared>> -> memref<10240x128xf32, #tpu.memory_space<vmem_shared>>
        tpu.enqueue_indirect_dma source(%arg10 : memref<80x128xf32, #tpu.memory_space<vmem>>) target(%dma_start3A_99 : memref<10240x128xf32, #tpu.memory_space<vmem_shared>>) offsets(%arg8 : memref<80xi32, #tpu.memory_space<vmem>>) semaphore(%run_scoped3A : memref<!tpu.dma_semaphore, #tpu.memory_space<semaphore_mem>>) {add = true}
        %dma_wait3A_100 = arith.constant 0 : i32
        %dma_wait3A_101 = arith.constant 0 : i32
        %dma_wait3A_102 = tpu.memref_slice %arg6[%dma_wait3A_100, %dma_wait3A_101] : memref<10240x128xf32, #tpu.memory_space<vmem_shared>> -> memref<10240x128xf32, #tpu.memory_space<vmem_shared>>
        tpu.wait_indirect_dma semaphore(%run_scoped3A : memref<!tpu.dma_semaphore, #tpu.memory_space<semaphore_mem>>) src(%arg10 : memref<80x128xf32, #tpu.memory_space<vmem>>) dst(%dma_wait3A_102 : memref<10240x128xf32, #tpu.memory_space<vmem_shared>>)
        tpu.yield
      }) : () -> ()
      %add3A_89 = arith.constant 2 : i32
      %add3A_90 = arith.addi %add3A_82, %add3A_89 : i32
      %mul3A_91 = arith.constant 80 : i32
      %mul3A_92 = arith.muli %add3A_90, %mul3A_91 : i32
      %add3A_93 = arith.addi %mul3A_20, %mul3A_92 : i32
      %multiple_of3A_94 = tpu.assume_multiple %add3A_93, 8 : i32
      %dma_start3A_95 = tpu.memref_slice %arg2[%multiple_of3A_94] : memref<320256xi32, #tpu.memory_space<hbm>> -> memref<80xi32, #tpu.memory_space<hbm>>
      %dma_start3A_96 = tpu.memref_slice %arg2[%multiple_of3A_94] : memref<320256xi32, #tpu.memory_space<hbm>> -> memref<80xi32, #tpu.memory_space<hbm>>
      tpu.enqueue_dma source(%dma_start3A_96 : memref<80xi32, #tpu.memory_space<hbm>>) target(%arg8 : memref<80xi32, #tpu.memory_space<vmem>>) target_semaphore(%arg12 : memref<!tpu.dma_semaphore, #tpu.memory_space<semaphore_mem>>)
    }
    %scan3A_33 = arith.constant 62 : i32
    %add3A_34 = arith.constant 9920 : i32
    %add3A_35 = arith.addi %mul3A_20, %add3A_34 : i32
    %multiple_of3A_36 = tpu.assume_multiple %add3A_35, 8 : i32
    %dma_wait3A = tpu.memref_slice %arg2[%multiple_of3A_36] : memref<320256xi32, #tpu.memory_space<hbm>> -> memref<80xi32, #tpu.memory_space<hbm>>
    %dma_wait3A_37 = tpu.memref_slice %arg2[%multiple_of3A_36] : memref<320256xi32, #tpu.memory_space<hbm>> -> memref<80xi32, #tpu.memory_space<hbm>>
    tpu.wait_dma2 semaphore(%arg11 : memref<!tpu.dma_semaphore, #tpu.memory_space<semaphore_mem>>) src(%dma_wait3A_37 : memref<80xi32, #tpu.memory_space<hbm>>) dst(%arg7 : memref<80xi32, #tpu.memory_space<vmem>>)
    "tpu.region"() ({
      %run_scoped3A = tpu.sem_alloc : memref<!tpu.dma_semaphore, #tpu.memory_space<semaphore_mem>>
      %dma_start3A_60 = arith.constant 0 : i32
      %dma_start3A_61 = arith.constant 0 : i32
      %dma_start3A_62 = tpu.memref_slice %arg6[%dma_start3A_60, %dma_start3A_61] : memref<10240x128xf32, #tpu.memory_space<vmem_shared>> -> memref<10240x128xf32, #tpu.memory_space<vmem_shared>>
      tpu.enqueue_indirect_dma source(%arg10 : memref<80x128xf32, #tpu.memory_space<vmem>>) target(%dma_start3A_62 : memref<10240x128xf32, #tpu.memory_space<vmem_shared>>) offsets(%arg7 : memref<80xi32, #tpu.memory_space<vmem>>) semaphore(%run_scoped3A : memref<!tpu.dma_semaphore, #tpu.memory_space<semaphore_mem>>) {add = true}
      %dma_wait3A_63 = arith.constant 0 : i32
      %dma_wait3A_64 = arith.constant 0 : i32
      %dma_wait3A_65 = tpu.memref_slice %arg6[%dma_wait3A_63, %dma_wait3A_64] : memref<10240x128xf32, #tpu.memory_space<vmem_shared>> -> memref<10240x128xf32, #tpu.memory_space<vmem_shared>>
      tpu.wait_indirect_dma semaphore(%run_scoped3A : memref<!tpu.dma_semaphore, #tpu.memory_space<semaphore_mem>>) src(%arg10 : memref<80x128xf32, #tpu.memory_space<vmem>>) dst(%dma_wait3A_65 : memref<10240x128xf32, #tpu.memory_space<vmem_shared>>)
      tpu.yield
    }) : () -> ()
    %add3A_38 = arith.constant 10000 : i32
    %add3A_39 = arith.addi %mul3A_20, %add3A_38 : i32
    %multiple_of3A_40 = tpu.assume_multiple %add3A_39, 8 : i32
    %dma_wait3A_41 = tpu.memref_slice %arg2[%multiple_of3A_40] : memref<320256xi32, #tpu.memory_space<hbm>> -> memref<80xi32, #tpu.memory_space<hbm>>
    %dma_wait3A_42 = tpu.memref_slice %arg2[%multiple_of3A_40] : memref<320256xi32, #tpu.memory_space<hbm>> -> memref<80xi32, #tpu.memory_space<hbm>>
    tpu.wait_dma2 semaphore(%arg12 : memref<!tpu.dma_semaphore, #tpu.memory_space<semaphore_mem>>) src(%dma_wait3A_42 : memref<80xi32, #tpu.memory_space<hbm>>) dst(%arg8 : memref<80xi32, #tpu.memory_space<vmem>>)
    %barrier3A_43 = arith.constant 0 : index
    tpu.barrier barrier_id(%barrier3A_43)
    %add3A_44 = arith.constant 0 : i32
    %add3A_45 = arith.addi %mul3A_0, %add3A_44 : i32
    "tpu.region"() ({
      %run_scoped3A = tpu.sem_alloc : memref<!tpu.dma_semaphore, #tpu.memory_space<semaphore_mem>>
      %dma_start3A_60 = arith.constant 0 : i32
      %dma_start3A_61 = tpu.memref_slice %arg6[%add3A_45, %dma_start3A_60] : memref<10240x128xf32, #tpu.memory_space<vmem_shared>> -> memref<80x128xf32, #tpu.memory_space<vmem_shared>>
      %dma_start3A_62 = arith.constant 0 : i32
      %dma_start3A_63 = tpu.memref_slice %arg6[%add3A_45, %dma_start3A_62] : memref<10240x128xf32, #tpu.memory_space<vmem_shared>> -> memref<80x128xf32, #tpu.memory_space<vmem_shared>>
      tpu.enqueue_dma source(%dma_start3A_63 : memref<80x128xf32, #tpu.memory_space<vmem_shared>>) target(%arg9 : memref<80x128xf32, #tpu.memory_space<vmem>>) target_semaphore(%run_scoped3A : memref<!tpu.dma_semaphore, #tpu.memory_space<semaphore_mem>>)
      %dma_wait3A_64 = arith.constant 0 : i32
      %dma_wait3A_65 = tpu.memref_slice %arg6[%add3A_45, %dma_wait3A_64] : memref<10240x128xf32, #tpu.memory_space<vmem_shared>> -> memref<80x128xf32, #tpu.memory_space<vmem_shared>>
      %dma_wait3A_66 = arith.constant 0 : i32
      %dma_wait3A_67 = tpu.memref_slice %arg6[%add3A_45, %dma_wait3A_66] : memref<10240x128xf32, #tpu.memory_space<vmem_shared>> -> memref<80x128xf32, #tpu.memory_space<vmem_shared>>
      tpu.wait_dma2 semaphore(%run_scoped3A : memref<!tpu.dma_semaphore, #tpu.memory_space<semaphore_mem>>) src(%dma_wait3A_67 : memref<80x128xf32, #tpu.memory_space<vmem_shared>>) dst(%arg9 : memref<80x128xf32, #tpu.memory_space<vmem>>)
      tpu.yield
    }) : () -> ()
    "tpu.region"() ({
      %run_scoped3A = tpu.sem_alloc : memref<!tpu.dma_semaphore, #tpu.memory_space<semaphore_mem>>
      %dma_start3A_60 = arith.constant 0 : i32
      %dma_start3A_61 = tpu.memref_slice %arg5[%arg0, %add3A_45, %dma_start3A_60] : memref<2x10240x128xf32, #tpu.memory_space<hbm>> -> memref<1x80x128xf32, #tpu.memory_space<hbm>>
      %dma_start3A_62 = tpu.memref_squeeze %dma_start3A_61 : memref<1x80x128xf32, #tpu.memory_space<hbm>> -> memref<80x128xf32, #tpu.memory_space<hbm>>
      %dma_start3A_63 = arith.constant 0 : i32
      %dma_start3A_64 = tpu.memref_slice %arg5[%arg0, %add3A_45, %dma_start3A_63] : memref<2x10240x128xf32, #tpu.memory_space<hbm>> -> memref<1x80x128xf32, #tpu.memory_space<hbm>>
      %dma_start3A_65 = tpu.memref_squeeze %dma_start3A_64 : memref<1x80x128xf32, #tpu.memory_space<hbm>> -> memref<80x128xf32, #tpu.memory_space<hbm>>
      tpu.enqueue_dma source(%arg9 : memref<80x128xf32, #tpu.memory_space<vmem>>) target(%dma_start3A_65 : memref<80x128xf32, #tpu.memory_space<hbm>>) target_semaphore(%run_scoped3A : memref<!tpu.dma_semaphore, #tpu.memory_space<semaphore_mem>>)
      %dma_wait3A_66 = arith.constant 0 : i32
      %dma_wait3A_67 = tpu.memref_slice %arg5[%arg0, %add3A_45, %dma_wait3A_66] : memref<2x10240x128xf32, #tpu.memory_space<hbm>> -> memref<1x80x128xf32, #tpu.memory_space<hbm>>
      %dma_wait3A_68 = tpu.memref_squeeze %dma_wait3A_67 : memref<1x80x128xf32, #tpu.memory_space<hbm>> -> memref<80x128xf32, #tpu.memory_space<hbm>>
      %dma_wait3A_69 = arith.constant 0 : i32
      %dma_wait3A_70 = tpu.memref_slice %arg5[%arg0, %add3A_45, %dma_wait3A_69] : memref<2x10240x128xf32, #tpu.memory_space<hbm>> -> memref<1x80x128xf32, #tpu.memory_space<hbm>>
      %dma_wait3A_71 = tpu.memref_squeeze %dma_wait3A_70 : memref<1x80x128xf32, #tpu.memory_space<hbm>> -> memref<80x128xf32, #tpu.memory_space<hbm>>
      tpu.wait_dma2 semaphore(%run_scoped3A : memref<!tpu.dma_semaphore, #tpu.memory_space<semaphore_mem>>) src(%arg9 : memref<80x128xf32, #tpu.memory_space<vmem>>) dst(%dma_wait3A_71 : memref<80x128xf32, #tpu.memory_space<hbm>>)
      tpu.yield
    }) : () -> ()
    %add3A_46 = arith.constant 80 : i32
    %add3A_47 = arith.addi %mul3A_0, %add3A_46 : i32
    "tpu.region"() ({
      %run_scoped3A = tpu.sem_alloc : memref<!tpu.dma_semaphore, #tpu.memory_space<semaphore_mem>>
      %dma_start3A_60 = arith.constant 0 : i32
      %dma_start3A_61 = tpu.memref_slice %arg6[%add3A_47, %dma_start3A_60] : memref<10240x128xf32, #tpu.memory_space<vmem_shared>> -> memref<80x128xf32, #tpu.memory_space<vmem_shared>>
      %dma_start3A_62 = arith.constant 0 : i32
      %dma_start3A_63 = tpu.memref_slice %arg6[%add3A_47, %dma_start3A_62] : memref<10240x128xf32, #tpu.memory_space<vmem_shared>> -> memref<80x128xf32, #tpu.memory_space<vmem_shared>>
      tpu.enqueue_dma source(%dma_start3A_63 : memref<80x128xf32, #tpu.memory_space<vmem_shared>>) target(%arg9 : memref<80x128xf32, #tpu.memory_space<vmem>>) target_semaphore(%run_scoped3A : memref<!tpu.dma_semaphore, #tpu.memory_space<semaphore_mem>>)
      %dma_wait3A_64 = arith.constant 0 : i32
      %dma_wait3A_65 = tpu.memref_slice %arg6[%add3A_47, %dma_wait3A_64] : memref<10240x128xf32, #tpu.memory_space<vmem_shared>> -> memref<80x128xf32, #tpu.memory_space<vmem_shared>>
      %dma_wait3A_66 = arith.constant 0 : i32
      %dma_wait3A_67 = tpu.memref_slice %arg6[%add3A_47, %dma_wait3A_66] : memref<10240x128xf32, #tpu.memory_space<vmem_shared>> -> memref<80x128xf32, #tpu.memory_space<vmem_shared>>
      tpu.wait_dma2 semaphore(%run_scoped3A : memref<!tpu.dma_semaphore, #tpu.memory_space<semaphore_mem>>) src(%dma_wait3A_67 : memref<80x128xf32, #tpu.memory_space<vmem_shared>>) dst(%arg9 : memref<80x128xf32, #tpu.memory_space<vmem>>)
      tpu.yield
    }) : () -> ()
    "tpu.region"() ({
      %run_scoped3A = tpu.sem_alloc : memref<!tpu.dma_semaphore, #tpu.memory_space<semaphore_mem>>
      %dma_start3A_60 = arith.constant 0 : i32
      %dma_start3A_61 = tpu.memref_slice %arg5[%arg0, %add3A_47, %dma_start3A_60] : memref<2x10240x128xf32, #tpu.memory_space<hbm>> -> memref<1x80x128xf32, #tpu.memory_space<hbm>>
      %dma_start3A_62 = tpu.memref_squeeze %dma_start3A_61 : memref<1x80x128xf32, #tpu.memory_space<hbm>> -> memref<80x128xf32, #tpu.memory_space<hbm>>
      %dma_start3A_63 = arith.constant 0 : i32
      %dma_start3A_64 = tpu.memref_slice %arg5[%arg0, %add3A_47, %dma_start3A_63] : memref<2x10240x128xf32, #tpu.memory_space<hbm>> -> memref<1x80x128xf32, #tpu.memory_space<hbm>>
      %dma_start3A_65 = tpu.memref_squeeze %dma_start3A_64 : memref<1x80x128xf32, #tpu.memory_space<hbm>> -> memref<80x128xf32, #tpu.memory_space<hbm>>
      tpu.enqueue_dma source(%arg9 : memref<80x128xf32, #tpu.memory_space<vmem>>) target(%dma_start3A_65 : memref<80x128xf32, #tpu.memory_space<hbm>>) target_semaphore(%run_scoped3A : memref<!tpu.dma_semaphore, #tpu.memory_space<semaphore_mem>>)
      %dma_wait3A_66 = arith.constant 0 : i32
      %dma_wait3A_67 = tpu.memref_slice %arg5[%arg0, %add3A_47, %dma_wait3A_66] : memref<2x10240x128xf32, #tpu.memory_space<hbm>> -> memref<1x80x128xf32, #tpu.memory_space<hbm>>
      %dma_wait3A_68 = tpu.memref_squeeze %dma_wait3A_67 : memref<1x80x128xf32, #tpu.memory_space<hbm>> -> memref<80x128xf32, #tpu.memory_space<hbm>>
      %dma_wait3A_69 = arith.constant 0 : i32
      %dma_wait3A_70 = tpu.memref_slice %arg5[%arg0, %add3A_47, %dma_wait3A_69] : memref<2x10240x128xf32, #tpu.memory_space<hbm>> -> memref<1x80x128xf32, #tpu.memory_space<hbm>>
      %dma_wait3A_71 = tpu.memref_squeeze %dma_wait3A_70 : memref<1x80x128xf32, #tpu.memory_space<hbm>> -> memref<80x128xf32, #tpu.memory_space<hbm>>
      tpu.wait_dma2 semaphore(%run_scoped3A : memref<!tpu.dma_semaphore, #tpu.memory_space<semaphore_mem>>) src(%arg9 : memref<80x128xf32, #tpu.memory_space<vmem>>) dst(%dma_wait3A_71 : memref<80x128xf32, #tpu.memory_space<hbm>>)
      tpu.yield
    }) : () -> ()
    %add3A_48 = arith.constant 160 : i32
    %add3A_49 = arith.addi %mul3A_0, %add3A_48 : i32
    "tpu.region"() ({
      %run_scoped3A = tpu.sem_alloc : memref<!tpu.dma_semaphore, #tpu.memory_space<semaphore_mem>>
      %dma_start3A_60 = arith.constant 0 : i32
      %dma_start3A_61 = tpu.memref_slice %arg6[%add3A_49, %dma_start3A_60] : memref<10240x128xf32, #tpu.memory_space<vmem_shared>> -> memref<80x128xf32, #tpu.memory_space<vmem_shared>>
      %dma_start3A_62 = arith.constant 0 : i32
      %dma_start3A_63 = tpu.memref_slice %arg6[%add3A_49, %dma_start3A_62] : memref<10240x128xf32, #tpu.memory_space<vmem_shared>> -> memref<80x128xf32, #tpu.memory_space<vmem_shared>>
      tpu.enqueue_dma source(%dma_start3A_63 : memref<80x128xf32, #tpu.memory_space<vmem_shared>>) target(%arg9 : memref<80x128xf32, #tpu.memory_space<vmem>>) target_semaphore(%run_scoped3A : memref<!tpu.dma_semaphore, #tpu.memory_space<semaphore_mem>>)
      %dma_wait3A_64 = arith.constant 0 : i32
      %dma_wait3A_65 = tpu.memref_slice %arg6[%add3A_49, %dma_wait3A_64] : memref<10240x128xf32, #tpu.memory_space<vmem_shared>> -> memref<80x128xf32, #tpu.memory_space<vmem_shared>>
      %dma_wait3A_66 = arith.constant 0 : i32
      %dma_wait3A_67 = tpu.memref_slice %arg6[%add3A_49, %dma_wait3A_66] : memref<10240x128xf32, #tpu.memory_space<vmem_shared>> -> memref<80x128xf32, #tpu.memory_space<vmem_shared>>
      tpu.wait_dma2 semaphore(%run_scoped3A : memref<!tpu.dma_semaphore, #tpu.memory_space<semaphore_mem>>) src(%dma_wait3A_67 : memref<80x128xf32, #tpu.memory_space<vmem_shared>>) dst(%arg9 : memref<80x128xf32, #tpu.memory_space<vmem>>)
      tpu.yield
    }) : () -> ()
    "tpu.region"() ({
      %run_scoped3A = tpu.sem_alloc : memref<!tpu.dma_semaphore, #tpu.memory_space<semaphore_mem>>
      %dma_start3A_60 = arith.constant 0 : i32
      %dma_start3A_61 = tpu.memref_slice %arg5[%arg0, %add3A_49, %dma_start3A_60] : memref<2x10240x128xf32, #tpu.memory_space<hbm>> -> memref<1x80x128xf32, #tpu.memory_space<hbm>>
      %dma_start3A_62 = tpu.memref_squeeze %dma_start3A_61 : memref<1x80x128xf32, #tpu.memory_space<hbm>> -> memref<80x128xf32, #tpu.memory_space<hbm>>
      %dma_start3A_63 = arith.constant 0 : i32
      %dma_start3A_64 = tpu.memref_slice %arg5[%arg0, %add3A_49, %dma_start3A_63] : memref<2x10240x128xf32, #tpu.memory_space<hbm>> -> memref<1x80x128xf32, #tpu.memory_space<hbm>>
      %dma_start3A_65 = tpu.memref_squeeze %dma_start3A_64 : memref<1x80x128xf32, #tpu.memory_space<hbm>> -> memref<80x128xf32, #tpu.memory_space<hbm>>
      tpu.enqueue_dma source(%arg9 : memref<80x128xf32, #tpu.memory_space<vmem>>) target(%dma_start3A_65 : memref<80x128xf32, #tpu.memory_space<hbm>>) target_semaphore(%run_scoped3A : memref<!tpu.dma_semaphore, #tpu.memory_space<semaphore_mem>>)
      %dma_wait3A_66 = arith.constant 0 : i32
      %dma_wait3A_67 = tpu.memref_slice %arg5[%arg0, %add3A_49, %dma_wait3A_66] : memref<2x10240x128xf32, #tpu.memory_space<hbm>> -> memref<1x80x128xf32, #tpu.memory_space<hbm>>
      %dma_wait3A_68 = tpu.memref_squeeze %dma_wait3A_67 : memref<1x80x128xf32, #tpu.memory_space<hbm>> -> memref<80x128xf32, #tpu.memory_space<hbm>>
      %dma_wait3A_69 = arith.constant 0 : i32
      %dma_wait3A_70 = tpu.memref_slice %arg5[%arg0, %add3A_49, %dma_wait3A_69] : memref<2x10240x128xf32, #tpu.memory_space<hbm>> -> memref<1x80x128xf32, #tpu.memory_space<hbm>>
      %dma_wait3A_71 = tpu.memref_squeeze %dma_wait3A_70 : memref<1x80x128xf32, #tpu.memory_space<hbm>> -> memref<80x128xf32, #tpu.memory_space<hbm>>
      tpu.wait_dma2 semaphore(%run_scoped3A : memref<!tpu.dma_semaphore, #tpu.memory_space<semaphore_mem>>) src(%arg9 : memref<80x128xf32, #tpu.memory_space<vmem>>) dst(%dma_wait3A_71 : memref<80x128xf32, #tpu.memory_space<hbm>>)
      tpu.yield
    }) : () -> ()
    %add3A_50 = arith.constant 240 : i32
    %add3A_51 = arith.addi %mul3A_0, %add3A_50 : i32
    "tpu.region"() ({
      %run_scoped3A = tpu.sem_alloc : memref<!tpu.dma_semaphore, #tpu.memory_space<semaphore_mem>>
      %dma_start3A_60 = arith.constant 0 : i32
      %dma_start3A_61 = tpu.memref_slice %arg6[%add3A_51, %dma_start3A_60] : memref<10240x128xf32, #tpu.memory_space<vmem_shared>> -> memref<80x128xf32, #tpu.memory_space<vmem_shared>>
      %dma_start3A_62 = arith.constant 0 : i32
      %dma_start3A_63 = tpu.memref_slice %arg6[%add3A_51, %dma_start3A_62] : memref<10240x128xf32, #tpu.memory_space<vmem_shared>> -> memref<80x128xf32, #tpu.memory_space<vmem_shared>>
      tpu.enqueue_dma source(%dma_start3A_63 : memref<80x128xf32, #tpu.memory_space<vmem_shared>>) target(%arg9 : memref<80x128xf32, #tpu.memory_space<vmem>>) target_semaphore(%run_scoped3A : memref<!tpu.dma_semaphore, #tpu.memory_space<semaphore_mem>>)
      %dma_wait3A_64 = arith.constant 0 : i32
      %dma_wait3A_65 = tpu.memref_slice %arg6[%add3A_51, %dma_wait3A_64] : memref<10240x128xf32, #tpu.memory_space<vmem_shared>> -> memref<80x128xf32, #tpu.memory_space<vmem_shared>>
      %dma_wait3A_66 = arith.constant 0 : i32
      %dma_wait3A_67 = tpu.memref_slice %arg6[%add3A_51, %dma_wait3A_66] : memref<10240x128xf32, #tpu.memory_space<vmem_shared>> -> memref<80x128xf32, #tpu.memory_space<vmem_shared>>
      tpu.wait_dma2 semaphore(%run_scoped3A : memref<!tpu.dma_semaphore, #tpu.memory_space<semaphore_mem>>) src(%dma_wait3A_67 : memref<80x128xf32, #tpu.memory_space<vmem_shared>>) dst(%arg9 : memref<80x128xf32, #tpu.memory_space<vmem>>)
      tpu.yield
    }) : () -> ()
    "tpu.region"() ({
      %run_scoped3A = tpu.sem_alloc : memref<!tpu.dma_semaphore, #tpu.memory_space<semaphore_mem>>
      %dma_start3A_60 = arith.constant 0 : i32
      %dma_start3A_61 = tpu.memref_slice %arg5[%arg0, %add3A_51, %dma_start3A_60] : memref<2x10240x128xf32, #tpu.memory_space<hbm>> -> memref<1x80x128xf32, #tpu.memory_space<hbm>>
      %dma_start3A_62 = tpu.memref_squeeze %dma_start3A_61 : memref<1x80x128xf32, #tpu.memory_space<hbm>> -> memref<80x128xf32, #tpu.memory_space<hbm>>
      %dma_start3A_63 = arith.constant 0 : i32
      %dma_start3A_64 = tpu.memref_slice %arg5[%arg0, %add3A_51, %dma_start3A_63] : memref<2x10240x128xf32, #tpu.memory_space<hbm>> -> memref<1x80x128xf32, #tpu.memory_space<hbm>>
      %dma_start3A_65 = tpu.memref_squeeze %dma_start3A_64 : memref<1x80x128xf32, #tpu.memory_space<hbm>> -> memref<80x128xf32, #tpu.memory_space<hbm>>
      tpu.enqueue_dma source(%arg9 : memref<80x128xf32, #tpu.memory_space<vmem>>) target(%dma_start3A_65 : memref<80x128xf32, #tpu.memory_space<hbm>>) target_semaphore(%run_scoped3A : memref<!tpu.dma_semaphore, #tpu.memory_space<semaphore_mem>>)
      %dma_wait3A_66 = arith.constant 0 : i32
      %dma_wait3A_67 = tpu.memref_slice %arg5[%arg0, %add3A_51, %dma_wait3A_66] : memref<2x10240x128xf32, #tpu.memory_space<hbm>> -> memref<1x80x128xf32, #tpu.memory_space<hbm>>
      %dma_wait3A_68 = tpu.memref_squeeze %dma_wait3A_67 : memref<1x80x128xf32, #tpu.memory_space<hbm>> -> memref<80x128xf32, #tpu.memory_space<hbm>>
      %dma_wait3A_69 = arith.constant 0 : i32
      %dma_wait3A_70 = tpu.memref_slice %arg5[%arg0, %add3A_51, %dma_wait3A_69] : memref<2x10240x128xf32, #tpu.memory_space<hbm>> -> memref<1x80x128xf32, #tpu.memory_space<hbm>>
      %dma_wait3A_71 = tpu.memref_squeeze %dma_wait3A_70 : memref<1x80x128xf32, #tpu.memory_space<hbm>> -> memref<80x128xf32, #tpu.memory_space<hbm>>
      tpu.wait_dma2 semaphore(%run_scoped3A : memref<!tpu.dma_semaphore, #tpu.memory_space<semaphore_mem>>) src(%arg9 : memref<80x128xf32, #tpu.memory_space<vmem>>) dst(%dma_wait3A_71 : memref<80x128xf32, #tpu.memory_space<hbm>>)
      tpu.yield
    }) : () -> ()
    %add3A_52 = arith.constant 320 : i32
    %add3A_53 = arith.addi %mul3A_0, %add3A_52 : i32
    "tpu.region"() ({
      %run_scoped3A = tpu.sem_alloc : memref<!tpu.dma_semaphore, #tpu.memory_space<semaphore_mem>>
      %dma_start3A_60 = arith.constant 0 : i32
      %dma_start3A_61 = tpu.memref_slice %arg6[%add3A_53, %dma_start3A_60] : memref<10240x128xf32, #tpu.memory_space<vmem_shared>> -> memref<80x128xf32, #tpu.memory_space<vmem_shared>>
      %dma_start3A_62 = arith.constant 0 : i32
      %dma_start3A_63 = tpu.memref_slice %arg6[%add3A_53, %dma_start3A_62] : memref<10240x128xf32, #tpu.memory_space<vmem_shared>> -> memref<80x128xf32, #tpu.memory_space<vmem_shared>>
      tpu.enqueue_dma source(%dma_start3A_63 : memref<80x128xf32, #tpu.memory_space<vmem_shared>>) target(%arg9 : memref<80x128xf32, #tpu.memory_space<vmem>>) target_semaphore(%run_scoped3A : memref<!tpu.dma_semaphore, #tpu.memory_space<semaphore_mem>>)
      %dma_wait3A_64 = arith.constant 0 : i32
      %dma_wait3A_65 = tpu.memref_slice %arg6[%add3A_53, %dma_wait3A_64] : memref<10240x128xf32, #tpu.memory_space<vmem_shared>> -> memref<80x128xf32, #tpu.memory_space<vmem_shared>>
      %dma_wait3A_66 = arith.constant 0 : i32
      %dma_wait3A_67 = tpu.memref_slice %arg6[%add3A_53, %dma_wait3A_66] : memref<10240x128xf32, #tpu.memory_space<vmem_shared>> -> memref<80x128xf32, #tpu.memory_space<vmem_shared>>
      tpu.wait_dma2 semaphore(%run_scoped3A : memref<!tpu.dma_semaphore, #tpu.memory_space<semaphore_mem>>) src(%dma_wait3A_67 : memref<80x128xf32, #tpu.memory_space<vmem_shared>>) dst(%arg9 : memref<80x128xf32, #tpu.memory_space<vmem>>)
      tpu.yield
    }) : () -> ()
    "tpu.region"() ({
      %run_scoped3A = tpu.sem_alloc : memref<!tpu.dma_semaphore, #tpu.memory_space<semaphore_mem>>
      %dma_start3A_60 = arith.constant 0 : i32
      %dma_start3A_61 = tpu.memref_slice %arg5[%arg0, %add3A_53, %dma_start3A_60] : memref<2x10240x128xf32, #tpu.memory_space<hbm>> -> memref<1x80x128xf32, #tpu.memory_space<hbm>>
      %dma_start3A_62 = tpu.memref_squeeze %dma_start3A_61 : memref<1x80x128xf32, #tpu.memory_space<hbm>> -> memref<80x128xf32, #tpu.memory_space<hbm>>
      %dma_start3A_63 = arith.constant 0 : i32
      %dma_start3A_64 = tpu.memref_slice %arg5[%arg0, %add3A_53, %dma_start3A_63] : memref<2x10240x128xf32, #tpu.memory_space<hbm>> -> memref<1x80x128xf32, #tpu.memory_space<hbm>>
      %dma_start3A_65 = tpu.memref_squeeze %dma_start3A_64 : memref<1x80x128xf32, #tpu.memory_space<hbm>> -> memref<80x128xf32, #tpu.memory_space<hbm>>
      tpu.enqueue_dma source(%arg9 : memref<80x128xf32, #tpu.memory_space<vmem>>) target(%dma_start3A_65 : memref<80x128xf32, #tpu.memory_space<hbm>>) target_semaphore(%run_scoped3A : memref<!tpu.dma_semaphore, #tpu.memory_space<semaphore_mem>>)
      %dma_wait3A_66 = arith.constant 0 : i32
      %dma_wait3A_67 = tpu.memref_slice %arg5[%arg0, %add3A_53, %dma_wait3A_66] : memref<2x10240x128xf32, #tpu.memory_space<hbm>> -> memref<1x80x128xf32, #tpu.memory_space<hbm>>
      %dma_wait3A_68 = tpu.memref_squeeze %dma_wait3A_67 : memref<1x80x128xf32, #tpu.memory_space<hbm>> -> memref<80x128xf32, #tpu.memory_space<hbm>>
      %dma_wait3A_69 = arith.constant 0 : i32
      %dma_wait3A_70 = tpu.memref_slice %arg5[%arg0, %add3A_53, %dma_wait3A_69] : memref<2x10240x128xf32, #tpu.memory_space<hbm>> -> memref<1x80x128xf32, #tpu.memory_space<hbm>>
      %dma_wait3A_71 = tpu.memref_squeeze %dma_wait3A_70 : memref<1x80x128xf32, #tpu.memory_space<hbm>> -> memref<80x128xf32, #tpu.memory_space<hbm>>
      tpu.wait_dma2 semaphore(%run_scoped3A : memref<!tpu.dma_semaphore, #tpu.memory_space<semaphore_mem>>) src(%arg9 : memref<80x128xf32, #tpu.memory_space<vmem>>) dst(%dma_wait3A_71 : memref<80x128xf32, #tpu.memory_space<hbm>>)
      tpu.yield
    }) : () -> ()
    %add3A_54 = arith.constant 400 : i32
    %add3A_55 = arith.addi %mul3A_0, %add3A_54 : i32
    "tpu.region"() ({
      %run_scoped3A = tpu.sem_alloc : memref<!tpu.dma_semaphore, #tpu.memory_space<semaphore_mem>>
      %dma_start3A_60 = arith.constant 0 : i32
      %dma_start3A_61 = tpu.memref_slice %arg6[%add3A_55, %dma_start3A_60] : memref<10240x128xf32, #tpu.memory_space<vmem_shared>> -> memref<80x128xf32, #tpu.memory_space<vmem_shared>>
      %dma_start3A_62 = arith.constant 0 : i32
      %dma_start3A_63 = tpu.memref_slice %arg6[%add3A_55, %dma_start3A_62] : memref<10240x128xf32, #tpu.memory_space<vmem_shared>> -> memref<80x128xf32, #tpu.memory_space<vmem_shared>>
      tpu.enqueue_dma source(%dma_start3A_63 : memref<80x128xf32, #tpu.memory_space<vmem_shared>>) target(%arg9 : memref<80x128xf32, #tpu.memory_space<vmem>>) target_semaphore(%run_scoped3A : memref<!tpu.dma_semaphore, #tpu.memory_space<semaphore_mem>>)
      %dma_wait3A_64 = arith.constant 0 : i32
      %dma_wait3A_65 = tpu.memref_slice %arg6[%add3A_55, %dma_wait3A_64] : memref<10240x128xf32, #tpu.memory_space<vmem_shared>> -> memref<80x128xf32, #tpu.memory_space<vmem_shared>>
      %dma_wait3A_66 = arith.constant 0 : i32
      %dma_wait3A_67 = tpu.memref_slice %arg6[%add3A_55, %dma_wait3A_66] : memref<10240x128xf32, #tpu.memory_space<vmem_shared>> -> memref<80x128xf32, #tpu.memory_space<vmem_shared>>
      tpu.wait_dma2 semaphore(%run_scoped3A : memref<!tpu.dma_semaphore, #tpu.memory_space<semaphore_mem>>) src(%dma_wait3A_67 : memref<80x128xf32, #tpu.memory_space<vmem_shared>>) dst(%arg9 : memref<80x128xf32, #tpu.memory_space<vmem>>)
      tpu.yield
    }) : () -> ()
    "tpu.region"() ({
      %run_scoped3A = tpu.sem_alloc : memref<!tpu.dma_semaphore, #tpu.memory_space<semaphore_mem>>
      %dma_start3A_60 = arith.constant 0 : i32
      %dma_start3A_61 = tpu.memref_slice %arg5[%arg0, %add3A_55, %dma_start3A_60] : memref<2x10240x128xf32, #tpu.memory_space<hbm>> -> memref<1x80x128xf32, #tpu.memory_space<hbm>>
      %dma_start3A_62 = tpu.memref_squeeze %dma_start3A_61 : memref<1x80x128xf32, #tpu.memory_space<hbm>> -> memref<80x128xf32, #tpu.memory_space<hbm>>
      %dma_start3A_63 = arith.constant 0 : i32
      %dma_start3A_64 = tpu.memref_slice %arg5[%arg0, %add3A_55, %dma_start3A_63] : memref<2x10240x128xf32, #tpu.memory_space<hbm>> -> memref<1x80x128xf32, #tpu.memory_space<hbm>>
      %dma_start3A_65 = tpu.memref_squeeze %dma_start3A_64 : memref<1x80x128xf32, #tpu.memory_space<hbm>> -> memref<80x128xf32, #tpu.memory_space<hbm>>
      tpu.enqueue_dma source(%arg9 : memref<80x128xf32, #tpu.memory_space<vmem>>) target(%dma_start3A_65 : memref<80x128xf32, #tpu.memory_space<hbm>>) target_semaphore(%run_scoped3A : memref<!tpu.dma_semaphore, #tpu.memory_space<semaphore_mem>>)
      %dma_wait3A_66 = arith.constant 0 : i32
      %dma_wait3A_67 = tpu.memref_slice %arg5[%arg0, %add3A_55, %dma_wait3A_66] : memref<2x10240x128xf32, #tpu.memory_space<hbm>> -> memref<1x80x128xf32, #tpu.memory_space<hbm>>
      %dma_wait3A_68 = tpu.memref_squeeze %dma_wait3A_67 : memref<1x80x128xf32, #tpu.memory_space<hbm>> -> memref<80x128xf32, #tpu.memory_space<hbm>>
      %dma_wait3A_69 = arith.constant 0 : i32
      %dma_wait3A_70 = tpu.memref_slice %arg5[%arg0, %add3A_55, %dma_wait3A_69] : memref<2x10240x128xf32, #tpu.memory_space<hbm>> -> memref<1x80x128xf32, #tpu.memory_space<hbm>>
      %dma_wait3A_71 = tpu.memref_squeeze %dma_wait3A_70 : memref<1x80x128xf32, #tpu.memory_space<hbm>> -> memref<80x128xf32, #tpu.memory_space<hbm>>
      tpu.wait_dma2 semaphore(%run_scoped3A : memref<!tpu.dma_semaphore, #tpu.memory_space<semaphore_mem>>) src(%arg9 : memref<80x128xf32, #tpu.memory_space<vmem>>) dst(%dma_wait3A_71 : memref<80x128xf32, #tpu.memory_space<hbm>>)
      tpu.yield
    }) : () -> ()
    %add3A_56 = arith.constant 480 : i32
    %add3A_57 = arith.addi %mul3A_0, %add3A_56 : i32
    "tpu.region"() ({
      %run_scoped3A = tpu.sem_alloc : memref<!tpu.dma_semaphore, #tpu.memory_space<semaphore_mem>>
      %dma_start3A_60 = arith.constant 0 : i32
      %dma_start3A_61 = tpu.memref_slice %arg6[%add3A_57, %dma_start3A_60] : memref<10240x128xf32, #tpu.memory_space<vmem_shared>> -> memref<80x128xf32, #tpu.memory_space<vmem_shared>>
      %dma_start3A_62 = arith.constant 0 : i32
      %dma_start3A_63 = tpu.memref_slice %arg6[%add3A_57, %dma_start3A_62] : memref<10240x128xf32, #tpu.memory_space<vmem_shared>> -> memref<80x128xf32, #tpu.memory_space<vmem_shared>>
      tpu.enqueue_dma source(%dma_start3A_63 : memref<80x128xf32, #tpu.memory_space<vmem_shared>>) target(%arg9 : memref<80x128xf32, #tpu.memory_space<vmem>>) target_semaphore(%run_scoped3A : memref<!tpu.dma_semaphore, #tpu.memory_space<semaphore_mem>>)
      %dma_wait3A_64 = arith.constant 0 : i32
      %dma_wait3A_65 = tpu.memref_slice %arg6[%add3A_57, %dma_wait3A_64] : memref<10240x128xf32, #tpu.memory_space<vmem_shared>> -> memref<80x128xf32, #tpu.memory_space<vmem_shared>>
      %dma_wait3A_66 = arith.constant 0 : i32
      %dma_wait3A_67 = tpu.memref_slice %arg6[%add3A_57, %dma_wait3A_66] : memref<10240x128xf32, #tpu.memory_space<vmem_shared>> -> memref<80x128xf32, #tpu.memory_space<vmem_shared>>
      tpu.wait_dma2 semaphore(%run_scoped3A : memref<!tpu.dma_semaphore, #tpu.memory_space<semaphore_mem>>) src(%dma_wait3A_67 : memref<80x128xf32, #tpu.memory_space<vmem_shared>>) dst(%arg9 : memref<80x128xf32, #tpu.memory_space<vmem>>)
      tpu.yield
    }) : () -> ()
    "tpu.region"() ({
      %run_scoped3A = tpu.sem_alloc : memref<!tpu.dma_semaphore, #tpu.memory_space<semaphore_mem>>
      %dma_start3A_60 = arith.constant 0 : i32
      %dma_start3A_61 = tpu.memref_slice %arg5[%arg0, %add3A_57, %dma_start3A_60] : memref<2x10240x128xf32, #tpu.memory_space<hbm>> -> memref<1x80x128xf32, #tpu.memory_space<hbm>>
      %dma_start3A_62 = tpu.memref_squeeze %dma_start3A_61 : memref<1x80x128xf32, #tpu.memory_space<hbm>> -> memref<80x128xf32, #tpu.memory_space<hbm>>
      %dma_start3A_63 = arith.constant 0 : i32
      %dma_start3A_64 = tpu.memref_slice %arg5[%arg0, %add3A_57, %dma_start3A_63] : memref<2x10240x128xf32, #tpu.memory_space<hbm>> -> memref<1x80x128xf32, #tpu.memory_space<hbm>>
      %dma_start3A_65 = tpu.memref_squeeze %dma_start3A_64 : memref<1x80x128xf32, #tpu.memory_space<hbm>> -> memref<80x128xf32, #tpu.memory_space<hbm>>
      tpu.enqueue_dma source(%arg9 : memref<80x128xf32, #tpu.memory_space<vmem>>) target(%dma_start3A_65 : memref<80x128xf32, #tpu.memory_space<hbm>>) target_semaphore(%run_scoped3A : memref<!tpu.dma_semaphore, #tpu.memory_space<semaphore_mem>>)
      %dma_wait3A_66 = arith.constant 0 : i32
      %dma_wait3A_67 = tpu.memref_slice %arg5[%arg0, %add3A_57, %dma_wait3A_66] : memref<2x10240x128xf32, #tpu.memory_space<hbm>> -> memref<1x80x128xf32, #tpu.memory_space<hbm>>
      %dma_wait3A_68 = tpu.memref_squeeze %dma_wait3A_67 : memref<1x80x128xf32, #tpu.memory_space<hbm>> -> memref<80x128xf32, #tpu.memory_space<hbm>>
      %dma_wait3A_69 = arith.constant 0 : i32
      %dma_wait3A_70 = tpu.memref_slice %arg5[%arg0, %add3A_57, %dma_wait3A_69] : memref<2x10240x128xf32, #tpu.memory_space<hbm>> -> memref<1x80x128xf32, #tpu.memory_space<hbm>>
      %dma_wait3A_71 = tpu.memref_squeeze %dma_wait3A_70 : memref<1x80x128xf32, #tpu.memory_space<hbm>> -> memref<80x128xf32, #tpu.memory_space<hbm>>
      tpu.wait_dma2 semaphore(%run_scoped3A : memref<!tpu.dma_semaphore, #tpu.memory_space<semaphore_mem>>) src(%arg9 : memref<80x128xf32, #tpu.memory_space<vmem>>) dst(%dma_wait3A_71 : memref<80x128xf32, #tpu.memory_space<hbm>>)
      tpu.yield
    }) : () -> ()
    %add3A_58 = arith.constant 560 : i32
    %add3A_59 = arith.addi %mul3A_0, %add3A_58 : i32
    "tpu.region"() ({
      %run_scoped3A = tpu.sem_alloc : memref<!tpu.dma_semaphore, #tpu.memory_space<semaphore_mem>>
      %dma_start3A_60 = arith.constant 0 : i32
      %dma_start3A_61 = tpu.memref_slice %arg6[%add3A_59, %dma_start3A_60] : memref<10240x128xf32, #tpu.memory_space<vmem_shared>> -> memref<80x128xf32, #tpu.memory_space<vmem_shared>>
      %dma_start3A_62 = arith.constant 0 : i32
      %dma_start3A_63 = tpu.memref_slice %arg6[%add3A_59, %dma_start3A_62] : memref<10240x128xf32, #tpu.memory_space<vmem_shared>> -> memref<80x128xf32, #tpu.memory_space<vmem_shared>>
      tpu.enqueue_dma source(%dma_start3A_63 : memref<80x128xf32, #tpu.memory_space<vmem_shared>>) target(%arg9 : memref<80x128xf32, #tpu.memory_space<vmem>>) target_semaphore(%run_scoped3A : memref<!tpu.dma_semaphore, #tpu.memory_space<semaphore_mem>>)
      %dma_wait3A_64 = arith.constant 0 : i32
      %dma_wait3A_65 = tpu.memref_slice %arg6[%add3A_59, %dma_wait3A_64] : memref<10240x128xf32, #tpu.memory_space<vmem_shared>> -> memref<80x128xf32, #tpu.memory_space<vmem_shared>>
      %dma_wait3A_66 = arith.constant 0 : i32
      %dma_wait3A_67 = tpu.memref_slice %arg6[%add3A_59, %dma_wait3A_66] : memref<10240x128xf32, #tpu.memory_space<vmem_shared>> -> memref<80x128xf32, #tpu.memory_space<vmem_shared>>
      tpu.wait_dma2 semaphore(%run_scoped3A : memref<!tpu.dma_semaphore, #tpu.memory_space<semaphore_mem>>) src(%dma_wait3A_67 : memref<80x128xf32, #tpu.memory_space<vmem_shared>>) dst(%arg9 : memref<80x128xf32, #tpu.memory_space<vmem>>)
      tpu.yield
    }) : () -> ()
    "tpu.region"() ({
      %run_scoped3A = tpu.sem_alloc : memref<!tpu.dma_semaphore, #tpu.memory_space<semaphore_mem>>
      %dma_start3A_60 = arith.constant 0 : i32
      %dma_start3A_61 = tpu.memref_slice %arg5[%arg0, %add3A_59, %dma_start3A_60] : memref<2x10240x128xf32, #tpu.memory_space<hbm>> -> memref<1x80x128xf32, #tpu.memory_space<hbm>>
      %dma_start3A_62 = tpu.memref_squeeze %dma_start3A_61 : memref<1x80x128xf32, #tpu.memory_space<hbm>> -> memref<80x128xf32, #tpu.memory_space<hbm>>
      %dma_start3A_63 = arith.constant 0 : i32
      %dma_start3A_64 = tpu.memref_slice %arg5[%arg0, %add3A_59, %dma_start3A_63] : memref<2x10240x128xf32, #tpu.memory_space<hbm>> -> memref<1x80x128xf32, #tpu.memory_space<hbm>>
      %dma_start3A_65 = tpu.memref_squeeze %dma_start3A_64 : memref<1x80x128xf32, #tpu.memory_space<hbm>> -> memref<80x128xf32, #tpu.memory_space<hbm>>
      tpu.enqueue_dma source(%arg9 : memref<80x128xf32, #tpu.memory_space<vmem>>) target(%dma_start3A_65 : memref<80x128xf32, #tpu.memory_space<hbm>>) target_semaphore(%run_scoped3A : memref<!tpu.dma_semaphore, #tpu.memory_space<semaphore_mem>>)
      %dma_wait3A_66 = arith.constant 0 : i32
      %dma_wait3A_67 = tpu.memref_slice %arg5[%arg0, %add3A_59, %dma_wait3A_66] : memref<2x10240x128xf32, #tpu.memory_space<hbm>> -> memref<1x80x128xf32, #tpu.memory_space<hbm>>
      %dma_wait3A_68 = tpu.memref_squeeze %dma_wait3A_67 : memref<1x80x128xf32, #tpu.memory_space<hbm>> -> memref<80x128xf32, #tpu.memory_space<hbm>>
      %dma_wait3A_69 = arith.constant 0 : i32
      %dma_wait3A_70 = tpu.memref_slice %arg5[%arg0, %add3A_59, %dma_wait3A_69] : memref<2x10240x128xf32, #tpu.memory_space<hbm>> -> memref<1x80x128xf32, #tpu.memory_space<hbm>>
      %dma_wait3A_71 = tpu.memref_squeeze %dma_wait3A_70 : memref<1x80x128xf32, #tpu.memory_space<hbm>> -> memref<80x128xf32, #tpu.memory_space<hbm>>
      tpu.wait_dma2 semaphore(%run_scoped3A : memref<!tpu.dma_semaphore, #tpu.memory_space<semaphore_mem>>) src(%arg9 : memref<80x128xf32, #tpu.memory_space<vmem>>) dst(%dma_wait3A_71 : memref<80x128xf32, #tpu.memory_space<hbm>>)
      tpu.yield
    }) : () -> ()
    return
  }
}

module attributes {stable_mosaic.version = 14 : i64} {
  func.func @_mm2_body(%arg0: i32, %arg1: memref<2000x128xf32, #tpu.memory_space<vmem>>, %arg2: memref<128x128xf32, #tpu.memory_space<vmem>>, %arg3: memref<128x128xf32, #tpu.memory_space<vmem>>, %arg4: memref<2000x128xf32, #tpu.memory_space<vmem>>, %arg5: memref<2000x128xf32, #tpu.memory_space<vmem>>) attributes {dimension_semantics = [#tpu.dimension_semantics<arbitrary>], iteration_bounds = array<i64: 5>, scalar_prefetch = 0 : i64, scratch_operands = 0 : i64, tpu.core_type = #tpu.core_type<tc>, window_params = [{transform_indices = @transform_0, window_bounds = array<i64: 2000, 128>}, {pipeline_mode = #tpu.pipeline_mode<synchronous>, transform_indices = @transform_1, window_bounds = array<i64: 128, 128>}, {pipeline_mode = #tpu.pipeline_mode<synchronous>, transform_indices = @transform_2, window_bounds = array<i64: 128, 128>}, {transform_indices = @transform_3, window_bounds = array<i64: 2000, 128>}, {transform_indices = @transform_4, window_bounds = array<i64: 2000, 128>}]} {
    %get3A = arith.constant 0 : index
    %get3A_0 = arith.constant 0 : index
    %get3A_1 = vector.load %arg1[%get3A, %get3A_0] : memref<2000x128xf32, #tpu.memory_space<vmem>>, vector<2000x128xf32>
    %get3A_2 = arith.constant 0 : index
    %get3A_3 = arith.constant 0 : index
    %get3A_4 = vector.load %arg2[%get3A_2, %get3A_3] : memref<128x128xf32, #tpu.memory_space<vmem>>, vector<128x128xf32>
    %dot_general3A = arith.constant dense<0.000000e+00> : vector<2000x128xf32>
    %dot_general3A_5 = tpu.matmul %get3A_1, %get3A_4, %dot_general3A {dimension_numbers = #tpu.dot_dimension_numbers<[1], [1], [0], [0], [0, 0, 1, 0], [], []>, transpose_lhs_hint = false} : vector<2000x128xf32>, vector<128x128xf32>, vector<2000x128xf32> -> vector<2000x128xf32>
    %swap3A = arith.constant 0 : index
    %swap3A_6 = arith.constant 0 : index
    %swap3A_7 = vector.load %arg4[%swap3A, %swap3A_6] : memref<2000x128xf32, #tpu.memory_space<vmem>>, vector<2000x128xf32>
    tpu.vector_store %arg4[%swap3A, %swap3A_6], %dot_general3A_5 {strides = array<i32>} : memref<2000x128xf32, #tpu.memory_space<vmem>>, vector<2000x128xf32>,
    %get3A_8 = arith.constant 0 : index
    %get3A_9 = arith.constant 0 : index
    %get3A_10 = vector.load %arg3[%get3A_8, %get3A_9] : memref<128x128xf32, #tpu.memory_space<vmem>>, vector<128x128xf32>
    %dot_general3A_11 = arith.constant dense<0.000000e+00> : vector<2000x128xf32>
    %dot_general3A_12 = tpu.matmul %get3A_1, %get3A_10, %dot_general3A_11 {dimension_numbers = #tpu.dot_dimension_numbers<[1], [1], [0], [0], [0, 0, 1, 0], [], []>, transpose_lhs_hint = false} : vector<2000x128xf32>, vector<128x128xf32>, vector<2000x128xf32> -> vector<2000x128xf32>
    %swap3A_13 = arith.constant 0 : index
    %swap3A_14 = arith.constant 0 : index
    %swap3A_15 = vector.load %arg5[%swap3A_13, %swap3A_14] : memref<2000x128xf32, #tpu.memory_space<vmem>>, vector<2000x128xf32>
    tpu.vector_store %arg5[%swap3A_13, %swap3A_14], %dot_general3A_12 {strides = array<i32>} : memref<2000x128xf32, #tpu.memory_space<vmem>>, vector<2000x128xf32>,
    return
  }
  func.func @transform_0(%arg0: i32) -> (i32, i32) {
    %c0_i32 = arith.constant 0 : i32
    %c0_i32_0 = arith.constant 0 : i32
    return %arg0, %c0_i32 : i32, i32
  }
  func.func @transform_1(%arg0: i32) -> (i32, i32) {
    %c0_i32 = arith.constant 0 : i32
    %c0_i32_0 = arith.constant 0 : i32
    %c0_i32_1 = arith.constant 0 : i32
    return %c0_i32, %c0_i32_0 : i32, i32
  }
  func.func @transform_2(%arg0: i32) -> (i32, i32) {
    %c0_i32 = arith.constant 0 : i32
    %c0_i32_0 = arith.constant 0 : i32
    %c0_i32_1 = arith.constant 0 : i32
    return %c0_i32, %c0_i32_0 : i32, i32
  }
  func.func @transform_3(%arg0: i32) -> (i32, i32) {
    %c0_i32 = arith.constant 0 : i32
    %c0_i32_0 = arith.constant 0 : i32
    return %arg0, %c0_i32 : i32, i32
  }
  func.func @transform_4(%arg0: i32) -> (i32, i32) {
    %c0_i32 = arith.constant 0 : i32
    %c0_i32_0 = arith.constant 0 : i32
    return %arg0, %c0_i32 : i32, i32
  }
}

module attributes {stable_mosaic.version = 14 : i64} {
  func.func @_fin_body(%arg0: i32, %arg1: memref<2000x128xf32, #tpu.memory_space<vmem>>, %arg2: memref<2x2000x128xf32, #tpu.memory_space<vmem>>, %arg3: memref<2x2000x128xf32, #tpu.memory_space<vmem>>, %arg4: memref<1x128xf32, #tpu.memory_space<vmem>>, %arg5: memref<2000x128xf32, #tpu.memory_space<vmem>>) attributes {dimension_semantics = [#tpu.dimension_semantics<arbitrary>], iteration_bounds = array<i64: 5>, scalar_prefetch = 0 : i64, scratch_operands = 0 : i64, tpu.core_type = #tpu.core_type<tc>, window_params = [{transform_indices = @transform_0, window_bounds = array<i64: 2000, 128>}, {transform_indices = @transform_1, window_bounds = array<i64: 2, 2000, 128>}, {transform_indices = @transform_2, window_bounds = array<i64: 2, 2000, 128>}, {pipeline_mode = #tpu.pipeline_mode<synchronous>, transform_indices = @transform_3, window_bounds = array<i64: 1, 128>}, {transform_indices = @transform_4, window_bounds = array<i64: 2000, 128>}]} {
    %get3A = arith.constant 0 : index
    %get3A_0 = arith.constant 0 : index
    %get3A_1 = arith.constant 0 : index
    %get3A_2 = vector.load %arg2[%get3A, %get3A_0, %get3A_1] : memref<2x2000x128xf32, #tpu.memory_space<vmem>>, vector<1x2000x128xf32>
    %get3A_3 = vector.shape_cast %get3A_2 : vector<1x2000x128xf32> to vector<2000x128xf32>
    %get3A_4 = arith.constant 1 : index
    %get3A_5 = arith.constant 0 : index
    %get3A_6 = arith.constant 0 : index
    %get3A_7 = vector.load %arg2[%get3A_4, %get3A_5, %get3A_6] : memref<2x2000x128xf32, #tpu.memory_space<vmem>>, vector<1x2000x128xf32>
    %get3A_8 = vector.shape_cast %get3A_7 : vector<1x2000x128xf32> to vector<2000x128xf32>
    %add3A = arith.addf %get3A_3, %get3A_8 : vector<2000x128xf32>
    %get3A_9 = arith.constant 0 : index
    %get3A_10 = arith.constant 0 : index
    %get3A_11 = arith.constant 0 : index
    %get3A_12 = vector.load %arg3[%get3A_9, %get3A_10, %get3A_11] : memref<2x2000x128xf32, #tpu.memory_space<vmem>>, vector<1x2000x1xf32>
    %get3A_13 = vector.shape_cast %get3A_12 : vector<1x2000x1xf32> to vector<2000x1xf32>
    %get3A_14 = arith.constant 1 : index
    %get3A_15 = arith.constant 0 : index
    %get3A_16 = arith.constant 0 : index
    %get3A_17 = vector.load %arg3[%get3A_14, %get3A_15, %get3A_16] : memref<2x2000x128xf32, #tpu.memory_space<vmem>>, vector<1x2000x1xf32>
    %get3A_18 = vector.shape_cast %get3A_17 : vector<1x2000x1xf32> to vector<2000x1xf32>
    %add3A_19 = arith.addf %get3A_13, %get3A_18 : vector<2000x1xf32>
    %max3A = arith.constant 1.000000e+00 : f32
    %max3A_20 = vector.broadcast %max3A : f32 to vector<2000x1xf32>
    %max3A_21 = arith.maximumf %add3A_19, %max3A_20 : vector<2000x1xf32>
    %div3A = arith.constant 1.000000e+00 : f32
    %div3A_22 = vector.broadcast %div3A : f32 to vector<2000x1xf32>
    %div3A_23 = arith.divf %div3A_22, %max3A_21 : vector<2000x1xf32>
    %get3A_24 = arith.constant 0 : index
    %get3A_25 = arith.constant 0 : index
    %get3A_26 = vector.load %arg1[%get3A_24, %get3A_25] : memref<2000x128xf32, #tpu.memory_space<vmem>>, vector<2000x128xf32>
    %mul3A = vector.broadcast %div3A_23 : vector<2000x1xf32> to vector<2000x128xf32>
    %mul3A_27 = arith.mulf %add3A, %mul3A : vector<2000x128xf32>
    %add3A_28 = arith.addf %get3A_26, %mul3A_27 : vector<2000x128xf32>
    %get3A_29 = arith.constant 0 : index
    %get3A_30 = arith.constant 0 : index
    %get3A_31 = vector.load %arg4[%get3A_29, %get3A_30] : memref<1x128xf32, #tpu.memory_space<vmem>>, vector<1x128xf32>
    %add3A_32 = vector.broadcast %get3A_31 : vector<1x128xf32> to vector<2000x128xf32>
    %add3A_33 = arith.addf %add3A_28, %add3A_32 : vector<2000x128xf32>
    %swap3A = arith.constant 0 : index
    %swap3A_34 = arith.constant 0 : index
    %swap3A_35 = vector.load %arg5[%swap3A, %swap3A_34] : memref<2000x128xf32, #tpu.memory_space<vmem>>, vector<2000x128xf32>
    tpu.vector_store %arg5[%swap3A, %swap3A_34], %add3A_33 {strides = array<i32>} : memref<2000x128xf32, #tpu.memory_space<vmem>>, vector<2000x128xf32>,
    return
  }
  func.func @transform_0(%arg0: i32) -> (i32, i32) {
    %c0_i32 = arith.constant 0 : i32
    %c0_i32_0 = arith.constant 0 : i32
    return %arg0, %c0_i32 : i32, i32
  }
  func.func @transform_1(%arg0: i32) -> (i32, i32, i32) {
    %c0_i32 = arith.constant 0 : i32
    %c0_i32_0 = arith.constant 0 : i32
    %c0_i32_1 = arith.constant 0 : i32
    return %c0_i32, %arg0, %c0_i32_0 : i32, i32, i32
  }
  func.func @transform_2(%arg0: i32) -> (i32, i32, i32) {
    %c0_i32 = arith.constant 0 : i32
    %c0_i32_0 = arith.constant 0 : i32
    %c0_i32_1 = arith.constant 0 : i32
    return %c0_i32, %arg0, %c0_i32_0 : i32, i32, i32
  }
  func.func @transform_3(%arg0: i32) -> (i32, i32) {
    %c0_i32 = arith.constant 0 : i32
    %c0_i32_0 = arith.constant 0 : i32
    %c0_i32_1 = arith.constant 0 : i32
    return %c0_i32, %c0_i32_0 : i32, i32
  }
  func.func @transform_4(%arg0: i32) -> (i32, i32) {
    %c0_i32 = arith.constant 0 : i32
    %c0_i32_0 = arith.constant 0 : i32
    return %arg0, %c0_i32 : i32, i32
  }
}

module attributes {stable_mosaic.version = 14 : i64} {
  func.func @_mid_body(%arg0: i32, %arg1: memref<2000x128xf32, #tpu.memory_space<vmem>>, %arg2: memref<2x2000x128xf32, #tpu.memory_space<vmem>>, %arg3: memref<2x2000x128xf32, #tpu.memory_space<vmem>>, %arg4: memref<128x128xf32, #tpu.memory_space<vmem>>, %arg5: memref<128x128xf32, #tpu.memory_space<vmem>>, %arg6: memref<1x128xf32, #tpu.memory_space<vmem>>, %arg7: memref<2000x128xf32, #tpu.memory_space<vmem>>, %arg8: memref<2000x128xf32, #tpu.memory_space<vmem>>) attributes {dimension_semantics = [#tpu.dimension_semantics<arbitrary>], iteration_bounds = array<i64: 5>, scalar_prefetch = 0 : i64, scratch_operands = 0 : i64, tpu.core_type = #tpu.core_type<tc>, window_params = [{transform_indices = @transform_0, window_bounds = array<i64: 2000, 128>}, {transform_indices = @transform_1, window_bounds = array<i64: 2, 2000, 128>}, {transform_indices = @transform_2, window_bounds = array<i64: 2, 2000, 128>}, {pipeline_mode = #tpu.pipeline_mode<synchronous>, transform_indices = @transform_3, window_bounds = array<i64: 128, 128>}, {pipeline_mode = #tpu.pipeline_mode<synchronous>, transform_indices = @transform_4, window_bounds = array<i64: 128, 128>}, {pipeline_mode = #tpu.pipeline_mode<synchronous>, transform_indices = @transform_5, window_bounds = array<i64: 1, 128>}, {transform_indices = @transform_6, window_bounds = array<i64: 2000, 128>}, {transform_indices = @transform_7, window_bounds = array<i64: 2000, 128>}]} {
    %get3A = arith.constant 0 : index
    %get3A_0 = arith.constant 0 : index
    %get3A_1 = arith.constant 0 : index
    %get3A_2 = vector.load %arg2[%get3A, %get3A_0, %get3A_1] : memref<2x2000x128xf32, #tpu.memory_space<vmem>>, vector<1x2000x128xf32>
    %get3A_3 = vector.shape_cast %get3A_2 : vector<1x2000x128xf32> to vector<2000x128xf32>
    %get3A_4 = arith.constant 1 : index
    %get3A_5 = arith.constant 0 : index
    %get3A_6 = arith.constant 0 : index
    %get3A_7 = vector.load %arg2[%get3A_4, %get3A_5, %get3A_6] : memref<2x2000x128xf32, #tpu.memory_space<vmem>>, vector<1x2000x128xf32>
    %get3A_8 = vector.shape_cast %get3A_7 : vector<1x2000x128xf32> to vector<2000x128xf32>
    %add3A = arith.addf %get3A_3, %get3A_8 : vector<2000x128xf32>
    %get3A_9 = arith.constant 0 : index
    %get3A_10 = arith.constant 0 : index
    %get3A_11 = arith.constant 0 : index
    %get3A_12 = vector.load %arg3[%get3A_9, %get3A_10, %get3A_11] : memref<2x2000x128xf32, #tpu.memory_space<vmem>>, vector<1x2000x1xf32>
    %get3A_13 = vector.shape_cast %get3A_12 : vector<1x2000x1xf32> to vector<2000x1xf32>
    %get3A_14 = arith.constant 1 : index
    %get3A_15 = arith.constant 0 : index
    %get3A_16 = arith.constant 0 : index
    %get3A_17 = vector.load %arg3[%get3A_14, %get3A_15, %get3A_16] : memref<2x2000x128xf32, #tpu.memory_space<vmem>>, vector<1x2000x1xf32>
    %get3A_18 = vector.shape_cast %get3A_17 : vector<1x2000x1xf32> to vector<2000x1xf32>
    %add3A_19 = arith.addf %get3A_13, %get3A_18 : vector<2000x1xf32>
    %max3A = arith.constant 1.000000e+00 : f32
    %max3A_20 = vector.broadcast %max3A : f32 to vector<2000x1xf32>
    %max3A_21 = arith.maximumf %add3A_19, %max3A_20 : vector<2000x1xf32>
    %div3A = arith.constant 1.000000e+00 : f32
    %div3A_22 = vector.broadcast %div3A : f32 to vector<2000x1xf32>
    %div3A_23 = arith.divf %div3A_22, %max3A_21 : vector<2000x1xf32>
    %get3A_24 = arith.constant 0 : index
    %get3A_25 = arith.constant 0 : index
    %get3A_26 = vector.load %arg1[%get3A_24, %get3A_25] : memref<2000x128xf32, #tpu.memory_space<vmem>>, vector<2000x128xf32>
    %mul3A = vector.broadcast %div3A_23 : vector<2000x1xf32> to vector<2000x128xf32>
    %mul3A_27 = arith.mulf %add3A, %mul3A : vector<2000x128xf32>
    %add3A_28 = arith.addf %get3A_26, %mul3A_27 : vector<2000x128xf32>
    %get3A_29 = arith.constant 0 : index
    %get3A_30 = arith.constant 0 : index
    %get3A_31 = vector.load %arg6[%get3A_29, %get3A_30] : memref<1x128xf32, #tpu.memory_space<vmem>>, vector<1x128xf32>
    %add3A_32 = vector.broadcast %get3A_31 : vector<1x128xf32> to vector<2000x128xf32>
    %add3A_33 = arith.addf %add3A_28, %add3A_32 : vector<2000x128xf32>
    %max3A_34 = arith.constant 0.000000e+00 : f32
    %max3A_35 = vector.broadcast %max3A_34 : f32 to vector<2000x128xf32>
    %max3A_36 = arith.maximumf %add3A_33, %max3A_35 : vector<2000x128xf32>
    %get3A_37 = arith.constant 0 : index
    %get3A_38 = arith.constant 0 : index
    %get3A_39 = vector.load %arg4[%get3A_37, %get3A_38] : memref<128x128xf32, #tpu.memory_space<vmem>>, vector<128x128xf32>
    %dot_general3A = arith.constant dense<0.000000e+00> : vector<2000x128xf32>
    %dot_general3A_40 = tpu.matmul %max3A_36, %get3A_39, %dot_general3A {dimension_numbers = #tpu.dot_dimension_numbers<[1], [1], [0], [0], [0, 0, 1, 0], [], []>, transpose_lhs_hint = false} : vector<2000x128xf32>, vector<128x128xf32>, vector<2000x128xf32> -> vector<2000x128xf32>
    %swap3A = arith.constant 0 : index
    %swap3A_41 = arith.constant 0 : index
    %swap3A_42 = vector.load %arg7[%swap3A, %swap3A_41] : memref<2000x128xf32, #tpu.memory_space<vmem>>, vector<2000x128xf32>
    tpu.vector_store %arg7[%swap3A, %swap3A_41], %dot_general3A_40 {strides = array<i32>} : memref<2000x128xf32, #tpu.memory_space<vmem>>, vector<2000x128xf32>,
    %get3A_43 = arith.constant 0 : index
    %get3A_44 = arith.constant 0 : index
    %get3A_45 = vector.load %arg5[%get3A_43, %get3A_44] : memref<128x128xf32, #tpu.memory_space<vmem>>, vector<128x128xf32>
    %dot_general3A_46 = arith.constant dense<0.000000e+00> : vector<2000x128xf32>
    %dot_general3A_47 = tpu.matmul %max3A_36, %get3A_45, %dot_general3A_46 {dimension_numbers = #tpu.dot_dimension_numbers<[1], [1], [0], [0], [0, 0, 1, 0], [], []>, transpose_lhs_hint = false} : vector<2000x128xf32>, vector<128x128xf32>, vector<2000x128xf32> -> vector<2000x128xf32>
    %swap3A_48 = arith.constant 0 : index
    %swap3A_49 = arith.constant 0 : index
    %swap3A_50 = vector.load %arg8[%swap3A_48, %swap3A_49] : memref<2000x128xf32, #tpu.memory_space<vmem>>, vector<2000x128xf32>
    tpu.vector_store %arg8[%swap3A_48, %swap3A_49], %dot_general3A_47 {strides = array<i32>} : memref<2000x128xf32, #tpu.memory_space<vmem>>, vector<2000x128xf32>,
    return
  }
  func.func @transform_0(%arg0: i32) -> (i32, i32) {
    %c0_i32 = arith.constant 0 : i32
    %c0_i32_0 = arith.constant 0 : i32
    return %arg0, %c0_i32 : i32, i32
  }
  func.func @transform_1(%arg0: i32) -> (i32, i32, i32) {
    %c0_i32 = arith.constant 0 : i32
    %c0_i32_0 = arith.constant 0 : i32
    %c0_i32_1 = arith.constant 0 : i32
    return %c0_i32, %arg0, %c0_i32_0 : i32, i32, i32
  }
  func.func @transform_2(%arg0: i32) -> (i32, i32, i32) {
    %c0_i32 = arith.constant 0 : i32
    %c0_i32_0 = arith.constant 0 : i32
    %c0_i32_1 = arith.constant 0 : i32
    return %c0_i32, %arg0, %c0_i32_0 : i32, i32, i32
  }
  func.func @transform_3(%arg0: i32) -> (i32, i32) {
    %c0_i32 = arith.constant 0 : i32
    %c0_i32_0 = arith.constant 0 : i32
    %c0_i32_1 = arith.constant 0 : i32
    return %c0_i32, %c0_i32_0 : i32, i32
  }
  func.func @transform_4(%arg0: i32) -> (i32, i32) {
    %c0_i32 = arith.constant 0 : i32
    %c0_i32_0 = arith.constant 0 : i32
    %c0_i32_1 = arith.constant 0 : i32
    return %c0_i32, %c0_i32_0 : i32, i32
  }
  func.func @transform_5(%arg0: i32) -> (i32, i32) {
    %c0_i32 = arith.constant 0 : i32
    %c0_i32_0 = arith.constant 0 : i32
    %c0_i32_1 = arith.constant 0 : i32
    return %c0_i32, %c0_i32_0 : i32, i32
  }
  func.func @transform_6(%arg0: i32) -> (i32, i32) {
    %c0_i32 = arith.constant 0 : i32
    %c0_i32_0 = arith.constant 0 : i32
    return %arg0, %c0_i32 : i32, i32
  }
  func.func @transform_7(%arg0: i32) -> (i32, i32) {
    %c0_i32 = arith.constant 0 : i32
    %c0_i32_0 = arith.constant 0 : i32
    return %arg0, %c0_i32 : i32, i32
  }
}

</mosaic_0001>

<sc_bundles>
// kernel: kernel.11.cloned.1.call-start
scs
__scs_entry_jumppad:
0x0: {  	(pc) =	sbr.rel $0x88, $3  }
0x1: {  	(tag) =	ssettag $0x0;
	lr =	simm.s32 $0x1  }
0x2: {  	[smem:$0x3F99] =	sst lr;
	_ =	strace $0xD0000000  }
0x3: {  	_ = 	snop  }
0x4: {  	_ = 	snop  }
0x5: {  	_ = 	snop  }
0x6: {  	_ = 	snop  }
0x7: {  	_ = 	snop  }
__scs_overlays_trampoline_lowered:
0x8: {  	[smem:$0x3FA8] =	sst s0  }
0x9: {  	[smem:$0x3FA9] =	sst s1  }
0xa: {  	[smem:$0x3FAA] =	sst s2  }
0xb: {  	[smem:$0x3FAB] =	sst s3  }
0xc: {  	[smem:$0x3FAC] =	sst s4  }
0xd: {  	[smem:$0x3FAD] =	sst s5  }
0xe: {  	[smem:$0x3FAE] =	sst s6  }
0xf: {  	[smem:$0x3FAF] =	sst s7  }
0x10: {  	[smem:$0x3FB0] =	sst s8  }
0x11: {  	[smem:$0x3FB1] =	sst s9;
	s0 =	simm.s32 @!p0 $0x0  }
0x12: {  	s1 =	sld [smem:$0x3F97];
	s0 =	simm.s32 @p0 $0x1  }
0x13: {  	[smem:$0x3FB2] =	sst s0;
	s0 =	simm.s32 @!p1 $0x0  }
0x14: {  	s2 =	sld [smem:$0x3F96];
	s0 =	simm.s32 @p1 $0x1  }
0x15: {  	[smem:$0x3FB3] =	sst s0;
	s0 =	simm.s32 @!p2 $0x0  }
0x16: {  	s3 =	sld [smem:$0x3FDB];
	s0 =	simm.s32 @p2 $0x1  }
0x17: {  	s4 =	simm.s32 $0x1BF5;
	[smem:$0x3FB5] =	sst s0  }
0x18: {  	s0 =	sld [smem:$0x3F98];
	_ =	swait.ge [sflag:s4], $0x0  }
0x19: {  	s7 =	sld [smem:$0x3F99]  }
0x1a: {  	s8 =	sadd.s32 $0xFFFFE003, lr  }
0x1b: {  	s9 =	sadd.s32 $0xFFFFFEF7, lr;
	s5 =	simm.s32 $0xFFFFFFFF;
	p2 =	slt.u32 s8, $0xFFFFF086  }
0x1c: {  	p1 =	slt.u32 s9, $0xF7A;
	s5 =	simm.s32 @!p2 $0x0  }
0x1d: {  	s5 =	simm.s32 @p1 $0x1;
	p0 =	seq.s32 s7, s2  }
0x1e: {  	s7 =	smul.u32 @!p0 $0xF7A, s2;
	p2 =	seq.s32 @!p0 s5, $0x0  }
0x1f: {  	s9 =	smul.u32 $0xF7A, s1;
	s8 =	simm.s32 @!p0 $0x1BF5;
	p2 =	por !p2, p0  }
0x20: {  	[sflag:s8] =	ssyncset.s32 @!p0 $0xFFFFF086;
	s6 =	sadd.s32 @!p0 s3, s7;
	s7 =	simm.s32 @!p0 $0x108  }
0x21: {  	s3 =	sadd.s32 s3, s9;
	s6 =	sadd.s32 @!p0 $0x88, s6;
	s7 =	simm.s32 @p2 $0x1082  }
0x22: {  	[simem:s7], [sflag:s8] =	dma.local @!p0 [hbm:s6], $0xF7A  }
0x23: {  	s9 =	sor.u32 $0xD0000000, s2;
	s6 =	simm.s32 $0x108;
	_ =	swait.ge @!p0 [sflag:s8], $0x0  }
0x24: {  	s3 =	sadd.s32 $0x88, s3;
	s6 =	simm.s32 @!p1 $0x1082;
	[sflag:s4] =	ssyncset.s32 $0xFFFFF086  }
0x25: {  	[simem:s6], [sflag:s4] =	dma.local [hbm:s3], $0xF7A  }
0x26: {  	[smem:$0x3F99] =	sst s1;
	(tag) =	ssettag s2;
	_ =	strace s9  }
0x27: {  	s1 =	sld [smem:$0x3FA9]  }
0x28: {  	s2 =	sld [smem:$0x3FAA]  }
0x29: {  	s4 =	sld [smem:$0x3FAC]  }
0x2a: {  	p0 =	seq.s32 s5, $0x0;
	s5 =	sld [smem:$0x3FAD]  }
0x2b: {  	s6 =	sld [smem:$0x3FAE]  }
0x2c: {  	s7 =	sld [smem:$0x3FAF]  }
0x2d: {  	s3 =	simm.s32 $0x108;
	s8 =	sld [smem:$0x3FB0]  }
0x2e: {  	s3 =	simm.s32 @!p0 $0x1082;
	s9 =	sld [smem:$0x3FB1]  }
0x2f: {  	lr =	sadd.s32 s0, s3;
	s0 =	sld [smem:$0x3FA8]  }
0x30: {  	s3 =	sld [smem:$0x3FAB]  }
0x31: {  	[smem:$0x3FB4] =	sst s10  }
0x32: {  	s10 =	sld [smem:$0x3FB2];
	_ =	sdelay $0x3  }
0x33: {  	p0 =	seq.s32 s10, $0x1;
	s10 =	sld [smem:$0x3FB4];
	_ =	sdelay $0x3  }
0x34: {  	[smem:$0x3FB4] =	sst s10  }
0x35: {  	s10 =	sld [smem:$0x3FB3];
	_ =	sdelay $0x3  }
0x36: {  	p1 =	seq.s32 s10, $0x1;
	s10 =	sld [smem:$0x3FB4];
	_ =	sdelay $0x3  }
0x37: {  	[smem:$0x3FB4] =	sst s10  }
0x38: {  	s10 =	sld [smem:$0x3FB5]  }
0x39: {  	_ = 	snop;
	(pc) =	sbr.ind lr, $3  }
0x3a: {  	_ = 	snop  }
0x3b: {  	_ = 	snop  }
0x3c: {  	p2 =	seq.s32 s10, $0x1;
	s10 =	sld [smem:$0x3FB4]  }
0x3d: {  	_ =	shalt  }
0x3e: {  	_ =	shalt  }
0x3f: {  	_ =	shalt  }
0x40: {  	_ =	shalt  }
0x41: {  	_ =	shalt  }
0x42: {  	_ =	shalt  }
0x43: {  	_ =	shalt  }
0x44: {  	_ =	shalt  }
0x45: {  	_ =	shalt  }
0x46: {  	_ =	shalt  }
0x47: {  	_ =	shalt  }
0x48: {  	_ =	shalt  }
0x49: {  	_ =	shalt  }
0x4a: {  	_ =	shalt  }
0x4b: {  	_ =	shalt  }
0x4c: {  	_ =	shalt  }
0x4d: {  	_ =	shalt  }
0x4e: {  	_ =	shalt  }
0x4f: {  	_ =	shalt  }
0x50: {  	_ =	shalt  }
0x51: {  	_ =	shalt  }
0x52: {  	_ =	shalt  }
0x53: {  	_ =	shalt  }
0x54: {  	_ =	shalt  }
0x55: {  	_ =	shalt  }
0x56: {  	_ =	shalt  }
0x57: {  	_ =	shalt  }
0x58: {  	_ =	shalt  }
0x59: {  	_ =	shalt  }
0x5a: {  	_ =	shalt  }
0x5b: {  	_ =	shalt  }
0x5c: {  	_ =	shalt  }
0x5d: {  	_ =	shalt  }
0x5e: {  	_ =	shalt  }
0x5f: {  	_ =	shalt  }
0x60: {  	_ =	shalt  }
0x61: {  	_ =	shalt  }
0x62: {  	_ =	shalt  }
0x63: {  	_ =	shalt  }
0x64: {  	_ =	shalt  }
0x65: {  	_ =	shalt  }
0x66: {  	_ =	shalt  }
0x67: {  	_ =	shalt  }
0x68: {  	_ =	shalt  }
0x69: {  	_ =	shalt  }
0x6a: {  	_ =	shalt  }
0x6b: {  	_ =	shalt  }
0x6c: {  	_ =	shalt  }
0x6d: {  	_ =	shalt  }
0x6e: {  	_ =	shalt  }
0x6f: {  	_ =	shalt  }
0x70: {  	_ =	shalt  }
0x71: {  	_ =	shalt  }
0x72: {  	_ =	shalt  }
0x73: {  	_ =	shalt  }
0x74: {  	_ =	shalt  }
0x75: {  	_ =	shalt  }
0x76: {  	_ =	shalt  }
0x77: {  	_ =	shalt  }
0x78: {  	_ =	shalt  }
0x79: {  	_ =	shalt  }
0x7a: {  	_ =	shalt  }
0x7b: {  	_ =	shalt  }
0x7c: {  	_ =	shalt  }
0x7d: {  	_ =	shalt  }
0x7e: {  	_ =	shalt  }
0x7f: {  	_ =	shalt  }
0x80: {  	_ =	shalt  }
0x81: {  	_ =	shalt  }
0x82: {  	_ =	shalt  }
0x83: {  	_ =	shalt  }
0x84: {  	_ =	shalt  }
0x85: {  	_ =	shalt  }
0x86: {  	_ =	shalt  }
0x87: {  	_ =	shalt  }
.Lfunc_end0:
.L_simem_size_0:
called_computation.1_lowered:
.L_overlay_start_0:
0x88: {  	s2 =	sld [smem:$0x3FD9]  }
0x89: {  	s3 =	sld [smem:$0x3FFE];
	_ =	sdelay $0x1  }
0x8a: {  	s1 =	srdreg.scid  }
0x8b: {  	s0 =	sand.u32 $0x1, s1  }
0x8c: {  	s17 =	sshll.u32 s0, $0xA;
	s2 =	sadd.s32 s3, s2  }
0x8d: {  	s2 =	sadd.s32 s2, s17  }
0x8e: {  	[smem:$0x3FC0] =	sst s2  }
0x8f: {  	_ = 	snop  }
0x90: {  	s2 =	sld [smem:$0x3FD0];
	(tm) =	ssettm $0x1  }
0x91: {  	s18 =	sld [smem:$0x3FFB];
	_ =	sdelay $0x3  }
0x92: {  	_ =	strace s18  }
0x93: {  	s3 =	sld [smem:$0x3FFC];
	_ =	sdelay $0x3  }
0x94: {  	_ =	strace s3  }
0x95: {  	s3 =	sld [smem:$0x3FFD];
	_ =	sdelay $0x3  }
0x96: {  	_ =	strace s3  }
0x97: {  	_ =	strace $0x8FFFFFFF  }
0x98: {  	s19 =	sld [smem:$0x3FDB];
	_ =	sdelay $0x1  }
0x99: {  	s4 =	simm.s32 $_scs_section_size  }
0x9a: {  	s5 =	simm.s32 $_size__tile_overlayer_lowered;
	s6 =	simm.s32 $_tile_overlayer_lowered  }
0x9b: {  	s22 =	simm.s32 $0x1BFF;
	s21 =	sshll.u32 s6, $0x1;
	s3 =	sadd.s32 s4, s19  }
0x9c: {  	s7 =	simm.s32 $0x0;
	s20 =	sshll.u32 s5, $0x1;
	s5 =	sadd.s32 s21, s3  }
0x9d: {  	[timem:s7], [sflag:s22] =	dma.local [hbm:s5], s20  }
0x9e: {  	_ =	swait.ge [sflag:s22], s20  }
0x9f: {  	s4 =	ssub.s32 $0x0, s20;
	[sflag:s22] =	ssyncset.done $0x0  }
0xa0: {  	[sflag:s22] =	ssyncadd.s32 s4;
	_ =	sdelay $0x1  }
0xa1: {  	s23 =	simm.s32 $0x1B8B  }
0xa2: {  	_ =	swait.ge [sflag:s23], $0x1  }
0xa3: {  	[sflag:s23] =	ssyncset.done $0x0  }
0xa4: {  	s25 =	simm.s32 $0x1B8E;
	s24 =	sld [smem:$0x3FFE];
	[sflag:s23] =	ssyncadd.s32 $0xFFFFFFFF  }
0xa5: {  	s26 =	simm.s32 $execute0_lowered;
	[smem:$0x3FD2] =	sst s25  }
0xa6: {  	s5 =	sshll.u32 s26, $0x1;
	_ =	strace $0x80000046;
	[dreg:$0x1] =	wrdreg $0xFFFFFFFF  }
0xa7: {  	s28 =	simm.s32 $_size_execute0_lowered;
	s3 =	sadd.s32 s3, s5;
	[dreg:$0x0] =	wrdreg $0x0  }
0xa8: {  	s5 =	sshll.u32 s28, $0x1;
	[dreg:$0x2] =	wrdreg s3  }
0xa9: {  	[dreg:$0x3] =	wrdreg s5  }
0xaa: {  	[dreg:$0x4] =	wrdreg $0xC0  }
0xab: {  	_ =	task [dreg:s7], $0x5FFFF  }
0xac: {  	[dreg:$0x1] =	wrdreg $0xFFFFFFFF  }
0xad: {  	[dreg:$0x0] =	wrdreg $0x60  }
0xae: {  	[dreg:$0x2] =	wrdreg s2  }
0xaf: {  	[dreg:$0x3] =	wrdreg s24  }
0xb0: {  	[dreg:$0x4] =	wrdreg $0x0  }
0xb1: {  	[dreg:$0x5] =	wrdreg $0xA  }
0xb2: {  	_ =	task.clear_ibuf [dreg:s7], $0x6FFFF;
	_ =	strace $0x90000046  }
0xb3: {  	s29 =	simm.s32 $0xA;
	_ =	strace $0x80000048  }
0xb4: {  	_ =	swait.ge [sflag:s29], $0x1  }
0xb5: {  	[sflag:s29] =	ssyncadd.s32 $0xFFFFFFFF  }
0xb6: {  	_ =	strace $0x90000048  }
0xb7: {  	_ =	sfence  }
0xb8: {  	s30 =	sld [smem:$0x0];
	_ =	sdelay $0x2  }
0xb9: {  	s31 =	sshll.u32 s1, $0xD;
	s1 =	sshrl.u32 s1, $0x2  }
0xba: {  	s3 =	sand.u32 $0x4000, s31;
	s1 =	sadd.s32 s1, s30  }
0xbb: {  	s0 =	sor.u32 s3, s0;
	s1 =	sshll.u32 s1, $0x11  }
0xbc: {  	s0 =	sor.u32 s1, s0  }
0xbd: {  	s0 =	sadd.s32 $0x8F2B, s0  }
0xbe: {  	[sflag:s0] =	ssyncadd.remote.s32 $0x1  }
0xbf: {  	_ =	sfence.sel $0xFFFF  }
0xc0: {  	[dreg:$0x0] =	wrdreg $0xFFFFFFFF;
	(pc) =	sbr.abs _section_cstart, $3  }
0xc1: {  	[dreg:$0x1] =	wrdreg $0xFFFFFFFF  }
0xc2: {  	_ =	task.clear_ibuf [dreg:s7], $0x2FFFF;
	_ =	strace $0x9FFFFFFF  }
0xc3: {  	(tm) =	ssettm $0x7FFFFFFF  }
tec
execute0_lowered:
.L_overlay_start_1:
0x0: {  	(tag) =	ssettag $0x1  }
0x1: {  	s0 =	rddreg [dreg:$0x1]  }
0x2: {  	s1 =	rddreg [dreg:$0x2]  }
0x3: {  	s4 =	simm.s32 $0x0;
	s20 =	stileid.u32;
	s5 =	srdreg.scid  }
0x4: {  	[smem:$0x7FF] =	sst s4;
	s2 =	smul.u32 $0x14000, s20  }
0x5: {  	s11 =	sand.u32 $0x1, s5;
	s21 =	sadd.s32 $0xBA00, s0;
	s3 =	sadd.s32 $0x1C00, s0  }
0x6: {  	s14 =	sadd.s32 $0x3D800, s0;
	_ =	strace $0x80000047;
	s15 =	smul.u32 $0x140000, s11  }
0x7: {  	s6 =	ssub.s32 $0x2, s11;
	s16 =	smul.u32 $0x27100, s11;
	s11 =	sshll.u32 s11, $0x4  }
0x8: {  	s17 =	sshrl.u32 s2, $0x3;
	s7 =	sshrl.u32 s6, $0x1;
	s12 =	sadd.s32 $0x7800, s2  }
0x9: {  	s8 =	sadd.s32 $0xA000, s2;
	s13 =	sadd.s32 $0xC800, s2;
	s9 =	sadd.s32 $0xF000, s2  }
0xa: {  	s10 =	sadd.s32 $0x11800, s2;
	s11 =	sor.u32 s20, s11;
	s5 =	sadd.s32 s17, s0  }
0xb: {  	s0 =	ssub.s32 s6, s7;
	s6 =	sor.u32 $0x2800, s2;
	s17 =	smul.u32 $0x2710, s20  }
0xc: {  	s7 =	sadd.s32 $0x5000, s2;
	s18 =	sadd.s32 s2, s15;
	s11 =	smul.u32 $0x2710, s11  }
0xd: {  	s31 =	sadd.s32 s8, s1;
	s30 =	sadd.s32 s13, s1;
	s19 =	sadd.s32 s15, s6  }
0xe: {  	s18 =	sshrl.u32 s18, $0x3;
	s5 =	sadd.s32 $0x15800, s5;
	[smem:$0x7FA] =	sst s31  }
0xf: {  	s0 =	smax.u32 s0, $0x1;
	[smem:$0x7FB] =	sst s30;
	s2 =	sadd.s32 s17, s16  }
0x10: {  	s19 =	sshrl.u32 s19, $0x3;
	s16 =	sadd.s32 s14, s18;
	[dreg:$0x1b] =	wrdreg s5  }
0x11: {  	s17 =	sadd.s32 s15, s7;
	[smem:$0x7F8] =	sst s0;
	s22 =	sadd.s32 $0x4B0, s2  }
0x12: {  	[dreg:$0x13] =	wrdreg s16;
	s23 =	sadd.s32 s14, s19;
	s17 =	sshrl.u32 s17, $0x3  }
0x13: {  	[dreg:$0x14] =	wrdreg s23;
	s24 =	sshrl.u32 s22, $0x3;
	s17 =	sadd.s32 s14, s17  }
0x14: {  	s25 =	sadd.s32 $0x460, s2;
	s18 =	sadd.s32 s24, s3;
	[dreg:$0x15] =	wrdreg s17  }
0x15: {  	s26 =	sshrl.u32 s25, $0x3;
	s16 =	sadd.s32 s24, s21;
	[dreg:$0x4] =	wrdreg s18  }
0x16: {  	s22 =	sadd.s32 $0x410, s2;
	s19 =	sadd.s32 s26, s3;
	[dreg:$0x5] =	wrdreg s16  }
0x17: {  	s23 =	sadd.s32 s26, s21;
	s24 =	sshrl.u32 s22, $0x3;
	[dreg:$0x6] =	wrdreg s19  }
0x18: {  	s26 =	sadd.s32 $0x3C0, s2;
	[dreg:$0x7] =	wrdreg s23;
	s25 =	sadd.s32 s24, s3  }
0x19: {  	s18 =	sadd.s32 s24, s21;
	s19 =	sshrl.u32 s26, $0x3;
	[dreg:$0x8] =	wrdreg s25  }
0x1a: {  	s5 =	sshrl.u32 s11, $0x3;
	[dreg:$0x9] =	wrdreg s18;
	s22 =	sadd.s32 s19, s3  }
0x1b: {  	s23 =	sadd.s32 $0x370, s2;
	s24 =	sadd.s32 s19, s21;
	[dreg:$0xa] =	wrdreg s22  }
0x1c: {  	s25 =	sshrl.u32 s23, $0x3;
	s19 =	sadd.s32 $0x320, s2;
	[dreg:$0xb] =	wrdreg s24  }
0x1d: {  	s26 =	sadd.s32 s25, s3;
	s22 =	sadd.s32 s15, s12;
	s18 =	sadd.s32 s25, s21  }
0x1e: {  	s16 =	sshrl.u32 s19, $0x3;
	s24 =	sadd.s32 s15, s8;
	s25 =	sadd.s32 s15, s13  }
0x1f: {  	s19 =	sadd.s32 s7, s1;
	s12 =	sadd.s32 s12, s1;
	[dreg:$0xc] =	wrdreg s26  }
0x20: {  	s7 =	sadd.s32 s9, s1;
	s17 =	sshrl.u32 s22, $0x3;
	[dreg:$0xd] =	wrdreg s18  }
0x21: {  	s23 =	sadd.s32 s16, s3;
	s26 =	sadd.s32 s15, s9;
	[dreg:$0x1f] =	wrdreg s12  }
0x22: {  	s18 =	sshrl.u32 s25, $0x3;
	s15 =	sadd.s32 s15, s10;
	[smem:$0x7FC] =	sst s7  }
0x23: {  	s16 =	sadd.s32 s16, s21;
	s10 =	sadd.s32 s10, s1;
	[dreg:$0xe] =	wrdreg s23  }
0x24: {  	s17 =	sadd.s32 s14, s17;
	s22 =	sshrl.u32 s26, $0x3;
	[dreg:$0xf] =	wrdreg s16  }
0x25: {  	s15 =	sshrl.u32 s15, $0x3;
	s26 =	smul.u32 $0x50000, s20;
	[smem:$0x7FD] =	sst s10  }
0x26: {  	s20 =	sadd.s32 $0xA, s5;
	[dreg:$0x16] =	wrdreg s17;
	s23 =	sadd.s32 s14, s22  }
0x27: {  	s17 =	sshrl.u32 s24, $0x3;
	s22 =	sadd.s32 s21, s20;
	[dreg:$0x19] =	wrdreg s23  }
0x28: {  	s24 =	sadd.s32 $0x2D0, s2;
	s17 =	sadd.s32 s14, s17;
	[smem:$0x7E8] =	sst s22  }
0x29: {  	s25 =	sshrl.u32 s24, $0x3;
	[dreg:$0x17] =	wrdreg s17;
	s17 =	sadd.s32 s14, s18  }
0x2a: {  	s24 =	sadd.s32 $0x1E, s5;
	s14 =	sadd.s32 s14, s15;
	[dreg:$0x18] =	wrdreg s17  }
0x2b: {  	s18 =	sshrl.u32 s26, $0x2;
	s26 =	sadd.s32 s21, s24;
	[dreg:$0x1a] =	wrdreg s14  }
0x2c: {  	s17 =	sadd.s32 s25, s3;
	[smem:$0x7EC] =	sst s26  }
0x2d: {  	s23 =	sadd.s32 $0x14, s5;
	s14 =	sadd.s32 s25, s21;
	[dreg:$0x10] =	wrdreg s17  }
0x2e: {  	s15 =	sadd.s32 $0x32, s5;
	s25 =	sadd.s32 s21, s23;
	[dreg:$0x11] =	wrdreg s14  }
0x2f: {  	s16 =	sadd.s32 s18, s1;
	s18 =	sadd.s32 s21, s15;
	[smem:$0x7EA] =	sst s25  }
0x30: {  	s26 =	sadd.s32 $0x280, s2;
	[smem:$0x7F0] =	sst s18  }
0x31: {  	s13 =	sadd.s32 $0x28, s5;
	[smem:$0x7F9] =	sst s26  }
0x32: {  	s17 =	sadd.s32 s21, s13;
	[dreg:$0x1c] =	wrdreg s16  }
0x33: {  	s14 =	sadd.s32 s6, s1;
	[smem:$0x7EE] =	sst s17  }
0x34: {  	s1 =	smov.u32 s3;
	s3 =	smov.u32 s19;
	[dreg:$0x1d] =	wrdreg s14  }
0x35: {  	s29 =	simm.s32 $0x50;
	[dreg:$0x1e] =	wrdreg s3  }
0x36: {  	s28 =	simm.s32 $0x8;
	s6 =	sadd.s32 s1, s20;
	[dreg:$0x12] =	wrdreg s1  }
0x37: {  	s0 =	simm.s32 $0x0;
	s11 =	sadd.s32 s1, s24;
	[smem:$0x7E9] =	sst s6  }
0x38: {  	s9 =	smov.u32 s21;
	s19 =	sadd.s32 s1, s15;
	[smem:$0x7ED] =	sst s11  }
0x39: {  	s22 =	sadd.s32 $0x3C, s5;
	s20 =	sadd.s32 s21, s5;
	[smem:$0x7F1] =	sst s19  }
0x3a: {  	s18 =	simm.s32 $0x14100;
	s24 =	sadd.s32 s21, s22;
	[smem:$0x7F2] =	sst s20  }
0x3b: {  	s15 =	simm.s32 $0x6;
	s6 =	sadd.s32 s1, s23;
	[smem:$0x7F4] =	sst s24  }
0x3c: {  	s23 =	sadd.s32 s1, s5;
	s5 =	sadd.s32 $0x46, s5;
	[smem:$0x7EB] =	sst s6  }
0x3d: {  	s20 =	simm.s32 $0x14180;
	s6 =	sadd.s32 s1, s13;
	[smem:$0x7F3] =	sst s23  }
0x3e: {  	s24 =	simm.s32 $0x14680;
	s25 =	sadd.s32 s21, s5;
	[smem:$0x7EF] =	sst s6  }
0x3f: {  	s5 =	sadd.s32 s1, s5;
	s23 =	simm.s32 $0x14280;
	[smem:$0x7F6] =	sst s25  }
0x40: {  	s6 =	sadd.s32 s1, s22;
	[smem:$0x7F7] =	sst s5;
	s25 =	simm.s32 $0x9  }
0x41: {  	s22 =	simm.s32 $0x5;
	[smem:$0x7F5] =	sst s6;
	s6 =	simm.s32 $0x7  }
.LBB2_1:
0x42: {  	[smem:$0x7E7] =	sst s0  }
0x43: {  	s2 =	rddreg [dreg:$0x1b];
	s19 =	simm.s32 $0x14800  }
0x44: {  	[tilespmem:s19], [sflag:$0x9] =	stream.linear.gather [hbm4b:s2+s4], $0x2800, $0x38;
	[tilespmem:$0x1E800] =	vst v63  }
0x45: {  	_ =	swait.ge [sflag:s25], $0x2800  }
0x46: {  	[sflag:s25] =	ssyncset.done $0x0  }
0x47: {  	[sflag:s25] =	ssyncadd.s32 $0xFFFFD800  }
0x48: {  	[spmem:s16] =	stream.linear.scatter [tilespmem:s19], [sflag:$0x9], $0x2800, $0x38;
	[tilespmem:$0x1E800] =	vst v63  }
0x49: {  	_ =	swait.ge [sflag:s25], $0x2800  }
0x4a: {  	[sflag:s25] =	ssyncset.done $0x0  }
0x4b: {  	[sflag:s25] =	ssyncadd.s32 $0xFFFFD800  }
0x4c: {  	[spmem:s14] =	stream.linear.scatter [tilespmem:s19], [sflag:$0x9], $0x2800, $0x38;
	[tilespmem:$0x1E800] =	vst v63  }
0x4d: {  	_ =	swait.ge [sflag:s25], $0x2800  }
0x4e: {  	[sflag:s25] =	ssyncset.done $0x0  }
0x4f: {  	[sflag:s25] =	ssyncadd.s32 $0xFFFFD800  }
0x50: {  	[spmem:s3] =	stream.linear.scatter [tilespmem:s19], [sflag:$0x9], $0x2800, $0x38;
	[tilespmem:$0x1E800] =	vst v63  }
0x51: {  	_ =	swait.ge [sflag:s25], $0x2800  }
0x52: {  	[sflag:s25] =	ssyncset.done $0x0  }
0x53: {  	[sflag:s25] =	ssyncadd.s32 $0xFFFFD800  }
0x54: {  	[spmem:s12] =	stream.linear.scatter [tilespmem:s19], [sflag:$0x9], $0x2800, $0x38;
	[tilespmem:$0x1E800] =	vst v63  }
0x55: {  	_ =	swait.ge [sflag:s25], $0x2800  }
0x56: {  	[sflag:s25] =	ssyncset.done $0x0  }
0x57: {  	[sflag:s25] =	ssyncadd.s32 $0xFFFFD800  }
0x58: {  	[spmem:s31] =	stream.linear.scatter [tilespmem:s19], [sflag:$0x9], $0x2800, $0x38;
	[tilespmem:$0x1E800] =	vst v63  }
0x59: {  	_ =	swait.ge [sflag:s25], $0x2800  }
0x5a: {  	[sflag:s25] =	ssyncset.done $0x0  }
0x5b: {  	[sflag:s25] =	ssyncadd.s32 $0xFFFFD800  }
0x5c: {  	[spmem:s30] =	stream.linear.scatter [tilespmem:s19], [sflag:$0x9], $0x2800, $0x38;
	[tilespmem:$0x1E800] =	vst v63  }
0x5d: {  	_ =	swait.ge [sflag:s25], $0x2800  }
0x5e: {  	[sflag:s25] =	ssyncset.done $0x0  }
0x5f: {  	[sflag:s25] =	ssyncadd.s32 $0xFFFFD800  }
0x60: {  	[spmem:s7] =	stream.linear.scatter [tilespmem:s19], [sflag:$0x9], $0x2800, $0x38;
	[tilespmem:$0x1E800] =	vst v63  }
0x61: {  	_ =	swait.ge [sflag:s25], $0x2800  }
0x62: {  	[sflag:s25] =	ssyncset.done $0x0  }
0x63: {  	[sflag:s25] =	ssyncadd.s32 $0xFFFFD800  }
0x64: {  	[spmem:s10] =	stream.linear.scatter [tilespmem:s19], [sflag:$0x9], $0x2800, $0x38;
	[tilespmem:$0x1E800] =	vst v63  }
0x65: {  	_ =	swait.ge [sflag:s25], $0x2800  }
0x66: {  	[sflag:s25] =	ssyncset.done $0x0  }
0x67: {  	[sflag:s25] =	ssyncadd.s32 $0xFFFFD800  }
0x68: {  	[bflag:$0x0] =	sbarrier.arrive $0xFFFF  }
0x69: {  	s21 =	sld [smem:$0x7F2];
	_ =	sdelay $0x1  }
0x6a: {  	s5 =	simm.s32 $0x14000  }
0x6b: {  	[tilespmem:s5], [sflag:$0x9] =	stream.linear.gather [hbm4b:s21+s4], $0x50, $0x38;
	[tilespmem:$0x1E800] =	vst v63  }
0x6c: {  	_ =	swait.ge [sflag:s25], $0x50  }
0x6d: {  	s26 =	sld [smem:$0x7F3]  }
0x6e: {  	[sflag:s25] =	ssyncset.done $0x0  }
0x6f: {  	s10 =	simm.s32 $0x14400;
	[sflag:s25] =	ssyncadd.s32 $0xFFFFFFB0  }
0x70: {  	[tilespmem:s10], [sflag:$0x9] =	stream.linear.gather [hbm4b:s26+s4], $0x50, $0x38;
	[tilespmem:$0x1E800] =	vst v63  }
0x71: {  	_ =	swait.ge [sflag:s25], $0x50  }
0x72: {  	[sflag:s25] =	ssyncset.done $0x0  }
0x73: {  	s0 =	sld [smem:$0x7E8];
	[sflag:s25] =	ssyncadd.s32 $0xFFFFFFB0  }
0x74: {  	s3 =	rddreg [dreg:$0x0]  }
0x75: {  	[tilespmem:s19], [sflag:$0x1] =	stream.indirect.gather [hbm4b:s3+s29], $0x80, s5, s29, $0xb8;
	[tilespmem:$0x1E800] =	vst v63  }
0x76: {  	s16 =	simm.s32 $0x14080  }
0x77: {  	[tilespmem:s16], [sflag:$0x9] =	stream.linear.gather [hbm4b:s0+s4], $0x50, $0x38;
	[tilespmem:$0x1E800] =	vst v63  }
0x78: {  	_ =	swait.ge [sflag:s25], $0x50  }
0x79: {  	s7 =	sld [smem:$0x7E9]  }
0x7a: {  	[sflag:s25] =	ssyncset.done $0x0  }
0x7b: {  	s12 =	simm.s32 $0x14480;
	[sflag:s25] =	ssyncadd.s32 $0xFFFFFFB0  }
0x7c: {  	[tilespmem:s12], [sflag:$0x9] =	stream.linear.gather [hbm4b:s7+s4], $0x50, $0x38;
	[tilespmem:$0x1E800] =	vst v63  }
0x7d: {  	_ =	swait.ge [sflag:s25], $0x50  }
0x7e: {  	[sflag:s25] =	ssyncset.done $0x0  }
0x7f: {  	s0 =	simm.s32 $0x17000;
	s8 =	sld [smem:$0x7EA];
	[sflag:s25] =	ssyncadd.s32 $0xFFFFFFB0  }
0x80: {  	[tilespmem:s0], [sflag:$0x2] =	stream.indirect.gather [hbm4b:s3+s29], $0x80, s16, s29, $0xb8;
	[tilespmem:$0x1E800] =	vst v63  }
0x81: {  	_ = 	snop  }
0x82: {  	[tilespmem:s18], [sflag:$0x9] =	stream.linear.gather [hbm4b:s8+s4], $0x50, $0x38;
	[tilespmem:$0x1E800] =	vst v63  }
0x83: {  	_ =	swait.ge [sflag:s25], $0x50  }
0x84: {  	s11 =	sld [smem:$0x7EB]  }
0x85: {  	[sflag:s25] =	ssyncset.done $0x0  }
0x86: {  	s14 =	simm.s32 $0x14500;
	[sflag:s25] =	ssyncadd.s32 $0xFFFFFFB0  }
0x87: {  	[tilespmem:s14], [sflag:$0x9] =	stream.linear.gather [hbm4b:s11+s4], $0x50, $0x38;
	[tilespmem:$0x1E800] =	vst v63  }
0x88: {  	_ =	swait.ge [sflag:s25], $0x50  }
0x89: {  	[sflag:s25] =	ssyncset.done $0x0  }
0x8a: {  	s8 =	simm.s32 $0x19800;
	s13 =	sld [smem:$0x7EC];
	[sflag:s25] =	ssyncadd.s32 $0xFFFFFFB0  }
0x8b: {  	[tilespmem:s8], [sflag:$0x3] =	stream.indirect.gather [hbm4b:s3+s29], $0x80, s18, s29, $0xb8;
	[tilespmem:$0x1E800] =	vst v63  }
0x8c: {  	_ = 	snop  }
0x8d: {  	[tilespmem:s20], [sflag:$0x9] =	stream.linear.gather [hbm4b:s13+s4], $0x50, $0x38;
	[tilespmem:$0x1E800] =	vst v63  }
0x8e: {  	_ =	swait.ge [sflag:s25], $0x50  }
0x8f: {  	s17 =	sld [smem:$0x7ED]  }
0x90: {  	[sflag:s25] =	ssyncset.done $0x0  }
0x91: {  	s13 =	simm.s32 $0x14580;
	[sflag:s25] =	ssyncadd.s32 $0xFFFFFFB0  }
0x92: {  	[tilespmem:s13], [sflag:$0x9] =	stream.linear.gather [hbm4b:s17+s4], $0x50, $0x38;
	[tilespmem:$0x1E800] =	vst v63  }
0x93: {  	_ =	swait.ge [sflag:s25], $0x50  }
0x94: {  	[sflag:s25] =	ssyncset.done $0x0  }
0x95: {  	s11 =	simm.s32 $0x1C000;
	s21 =	sld [smem:$0x7EE];
	[sflag:s25] =	ssyncadd.s32 $0xFFFFFFB0  }
0x96: {  	[tilespmem:s11], [sflag:$0x4] =	stream.indirect.gather [hbm4b:s3+s29], $0x80, s20, s29, $0xb8;
	[tilespmem:$0x1E800] =	vst v63  }
0x97: {  	s17 =	simm.s32 $0x14200;
	s26 =	sld [smem:$0x7EF]  }
0x98: {  	[tilespmem:s17], [sflag:$0x5] =	stream.linear.gather [hbm4b:s21+s4], $0x50, $0x38;
	[tilespmem:$0x1E800] =	vst v63  }
0x99: {  	s7 =	sld [smem:$0x7F0];
	s21 =	simm.s32 $0x14600  }
0x9a: {  	[tilespmem:s21], [sflag:$0x5] =	stream.linear.gather [hbm4b:s26+s4], $0x50, $0x38;
	[tilespmem:$0x1E800] =	vst v63  }
0x9b: {  	s26 =	sld [smem:$0x7F1]  }
0x9c: {  	[tilespmem:s23], [sflag:$0x6] =	stream.linear.gather [hbm4b:s7+s4], $0x50, $0x38;
	[tilespmem:$0x1E800] =	vst v63  }
0x9d: {  	s7 =	sld [smem:$0x7F4]  }
0x9e: {  	[tilespmem:s24], [sflag:$0x6] =	stream.linear.gather [hbm4b:s26+s4], $0x50, $0x38;
	[tilespmem:$0x1E800] =	vst v63  }
0x9f: {  	s26 =	simm.s32 $0x14300  }
0xa0: {  	[tilespmem:s26], [sflag:$0x7] =	stream.linear.gather [hbm4b:s7+s4], $0x50, $0x38;
	[tilespmem:$0x1E800] =	vst v63  }
0xa1: {  	s7 =	sld [smem:$0x7F5];
	_ =	sdelay $0x1  }
0xa2: {  	s26 =	simm.s32 $0x14700  }
0xa3: {  	[tilespmem:s26], [sflag:$0x7] =	stream.linear.gather [hbm4b:s7+s4], $0x50, $0x38;
	[tilespmem:$0x1E800] =	vst v63  }
0xa4: {  	s7 =	sld [smem:$0x7F6];
	_ =	sdelay $0x1  }
0xa5: {  	s26 =	simm.s32 $0x14380  }
0xa6: {  	[tilespmem:s26], [sflag:$0x8] =	stream.linear.gather [hbm4b:s7+s4], $0x50, $0x38;
	[tilespmem:$0x1E800] =	vst v63  }
0xa7: {  	s7 =	sld [smem:$0x7F7];
	_ =	sdelay $0x1  }
0xa8: {  	s26 =	simm.s32 $0x14780  }
0xa9: {  	[tilespmem:s26], [sflag:$0x8] =	stream.linear.gather [hbm4b:s7+s4], $0x50, $0x38;
	[tilespmem:$0x1E800] =	vst v63  }
0xaa: {  	s26 =	simm.s32 $0x1  }
0xab: {  	_ =	swait.ge [sflag:s26], $0x2800  }
0xac: {  	[sflag:s26] =	ssyncset.done $0x0  }
0xad: {  	[sflag:s26] =	ssyncadd.s32 $0xFFFFD800  }
0xae: {  	s31 =	rddreg [dreg:$0x2]  }
0xaf: {  	[spmem:s31] =	stream.indirect.scatter.add.f32 [tilespmem:s19], [sflag:$0x9], $0x80, s10, s29, $0xb8;
	[tilespmem:$0x1E800] =	vst v63  }
0xb0: {  	_ =	swait.ge [sflag:s25], $0x2800  }
0xb1: {  	[sflag:s25] =	ssyncset.done $0x0  }
0xb2: {  	[sflag:s25] =	ssyncadd.s32 $0xFFFFD800  }
0xb3: {  	_ =	swait.ge [sflag:s22], $0x50  }
0xb4: {  	[sflag:s22] =	ssyncset.done $0x0  }
0xb5: {  	[sflag:s22] =	ssyncadd.s32 $0xFFFFFFB0  }
0xb6: {  	_ =	swait.ge [sflag:s22], $0x50  }
0xb7: {  	[sflag:s22] =	ssyncset.done $0x0;
	s7 =	sld [smem:$0x7F9]  }
0xb8: {  	[sflag:s22] =	ssyncadd.s32 $0xFFFFFFB0  }
0xb9: {  	[tilespmem:s19], [sflag:$0x1] =	stream.indirect.gather [hbm4b:s3+s29], $0x80, s17, s29, $0xb8;
	[tilespmem:$0x1E800] =	vst v63  }
0xba: {  	s2 =	sshrl.u32 s7, $0x3  }
0xbb: {  	s30 =	sadd.s32 s9, s2  }
0xbc: {  	[tilespmem:s5], [sflag:$0x5] =	stream.linear.gather [hbm4b:s30+s4], $0x50, $0x38;
	[tilespmem:$0x1E800] =	vst v63  }
0xbd: {  	s2 =	sadd.s32 s1, s2;
	s1 =	simm.s32 $0x2  }
0xbe: {  	[tilespmem:s10], [sflag:$0x5] =	stream.linear.gather [hbm4b:s2+s4], $0x50, $0x38;
	[tilespmem:$0x1E800] =	vst v63  }
0xbf: {  	_ =	swait.ge [sflag:s1], $0x2800  }
0xc0: {  	[sflag:s1] =	ssyncset.done $0x0  }
0xc1: {  	[sflag:s1] =	ssyncadd.s32 $0xFFFFD800  }
0xc2: {  	[spmem:s31] =	stream.indirect.scatter.add.f32 [tilespmem:s0], [sflag:$0x9], $0x80, s12, s29, $0xb8;
	[tilespmem:$0x1E800] =	vst v63  }
0xc3: {  	_ =	swait.ge [sflag:s25], $0x2800  }
0xc4: {  	[sflag:s25] =	ssyncset.done $0x0  }
0xc5: {  	[sflag:s25] =	ssyncadd.s32 $0xFFFFD800  }
0xc6: {  	_ =	swait.ge [sflag:s15], $0x50  }
0xc7: {  	[sflag:s15] =	ssyncset.done $0x0  }
0xc8: {  	[sflag:s15] =	ssyncadd.s32 $0xFFFFFFB0  }
0xc9: {  	_ =	swait.ge [sflag:s15], $0x50  }
0xca: {  	[sflag:s15] =	ssyncset.done $0x0  }
0xcb: {  	s10 =	rddreg [dreg:$0x11];
	[sflag:s15] =	ssyncadd.s32 $0xFFFFFFB0  }
0xcc: {  	[tilespmem:s0], [sflag:$0x2] =	stream.indirect.gather [hbm4b:s3+s29], $0x80, s23, s29, $0xb8;
	[tilespmem:$0x1E800] =	vst v63  }
0xcd: {  	s30 =	rddreg [dreg:$0x10];
	s2 =	sadd.s32 $0x0, s10  }
0xce: {  	[tilespmem:s16], [sflag:$0x6] =	stream.linear.gather [hbm4b:s2+s4], $0x50, $0x38;
	[tilespmem:$0x1E800] =	vst v63  }
0xcf: {  	s10 =	sadd.s32 $0x0, s30  }
0xd0: {  	[tilespmem:s12], [sflag:$0x6] =	stream.linear.gather [hbm4b:s10+s4], $0x50, $0x38;
	[tilespmem:$0x1E800] =	vst v63  }
0xd1: {  	s10 =	simm.s32 $0x3  }
0xd2: {  	_ =	swait.ge [sflag:s10], $0x2800  }
0xd3: {  	[sflag:s10] =	ssyncset.done $0x0  }
0xd4: {  	[sflag:s10] =	ssyncadd.s32 $0xFFFFD800  }
0xd5: {  	[spmem:s31] =	stream.indirect.scatter.add.f32 [tilespmem:s8], [sflag:$0x9], $0x80, s14, s29, $0xb8;
	[tilespmem:$0x1E800] =	vst v63  }
0xd6: {  	_ =	swait.ge [sflag:s25], $0x2800  }
0xd7: {  	[sflag:s25] =	ssyncset.done $0x0  }
0xd8: {  	[sflag:s25] =	ssyncadd.s32 $0xFFFFD800  }
0xd9: {  	_ =	swait.ge [sflag:s6], $0x50  }
0xda: {  	[sflag:s6] =	ssyncset.done $0x0  }
0xdb: {  	[sflag:s6] =	ssyncadd.s32 $0xFFFFFFB0  }
0xdc: {  	_ =	swait.ge [sflag:s6], $0x50  }
0xdd: {  	[sflag:s6] =	ssyncset.done $0x0  }
0xde: {  	s12 =	simm.s32 $0x14300;
	s2 =	rddreg [dreg:$0xf];
	[sflag:s6] =	ssyncadd.s32 $0xFFFFFFB0  }
0xdf: {  	[tilespmem:s8], [sflag:$0x3] =	stream.indirect.gather [hbm4b:s3+s29], $0x80, s12, s29, $0xb8;
	[tilespmem:$0x1E800] =	vst v63  }
0xe0: {  	s30 =	rddreg [dreg:$0xe];
	s2 =	sadd.s32 $0x0, s2  }
0xe1: {  	[tilespmem:s18], [sflag:$0x7] =	stream.linear.gather [hbm4b:s2+s4], $0x50, $0x38;
	[tilespmem:$0x1E800] =	vst v63  }
0xe2: {  	s12 =	sadd.s32 $0x0, s30  }
0xe3: {  	[tilespmem:s14], [sflag:$0x7] =	stream.linear.gather [hbm4b:s12+s4], $0x50, $0x38;
	[tilespmem:$0x1E800] =	vst v63  }
0xe4: {  	s12 =	simm.s32 $0x4  }
0xe5: {  	_ =	swait.ge [sflag:s12], $0x2800  }
0xe6: {  	[sflag:s12] =	ssyncset.done $0x0  }
0xe7: {  	[sflag:s12] =	ssyncadd.s32 $0xFFFFD800  }
0xe8: {  	[spmem:s31] =	stream.indirect.scatter.add.f32 [tilespmem:s11], [sflag:$0x9], $0x80, s13, s29, $0xb8;
	[tilespmem:$0x1E800] =	vst v63  }
0xe9: {  	_ =	swait.ge [sflag:s25], $0x2800  }
0xea: {  	[sflag:s25] =	ssyncset.done $0x0  }
0xeb: {  	[sflag:s25] =	ssyncadd.s32 $0xFFFFD800  }
0xec: {  	_ =	swait.ge [sflag:s28], $0x50  }
0xed: {  	[sflag:s28] =	ssyncset.done $0x0  }
0xee: {  	[sflag:s28] =	ssyncadd.s32 $0xFFFFFFB0  }
0xef: {  	_ =	swait.ge [sflag:s28], $0x50  }
0xf0: {  	[sflag:s28] =	ssyncset.done $0x0  }
0xf1: {  	s14 =	simm.s32 $0x14380;
	s2 =	rddreg [dreg:$0xd];
	[sflag:s28] =	ssyncadd.s32 $0xFFFFFFB0  }
0xf2: {  	[tilespmem:s11], [sflag:$0x4] =	stream.indirect.gather [hbm4b:s3+s29], $0x80, s14, s29, $0xb8;
	[tilespmem:$0x1E800] =	vst v63  }
0xf3: {  	s30 =	rddreg [dreg:$0xc];
	s2 =	sadd.s32 $0x0, s2  }
0xf4: {  	[tilespmem:s20], [sflag:$0x8] =	stream.linear.gather [hbm4b:s2+s4], $0x50, $0x38;
	[tilespmem:$0x1E800] =	vst v63  }
0xf5: {  	s2 =	sadd.s32 $0x0, s30  }
0xf6: {  	[tilespmem:s13], [sflag:$0x8] =	stream.linear.gather [hbm4b:s2+s4], $0x50, $0x38;
	[tilespmem:$0x1E800] =	vst v63  }
0xf7: {  	_ =	swait.ge [sflag:s26], $0x2800  }
0xf8: {  	[sflag:s26] =	ssyncset.done $0x0  }
0xf9: {  	[sflag:s26] =	ssyncadd.s32 $0xFFFFD800  }
0xfa: {  	[spmem:s31] =	stream.indirect.scatter.add.f32 [tilespmem:s19], [sflag:$0x9], $0x80, s21, s29, $0xb8;
	[tilespmem:$0x1E800] =	vst v63  }
0xfb: {  	_ =	swait.ge [sflag:s25], $0x2800  }
0xfc: {  	[sflag:s25] =	ssyncset.done $0x0  }
0xfd: {  	[sflag:s25] =	ssyncadd.s32 $0xFFFFD800  }
0xfe: {  	_ =	swait.ge [sflag:s22], $0x50  }
0xff: {  	[sflag:s22] =	ssyncset.done $0x0  }
0x100: {  	[sflag:s22] =	ssyncadd.s32 $0xFFFFFFB0  }
0x101: {  	_ =	swait.ge [sflag:s22], $0x50  }
0x102: {  	[sflag:s22] =	ssyncset.done $0x0  }
0x103: {  	s13 =	rddreg [dreg:$0xb];
	[sflag:s22] =	ssyncadd.s32 $0xFFFFFFB0  }
0x104: {  	[tilespmem:s19], [sflag:$0x1] =	stream.indirect.gather [hbm4b:s3+s29], $0x80, s5, s29, $0xb8;
	[tilespmem:$0x1E800] =	vst v63  }
0x105: {  	s30 =	rddreg [dreg:$0xa];
	s2 =	sadd.s32 $0x0, s13  }
0x106: {  	[tilespmem:s17], [sflag:$0x5] =	stream.linear.gather [hbm4b:s2+s4], $0x50, $0x38;
	[tilespmem:$0x1E800] =	vst v63  }
0x107: {  	s26 =	sadd.s32 $0x0, s30  }
0x108: {  	[tilespmem:s21], [sflag:$0x5] =	stream.linear.gather [hbm4b:s26+s4], $0x50, $0x38;
	[tilespmem:$0x1E800] =	vst v63  }
0x109: {  	_ =	swait.ge [sflag:s1], $0x2800  }
0x10a: {  	[sflag:s1] =	ssyncset.done $0x0  }
0x10b: {  	[sflag:s1] =	ssyncadd.s32 $0xFFFFD800  }
0x10c: {  	[spmem:s31] =	stream.indirect.scatter.add.f32 [tilespmem:s0], [sflag:$0x9], $0x80, s24, s29, $0xb8;
	[tilespmem:$0x1E800] =	vst v63  }
0x10d: {  	_ =	swait.ge [sflag:s25], $0x2800  }
0x10e: {  	[sflag:s25] =	ssyncset.done $0x0  }
0x10f: {  	[sflag:s25] =	ssyncadd.s32 $0xFFFFD800  }
0x110: {  	_ =	swait.ge [sflag:s15], $0x50  }
0x111: {  	[sflag:s15] =	ssyncset.done $0x0  }
0x112: {  	[sflag:s15] =	ssyncadd.s32 $0xFFFFFFB0  }
0x113: {  	_ =	swait.ge [sflag:s15], $0x50  }
0x114: {  	[sflag:s15] =	ssyncset.done $0x0  }
0x115: {  	s5 =	rddreg [dreg:$0x9];
	[sflag:s15] =	ssyncadd.s32 $0xFFFFFFB0  }
0x116: {  	[tilespmem:s0], [sflag:$0x2] =	stream.indirect.gather [hbm4b:s3+s29], $0x80, s16, s29, $0xb8;
	[tilespmem:$0x1E800] =	vst v63  }
0x117: {  	s30 =	rddreg [dreg:$0x8];
	s2 =	sadd.s32 $0x0, s5  }
0x118: {  	[tilespmem:s23], [sflag:$0x6] =	stream.linear.gather [hbm4b:s2+s4], $0x50, $0x38;
	[tilespmem:$0x1E800] =	vst v63  }
0x119: {  	s13 =	sadd.s32 $0x0, s30  }
0x11a: {  	[tilespmem:s24], [sflag:$0x6] =	stream.linear.gather [hbm4b:s13+s4], $0x50, $0x38;
	[tilespmem:$0x1E800] =	vst v63  }
0x11b: {  	_ =	swait.ge [sflag:s10], $0x2800  }
0x11c: {  	[sflag:s10] =	ssyncset.done $0x0  }
0x11d: {  	s16 =	simm.s32 $0x14700;
	[sflag:s10] =	ssyncadd.s32 $0xFFFFD800  }
0x11e: {  	[spmem:s31] =	stream.indirect.scatter.add.f32 [tilespmem:s8], [sflag:$0x9], $0x80, s16, s29, $0xb8;
	[tilespmem:$0x1E800] =	vst v63  }
0x11f: {  	_ =	swait.ge [sflag:s25], $0x2800  }
0x120: {  	[sflag:s25] =	ssyncset.done $0x0  }
0x121: {  	[sflag:s25] =	ssyncadd.s32 $0xFFFFD800  }
0x122: {  	_ =	swait.ge [sflag:s6], $0x50  }
0x123: {  	[sflag:s6] =	ssyncset.done $0x0  }
0x124: {  	[sflag:s6] =	ssyncadd.s32 $0xFFFFFFB0  }
0x125: {  	_ =	swait.ge [sflag:s6], $0x50  }
0x126: {  	[sflag:s6] =	ssyncset.done $0x0  }
0x127: {  	s17 =	rddreg [dreg:$0x7];
	[sflag:s6] =	ssyncadd.s32 $0xFFFFFFB0  }
0x128: {  	[tilespmem:s8], [sflag:$0x3] =	stream.indirect.gather [hbm4b:s3+s29], $0x80, s18, s29, $0xb8;
	[tilespmem:$0x1E800] =	vst v63  }
0x129: {  	s19 =	simm.s32 $0x14300;
	s30 =	rddreg [dreg:$0x6];
	s2 =	sadd.s32 $0x0, s17  }
0x12a: {  	[tilespmem:s19], [sflag:$0x7] =	stream.linear.gather [hbm4b:s2+s4], $0x50, $0x38;
	[tilespmem:$0x1E800] =	vst v63  }
0x12b: {  	s21 =	sadd.s32 $0x0, s30  }
0x12c: {  	[tilespmem:s16], [sflag:$0x7] =	stream.linear.gather [hbm4b:s21+s4], $0x50, $0x38;
	[tilespmem:$0x1E800] =	vst v63  }
0x12d: {  	_ =	swait.ge [sflag:s12], $0x2800  }
0x12e: {  	[sflag:s12] =	ssyncset.done $0x0  }
0x12f: {  	s24 =	simm.s32 $0x14780;
	[sflag:s12] =	ssyncadd.s32 $0xFFFFD800  }
0x130: {  	[spmem:s31] =	stream.indirect.scatter.add.f32 [tilespmem:s11], [sflag:$0x9], $0x80, s24, s29, $0xb8;
	[tilespmem:$0x1E800] =	vst v63  }
0x131: {  	_ =	swait.ge [sflag:s25], $0x2800  }
0x132: {  	[sflag:s25] =	ssyncset.done $0x0  }
0x133: {  	[sflag:s25] =	ssyncadd.s32 $0xFFFFD800  }
0x134: {  	_ =	swait.ge [sflag:s28], $0x50  }
0x135: {  	[sflag:s28] =	ssyncset.done $0x0  }
0x136: {  	[sflag:s28] =	ssyncadd.s32 $0xFFFFFFB0  }
0x137: {  	_ =	swait.ge [sflag:s28], $0x50  }
0x138: {  	[sflag:s28] =	ssyncset.done $0x0  }
0x139: {  	s26 =	rddreg [dreg:$0x5];
	[sflag:s28] =	ssyncadd.s32 $0xFFFFFFB0  }
0x13a: {  	[tilespmem:s11], [sflag:$0x4] =	stream.indirect.gather [hbm4b:s3+s29], $0x80, s20, s29, $0xb8;
	[tilespmem:$0x1E800] =	vst v63  }
0x13b: {  	s14 =	simm.s32 $0x14380;
	s31 =	rddreg [dreg:$0x4];
	s2 =	sadd.s32 $0x0, s26  }
0x13c: {  	[tilespmem:s14], [sflag:$0x8] =	stream.linear.gather [hbm4b:s2+s4], $0x50, $0x38;
	[tilespmem:$0x1E800] =	vst v63  }
0x13d: {  	s30 =	simm.s32 $0x50;
	s2 =	sadd.s32 $0x0, s31;
	s31 =	sadd.s32 $0x280, s7  }
.LBB2_2:
0x13e: {  	s0 =	simm.s32 $0x14780;
	s26 =	simm.s32 $0x1  }
0x13f: {  	[tilespmem:s0], [sflag:$0x8] =	stream.linear.gather [hbm4b:s2+s4], $0x50, $0x38;
	[tilespmem:$0x1E800] =	vst v63  }
0x140: {  	_ =	swait.ge [sflag:s26], $0x2800  }
0x141: {  	[sflag:s26] =	ssyncset.done $0x0  }
0x142: {  	[sflag:s26] =	ssyncadd.s32 $0xFFFFD800  }
0x143: {  	s16 =	simm.s32 $0x14400;
	s0 =	simm.s32 $0x14800;
	s14 =	rddreg [dreg:$0x2]  }
0x144: {  	[spmem:s14] =	stream.indirect.scatter.add.f32 [tilespmem:s0], [sflag:$0x9], $0x80, s16, s29, $0xb8;
	[tilespmem:$0x1E800] =	vst v63  }
0x145: {  	_ =	swait.ge [sflag:s25], $0x2800  }
0x146: {  	[sflag:s25] =	ssyncset.done $0x0  }
0x147: {  	[sflag:s25] =	ssyncadd.s32 $0xFFFFD800  }
0x148: {  	_ =	swait.ge [sflag:s22], $0x50  }
0x149: {  	[sflag:s22] =	ssyncset.done $0x0  }
0x14a: {  	[sflag:s22] =	ssyncadd.s32 $0xFFFFFFB0  }
0x14b: {  	_ =	swait.ge [sflag:s22], $0x50  }
0x14c: {  	[sflag:s22] =	ssyncset.done $0x0  }
0x14d: {  	[sflag:s22] =	ssyncadd.s32 $0xFFFFFFB0  }
0x14e: {  	s7 =	sshrl.u32 s31, $0x3;
	s24 =	simm.s32 $0x14200;
	s3 =	rddreg [dreg:$0x0]  }
0x14f: {  	[tilespmem:s0], [sflag:$0x1] =	stream.indirect.gather [hbm4b:s3+s29], $0x80, s24, s29, $0xb8;
	[tilespmem:$0x1E800] =	vst v63  }
0x150: {  	s19 =	simm.s32 $0x14000;
	s11 =	sadd.s32 s9, s7;
	s1 =	rddreg [dreg:$0x12]  }
0x151: {  	[tilespmem:s19], [sflag:$0x5] =	stream.linear.gather [hbm4b:s11+s4], $0x50, $0x38;
	[tilespmem:$0x1E800] =	vst v63  }
0x152: {  	s7 =	sadd.s32 s1, s7;
	s1 =	simm.s32 $0x2  }
0x153: {  	[tilespmem:s16], [sflag:$0x5] =	stream.linear.gather [hbm4b:s7+s4], $0x50, $0x38;
	[tilespmem:$0x1E800] =	vst v63  }
0x154: {  	_ =	swait.ge [sflag:s1], $0x2800  }
0x155: {  	[sflag:s1] =	ssyncset.done $0x0  }
0x156: {  	s18 =	simm.s32 $0x14480;
	s8 =	simm.s32 $0x17000;
	[sflag:s1] =	ssyncadd.s32 $0xFFFFD800  }
0x157: {  	[spmem:s14] =	stream.indirect.scatter.add.f32 [tilespmem:s8], [sflag:$0x9], $0x80, s18, s29, $0xb8;
	[tilespmem:$0x1E800] =	vst v63  }
0x158: {  	_ =	swait.ge [sflag:s25], $0x2800  }
0x159: {  	[sflag:s25] =	ssyncset.done $0x0  }
0x15a: {  	[sflag:s25] =	ssyncadd.s32 $0xFFFFD800  }
0x15b: {  	_ =	swait.ge [sflag:s15], $0x50  }
0x15c: {  	[sflag:s15] =	ssyncset.done $0x0  }
0x15d: {  	[sflag:s15] =	ssyncadd.s32 $0xFFFFFFB0  }
0x15e: {  	_ =	swait.ge [sflag:s15], $0x50  }
0x15f: {  	[sflag:s15] =	ssyncset.done $0x0  }
0x160: {  	s2 =	smov.u32 s30;
	s12 =	rddreg [dreg:$0x11];
	[sflag:s15] =	ssyncadd.s32 $0xFFFFFFB0  }
0x161: {  	[tilespmem:s8], [sflag:$0x2] =	stream.indirect.gather [hbm4b:s3+s29], $0x80, s23, s29, $0xb8;
	[tilespmem:$0x1E800] =	vst v63  }
0x162: {  	s5 =	simm.s32 $0x14080;
	s13 =	rddreg [dreg:$0x10];
	s7 =	sadd.s32 s2, s12  }
0x163: {  	[tilespmem:s5], [sflag:$0x6] =	stream.linear.gather [hbm4b:s7+s4], $0x50, $0x38;
	[tilespmem:$0x1E800] =	vst v63  }
0x164: {  	s16 =	sadd.s32 s2, s13;
	s5 =	simm.s32 $0x3  }
0x165: {  	[tilespmem:s18], [sflag:$0x6] =	stream.linear.gather [hbm4b:s16+s4], $0x50, $0x38;
	[tilespmem:$0x1E800] =	vst v63  }
0x166: {  	_ =	swait.ge [sflag:s5], $0x2800  }
0x167: {  	[sflag:s5] =	ssyncset.done $0x0  }
0x168: {  	s20 =	simm.s32 $0x14500;
	s11 =	simm.s32 $0x19800;
	[sflag:s5] =	ssyncadd.s32 $0xFFFFD800  }
0x169: {  	[spmem:s14] =	stream.indirect.scatter.add.f32 [tilespmem:s11], [sflag:$0x9], $0x80, s20, s29, $0xb8;
	[tilespmem:$0x1E800] =	vst v63  }
0x16a: {  	_ =	swait.ge [sflag:s25], $0x2800  }
0x16b: {  	[sflag:s25] =	ssyncset.done $0x0  }
0x16c: {  	[sflag:s25] =	ssyncadd.s32 $0xFFFFD800  }
0x16d: {  	_ =	swait.ge [sflag:s6], $0x50  }
0x16e: {  	[sflag:s6] =	ssyncset.done $0x0  }
0x16f: {  	[sflag:s6] =	ssyncadd.s32 $0xFFFFFFB0  }
0x170: {  	_ =	swait.ge [sflag:s6], $0x50  }
0x171: {  	[sflag:s6] =	ssyncset.done $0x0  }
0x172: {  	s13 =	simm.s32 $0x14300;
	s17 =	rddreg [dreg:$0xf];
	[sflag:s6] =	ssyncadd.s32 $0xFFFFFFB0  }
0x173: {  	[tilespmem:s11], [sflag:$0x3] =	stream.indirect.gather [hbm4b:s3+s29], $0x80, s13, s29, $0xb8;
	[tilespmem:$0x1E800] =	vst v63  }
0x174: {  	s18 =	simm.s32 $0x14100;
	s21 =	rddreg [dreg:$0xe];
	s7 =	sadd.s32 s2, s17  }
0x175: {  	[tilespmem:s18], [sflag:$0x7] =	stream.linear.gather [hbm4b:s7+s4], $0x50, $0x38;
	[tilespmem:$0x1E800] =	vst v63  }
0x176: {  	s23 =	sadd.s32 s2, s21;
	s17 =	simm.s32 $0x4  }
0x177: {  	[tilespmem:s20], [sflag:$0x7] =	stream.linear.gather [hbm4b:s23+s4], $0x50, $0x38;
	[tilespmem:$0x1E800] =	vst v63  }
0x178: {  	_ =	swait.ge [sflag:s17], $0x2800  }
0x179: {  	[sflag:s17] =	ssyncset.done $0x0  }
0x17a: {  	s12 =	simm.s32 $0x14580;
	s21 =	simm.s32 $0x1C000;
	[sflag:s17] =	ssyncadd.s32 $0xFFFFD800  }
0x17b: {  	[spmem:s14] =	stream.indirect.scatter.add.f32 [tilespmem:s21], [sflag:$0x9], $0x80, s12, s29, $0xb8;
	[tilespmem:$0x1E800] =	vst v63  }
0x17c: {  	_ =	swait.ge [sflag:s25], $0x2800  }
0x17d: {  	[sflag:s25] =	ssyncset.done $0x0  }
0x17e: {  	[sflag:s25] =	ssyncadd.s32 $0xFFFFD800  }
0x17f: {  	_ =	swait.ge [sflag:s28], $0x50  }
0x180: {  	[sflag:s28] =	ssyncset.done $0x0  }
0x181: {  	[sflag:s28] =	ssyncadd.s32 $0xFFFFFFB0  }
0x182: {  	_ =	swait.ge [sflag:s28], $0x50  }
0x183: {  	s10 =	smov.u32 s9;
	[sflag:s28] =	ssyncset.done $0x0  }
0x184: {  	s16 =	simm.s32 $0x14380;
	s9 =	rddreg [dreg:$0xd];
	[sflag:s28] =	ssyncadd.s32 $0xFFFFFFB0  }
0x185: {  	[tilespmem:s21], [sflag:$0x4] =	stream.indirect.gather [hbm4b:s3+s29], $0x80, s16, s29, $0xb8;
	[tilespmem:$0x1E800] =	vst v63  }
0x186: {  	s20 =	simm.s32 $0x14180;
	s23 =	rddreg [dreg:$0xc];
	s7 =	sadd.s32 s2, s9  }
0x187: {  	[tilespmem:s20], [sflag:$0x8] =	stream.linear.gather [hbm4b:s7+s4], $0x50, $0x38;
	[tilespmem:$0x1E800] =	vst v63  }
0x188: {  	s9 =	sadd.s32 s2, s23  }
0x189: {  	[tilespmem:s12], [sflag:$0x8] =	stream.linear.gather [hbm4b:s9+s4], $0x50, $0x38;
	[tilespmem:$0x1E800] =	vst v63  }
0x18a: {  	_ =	swait.ge [sflag:s26], $0x2800  }
0x18b: {  	[sflag:s26] =	ssyncset.done $0x0  }
0x18c: {  	s23 =	simm.s32 $0x14600;
	[sflag:s26] =	ssyncadd.s32 $0xFFFFD800  }
0x18d: {  	[spmem:s14] =	stream.indirect.scatter.add.f32 [tilespmem:s0], [sflag:$0x9], $0x80, s23, s29, $0xb8;
	[tilespmem:$0x1E800] =	vst v63  }
0x18e: {  	_ =	swait.ge [sflag:s25], $0x2800  }
0x18f: {  	[sflag:s25] =	ssyncset.done $0x0  }
0x190: {  	[sflag:s25] =	ssyncadd.s32 $0xFFFFD800  }
0x191: {  	_ =	swait.ge [sflag:s22], $0x50  }
0x192: {  	[sflag:s22] =	ssyncset.done $0x0  }
0x193: {  	[sflag:s22] =	ssyncadd.s32 $0xFFFFFFB0  }
0x194: {  	_ =	swait.ge [sflag:s22], $0x50  }
0x195: {  	[sflag:s22] =	ssyncset.done $0x0  }
0x196: {  	s12 =	rddreg [dreg:$0xb];
	[sflag:s22] =	ssyncadd.s32 $0xFFFFFFB0  }
0x197: {  	[tilespmem:s0], [sflag:$0x1] =	stream.indirect.gather [hbm4b:s3+s29], $0x80, s19, s29, $0xb8;
	[tilespmem:$0x1E800] =	vst v63  }
0x198: {  	s26 =	rddreg [dreg:$0xa];
	s7 =	sadd.s32 s2, s12  }
0x199: {  	[tilespmem:s24], [sflag:$0x5] =	stream.linear.gather [hbm4b:s7+s4], $0x50, $0x38;
	[tilespmem:$0x1E800] =	vst v63  }
0x19a: {  	s24 =	sadd.s32 s2, s26  }
0x19b: {  	[tilespmem:s23], [sflag:$0x5] =	stream.linear.gather [hbm4b:s24+s4], $0x50, $0x38;
	[tilespmem:$0x1E800] =	vst v63  }
0x19c: {  	_ =	swait.ge [sflag:s1], $0x2800  }
0x19d: {  	[sflag:s1] =	ssyncset.done $0x0  }
0x19e: {  	[sflag:s1] =	ssyncadd.s32 $0xFFFFD800;
	s1 =	simm.s32 $0x14680  }
0x19f: {  	[spmem:s14] =	stream.indirect.scatter.add.f32 [tilespmem:s8], [sflag:$0x9], $0x80, s1, s29, $0xb8;
	[tilespmem:$0x1E800] =	vst v63  }
0x1a0: {  	_ =	swait.ge [sflag:s25], $0x2800  }
0x1a1: {  	[sflag:s25] =	ssyncset.done $0x0  }
0x1a2: {  	[sflag:s25] =	ssyncadd.s32 $0xFFFFD800  }
0x1a3: {  	_ =	swait.ge [sflag:s15], $0x50  }
0x1a4: {  	[sflag:s15] =	ssyncset.done $0x0  }
0x1a5: {  	[sflag:s15] =	ssyncadd.s32 $0xFFFFFFB0  }
0x1a6: {  	_ =	swait.ge [sflag:s15], $0x50  }
0x1a7: {  	[sflag:s15] =	ssyncset.done $0x0  }
0x1a8: {  	s26 =	simm.s32 $0x14080;
	s7 =	rddreg [dreg:$0x9];
	[sflag:s15] =	ssyncadd.s32 $0xFFFFFFB0  }
0x1a9: {  	[tilespmem:s8], [sflag:$0x2] =	stream.indirect.gather [hbm4b:s3+s29], $0x80, s26, s29, $0xb8;
	[tilespmem:$0x1E800] =	vst v63  }
0x1aa: {  	s23 =	simm.s32 $0x14280;
	s9 =	rddreg [dreg:$0x8];
	s7 =	sadd.s32 s2, s7  }
0x1ab: {  	[tilespmem:s23], [sflag:$0x6] =	stream.linear.gather [hbm4b:s7+s4], $0x50, $0x38;
	[tilespmem:$0x1E800] =	vst v63  }
0x1ac: {  	s9 =	sadd.s32 s2, s9  }
0x1ad: {  	[tilespmem:s1], [sflag:$0x6] =	stream.linear.gather [hbm4b:s9+s4], $0x50, $0x38;
	[tilespmem:$0x1E800] =	vst v63  }
0x1ae: {  	_ =	swait.ge [sflag:s5], $0x2800  }
0x1af: {  	[sflag:s5] =	ssyncset.done $0x0  }
0x1b0: {  	s19 =	simm.s32 $0x14700;
	[sflag:s5] =	ssyncadd.s32 $0xFFFFD800  }
0x1b1: {  	[spmem:s14] =	stream.indirect.scatter.add.f32 [tilespmem:s11], [sflag:$0x9], $0x80, s19, s29, $0xb8;
	[tilespmem:$0x1E800] =	vst v63  }
0x1b2: {  	_ =	swait.ge [sflag:s25], $0x2800  }
0x1b3: {  	[sflag:s25] =	ssyncset.done $0x0  }
0x1b4: {  	[sflag:s25] =	ssyncadd.s32 $0xFFFFD800  }
0x1b5: {  	_ =	swait.ge [sflag:s6], $0x50  }
0x1b6: {  	[sflag:s6] =	ssyncset.done $0x0  }
0x1b7: {  	[sflag:s6] =	ssyncadd.s32 $0xFFFFFFB0  }
0x1b8: {  	_ =	swait.ge [sflag:s6], $0x50  }
0x1b9: {  	[sflag:s6] =	ssyncset.done $0x0  }
0x1ba: {  	s26 =	rddreg [dreg:$0x7];
	[sflag:s6] =	ssyncadd.s32 $0xFFFFFFB0  }
0x1bb: {  	[tilespmem:s11], [sflag:$0x3] =	stream.indirect.gather [hbm4b:s3+s29], $0x80, s18, s29, $0xb8;
	[tilespmem:$0x1E800] =	vst v63  }
0x1bc: {  	s5 =	rddreg [dreg:$0x6];
	s7 =	sadd.s32 s2, s26  }
0x1bd: {  	[tilespmem:s13], [sflag:$0x7] =	stream.linear.gather [hbm4b:s7+s4], $0x50, $0x38;
	[tilespmem:$0x1E800] =	vst v63  }
0x1be: {  	s11 =	sadd.s32 s2, s5  }
0x1bf: {  	[tilespmem:s19], [sflag:$0x7] =	stream.linear.gather [hbm4b:s11+s4], $0x50, $0x38;
	[tilespmem:$0x1E800] =	vst v63  }
0x1c0: {  	_ =	swait.ge [sflag:s17], $0x2800  }
0x1c1: {  	[sflag:s17] =	ssyncset.done $0x0  }
0x1c2: {  	s13 =	simm.s32 $0x14780;
	[sflag:s17] =	ssyncadd.s32 $0xFFFFD800  }
0x1c3: {  	[spmem:s14] =	stream.indirect.scatter.add.f32 [tilespmem:s21], [sflag:$0x9], $0x80, s13, s29, $0xb8;
	[tilespmem:$0x1E800] =	vst v63  }
0x1c4: {  	_ =	swait.ge [sflag:s25], $0x2800  }
0x1c5: {  	[sflag:s25] =	ssyncset.done $0x0  }
0x1c6: {  	[sflag:s25] =	ssyncadd.s32 $0xFFFFD800  }
0x1c7: {  	p0 =	sne.s32 s30, $0x460;
	s31 =	sadd.s32 $0x280, s31;
	_ =	swait.ge [sflag:s28], $0x50  }
0x1c8: {  	s30 =	sadd.s32 $0x50, s30;
	s12 =	simm.s32 $0x14200;
	[sflag:s28] =	ssyncset.done $0x0  }
0x1c9: {  	s0 =	simm.s32 $0x14600;
	s24 =	simm.s32 $0x17000;
	[sflag:s28] =	ssyncadd.s32 $0xFFFFFFB0  }
0x1ca: {  	s8 =	simm.s32 $0x19800;
	s9 =	smov.u32 s10;
	_ =	swait.ge [sflag:s28], $0x50  }
.Ltmp0:
0x1cb: {  	[sflag:s28] =	ssyncset.done $0x0;
	s17 =	rddreg [dreg:$0x5];
	(pc) =	sbr.rel @p0 .LBB2_2-.Ltmp0, $4  }
0x1cc: {  	s26 =	simm.s32 $0x14780;
	s19 =	rddreg [dreg:$0x4];
	[sflag:s28] =	ssyncadd.s32 $0xFFFFFFB0  }
0x1cd: {  	[tilespmem:s21], [sflag:$0x4] =	stream.indirect.gather [hbm4b:s3+s29], $0x80, s20, s29, $0xb8;
	[tilespmem:$0x1E800] =	vst v63  }
0x1ce: {  	s11 =	simm.s32 $0x1C000;
	s7 =	sadd.s32 s2, s17;
	s2 =	sadd.s32 s2, s19  }
0x1cf: {  	[tilespmem:s16], [sflag:$0x8] =	stream.linear.gather [hbm4b:s7+s4], $0x50, $0x38;
	[tilespmem:$0x1E800] =	vst v63  }
0x1d0: {  	[tilespmem:s26], [sflag:$0x8] =	stream.linear.gather [hbm4b:s2+s4], $0x50, $0x38;
	[tilespmem:$0x1E800] =	vst v63  }
0x1d1: {  	s10 =	simm.s32 $0x1  }
0x1d2: {  	_ =	swait.ge [sflag:s10], $0x2800  }
0x1d3: {  	[sflag:s10] =	ssyncset.done $0x0  }
0x1d4: {  	[sflag:s10] =	ssyncadd.s32 $0xFFFFD800  }
0x1d5: {  	s21 =	simm.s32 $0x14800;
	s1 =	simm.s32 $0x14400;
	s3 =	rddreg [dreg:$0x2]  }
0x1d6: {  	[spmem:s3] =	stream.indirect.scatter.add.f32 [tilespmem:s21], [sflag:$0x9], $0x80, s1, s29, $0xb8;
	[tilespmem:$0x1E800] =	vst v63  }
0x1d7: {  	_ =	swait.ge [sflag:s25], $0x2800  }
0x1d8: {  	[sflag:s25] =	ssyncset.done $0x0  }
0x1d9: {  	s13 =	simm.s32 $0x2;
	[sflag:s25] =	ssyncadd.s32 $0xFFFFD800  }
0x1da: {  	_ =	swait.ge [sflag:s13], $0x2800  }
0x1db: {  	[sflag:s13] =	ssyncset.done $0x0  }
0x1dc: {  	s14 =	simm.s32 $0x14480;
	[sflag:s13] =	ssyncadd.s32 $0xFFFFD800  }
0x1dd: {  	[spmem:s3] =	stream.indirect.scatter.add.f32 [tilespmem:s24], [sflag:$0x9], $0x80, s14, s29, $0xb8;
	[tilespmem:$0x1E800] =	vst v63  }
0x1de: {  	_ =	swait.ge [sflag:s25], $0x2800  }
0x1df: {  	[sflag:s25] =	ssyncset.done $0x0  }
0x1e0: {  	s16 =	simm.s32 $0x3;
	[sflag:s25] =	ssyncadd.s32 $0xFFFFD800  }
0x1e1: {  	_ =	swait.ge [sflag:s16], $0x2800  }
0x1e2: {  	[sflag:s16] =	ssyncset.done $0x0  }
0x1e3: {  	s17 =	simm.s32 $0x14500;
	[sflag:s16] =	ssyncadd.s32 $0xFFFFD800  }
0x1e4: {  	[spmem:s3] =	stream.indirect.scatter.add.f32 [tilespmem:s8], [sflag:$0x9], $0x80, s17, s29, $0xb8;
	[tilespmem:$0x1E800] =	vst v63  }
0x1e5: {  	_ =	swait.ge [sflag:s25], $0x2800  }
0x1e6: {  	[sflag:s25] =	ssyncset.done $0x0  }
0x1e7: {  	s19 =	simm.s32 $0x4;
	[sflag:s25] =	ssyncadd.s32 $0xFFFFD800  }
0x1e8: {  	_ =	swait.ge [sflag:s19], $0x2800  }
0x1e9: {  	[sflag:s19] =	ssyncset.done $0x0  }
0x1ea: {  	s24 =	simm.s32 $0x14580;
	[sflag:s19] =	ssyncadd.s32 $0xFFFFD800  }
0x1eb: {  	[spmem:s3] =	stream.indirect.scatter.add.f32 [tilespmem:s11], [sflag:$0x9], $0x80, s24, s29, $0xb8;
	[tilespmem:$0x1E800] =	vst v63  }
0x1ec: {  	_ =	swait.ge [sflag:s25], $0x2800  }
0x1ed: {  	[sflag:s25] =	ssyncset.done $0x0  }
0x1ee: {  	[sflag:s25] =	ssyncadd.s32 $0xFFFFD800  }
0x1ef: {  	_ =	swait.ge [sflag:s22], $0x50  }
0x1f0: {  	[sflag:s22] =	ssyncset.done $0x0  }
0x1f1: {  	[sflag:s22] =	ssyncadd.s32 $0xFFFFFFB0  }
0x1f2: {  	_ =	swait.ge [sflag:s22], $0x50  }
0x1f3: {  	[sflag:s22] =	ssyncset.done $0x0  }
0x1f4: {  	[sflag:s22] =	ssyncadd.s32 $0xFFFFFFB0  }
0x1f5: {  	_ =	swait.ge [sflag:s15], $0x50  }
0x1f6: {  	[sflag:s15] =	ssyncset.done $0x0  }
0x1f7: {  	[sflag:s15] =	ssyncadd.s32 $0xFFFFFFB0  }
0x1f8: {  	_ =	swait.ge [sflag:s15], $0x50  }
0x1f9: {  	[sflag:s15] =	ssyncset.done $0x0  }
0x1fa: {  	[sflag:s15] =	ssyncadd.s32 $0xFFFFFFB0  }
0x1fb: {  	_ =	swait.ge [sflag:s6], $0x50  }
0x1fc: {  	[sflag:s6] =	ssyncset.done $0x0  }
0x1fd: {  	[sflag:s6] =	ssyncadd.s32 $0xFFFFFFB0  }
0x1fe: {  	_ =	swait.ge [sflag:s6], $0x50  }
0x1ff: {  	[sflag:s6] =	ssyncset.done $0x0  }
0x200: {  	[sflag:s6] =	ssyncadd.s32 $0xFFFFFFB0  }
0x201: {  	_ =	swait.ge [sflag:s28], $0x50  }
0x202: {  	[sflag:s28] =	ssyncset.done $0x0  }
0x203: {  	[sflag:s28] =	ssyncadd.s32 $0xFFFFFFB0  }
0x204: {  	_ =	swait.ge [sflag:s28], $0x50  }
0x205: {  	[sflag:s28] =	ssyncset.done $0x0  }
0x206: {  	[sflag:s28] =	ssyncadd.s32 $0xFFFFFFB0  }
0x207: {  	s26 =	rddreg [dreg:$0x0]  }
0x208: {  	[tilespmem:s21], [sflag:$0x1] =	stream.indirect.gather [hbm4b:s26+s29], $0x80, s12, s29, $0xb8;
	[tilespmem:$0x1E800] =	vst v63  }
0x209: {  	_ =	swait.ge [sflag:s10], $0x2800  }
0x20a: {  	[sflag:s10] =	ssyncset.done $0x0  }
0x20b: {  	[sflag:s10] =	ssyncadd.s32 $0xFFFFD800  }
0x20c: {  	[spmem:s3] =	stream.indirect.scatter.add.f32 [tilespmem:s21], [sflag:$0x9], $0x80, s0, s29, $0xb8;
	[tilespmem:$0x1E800] =	vst v63  }
0x20d: {  	_ =	swait.ge [sflag:s25], $0x2800  }
0x20e: {  	[sflag:s25] =	ssyncset.done $0x0  }
0x20f: {  	[sflag:s25] =	ssyncadd.s32 $0xFFFFD800  }
0x210: {  	[bflag:$0x0] =	sbarrier.arrive $0xFFFF  }
0x211: {  	s16 =	rddreg [dreg:$0x1c]  }
0x212: {  	[tilespmem:s21], [sflag:$0x9] =	stream.linear.gather [spmem:s16], $0x2800, $0x38;
	[tilespmem:$0x1E800] =	vst v63  }
0x213: {  	_ =	swait.ge [sflag:s25], $0x2800  }
0x214: {  	[sflag:s25] =	ssyncset.done $0x0  }
0x215: {  	s5 =	rddreg [dreg:$0x13];
	[sflag:s25] =	ssyncadd.s32 $0xFFFFD800  }
0x216: {  	[hbm4b:s5+s4] =	stream.linear.scatter [tilespmem:s21], [sflag:$0x9], $0x2800, $0x38;
	[tilespmem:$0x1E800] =	vst v63  }
0x217: {  	_ =	swait.ge [sflag:s25], $0x2800  }
0x218: {  	[sflag:s25] =	ssyncset.done $0x0  }
0x219: {  	s14 =	rddreg [dreg:$0x1d];
	[sflag:s25] =	ssyncadd.s32 $0xFFFFD800  }
0x21a: {  	[tilespmem:s21], [sflag:$0x9] =	stream.linear.gather [spmem:s14], $0x2800, $0x38;
	[tilespmem:$0x1E800] =	vst v63  }
0x21b: {  	_ =	swait.ge [sflag:s25], $0x2800  }
0x21c: {  	[sflag:s25] =	ssyncset.done $0x0  }
0x21d: {  	s7 =	rddreg [dreg:$0x14];
	[sflag:s25] =	ssyncadd.s32 $0xFFFFD800  }
0x21e: {  	[hbm4b:s7+s4] =	stream.linear.scatter [tilespmem:s21], [sflag:$0x9], $0x2800, $0x38;
	[tilespmem:$0x1E800] =	vst v63  }
0x21f: {  	_ =	swait.ge [sflag:s25], $0x2800  }
0x220: {  	[sflag:s25] =	ssyncset.done $0x0  }
0x221: {  	s3 =	rddreg [dreg:$0x1e];
	[sflag:s25] =	ssyncadd.s32 $0xFFFFD800  }
0x222: {  	[tilespmem:s21], [sflag:$0x9] =	stream.linear.gather [spmem:s3], $0x2800, $0x38;
	[tilespmem:$0x1E800] =	vst v63  }
0x223: {  	_ =	swait.ge [sflag:s25], $0x2800  }
0x224: {  	[sflag:s25] =	ssyncset.done $0x0  }
0x225: {  	s8 =	rddreg [dreg:$0x15];
	[sflag:s25] =	ssyncadd.s32 $0xFFFFD800  }
0x226: {  	[hbm4b:s8+s4] =	stream.linear.scatter [tilespmem:s21], [sflag:$0x9], $0x2800, $0x38;
	[tilespmem:$0x1E800] =	vst v63  }
0x227: {  	_ =	swait.ge [sflag:s25], $0x2800  }
0x228: {  	[sflag:s25] =	ssyncset.done $0x0  }
0x229: {  	s12 =	rddreg [dreg:$0x1f];
	[sflag:s25] =	ssyncadd.s32 $0xFFFFD800  }
0x22a: {  	[tilespmem:s21], [sflag:$0x9] =	stream.linear.gather [spmem:s12], $0x2800, $0x38;
	[tilespmem:$0x1E800] =	vst v63  }
0x22b: {  	_ =	swait.ge [sflag:s25], $0x2800  }
0x22c: {  	[sflag:s25] =	ssyncset.done $0x0  }
0x22d: {  	s10 =	rddreg [dreg:$0x16];
	[sflag:s25] =	ssyncadd.s32 $0xFFFFD800  }
0x22e: {  	[hbm4b:s10+s4] =	stream.linear.scatter [tilespmem:s21], [sflag:$0x9], $0x2800, $0x38;
	[tilespmem:$0x1E800] =	vst v63  }
0x22f: {  	_ =	swait.ge [sflag:s25], $0x2800  }
0x230: {  	s31 =	sld [smem:$0x7FA]  }
0x231: {  	[sflag:s25] =	ssyncset.done $0x0  }
0x232: {  	[sflag:s25] =	ssyncadd.s32 $0xFFFFD800  }
0x233: {  	[tilespmem:s21], [sflag:$0x9] =	stream.linear.gather [spmem:s31], $0x2800, $0x38;
	[tilespmem:$0x1E800] =	vst v63  }
0x234: {  	_ =	swait.ge [sflag:s25], $0x2800  }
0x235: {  	[sflag:s25] =	ssyncset.done $0x0  }
0x236: {  	s11 =	rddreg [dreg:$0x17];
	[sflag:s25] =	ssyncadd.s32 $0xFFFFD800  }
0x237: {  	[hbm4b:s11+s4] =	stream.linear.scatter [tilespmem:s21], [sflag:$0x9], $0x2800, $0x38;
	[tilespmem:$0x1E800] =	vst v63  }
0x238: {  	_ =	swait.ge [sflag:s25], $0x2800  }
0x239: {  	s30 =	sld [smem:$0x7FB]  }
0x23a: {  	[sflag:s25] =	ssyncset.done $0x0  }
0x23b: {  	[sflag:s25] =	ssyncadd.s32 $0xFFFFD800  }
0x23c: {  	[tilespmem:s21], [sflag:$0x9] =	stream.linear.gather [spmem:s30], $0x2800, $0x38;
	[tilespmem:$0x1E800] =	vst v63  }
0x23d: {  	_ =	swait.ge [sflag:s25], $0x2800  }
0x23e: {  	[sflag:s25] =	ssyncset.done $0x0  }
0x23f: {  	s13 =	rddreg [dreg:$0x18];
	[sflag:s25] =	ssyncadd.s32 $0xFFFFD800  }
0x240: {  	[hbm4b:s13+s4] =	stream.linear.scatter [tilespmem:s21], [sflag:$0x9], $0x2800, $0x38;
	[tilespmem:$0x1E800] =	vst v63  }
0x241: {  	_ =	swait.ge [sflag:s25], $0x2800  }
0x242: {  	s7 =	sld [smem:$0x7FC]  }
0x243: {  	[sflag:s25] =	ssyncset.done $0x0  }
0x244: {  	[sflag:s25] =	ssyncadd.s32 $0xFFFFD800  }
0x245: {  	[tilespmem:s21], [sflag:$0x9] =	stream.linear.gather [spmem:s7], $0x2800, $0x38;
	[tilespmem:$0x1E800] =	vst v63  }
0x246: {  	_ =	swait.ge [sflag:s25], $0x2800  }
0x247: {  	[sflag:s25] =	ssyncset.done $0x0  }
0x248: {  	s17 =	rddreg [dreg:$0x19];
	[sflag:s25] =	ssyncadd.s32 $0xFFFFD800  }
0x249: {  	[hbm4b:s17+s4] =	stream.linear.scatter [tilespmem:s21], [sflag:$0x9], $0x2800, $0x38;
	[tilespmem:$0x1E800] =	vst v63  }
0x24a: {  	_ =	swait.ge [sflag:s25], $0x2800  }
0x24b: {  	s10 =	sld [smem:$0x7FD]  }
0x24c: {  	[sflag:s25] =	ssyncset.done $0x0  }
0x24d: {  	[sflag:s25] =	ssyncadd.s32 $0xFFFFD800  }
0x24e: {  	[tilespmem:s21], [sflag:$0x9] =	stream.linear.gather [spmem:s10], $0x2800, $0x38;
	[tilespmem:$0x1E800] =	vst v63  }
0x24f: {  	_ =	swait.ge [sflag:s25], $0x2800  }
0x250: {  	[sflag:s25] =	ssyncset.done $0x0  }
0x251: {  	s19 =	rddreg [dreg:$0x1a];
	[sflag:s25] =	ssyncadd.s32 $0xFFFFD800  }
0x252: {  	[hbm4b:s19+s4] =	stream.linear.scatter [tilespmem:s21], [sflag:$0x9], $0x2800, $0x38;
	[tilespmem:$0x1E800] =	vst v63  }
0x253: {  	_ =	swait.ge [sflag:s25], $0x2800  }
0x254: {  	s24 =	sld [smem:$0x7E7]  }
0x255: {  	s26 =	sld [smem:$0x7F8];
	_ =	sdelay $0x1  }
0x256: {  	s0 =	sadd.s32 $0x1, s24  }
0x257: {  	p0 =	sne.s32 s0, s26  }
.Ltmp1:
0x258: {  	_ = 	snop;
	(pc) =	sbr.rel @p0 .LBB2_1-.Ltmp1, $3  }
0x259: {  	_ =	sdelay $0x1  }
0x25a: {  	[sflag:s25] =	ssyncset.done $0x0  }
0x25b: {  	s1 =	rddreg [dreg:$0x12];
	[sflag:s25] =	ssyncadd.s32 $0xFFFFD800;
	s24 =	simm.s32 $0x14680  }
0x25c: {  	_ =	sfence.sel $0x180000  }
0x25d: {  	[bflag:$0x0] =	sbarrier.arrive $0xFFFF  }
0x25e: {  	_ =	strace $0x90000047  }
0x25f: {  	s0 =	stileid.u32;
	[bflag:$0x2] =	sbarrier.arrive $0xFFFF  }
0x260: {  	p0 =	sne.s32 s0, $0x0;
	s0 =	rddreg [dreg:$0x3]  }
0x261: {  	s0 =	sadd.s32 @!p0 $0x100000, s0  }
0x262: {  	[sflag:s0] =	ssyncadd.tile.s32 @!p0 $0x1;
	_ =	shalt  }
.Lfunc_end2:
_tile_overlayer_lowered:
.L_overlay_start_2:
0x263: {  	(tag) =	ssettag $0x2  }
0x264: {  	s0 =	rddreg [dreg:$0x0];
	s2 =	stileid.u32  }
0x265: {  	s1 =	rddreg [dreg:$0x1];
	p0 =	sne.s32 s2, $0x0  }
0x266: {  	s3 =	rddreg [dreg:$0x2];
	[bflag:$0x3] =	sbarrier.arrive $0xFFFF;
	s2 =	simm.s32 @!p0 $0x1C09  }
0x267: {  	[timem:s3], [sflag:s2] =	dma.local @!p0 [hbm:s0], s1  }
0x268: {  	s0 =	simm.s32 @!p0 $0x9  }
0x269: {  	_ =	swait.ge @!p0 [sflag:s0], s1  }
0x26a: {  	s1 =	ssub.s32 @!p0 $0x0, s1;
	[sflag:s0] =	ssyncset.done @!p0 $0x0  }
0x26b: {  	[sflag:s0] =	ssyncadd.s32 @!p0 s1  }
0x26c: {  	[bflag:$0x3] =	sbarrier.arrive $0xFFFF  }
0x26d: {  	_ =	shalt  }

// kernel: kernel.14.cloned.1.call-start
scs
__scs_entry_jumppad:
0x0: {  	(pc) =	sbr.rel $0x88, $3  }
0x1: {  	(tag) =	ssettag $0x0;
	lr =	simm.s32 $0x1  }
0x2: {  	[smem:$0x3F99] =	sst lr;
	_ =	strace $0xD0000000  }
0x3: {  	_ = 	snop  }
0x4: {  	_ = 	snop  }
0x5: {  	_ = 	snop  }
0x6: {  	_ = 	snop  }
0x7: {  	_ = 	snop  }
__scs_overlays_trampoline_lowered:
0x8: {  	[smem:$0x3FA8] =	sst s0  }
0x9: {  	[smem:$0x3FA9] =	sst s1  }
0xa: {  	[smem:$0x3FAA] =	sst s2  }
0xb: {  	[smem:$0x3FAB] =	sst s3  }
0xc: {  	[smem:$0x3FAC] =	sst s4  }
0xd: {  	[smem:$0x3FAD] =	sst s5  }
0xe: {  	[smem:$0x3FAE] =	sst s6  }
0xf: {  	[smem:$0x3FAF] =	sst s7  }
0x10: {  	[smem:$0x3FB0] =	sst s8  }
0x11: {  	[smem:$0x3FB1] =	sst s9;
	s0 =	simm.s32 @!p0 $0x0  }
0x12: {  	s1 =	sld [smem:$0x3F97];
	s0 =	simm.s32 @p0 $0x1  }
0x13: {  	[smem:$0x3FB2] =	sst s0;
	s0 =	simm.s32 @!p1 $0x0  }
0x14: {  	s2 =	sld [smem:$0x3F96];
	s0 =	simm.s32 @p1 $0x1  }
0x15: {  	[smem:$0x3FB3] =	sst s0;
	s0 =	simm.s32 @!p2 $0x0  }
0x16: {  	s3 =	sld [smem:$0x3FDB];
	s0 =	simm.s32 @p2 $0x1  }
0x17: {  	s4 =	simm.s32 $0x1BF5;
	[smem:$0x3FB5] =	sst s0  }
0x18: {  	s0 =	sld [smem:$0x3F98];
	_ =	swait.ge [sflag:s4], $0x0  }
0x19: {  	s7 =	sld [smem:$0x3F99]  }
0x1a: {  	s8 =	sadd.s32 $0xFFFFE003, lr  }
0x1b: {  	s9 =	sadd.s32 $0xFFFFFEF7, lr;
	s5 =	simm.s32 $0xFFFFFFFF;
	p2 =	slt.u32 s8, $0xFFFFF086  }
0x1c: {  	p1 =	slt.u32 s9, $0xF7A;
	s5 =	simm.s32 @!p2 $0x0  }
0x1d: {  	s5 =	simm.s32 @p1 $0x1;
	p0 =	seq.s32 s7, s2  }
0x1e: {  	s7 =	smul.u32 @!p0 $0xF7A, s2;
	p2 =	seq.s32 @!p0 s5, $0x0  }
0x1f: {  	s9 =	smul.u32 $0xF7A, s1;
	s8 =	simm.s32 @!p0 $0x1BF5;
	p2 =	por !p2, p0  }
0x20: {  	[sflag:s8] =	ssyncset.s32 @!p0 $0xFFFFF086;
	s6 =	sadd.s32 @!p0 s3, s7;
	s7 =	simm.s32 @!p0 $0x108  }
0x21: {  	s3 =	sadd.s32 s3, s9;
	s6 =	sadd.s32 @!p0 $0x88, s6;
	s7 =	simm.s32 @p2 $0x1082  }
0x22: {  	[simem:s7], [sflag:s8] =	dma.local @!p0 [hbm:s6], $0xF7A  }
0x23: {  	s9 =	sor.u32 $0xD0000000, s2;
	s6 =	simm.s32 $0x108;
	_ =	swait.ge @!p0 [sflag:s8], $0x0  }
0x24: {  	s3 =	sadd.s32 $0x88, s3;
	s6 =	simm.s32 @!p1 $0x1082;
	[sflag:s4] =	ssyncset.s32 $0xFFFFF086  }
0x25: {  	[simem:s6], [sflag:s4] =	dma.local [hbm:s3], $0xF7A  }
0x26: {  	[smem:$0x3F99] =	sst s1;
	(tag) =	ssettag s2;
	_ =	strace s9  }
0x27: {  	s1 =	sld [smem:$0x3FA9]  }
0x28: {  	s2 =	sld [smem:$0x3FAA]  }
0x29: {  	s4 =	sld [smem:$0x3FAC]  }
0x2a: {  	p0 =	seq.s32 s5, $0x0;
	s5 =	sld [smem:$0x3FAD]  }
0x2b: {  	s6 =	sld [smem:$0x3FAE]  }
0x2c: {  	s7 =	sld [smem:$0x3FAF]  }
0x2d: {  	s3 =	simm.s32 $0x108;
	s8 =	sld [smem:$0x3FB0]  }
0x2e: {  	s3 =	simm.s32 @!p0 $0x1082;
	s9 =	sld [smem:$0x3FB1]  }
0x2f: {  	lr =	sadd.s32 s0, s3;
	s0 =	sld [smem:$0x3FA8]  }
0x30: {  	s3 =	sld [smem:$0x3FAB]  }
0x31: {  	[smem:$0x3FB4] =	sst s10  }
0x32: {  	s10 =	sld [smem:$0x3FB2];
	_ =	sdelay $0x3  }
0x33: {  	p0 =	seq.s32 s10, $0x1;
	s10 =	sld [smem:$0x3FB4];
	_ =	sdelay $0x3  }
0x34: {  	[smem:$0x3FB4] =	sst s10  }
0x35: {  	s10 =	sld [smem:$0x3FB3];
	_ =	sdelay $0x3  }
0x36: {  	p1 =	seq.s32 s10, $0x1;
	s10 =	sld [smem:$0x3FB4];
	_ =	sdelay $0x3  }
0x37: {  	[smem:$0x3FB4] =	sst s10  }
0x38: {  	s10 =	sld [smem:$0x3FB5]  }
0x39: {  	_ = 	snop;
	(pc) =	sbr.ind lr, $3  }
0x3a: {  	_ = 	snop  }
0x3b: {  	_ = 	snop  }
0x3c: {  	p2 =	seq.s32 s10, $0x1;
	s10 =	sld [smem:$0x3FB4]  }
0x3d: {  	_ =	shalt  }
0x3e: {  	_ =	shalt  }
0x3f: {  	_ =	shalt  }
0x40: {  	_ =	shalt  }
0x41: {  	_ =	shalt  }
0x42: {  	_ =	shalt  }
0x43: {  	_ =	shalt  }
0x44: {  	_ =	shalt  }
0x45: {  	_ =	shalt  }
0x46: {  	_ =	shalt  }
0x47: {  	_ =	shalt  }
0x48: {  	_ =	shalt  }
0x49: {  	_ =	shalt  }
0x4a: {  	_ =	shalt  }
0x4b: {  	_ =	shalt  }
0x4c: {  	_ =	shalt  }
0x4d: {  	_ =	shalt  }
0x4e: {  	_ =	shalt  }
0x4f: {  	_ =	shalt  }
0x50: {  	_ =	shalt  }
0x51: {  	_ =	shalt  }
0x52: {  	_ =	shalt  }
0x53: {  	_ =	shalt  }
0x54: {  	_ =	shalt  }
0x55: {  	_ =	shalt  }
0x56: {  	_ =	shalt  }
0x57: {  	_ =	shalt  }
0x58: {  	_ =	shalt  }
0x59: {  	_ =	shalt  }
0x5a: {  	_ =	shalt  }
0x5b: {  	_ =	shalt  }
0x5c: {  	_ =	shalt  }
0x5d: {  	_ =	shalt  }
0x5e: {  	_ =	shalt  }
0x5f: {  	_ =	shalt  }
0x60: {  	_ =	shalt  }
0x61: {  	_ =	shalt  }
0x62: {  	_ =	shalt  }
0x63: {  	_ =	shalt  }
0x64: {  	_ =	shalt  }
0x65: {  	_ =	shalt  }
0x66: {  	_ =	shalt  }
0x67: {  	_ =	shalt  }
0x68: {  	_ =	shalt  }
0x69: {  	_ =	shalt  }
0x6a: {  	_ =	shalt  }
0x6b: {  	_ =	shalt  }
0x6c: {  	_ =	shalt  }
0x6d: {  	_ =	shalt  }
0x6e: {  	_ =	shalt  }
0x6f: {  	_ =	shalt  }
0x70: {  	_ =	shalt  }
0x71: {  	_ =	shalt  }
0x72: {  	_ =	shalt  }
0x73: {  	_ =	shalt  }
0x74: {  	_ =	shalt  }
0x75: {  	_ =	shalt  }
0x76: {  	_ =	shalt  }
0x77: {  	_ =	shalt  }
0x78: {  	_ =	shalt  }
0x79: {  	_ =	shalt  }
0x7a: {  	_ =	shalt  }
0x7b: {  	_ =	shalt  }
0x7c: {  	_ =	shalt  }
0x7d: {  	_ =	shalt  }
0x7e: {  	_ =	shalt  }
0x7f: {  	_ =	shalt  }
0x80: {  	_ =	shalt  }
0x81: {  	_ =	shalt  }
0x82: {  	_ =	shalt  }
0x83: {  	_ =	shalt  }
0x84: {  	_ =	shalt  }
0x85: {  	_ =	shalt  }
0x86: {  	_ =	shalt  }
0x87: {  	_ =	shalt  }
.Lfunc_end0:
.L_simem_size_0:
called_computation.2_lowered:
.L_overlay_start_0:
0x88: {  	s2 =	sld [smem:$0x3FD9]  }
0x89: {  	s3 =	sld [smem:$0x3FFE];
	_ =	sdelay $0x1  }
0x8a: {  	s1 =	srdreg.scid  }
0x8b: {  	s0 =	sand.u32 $0x1, s1  }
0x8c: {  	s17 =	sshll.u32 s0, $0xA;
	s2 =	sadd.s32 s3, s2  }
0x8d: {  	s2 =	sadd.s32 s2, s17  }
0x8e: {  	[smem:$0x3FC0] =	sst s2  }
0x8f: {  	_ = 	snop  }
0x90: {  	s2 =	sld [smem:$0x3FD0];
	(tm) =	ssettm $0x1  }
0x91: {  	s18 =	sld [smem:$0x3FFB];
	_ =	sdelay $0x3  }
0x92: {  	_ =	strace s18  }
0x93: {  	s3 =	sld [smem:$0x3FFC];
	_ =	sdelay $0x3  }
0x94: {  	_ =	strace s3  }
0x95: {  	s3 =	sld [smem:$0x3FFD];
	_ =	sdelay $0x3  }
0x96: {  	_ =	strace s3  }
0x97: {  	_ =	strace $0x8FFFFFFF  }
0x98: {  	s19 =	sld [smem:$0x3FDB];
	_ =	sdelay $0x1  }
0x99: {  	s4 =	simm.s32 $_scs_section_size  }
0x9a: {  	s5 =	simm.s32 $_size__tile_overlayer_lowered;
	s6 =	simm.s32 $_tile_overlayer_lowered  }
0x9b: {  	s22 =	simm.s32 $0x1BFF;
	s21 =	sshll.u32 s6, $0x1;
	s3 =	sadd.s32 s4, s19  }
0x9c: {  	s7 =	simm.s32 $0x0;
	s20 =	sshll.u32 s5, $0x1;
	s5 =	sadd.s32 s21, s3  }
0x9d: {  	[timem:s7], [sflag:s22] =	dma.local [hbm:s5], s20  }
0x9e: {  	_ =	swait.ge [sflag:s22], s20  }
0x9f: {  	s4 =	ssub.s32 $0x0, s20;
	[sflag:s22] =	ssyncset.done $0x0  }
0xa0: {  	[sflag:s22] =	ssyncadd.s32 s4;
	_ =	sdelay $0x1  }
0xa1: {  	s23 =	simm.s32 $0x1B8B  }
0xa2: {  	_ =	swait.ge [sflag:s23], $0x1  }
0xa3: {  	[sflag:s23] =	ssyncset.done $0x0  }
0xa4: {  	s25 =	simm.s32 $0x1B8E;
	s24 =	sld [smem:$0x3FFE];
	[sflag:s23] =	ssyncadd.s32 $0xFFFFFFFF  }
0xa5: {  	s26 =	simm.s32 $execute0_lowered;
	[smem:$0x3FD2] =	sst s25  }
0xa6: {  	s5 =	sshll.u32 s26, $0x1;
	_ =	strace $0x8000004C;
	[dreg:$0x1] =	wrdreg $0xFFFFFFFF  }
0xa7: {  	s28 =	simm.s32 $_size_execute0_lowered;
	s3 =	sadd.s32 s3, s5;
	[dreg:$0x0] =	wrdreg $0x0  }
0xa8: {  	s5 =	sshll.u32 s28, $0x1;
	[dreg:$0x2] =	wrdreg s3  }
0xa9: {  	[dreg:$0x3] =	wrdreg s5  }
0xaa: {  	[dreg:$0x4] =	wrdreg $0xC0  }
0xab: {  	_ =	task [dreg:s7], $0x5FFFF  }
0xac: {  	[dreg:$0x1] =	wrdreg $0xFFFFFFFF  }
0xad: {  	[dreg:$0x0] =	wrdreg $0x60  }
0xae: {  	[dreg:$0x2] =	wrdreg s2  }
0xaf: {  	[dreg:$0x3] =	wrdreg s24  }
0xb0: {  	[dreg:$0x4] =	wrdreg $0x0  }
0xb1: {  	[dreg:$0x5] =	wrdreg $0x9  }
0xb2: {  	_ =	task.clear_ibuf [dreg:s7], $0x6FFFF;
	_ =	strace $0x9000004C  }
0xb3: {  	s29 =	simm.s32 $0x9;
	_ =	strace $0x8000004E  }
0xb4: {  	_ =	swait.ge [sflag:s29], $0x1  }
0xb5: {  	[sflag:s29] =	ssyncadd.s32 $0xFFFFFFFF  }
0xb6: {  	_ =	strace $0x9000004E  }
0xb7: {  	_ =	sfence  }
0xb8: {  	s30 =	sld [smem:$0x0];
	_ =	sdelay $0x2  }
0xb9: {  	s31 =	sshll.u32 s1, $0xD;
	s1 =	sshrl.u32 s1, $0x2  }
0xba: {  	s3 =	sand.u32 $0x4000, s31;
	s1 =	sadd.s32 s1, s30  }
0xbb: {  	s0 =	sor.u32 s3, s0;
	s1 =	sshll.u32 s1, $0x11  }
0xbc: {  	s0 =	sor.u32 s1, s0  }
0xbd: {  	s0 =	sadd.s32 $0x8F2B, s0  }
0xbe: {  	[sflag:s0] =	ssyncadd.remote.s32 $0x1  }
0xbf: {  	_ =	sfence.sel $0xFFFF  }
0xc0: {  	[dreg:$0x0] =	wrdreg $0xFFFFFFFF;
	(pc) =	sbr.abs _section_cstart, $3  }
0xc1: {  	[dreg:$0x1] =	wrdreg $0xFFFFFFFF  }
0xc2: {  	_ =	task.clear_ibuf [dreg:s7], $0x2FFFF;
	_ =	strace $0x9FFFFFFF  }
0xc3: {  	(tm) =	ssettm $0x7FFFFFFF  }
tec
execute0_lowered:
.L_overlay_start_1:
0x0: {  	(tag) =	ssettag $0x1  }
0x1: {  	s0 =	rddreg [dreg:$0x1]  }
0x2: {  	s1 =	rddreg [dreg:$0x2]  }
0x3: {  	s4 =	simm.s32 $0x0;
	s20 =	stileid.u32;
	s5 =	srdreg.scid  }
0x4: {  	[smem:$0x7FF] =	sst s4;
	s2 =	smul.u32 $0x14000, s20  }
0x5: {  	s11 =	sand.u32 $0x1, s5;
	s21 =	sadd.s32 $0xBA00, s0;
	s3 =	sadd.s32 $0x1C00, s0  }
0x6: {  	s14 =	sadd.s32 $0x3D800, s0;
	_ =	strace $0x8000004D;
	s15 =	smul.u32 $0x140000, s11  }
0x7: {  	s6 =	ssub.s32 $0x2, s11;
	s16 =	smul.u32 $0x27100, s11;
	s11 =	sshll.u32 s11, $0x4  }
0x8: {  	s17 =	sshrl.u32 s2, $0x3;
	s7 =	sshrl.u32 s6, $0x1;
	s12 =	sadd.s32 $0x7800, s2  }
0x9: {  	s8 =	sadd.s32 $0xA000, s2;
	s13 =	sadd.s32 $0xC800, s2;
	s9 =	sadd.s32 $0xF000, s2  }
0xa: {  	s10 =	sadd.s32 $0x11800, s2;
	s11 =	sor.u32 s20, s11;
	s5 =	sadd.s32 s17, s0  }
0xb: {  	s0 =	ssub.s32 s6, s7;
	s6 =	sor.u32 $0x2800, s2;
	s17 =	smul.u32 $0x2710, s20  }
0xc: {  	s7 =	sadd.s32 $0x5000, s2;
	s18 =	sadd.s32 s2, s15;
	s11 =	smul.u32 $0x2710, s11  }
0xd: {  	s31 =	sadd.s32 s8, s1;
	s30 =	sadd.s32 s13, s1;
	s19 =	sadd.s32 s15, s6  }
0xe: {  	s18 =	sshrl.u32 s18, $0x3;
	s5 =	sadd.s32 $0x15800, s5;
	[smem:$0x7FA] =	sst s31  }
0xf: {  	s0 =	smax.u32 s0, $0x1;
	[smem:$0x7FB] =	sst s30;
	s2 =	sadd.s32 s17, s16  }
0x10: {  	s19 =	sshrl.u32 s19, $0x3;
	s16 =	sadd.s32 s14, s18;
	[dreg:$0x1b] =	wrdreg s5  }
0x11: {  	s17 =	sadd.s32 s15, s7;
	[smem:$0x7F8] =	sst s0;
	s22 =	sadd.s32 $0x4B0, s2  }
0x12: {  	[dreg:$0x13] =	wrdreg s16;
	s23 =	sadd.s32 s14, s19;
	s17 =	sshrl.u32 s17, $0x3  }
0x13: {  	[dreg:$0x14] =	wrdreg s23;
	s24 =	sshrl.u32 s22, $0x3;
	s17 =	sadd.s32 s14, s17  }
0x14: {  	s25 =	sadd.s32 $0x460, s2;
	s18 =	sadd.s32 s24, s3;
	[dreg:$0x15] =	wrdreg s17  }
0x15: {  	s26 =	sshrl.u32 s25, $0x3;
	s16 =	sadd.s32 s24, s21;
	[dreg:$0x4] =	wrdreg s18  }
0x16: {  	s22 =	sadd.s32 $0x410, s2;
	s19 =	sadd.s32 s26, s3;
	[dreg:$0x5] =	wrdreg s16  }
0x17: {  	s23 =	sadd.s32 s26, s21;
	s24 =	sshrl.u32 s22, $0x3;
	[dreg:$0x6] =	wrdreg s19  }
0x18: {  	s26 =	sadd.s32 $0x3C0, s2;
	[dreg:$0x7] =	wrdreg s23;
	s25 =	sadd.s32 s24, s3  }
0x19: {  	s18 =	sadd.s32 s24, s21;
	s19 =	sshrl.u32 s26, $0x3;
	[dreg:$0x8] =	wrdreg s25  }
0x1a: {  	s5 =	sshrl.u32 s11, $0x3;
	[dreg:$0x9] =	wrdreg s18;
	s22 =	sadd.s32 s19, s3  }
0x1b: {  	s23 =	sadd.s32 $0x370, s2;
	s24 =	sadd.s32 s19, s21;
	[dreg:$0xa] =	wrdreg s22  }
0x1c: {  	s25 =	sshrl.u32 s23, $0x3;
	s19 =	sadd.s32 $0x320, s2;
	[dreg:$0xb] =	wrdreg s24  }
0x1d: {  	s26 =	sadd.s32 s25, s3;
	s22 =	sadd.s32 s15, s12;
	s18 =	sadd.s32 s25, s21  }
0x1e: {  	s16 =	sshrl.u32 s19, $0x3;
	s24 =	sadd.s32 s15, s8;
	s25 =	sadd.s32 s15, s13  }
0x1f: {  	s19 =	sadd.s32 s7, s1;
	s12 =	sadd.s32 s12, s1;
	[dreg:$0xc] =	wrdreg s26  }
0x20: {  	s7 =	sadd.s32 s9, s1;
	s17 =	sshrl.u32 s22, $0x3;
	[dreg:$0xd] =	wrdreg s18  }
0x21: {  	s23 =	sadd.s32 s16, s3;
	s26 =	sadd.s32 s15, s9;
	[dreg:$0x1f] =	wrdreg s12  }
0x22: {  	s18 =	sshrl.u32 s25, $0x3;
	s15 =	sadd.s32 s15, s10;
	[smem:$0x7FC] =	sst s7  }
0x23: {  	s16 =	sadd.s32 s16, s21;
	s10 =	sadd.s32 s10, s1;
	[dreg:$0xe] =	wrdreg s23  }
0x24: {  	s17 =	sadd.s32 s14, s17;
	s22 =	sshrl.u32 s26, $0x3;
	[dreg:$0xf] =	wrdreg s16  }
0x25: {  	s15 =	sshrl.u32 s15, $0x3;
	s26 =	smul.u32 $0x50000, s20;
	[smem:$0x7FD] =	sst s10  }
0x26: {  	s20 =	sadd.s32 $0xA, s5;
	[dreg:$0x16] =	wrdreg s17;
	s23 =	sadd.s32 s14, s22  }
0x27: {  	s17 =	sshrl.u32 s24, $0x3;
	s22 =	sadd.s32 s21, s20;
	[dreg:$0x19] =	wrdreg s23  }
0x28: {  	s24 =	sadd.s32 $0x2D0, s2;
	s17 =	sadd.s32 s14, s17;
	[smem:$0x7E8] =	sst s22  }
0x29: {  	s25 =	sshrl.u32 s24, $0x3;
	[dreg:$0x17] =	wrdreg s17;
	s17 =	sadd.s32 s14, s18  }
0x2a: {  	s24 =	sadd.s32 $0x1E, s5;
	s14 =	sadd.s32 s14, s15;
	[dreg:$0x18] =	wrdreg s17  }
0x2b: {  	s18 =	sshrl.u32 s26, $0x2;
	s26 =	sadd.s32 s21, s24;
	[dreg:$0x1a] =	wrdreg s14  }
0x2c: {  	s17 =	sadd.s32 s25, s3;
	[smem:$0x7EC] =	sst s26  }
0x2d: {  	s23 =	sadd.s32 $0x14, s5;
	s14 =	sadd.s32 s25, s21;
	[dreg:$0x10] =	wrdreg s17  }
0x2e: {  	s15 =	sadd.s32 $0x32, s5;
	s25 =	sadd.s32 s21, s23;
	[dreg:$0x11] =	wrdreg s14  }
0x2f: {  	s16 =	sadd.s32 s18, s1;
	s18 =	sadd.s32 s21, s15;
	[smem:$0x7EA] =	sst s25  }
0x30: {  	s26 =	sadd.s32 $0x280, s2;
	[smem:$0x7F0] =	sst s18  }
0x31: {  	s13 =	sadd.s32 $0x28, s5;
	[smem:$0x7F9] =	sst s26  }
0x32: {  	s17 =	sadd.s32 s21, s13;
	[dreg:$0x1c] =	wrdreg s16  }
0x33: {  	s14 =	sadd.s32 s6, s1;
	[smem:$0x7EE] =	sst s17  }
0x34: {  	s1 =	smov.u32 s3;
	s3 =	smov.u32 s19;
	[dreg:$0x1d] =	wrdreg s14  }
0x35: {  	s29 =	simm.s32 $0x50;
	[dreg:$0x1e] =	wrdreg s3  }
0x36: {  	s28 =	simm.s32 $0x8;
	s6 =	sadd.s32 s1, s20;
	[dreg:$0x12] =	wrdreg s1  }
0x37: {  	s0 =	simm.s32 $0x0;
	s11 =	sadd.s32 s1, s24;
	[smem:$0x7E9] =	sst s6  }
0x38: {  	s9 =	smov.u32 s21;
	s19 =	sadd.s32 s1, s15;
	[smem:$0x7ED] =	sst s11  }
0x39: {  	s22 =	sadd.s32 $0x3C, s5;
	s20 =	sadd.s32 s21, s5;
	[smem:$0x7F1] =	sst s19  }
0x3a: {  	s18 =	simm.s32 $0x14100;
	s24 =	sadd.s32 s21, s22;
	[smem:$0x7F2] =	sst s20  }
0x3b: {  	s15 =	simm.s32 $0x6;
	s6 =	sadd.s32 s1, s23;
	[smem:$0x7F4] =	sst s24  }
0x3c: {  	s23 =	sadd.s32 s1, s5;
	s5 =	sadd.s32 $0x46, s5;
	[smem:$0x7EB] =	sst s6  }
0x3d: {  	s20 =	simm.s32 $0x14180;
	s6 =	sadd.s32 s1, s13;
	[smem:$0x7F3] =	sst s23  }
0x3e: {  	s24 =	simm.s32 $0x14680;
	s25 =	sadd.s32 s21, s5;
	[smem:$0x7EF] =	sst s6  }
0x3f: {  	s5 =	sadd.s32 s1, s5;
	s23 =	simm.s32 $0x14280;
	[smem:$0x7F6] =	sst s25  }
0x40: {  	s6 =	sadd.s32 s1, s22;
	[smem:$0x7F7] =	sst s5;
	s25 =	simm.s32 $0x9  }
0x41: {  	s22 =	simm.s32 $0x5;
	[smem:$0x7F5] =	sst s6;
	s6 =	simm.s32 $0x7  }
.LBB2_1:
0x42: {  	[smem:$0x7E7] =	sst s0  }
0x43: {  	s2 =	rddreg [dreg:$0x1b];
	s19 =	simm.s32 $0x14800  }
0x44: {  	[tilespmem:s19], [sflag:$0x9] =	stream.linear.gather [hbm4b:s2+s4], $0x2800, $0x38;
	[tilespmem:$0x1E800] =	vst v63  }
0x45: {  	_ =	swait.ge [sflag:s25], $0x2800  }
0x46: {  	[sflag:s25] =	ssyncset.done $0x0  }
0x47: {  	[sflag:s25] =	ssyncadd.s32 $0xFFFFD800  }
0x48: {  	[spmem:s16] =	stream.linear.scatter [tilespmem:s19], [sflag:$0x9], $0x2800, $0x38;
	[tilespmem:$0x1E800] =	vst v63  }
0x49: {  	_ =	swait.ge [sflag:s25], $0x2800  }
0x4a: {  	[sflag:s25] =	ssyncset.done $0x0  }
0x4b: {  	[sflag:s25] =	ssyncadd.s32 $0xFFFFD800  }
0x4c: {  	[spmem:s14] =	stream.linear.scatter [tilespmem:s19], [sflag:$0x9], $0x2800, $0x38;
	[tilespmem:$0x1E800] =	vst v63  }
0x4d: {  	_ =	swait.ge [sflag:s25], $0x2800  }
0x4e: {  	[sflag:s25] =	ssyncset.done $0x0  }
0x4f: {  	[sflag:s25] =	ssyncadd.s32 $0xFFFFD800  }
0x50: {  	[spmem:s3] =	stream.linear.scatter [tilespmem:s19], [sflag:$0x9], $0x2800, $0x38;
	[tilespmem:$0x1E800] =	vst v63  }
0x51: {  	_ =	swait.ge [sflag:s25], $0x2800  }
0x52: {  	[sflag:s25] =	ssyncset.done $0x0  }
0x53: {  	[sflag:s25] =	ssyncadd.s32 $0xFFFFD800  }
0x54: {  	[spmem:s12] =	stream.linear.scatter [tilespmem:s19], [sflag:$0x9], $0x2800, $0x38;
	[tilespmem:$0x1E800] =	vst v63  }
0x55: {  	_ =	swait.ge [sflag:s25], $0x2800  }
0x56: {  	[sflag:s25] =	ssyncset.done $0x0  }
0x57: {  	[sflag:s25] =	ssyncadd.s32 $0xFFFFD800  }
0x58: {  	[spmem:s31] =	stream.linear.scatter [tilespmem:s19], [sflag:$0x9], $0x2800, $0x38;
	[tilespmem:$0x1E800] =	vst v63  }
0x59: {  	_ =	swait.ge [sflag:s25], $0x2800  }
0x5a: {  	[sflag:s25] =	ssyncset.done $0x0  }
0x5b: {  	[sflag:s25] =	ssyncadd.s32 $0xFFFFD800  }
0x5c: {  	[spmem:s30] =	stream.linear.scatter [tilespmem:s19], [sflag:$0x9], $0x2800, $0x38;
	[tilespmem:$0x1E800] =	vst v63  }
0x5d: {  	_ =	swait.ge [sflag:s25], $0x2800  }
0x5e: {  	[sflag:s25] =	ssyncset.done $0x0  }
0x5f: {  	[sflag:s25] =	ssyncadd.s32 $0xFFFFD800  }
0x60: {  	[spmem:s7] =	stream.linear.scatter [tilespmem:s19], [sflag:$0x9], $0x2800, $0x38;
	[tilespmem:$0x1E800] =	vst v63  }
0x61: {  	_ =	swait.ge [sflag:s25], $0x2800  }
0x62: {  	[sflag:s25] =	ssyncset.done $0x0  }
0x63: {  	[sflag:s25] =	ssyncadd.s32 $0xFFFFD800  }
0x64: {  	[spmem:s10] =	stream.linear.scatter [tilespmem:s19], [sflag:$0x9], $0x2800, $0x38;
	[tilespmem:$0x1E800] =	vst v63  }
0x65: {  	_ =	swait.ge [sflag:s25], $0x2800  }
0x66: {  	[sflag:s25] =	ssyncset.done $0x0  }
0x67: {  	[sflag:s25] =	ssyncadd.s32 $0xFFFFD800  }
0x68: {  	[bflag:$0x0] =	sbarrier.arrive $0xFFFF  }
0x69: {  	s21 =	sld [smem:$0x7F2];
	_ =	sdelay $0x1  }
0x6a: {  	s5 =	simm.s32 $0x14000  }
0x6b: {  	[tilespmem:s5], [sflag:$0x9] =	stream.linear.gather [hbm4b:s21+s4], $0x50, $0x38;
	[tilespmem:$0x1E800] =	vst v63  }
0x6c: {  	_ =	swait.ge [sflag:s25], $0x50  }
0x6d: {  	s26 =	sld [smem:$0x7F3]  }
0x6e: {  	[sflag:s25] =	ssyncset.done $0x0  }
0x6f: {  	s10 =	simm.s32 $0x14400;
	[sflag:s25] =	ssyncadd.s32 $0xFFFFFFB0  }
0x70: {  	[tilespmem:s10], [sflag:$0x9] =	stream.linear.gather [hbm4b:s26+s4], $0x50, $0x38;
	[tilespmem:$0x1E800] =	vst v63  }
0x71: {  	_ =	swait.ge [sflag:s25], $0x50  }
0x72: {  	[sflag:s25] =	ssyncset.done $0x0  }
0x73: {  	s0 =	sld [smem:$0x7E8];
	[sflag:s25] =	ssyncadd.s32 $0xFFFFFFB0  }
0x74: {  	s3 =	rddreg [dreg:$0x0]  }
0x75: {  	[tilespmem:s19], [sflag:$0x1] =	stream.indirect.gather [hbm4b:s3+s29], $0x80, s5, s29, $0xb8;
	[tilespmem:$0x1E800] =	vst v63  }
0x76: {  	s16 =	simm.s32 $0x14080  }
0x77: {  	[tilespmem:s16], [sflag:$0x9] =	stream.linear.gather [hbm4b:s0+s4], $0x50, $0x38;
	[tilespmem:$0x1E800] =	vst v63  }
0x78: {  	_ =	swait.ge [sflag:s25], $0x50  }
0x79: {  	s7 =	sld [smem:$0x7E9]  }
0x7a: {  	[sflag:s25] =	ssyncset.done $0x0  }
0x7b: {  	s12 =	simm.s32 $0x14480;
	[sflag:s25] =	ssyncadd.s32 $0xFFFFFFB0  }
0x7c: {  	[tilespmem:s12], [sflag:$0x9] =	stream.linear.gather [hbm4b:s7+s4], $0x50, $0x38;
	[tilespmem:$0x1E800] =	vst v63  }
0x7d: {  	_ =	swait.ge [sflag:s25], $0x50  }
0x7e: {  	[sflag:s25] =	ssyncset.done $0x0  }
0x7f: {  	s0 =	simm.s32 $0x17000;
	s8 =	sld [smem:$0x7EA];
	[sflag:s25] =	ssyncadd.s32 $0xFFFFFFB0  }
0x80: {  	[tilespmem:s0], [sflag:$0x2] =	stream.indirect.gather [hbm4b:s3+s29], $0x80, s16, s29, $0xb8;
	[tilespmem:$0x1E800] =	vst v63  }
0x81: {  	_ = 	snop  }
0x82: {  	[tilespmem:s18], [sflag:$0x9] =	stream.linear.gather [hbm4b:s8+s4], $0x50, $0x38;
	[tilespmem:$0x1E800] =	vst v63  }
0x83: {  	_ =	swait.ge [sflag:s25], $0x50  }
0x84: {  	s11 =	sld [smem:$0x7EB]  }
0x85: {  	[sflag:s25] =	ssyncset.done $0x0  }
0x86: {  	s14 =	simm.s32 $0x14500;
	[sflag:s25] =	ssyncadd.s32 $0xFFFFFFB0  }
0x87: {  	[tilespmem:s14], [sflag:$0x9] =	stream.linear.gather [hbm4b:s11+s4], $0x50, $0x38;
	[tilespmem:$0x1E800] =	vst v63  }
0x88: {  	_ =	swait.ge [sflag:s25], $0x50  }
0x89: {  	[sflag:s25] =	ssyncset.done $0x0  }
0x8a: {  	s8 =	simm.s32 $0x19800;
	s13 =	sld [smem:$0x7EC];
	[sflag:s25] =	ssyncadd.s32 $0xFFFFFFB0  }
0x8b: {  	[tilespmem:s8], [sflag:$0x3] =	stream.indirect.gather [hbm4b:s3+s29], $0x80, s18, s29, $0xb8;
	[tilespmem:$0x1E800] =	vst v63  }
0x8c: {  	_ = 	snop  }
0x8d: {  	[tilespmem:s20], [sflag:$0x9] =	stream.linear.gather [hbm4b:s13+s4], $0x50, $0x38;
	[tilespmem:$0x1E800] =	vst v63  }
0x8e: {  	_ =	swait.ge [sflag:s25], $0x50  }
0x8f: {  	s17 =	sld [smem:$0x7ED]  }
0x90: {  	[sflag:s25] =	ssyncset.done $0x0  }
0x91: {  	s13 =	simm.s32 $0x14580;
	[sflag:s25] =	ssyncadd.s32 $0xFFFFFFB0  }
0x92: {  	[tilespmem:s13], [sflag:$0x9] =	stream.linear.gather [hbm4b:s17+s4], $0x50, $0x38;
	[tilespmem:$0x1E800] =	vst v63  }
0x93: {  	_ =	swait.ge [sflag:s25], $0x50  }
0x94: {  	[sflag:s25] =	ssyncset.done $0x0  }
0x95: {  	s11 =	simm.s32 $0x1C000;
	s21 =	sld [smem:$0x7EE];
	[sflag:s25] =	ssyncadd.s32 $0xFFFFFFB0  }
0x96: {  	[tilespmem:s11], [sflag:$0x4] =	stream.indirect.gather [hbm4b:s3+s29], $0x80, s20, s29, $0xb8;
	[tilespmem:$0x1E800] =	vst v63  }
0x97: {  	s17 =	simm.s32 $0x14200;
	s26 =	sld [smem:$0x7EF]  }
0x98: {  	[tilespmem:s17], [sflag:$0x5] =	stream.linear.gather [hbm4b:s21+s4], $0x50, $0x38;
	[tilespmem:$0x1E800] =	vst v63  }
0x99: {  	s7 =	sld [smem:$0x7F0];
	s21 =	simm.s32 $0x14600  }
0x9a: {  	[tilespmem:s21], [sflag:$0x5] =	stream.linear.gather [hbm4b:s26+s4], $0x50, $0x38;
	[tilespmem:$0x1E800] =	vst v63  }
0x9b: {  	s26 =	sld [smem:$0x7F1]  }
0x9c: {  	[tilespmem:s23], [sflag:$0x6] =	stream.linear.gather [hbm4b:s7+s4], $0x50, $0x38;
	[tilespmem:$0x1E800] =	vst v63  }
0x9d: {  	s7 =	sld [smem:$0x7F4]  }
0x9e: {  	[tilespmem:s24], [sflag:$0x6] =	stream.linear.gather [hbm4b:s26+s4], $0x50, $0x38;
	[tilespmem:$0x1E800] =	vst v63  }
0x9f: {  	s26 =	simm.s32 $0x14300  }
0xa0: {  	[tilespmem:s26], [sflag:$0x7] =	stream.linear.gather [hbm4b:s7+s4], $0x50, $0x38;
	[tilespmem:$0x1E800] =	vst v63  }
0xa1: {  	s7 =	sld [smem:$0x7F5];
	_ =	sdelay $0x1  }
0xa2: {  	s26 =	simm.s32 $0x14700  }
0xa3: {  	[tilespmem:s26], [sflag:$0x7] =	stream.linear.gather [hbm4b:s7+s4], $0x50, $0x38;
	[tilespmem:$0x1E800] =	vst v63  }
0xa4: {  	s7 =	sld [smem:$0x7F6];
	_ =	sdelay $0x1  }
0xa5: {  	s26 =	simm.s32 $0x14380  }
0xa6: {  	[tilespmem:s26], [sflag:$0x8] =	stream.linear.gather [hbm4b:s7+s4], $0x50, $0x38;
	[tilespmem:$0x1E800] =	vst v63  }
0xa7: {  	s7 =	sld [smem:$0x7F7];
	_ =	sdelay $0x1  }
0xa8: {  	s26 =	simm.s32 $0x14780  }
0xa9: {  	[tilespmem:s26], [sflag:$0x8] =	stream.linear.gather [hbm4b:s7+s4], $0x50, $0x38;
	[tilespmem:$0x1E800] =	vst v63  }
0xaa: {  	s26 =	simm.s32 $0x1  }
0xab: {  	_ =	swait.ge [sflag:s26], $0x2800  }
0xac: {  	[sflag:s26] =	ssyncset.done $0x0  }
0xad: {  	[sflag:s26] =	ssyncadd.s32 $0xFFFFD800  }
0xae: {  	s31 =	rddreg [dreg:$0x2]  }
0xaf: {  	[spmem:s31] =	stream.indirect.scatter.add.f32 [tilespmem:s19], [sflag:$0x9], $0x80, s10, s29, $0xb8;
	[tilespmem:$0x1E800] =	vst v63  }
0xb0: {  	_ =	swait.ge [sflag:s25], $0x2800  }
0xb1: {  	[sflag:s25] =	ssyncset.done $0x0  }
0xb2: {  	[sflag:s25] =	ssyncadd.s32 $0xFFFFD800  }
0xb3: {  	_ =	swait.ge [sflag:s22], $0x50  }
0xb4: {  	[sflag:s22] =	ssyncset.done $0x0  }
0xb5: {  	[sflag:s22] =	ssyncadd.s32 $0xFFFFFFB0  }
0xb6: {  	_ =	swait.ge [sflag:s22], $0x50  }
0xb7: {  	[sflag:s22] =	ssyncset.done $0x0;
	s7 =	sld [smem:$0x7F9]  }
0xb8: {  	[sflag:s22] =	ssyncadd.s32 $0xFFFFFFB0  }
0xb9: {  	[tilespmem:s19], [sflag:$0x1] =	stream.indirect.gather [hbm4b:s3+s29], $0x80, s17, s29, $0xb8;
	[tilespmem:$0x1E800] =	vst v63  }
0xba: {  	s2 =	sshrl.u32 s7, $0x3  }
0xbb: {  	s30 =	sadd.s32 s9, s2  }
0xbc: {  	[tilespmem:s5], [sflag:$0x5] =	stream.linear.gather [hbm4b:s30+s4], $0x50, $0x38;
	[tilespmem:$0x1E800] =	vst v63  }
0xbd: {  	s2 =	sadd.s32 s1, s2;
	s1 =	simm.s32 $0x2  }
0xbe: {  	[tilespmem:s10], [sflag:$0x5] =	stream.linear.gather [hbm4b:s2+s4], $0x50, $0x38;
	[tilespmem:$0x1E800] =	vst v63  }
0xbf: {  	_ =	swait.ge [sflag:s1], $0x2800  }
0xc0: {  	[sflag:s1] =	ssyncset.done $0x0  }
0xc1: {  	[sflag:s1] =	ssyncadd.s32 $0xFFFFD800  }
0xc2: {  	[spmem:s31] =	stream.indirect.scatter.add.f32 [tilespmem:s0], [sflag:$0x9], $0x80, s12, s29, $0xb8;
	[tilespmem:$0x1E800] =	vst v63  }
0xc3: {  	_ =	swait.ge [sflag:s25], $0x2800  }
0xc4: {  	[sflag:s25] =	ssyncset.done $0x0  }
0xc5: {  	[sflag:s25] =	ssyncadd.s32 $0xFFFFD800  }
0xc6: {  	_ =	swait.ge [sflag:s15], $0x50  }
0xc7: {  	[sflag:s15] =	ssyncset.done $0x0  }
0xc8: {  	[sflag:s15] =	ssyncadd.s32 $0xFFFFFFB0  }
0xc9: {  	_ =	swait.ge [sflag:s15], $0x50  }
0xca: {  	[sflag:s15] =	ssyncset.done $0x0  }
0xcb: {  	s10 =	rddreg [dreg:$0x11];
	[sflag:s15] =	ssyncadd.s32 $0xFFFFFFB0  }
0xcc: {  	[tilespmem:s0], [sflag:$0x2] =	stream.indirect.gather [hbm4b:s3+s29], $0x80, s23, s29, $0xb8;
	[tilespmem:$0x1E800] =	vst v63  }
0xcd: {  	s30 =	rddreg [dreg:$0x10];
	s2 =	sadd.s32 $0x0, s10  }
0xce: {  	[tilespmem:s16], [sflag:$0x6] =	stream.linear.gather [hbm4b:s2+s4], $0x50, $0x38;
	[tilespmem:$0x1E800] =	vst v63  }
0xcf: {  	s10 =	sadd.s32 $0x0, s30  }
0xd0: {  	[tilespmem:s12], [sflag:$0x6] =	stream.linear.gather [hbm4b:s10+s4], $0x50, $0x38;
	[tilespmem:$0x1E800] =	vst v63  }
0xd1: {  	s10 =	simm.s32 $0x3  }
0xd2: {  	_ =	swait.ge [sflag:s10], $0x2800  }
0xd3: {  	[sflag:s10] =	ssyncset.done $0x0  }
0xd4: {  	[sflag:s10] =	ssyncadd.s32 $0xFFFFD800  }
0xd5: {  	[spmem:s31] =	stream.indirect.scatter.add.f32 [tilespmem:s8], [sflag:$0x9], $0x80, s14, s29, $0xb8;
	[tilespmem:$0x1E800] =	vst v63  }
0xd6: {  	_ =	swait.ge [sflag:s25], $0x2800  }
0xd7: {  	[sflag:s25] =	ssyncset.done $0x0  }
0xd8: {  	[sflag:s25] =	ssyncadd.s32 $0xFFFFD800  }
0xd9: {  	_ =	swait.ge [sflag:s6], $0x50  }
0xda: {  	[sflag:s6] =	ssyncset.done $0x0  }
0xdb: {  	[sflag:s6] =	ssyncadd.s32 $0xFFFFFFB0  }
0xdc: {  	_ =	swait.ge [sflag:s6], $0x50  }
0xdd: {  	[sflag:s6] =	ssyncset.done $0x0  }
0xde: {  	s12 =	simm.s32 $0x14300;
	s2 =	rddreg [dreg:$0xf];
	[sflag:s6] =	ssyncadd.s32 $0xFFFFFFB0  }
0xdf: {  	[tilespmem:s8], [sflag:$0x3] =	stream.indirect.gather [hbm4b:s3+s29], $0x80, s12, s29, $0xb8;
	[tilespmem:$0x1E800] =	vst v63  }
0xe0: {  	s30 =	rddreg [dreg:$0xe];
	s2 =	sadd.s32 $0x0, s2  }
0xe1: {  	[tilespmem:s18], [sflag:$0x7] =	stream.linear.gather [hbm4b:s2+s4], $0x50, $0x38;
	[tilespmem:$0x1E800] =	vst v63  }
0xe2: {  	s12 =	sadd.s32 $0x0, s30  }
0xe3: {  	[tilespmem:s14], [sflag:$0x7] =	stream.linear.gather [hbm4b:s12+s4], $0x50, $0x38;
	[tilespmem:$0x1E800] =	vst v63  }
0xe4: {  	s12 =	simm.s32 $0x4  }
0xe5: {  	_ =	swait.ge [sflag:s12], $0x2800  }
0xe6: {  	[sflag:s12] =	ssyncset.done $0x0  }
0xe7: {  	[sflag:s12] =	ssyncadd.s32 $0xFFFFD800  }
0xe8: {  	[spmem:s31] =	stream.indirect.scatter.add.f32 [tilespmem:s11], [sflag:$0x9], $0x80, s13, s29, $0xb8;
	[tilespmem:$0x1E800] =	vst v63  }
0xe9: {  	_ =	swait.ge [sflag:s25], $0x2800  }
0xea: {  	[sflag:s25] =	ssyncset.done $0x0  }
0xeb: {  	[sflag:s25] =	ssyncadd.s32 $0xFFFFD800  }
0xec: {  	_ =	swait.ge [sflag:s28], $0x50  }
0xed: {  	[sflag:s28] =	ssyncset.done $0x0  }
0xee: {  	[sflag:s28] =	ssyncadd.s32 $0xFFFFFFB0  }
0xef: {  	_ =	swait.ge [sflag:s28], $0x50  }
0xf0: {  	[sflag:s28] =	ssyncset.done $0x0  }
0xf1: {  	s14 =	simm.s32 $0x14380;
	s2 =	rddreg [dreg:$0xd];
	[sflag:s28] =	ssyncadd.s32 $0xFFFFFFB0  }
0xf2: {  	[tilespmem:s11], [sflag:$0x4] =	stream.indirect.gather [hbm4b:s3+s29], $0x80, s14, s29, $0xb8;
	[tilespmem:$0x1E800] =	vst v63  }
0xf3: {  	s30 =	rddreg [dreg:$0xc];
	s2 =	sadd.s32 $0x0, s2  }
0xf4: {  	[tilespmem:s20], [sflag:$0x8] =	stream.linear.gather [hbm4b:s2+s4], $0x50, $0x38;
	[tilespmem:$0x1E800] =	vst v63  }
0xf5: {  	s2 =	sadd.s32 $0x0, s30  }
0xf6: {  	[tilespmem:s13], [sflag:$0x8] =	stream.linear.gather [hbm4b:s2+s4], $0x50, $0x38;
	[tilespmem:$0x1E800] =	vst v63  }
0xf7: {  	_ =	swait.ge [sflag:s26], $0x2800  }
0xf8: {  	[sflag:s26] =	ssyncset.done $0x0  }
0xf9: {  	[sflag:s26] =	ssyncadd.s32 $0xFFFFD800  }
0xfa: {  	[spmem:s31] =	stream.indirect.scatter.add.f32 [tilespmem:s19], [sflag:$0x9], $0x80, s21, s29, $0xb8;
	[tilespmem:$0x1E800] =	vst v63  }
0xfb: {  	_ =	swait.ge [sflag:s25], $0x2800  }
0xfc: {  	[sflag:s25] =	ssyncset.done $0x0  }
0xfd: {  	[sflag:s25] =	ssyncadd.s32 $0xFFFFD800  }
0xfe: {  	_ =	swait.ge [sflag:s22], $0x50  }
0xff: {  	[sflag:s22] =	ssyncset.done $0x0  }
0x100: {  	[sflag:s22] =	ssyncadd.s32 $0xFFFFFFB0  }
0x101: {  	_ =	swait.ge [sflag:s22], $0x50  }
0x102: {  	[sflag:s22] =	ssyncset.done $0x0  }
0x103: {  	s13 =	rddreg [dreg:$0xb];
	[sflag:s22] =	ssyncadd.s32 $0xFFFFFFB0  }
0x104: {  	[tilespmem:s19], [sflag:$0x1] =	stream.indirect.gather [hbm4b:s3+s29], $0x80, s5, s29, $0xb8;
	[tilespmem:$0x1E800] =	vst v63  }
0x105: {  	s30 =	rddreg [dreg:$0xa];
	s2 =	sadd.s32 $0x0, s13  }
0x106: {  	[tilespmem:s17], [sflag:$0x5] =	stream.linear.gather [hbm4b:s2+s4], $0x50, $0x38;
	[tilespmem:$0x1E800] =	vst v63  }
0x107: {  	s26 =	sadd.s32 $0x0, s30  }
0x108: {  	[tilespmem:s21], [sflag:$0x5] =	stream.linear.gather [hbm4b:s26+s4], $0x50, $0x38;
	[tilespmem:$0x1E800] =	vst v63  }
0x109: {  	_ =	swait.ge [sflag:s1], $0x2800  }
0x10a: {  	[sflag:s1] =	ssyncset.done $0x0  }
0x10b: {  	[sflag:s1] =	ssyncadd.s32 $0xFFFFD800  }
0x10c: {  	[spmem:s31] =	stream.indirect.scatter.add.f32 [tilespmem:s0], [sflag:$0x9], $0x80, s24, s29, $0xb8;
	[tilespmem:$0x1E800] =	vst v63  }
0x10d: {  	_ =	swait.ge [sflag:s25], $0x2800  }
0x10e: {  	[sflag:s25] =	ssyncset.done $0x0  }
0x10f: {  	[sflag:s25] =	ssyncadd.s32 $0xFFFFD800  }
0x110: {  	_ =	swait.ge [sflag:s15], $0x50  }
0x111: {  	[sflag:s15] =	ssyncset.done $0x0  }
0x112: {  	[sflag:s15] =	ssyncadd.s32 $0xFFFFFFB0  }
0x113: {  	_ =	swait.ge [sflag:s15], $0x50  }
0x114: {  	[sflag:s15] =	ssyncset.done $0x0  }
0x115: {  	s5 =	rddreg [dreg:$0x9];
	[sflag:s15] =	ssyncadd.s32 $0xFFFFFFB0  }
0x116: {  	[tilespmem:s0], [sflag:$0x2] =	stream.indirect.gather [hbm4b:s3+s29], $0x80, s16, s29, $0xb8;
	[tilespmem:$0x1E800] =	vst v63  }
0x117: {  	s30 =	rddreg [dreg:$0x8];
	s2 =	sadd.s32 $0x0, s5  }
0x118: {  	[tilespmem:s23], [sflag:$0x6] =	stream.linear.gather [hbm4b:s2+s4], $0x50, $0x38;
	[tilespmem:$0x1E800] =	vst v63  }
0x119: {  	s13 =	sadd.s32 $0x0, s30  }
0x11a: {  	[tilespmem:s24], [sflag:$0x6] =	stream.linear.gather [hbm4b:s13+s4], $0x50, $0x38;
	[tilespmem:$0x1E800] =	vst v63  }
0x11b: {  	_ =	swait.ge [sflag:s10], $0x2800  }
0x11c: {  	[sflag:s10] =	ssyncset.done $0x0  }
0x11d: {  	s16 =	simm.s32 $0x14700;
	[sflag:s10] =	ssyncadd.s32 $0xFFFFD800  }
0x11e: {  	[spmem:s31] =	stream.indirect.scatter.add.f32 [tilespmem:s8], [sflag:$0x9], $0x80, s16, s29, $0xb8;
	[tilespmem:$0x1E800] =	vst v63  }
0x11f: {  	_ =	swait.ge [sflag:s25], $0x2800  }
0x120: {  	[sflag:s25] =	ssyncset.done $0x0  }
0x121: {  	[sflag:s25] =	ssyncadd.s32 $0xFFFFD800  }
0x122: {  	_ =	swait.ge [sflag:s6], $0x50  }
0x123: {  	[sflag:s6] =	ssyncset.done $0x0  }
0x124: {  	[sflag:s6] =	ssyncadd.s32 $0xFFFFFFB0  }
0x125: {  	_ =	swait.ge [sflag:s6], $0x50  }
0x126: {  	[sflag:s6] =	ssyncset.done $0x0  }
0x127: {  	s17 =	rddreg [dreg:$0x7];
	[sflag:s6] =	ssyncadd.s32 $0xFFFFFFB0  }
0x128: {  	[tilespmem:s8], [sflag:$0x3] =	stream.indirect.gather [hbm4b:s3+s29], $0x80, s18, s29, $0xb8;
	[tilespmem:$0x1E800] =	vst v63  }
0x129: {  	s19 =	simm.s32 $0x14300;
	s30 =	rddreg [dreg:$0x6];
	s2 =	sadd.s32 $0x0, s17  }
0x12a: {  	[tilespmem:s19], [sflag:$0x7] =	stream.linear.gather [hbm4b:s2+s4], $0x50, $0x38;
	[tilespmem:$0x1E800] =	vst v63  }
0x12b: {  	s21 =	sadd.s32 $0x0, s30  }
0x12c: {  	[tilespmem:s16], [sflag:$0x7] =	stream.linear.gather [hbm4b:s21+s4], $0x50, $0x38;
	[tilespmem:$0x1E800] =	vst v63  }
0x12d: {  	_ =	swait.ge [sflag:s12], $0x2800  }
0x12e: {  	[sflag:s12] =	ssyncset.done $0x0  }
0x12f: {  	s24 =	simm.s32 $0x14780;
	[sflag:s12] =	ssyncadd.s32 $0xFFFFD800  }
0x130: {  	[spmem:s31] =	stream.indirect.scatter.add.f32 [tilespmem:s11], [sflag:$0x9], $0x80, s24, s29, $0xb8;
	[tilespmem:$0x1E800] =	vst v63  }
0x131: {  	_ =	swait.ge [sflag:s25], $0x2800  }
0x132: {  	[sflag:s25] =	ssyncset.done $0x0  }
0x133: {  	[sflag:s25] =	ssyncadd.s32 $0xFFFFD800  }
0x134: {  	_ =	swait.ge [sflag:s28], $0x50  }
0x135: {  	[sflag:s28] =	ssyncset.done $0x0  }
0x136: {  	[sflag:s28] =	ssyncadd.s32 $0xFFFFFFB0  }
0x137: {  	_ =	swait.ge [sflag:s28], $0x50  }
0x138: {  	[sflag:s28] =	ssyncset.done $0x0  }
0x139: {  	s26 =	rddreg [dreg:$0x5];
	[sflag:s28] =	ssyncadd.s32 $0xFFFFFFB0  }
0x13a: {  	[tilespmem:s11], [sflag:$0x4] =	stream.indirect.gather [hbm4b:s3+s29], $0x80, s20, s29, $0xb8;
	[tilespmem:$0x1E800] =	vst v63  }
0x13b: {  	s14 =	simm.s32 $0x14380;
	s31 =	rddreg [dreg:$0x4];
	s2 =	sadd.s32 $0x0, s26  }
0x13c: {  	[tilespmem:s14], [sflag:$0x8] =	stream.linear.gather [hbm4b:s2+s4], $0x50, $0x38;
	[tilespmem:$0x1E800] =	vst v63  }
0x13d: {  	s30 =	simm.s32 $0x50;
	s2 =	sadd.s32 $0x0, s31;
	s31 =	sadd.s32 $0x280, s7  }
.LBB2_2:
0x13e: {  	s0 =	simm.s32 $0x14780;
	s26 =	simm.s32 $0x1  }
0x13f: {  	[tilespmem:s0], [sflag:$0x8] =	stream.linear.gather [hbm4b:s2+s4], $0x50, $0x38;
	[tilespmem:$0x1E800] =	vst v63  }
0x140: {  	_ =	swait.ge [sflag:s26], $0x2800  }
0x141: {  	[sflag:s26] =	ssyncset.done $0x0  }
0x142: {  	[sflag:s26] =	ssyncadd.s32 $0xFFFFD800  }
0x143: {  	s16 =	simm.s32 $0x14400;
	s0 =	simm.s32 $0x14800;
	s14 =	rddreg [dreg:$0x2]  }
0x144: {  	[spmem:s14] =	stream.indirect.scatter.add.f32 [tilespmem:s0], [sflag:$0x9], $0x80, s16, s29, $0xb8;
	[tilespmem:$0x1E800] =	vst v63  }
0x145: {  	_ =	swait.ge [sflag:s25], $0x2800  }
0x146: {  	[sflag:s25] =	ssyncset.done $0x0  }
0x147: {  	[sflag:s25] =	ssyncadd.s32 $0xFFFFD800  }
0x148: {  	_ =	swait.ge [sflag:s22], $0x50  }
0x149: {  	[sflag:s22] =	ssyncset.done $0x0  }
0x14a: {  	[sflag:s22] =	ssyncadd.s32 $0xFFFFFFB0  }
0x14b: {  	_ =	swait.ge [sflag:s22], $0x50  }
0x14c: {  	[sflag:s22] =	ssyncset.done $0x0  }
0x14d: {  	[sflag:s22] =	ssyncadd.s32 $0xFFFFFFB0  }
0x14e: {  	s7 =	sshrl.u32 s31, $0x3;
	s24 =	simm.s32 $0x14200;
	s3 =	rddreg [dreg:$0x0]  }
0x14f: {  	[tilespmem:s0], [sflag:$0x1] =	stream.indirect.gather [hbm4b:s3+s29], $0x80, s24, s29, $0xb8;
	[tilespmem:$0x1E800] =	vst v63  }
0x150: {  	s19 =	simm.s32 $0x14000;
	s11 =	sadd.s32 s9, s7;
	s1 =	rddreg [dreg:$0x12]  }
0x151: {  	[tilespmem:s19], [sflag:$0x5] =	stream.linear.gather [hbm4b:s11+s4], $0x50, $0x38;
	[tilespmem:$0x1E800] =	vst v63  }
0x152: {  	s7 =	sadd.s32 s1, s7;
	s1 =	simm.s32 $0x2  }
0x153: {  	[tilespmem:s16], [sflag:$0x5] =	stream.linear.gather [hbm4b:s7+s4], $0x50, $0x38;
	[tilespmem:$0x1E800] =	vst v63  }
0x154: {  	_ =	swait.ge [sflag:s1], $0x2800  }
0x155: {  	[sflag:s1] =	ssyncset.done $0x0  }
0x156: {  	s18 =	simm.s32 $0x14480;
	s8 =	simm.s32 $0x17000;
	[sflag:s1] =	ssyncadd.s32 $0xFFFFD800  }
0x157: {  	[spmem:s14] =	stream.indirect.scatter.add.f32 [tilespmem:s8], [sflag:$0x9], $0x80, s18, s29, $0xb8;
	[tilespmem:$0x1E800] =	vst v63  }
0x158: {  	_ =	swait.ge [sflag:s25], $0x2800  }
0x159: {  	[sflag:s25] =	ssyncset.done $0x0  }
0x15a: {  	[sflag:s25] =	ssyncadd.s32 $0xFFFFD800  }
0x15b: {  	_ =	swait.ge [sflag:s15], $0x50  }
0x15c: {  	[sflag:s15] =	ssyncset.done $0x0  }
0x15d: {  	[sflag:s15] =	ssyncadd.s32 $0xFFFFFFB0  }
0x15e: {  	_ =	swait.ge [sflag:s15], $0x50  }
0x15f: {  	[sflag:s15] =	ssyncset.done $0x0  }
0x160: {  	s2 =	smov.u32 s30;
	s12 =	rddreg [dreg:$0x11];
	[sflag:s15] =	ssyncadd.s32 $0xFFFFFFB0  }
0x161: {  	[tilespmem:s8], [sflag:$0x2] =	stream.indirect.gather [hbm4b:s3+s29], $0x80, s23, s29, $0xb8;
	[tilespmem:$0x1E800] =	vst v63  }
0x162: {  	s5 =	simm.s32 $0x14080;
	s13 =	rddreg [dreg:$0x10];
	s7 =	sadd.s32 s2, s12  }
0x163: {  	[tilespmem:s5], [sflag:$0x6] =	stream.linear.gather [hbm4b:s7+s4], $0x50, $0x38;
	[tilespmem:$0x1E800] =	vst v63  }
0x164: {  	s16 =	sadd.s32 s2, s13;
	s5 =	simm.s32 $0x3  }
0x165: {  	[tilespmem:s18], [sflag:$0x6] =	stream.linear.gather [hbm4b:s16+s4], $0x50, $0x38;
	[tilespmem:$0x1E800] =	vst v63  }
0x166: {  	_ =	swait.ge [sflag:s5], $0x2800  }
0x167: {  	[sflag:s5] =	ssyncset.done $0x0  }
0x168: {  	s20 =	simm.s32 $0x14500;
	s11 =	simm.s32 $0x19800;
	[sflag:s5] =	ssyncadd.s32 $0xFFFFD800  }
0x169: {  	[spmem:s14] =	stream.indirect.scatter.add.f32 [tilespmem:s11], [sflag:$0x9], $0x80, s20, s29, $0xb8;
	[tilespmem:$0x1E800] =	vst v63  }
0x16a: {  	_ =	swait.ge [sflag:s25], $0x2800  }
0x16b: {  	[sflag:s25] =	ssyncset.done $0x0  }
0x16c: {  	[sflag:s25] =	ssyncadd.s32 $0xFFFFD800  }
0x16d: {  	_ =	swait.ge [sflag:s6], $0x50  }
0x16e: {  	[sflag:s6] =	ssyncset.done $0x0  }
0x16f: {  	[sflag:s6] =	ssyncadd.s32 $0xFFFFFFB0  }
0x170: {  	_ =	swait.ge [sflag:s6], $0x50  }
0x171: {  	[sflag:s6] =	ssyncset.done $0x0  }
0x172: {  	s13 =	simm.s32 $0x14300;
	s17 =	rddreg [dreg:$0xf];
	[sflag:s6] =	ssyncadd.s32 $0xFFFFFFB0  }
0x173: {  	[tilespmem:s11], [sflag:$0x3] =	stream.indirect.gather [hbm4b:s3+s29], $0x80, s13, s29, $0xb8;
	[tilespmem:$0x1E800] =	vst v63  }
0x174: {  	s18 =	simm.s32 $0x14100;
	s21 =	rddreg [dreg:$0xe];
	s7 =	sadd.s32 s2, s17  }
0x175: {  	[tilespmem:s18], [sflag:$0x7] =	stream.linear.gather [hbm4b:s7+s4], $0x50, $0x38;
	[tilespmem:$0x1E800] =	vst v63  }
0x176: {  	s23 =	sadd.s32 s2, s21;
	s17 =	simm.s32 $0x4  }
0x177: {  	[tilespmem:s20], [sflag:$0x7] =	stream.linear.gather [hbm4b:s23+s4], $0x50, $0x38;
	[tilespmem:$0x1E800] =	vst v63  }
0x178: {  	_ =	swait.ge [sflag:s17], $0x2800  }
0x179: {  	[sflag:s17] =	ssyncset.done $0x0  }
0x17a: {  	s12 =	simm.s32 $0x14580;
	s21 =	simm.s32 $0x1C000;
	[sflag:s17] =	ssyncadd.s32 $0xFFFFD800  }
0x17b: {  	[spmem:s14] =	stream.indirect.scatter.add.f32 [tilespmem:s21], [sflag:$0x9], $0x80, s12, s29, $0xb8;
	[tilespmem:$0x1E800] =	vst v63  }
0x17c: {  	_ =	swait.ge [sflag:s25], $0x2800  }
0x17d: {  	[sflag:s25] =	ssyncset.done $0x0  }
0x17e: {  	[sflag:s25] =	ssyncadd.s32 $0xFFFFD800  }
0x17f: {  	_ =	swait.ge [sflag:s28], $0x50  }
0x180: {  	[sflag:s28] =	ssyncset.done $0x0  }
0x181: {  	[sflag:s28] =	ssyncadd.s32 $0xFFFFFFB0  }
0x182: {  	_ =	swait.ge [sflag:s28], $0x50  }
0x183: {  	s10 =	smov.u32 s9;
	[sflag:s28] =	ssyncset.done $0x0  }
0x184: {  	s16 =	simm.s32 $0x14380;
	s9 =	rddreg [dreg:$0xd];
	[sflag:s28] =	ssyncadd.s32 $0xFFFFFFB0  }
0x185: {  	[tilespmem:s21], [sflag:$0x4] =	stream.indirect.gather [hbm4b:s3+s29], $0x80, s16, s29, $0xb8;
	[tilespmem:$0x1E800] =	vst v63  }
0x186: {  	s20 =	simm.s32 $0x14180;
	s23 =	rddreg [dreg:$0xc];
	s7 =	sadd.s32 s2, s9  }
0x187: {  	[tilespmem:s20], [sflag:$0x8] =	stream.linear.gather [hbm4b:s7+s4], $0x50, $0x38;
	[tilespmem:$0x1E800] =	vst v63  }
0x188: {  	s9 =	sadd.s32 s2, s23  }
0x189: {  	[tilespmem:s12], [sflag:$0x8] =	stream.linear.gather [hbm4b:s9+s4], $0x50, $0x38;
	[tilespmem:$0x1E800] =	vst v63  }
0x18a: {  	_ =	swait.ge [sflag:s26], $0x2800  }
0x18b: {  	[sflag:s26] =	ssyncset.done $0x0  }
0x18c: {  	s23 =	simm.s32 $0x14600;
	[sflag:s26] =	ssyncadd.s32 $0xFFFFD800  }
0x18d: {  	[spmem:s14] =	stream.indirect.scatter.add.f32 [tilespmem:s0], [sflag:$0x9], $0x80, s23, s29, $0xb8;
	[tilespmem:$0x1E800] =	vst v63  }
0x18e: {  	_ =	swait.ge [sflag:s25], $0x2800  }
0x18f: {  	[sflag:s25] =	ssyncset.done $0x0  }
0x190: {  	[sflag:s25] =	ssyncadd.s32 $0xFFFFD800  }
0x191: {  	_ =	swait.ge [sflag:s22], $0x50  }
0x192: {  	[sflag:s22] =	ssyncset.done $0x0  }
0x193: {  	[sflag:s22] =	ssyncadd.s32 $0xFFFFFFB0  }
0x194: {  	_ =	swait.ge [sflag:s22], $0x50  }
0x195: {  	[sflag:s22] =	ssyncset.done $0x0  }
0x196: {  	s12 =	rddreg [dreg:$0xb];
	[sflag:s22] =	ssyncadd.s32 $0xFFFFFFB0  }
0x197: {  	[tilespmem:s0], [sflag:$0x1] =	stream.indirect.gather [hbm4b:s3+s29], $0x80, s19, s29, $0xb8;
	[tilespmem:$0x1E800] =	vst v63  }
0x198: {  	s26 =	rddreg [dreg:$0xa];
	s7 =	sadd.s32 s2, s12  }
0x199: {  	[tilespmem:s24], [sflag:$0x5] =	stream.linear.gather [hbm4b:s7+s4], $0x50, $0x38;
	[tilespmem:$0x1E800] =	vst v63  }
0x19a: {  	s24 =	sadd.s32 s2, s26  }
0x19b: {  	[tilespmem:s23], [sflag:$0x5] =	stream.linear.gather [hbm4b:s24+s4], $0x50, $0x38;
	[tilespmem:$0x1E800] =	vst v63  }
0x19c: {  	_ =	swait.ge [sflag:s1], $0x2800  }
0x19d: {  	[sflag:s1] =	ssyncset.done $0x0  }
0x19e: {  	[sflag:s1] =	ssyncadd.s32 $0xFFFFD800;
	s1 =	simm.s32 $0x14680  }
0x19f: {  	[spmem:s14] =	stream.indirect.scatter.add.f32 [tilespmem:s8], [sflag:$0x9], $0x80, s1, s29, $0xb8;
	[tilespmem:$0x1E800] =	vst v63  }
0x1a0: {  	_ =	swait.ge [sflag:s25], $0x2800  }
0x1a1: {  	[sflag:s25] =	ssyncset.done $0x0  }
0x1a2: {  	[sflag:s25] =	ssyncadd.s32 $0xFFFFD800  }
0x1a3: {  	_ =	swait.ge [sflag:s15], $0x50  }
0x1a4: {  	[sflag:s15] =	ssyncset.done $0x0  }
0x1a5: {  	[sflag:s15] =	ssyncadd.s32 $0xFFFFFFB0  }
0x1a6: {  	_ =	swait.ge [sflag:s15], $0x50  }
0x1a7: {  	[sflag:s15] =	ssyncset.done $0x0  }
0x1a8: {  	s26 =	simm.s32 $0x14080;
	s7 =	rddreg [dreg:$0x9];
	[sflag:s15] =	ssyncadd.s32 $0xFFFFFFB0  }
0x1a9: {  	[tilespmem:s8], [sflag:$0x2] =	stream.indirect.gather [hbm4b:s3+s29], $0x80, s26, s29, $0xb8;
	[tilespmem:$0x1E800] =	vst v63  }
0x1aa: {  	s23 =	simm.s32 $0x14280;
	s9 =	rddreg [dreg:$0x8];
	s7 =	sadd.s32 s2, s7  }
0x1ab: {  	[tilespmem:s23], [sflag:$0x6] =	stream.linear.gather [hbm4b:s7+s4], $0x50, $0x38;
	[tilespmem:$0x1E800] =	vst v63  }
0x1ac: {  	s9 =	sadd.s32 s2, s9  }
0x1ad: {  	[tilespmem:s1], [sflag:$0x6] =	stream.linear.gather [hbm4b:s9+s4], $0x50, $0x38;
	[tilespmem:$0x1E800] =	vst v63  }
0x1ae: {  	_ =	swait.ge [sflag:s5], $0x2800  }
0x1af: {  	[sflag:s5] =	ssyncset.done $0x0  }
0x1b0: {  	s19 =	simm.s32 $0x14700;
	[sflag:s5] =	ssyncadd.s32 $0xFFFFD800  }
0x1b1: {  	[spmem:s14] =	stream.indirect.scatter.add.f32 [tilespmem:s11], [sflag:$0x9], $0x80, s19, s29, $0xb8;
	[tilespmem:$0x1E800] =	vst v63  }
0x1b2: {  	_ =	swait.ge [sflag:s25], $0x2800  }
0x1b3: {  	[sflag:s25] =	ssyncset.done $0x0  }
0x1b4: {  	[sflag:s25] =	ssyncadd.s32 $0xFFFFD800  }
0x1b5: {  	_ =	swait.ge [sflag:s6], $0x50  }
0x1b6: {  	[sflag:s6] =	ssyncset.done $0x0  }
0x1b7: {  	[sflag:s6] =	ssyncadd.s32 $0xFFFFFFB0  }
0x1b8: {  	_ =	swait.ge [sflag:s6], $0x50  }
0x1b9: {  	[sflag:s6] =	ssyncset.done $0x0  }
0x1ba: {  	s26 =	rddreg [dreg:$0x7];
	[sflag:s6] =	ssyncadd.s32 $0xFFFFFFB0  }
0x1bb: {  	[tilespmem:s11], [sflag:$0x3] =	stream.indirect.gather [hbm4b:s3+s29], $0x80, s18, s29, $0xb8;
	[tilespmem:$0x1E800] =	vst v63  }
0x1bc: {  	s5 =	rddreg [dreg:$0x6];
	s7 =	sadd.s32 s2, s26  }
0x1bd: {  	[tilespmem:s13], [sflag:$0x7] =	stream.linear.gather [hbm4b:s7+s4], $0x50, $0x38;
	[tilespmem:$0x1E800] =	vst v63  }
0x1be: {  	s11 =	sadd.s32 s2, s5  }
0x1bf: {  	[tilespmem:s19], [sflag:$0x7] =	stream.linear.gather [hbm4b:s11+s4], $0x50, $0x38;
	[tilespmem:$0x1E800] =	vst v63  }
0x1c0: {  	_ =	swait.ge [sflag:s17], $0x2800  }
0x1c1: {  	[sflag:s17] =	ssyncset.done $0x0  }
0x1c2: {  	s13 =	simm.s32 $0x14780;
	[sflag:s17] =	ssyncadd.s32 $0xFFFFD800  }
0x1c3: {  	[spmem:s14] =	stream.indirect.scatter.add.f32 [tilespmem:s21], [sflag:$0x9], $0x80, s13, s29, $0xb8;
	[tilespmem:$0x1E800] =	vst v63  }
0x1c4: {  	_ =	swait.ge [sflag:s25], $0x2800  }
0x1c5: {  	[sflag:s25] =	ssyncset.done $0x0  }
0x1c6: {  	[sflag:s25] =	ssyncadd.s32 $0xFFFFD800  }
0x1c7: {  	p0 =	sne.s32 s30, $0x460;
	s31 =	sadd.s32 $0x280, s31;
	_ =	swait.ge [sflag:s28], $0x50  }
0x1c8: {  	s30 =	sadd.s32 $0x50, s30;
	s12 =	simm.s32 $0x14200;
	[sflag:s28] =	ssyncset.done $0x0  }
0x1c9: {  	s0 =	simm.s32 $0x14600;
	s24 =	simm.s32 $0x17000;
	[sflag:s28] =	ssyncadd.s32 $0xFFFFFFB0  }
0x1ca: {  	s8 =	simm.s32 $0x19800;
	s9 =	smov.u32 s10;
	_ =	swait.ge [sflag:s28], $0x50  }
.Ltmp0:
0x1cb: {  	[sflag:s28] =	ssyncset.done $0x0;
	s17 =	rddreg [dreg:$0x5];
	(pc) =	sbr.rel @p0 .LBB2_2-.Ltmp0, $4  }
0x1cc: {  	s26 =	simm.s32 $0x14780;
	s19 =	rddreg [dreg:$0x4];
	[sflag:s28] =	ssyncadd.s32 $0xFFFFFFB0  }
0x1cd: {  	[tilespmem:s21], [sflag:$0x4] =	stream.indirect.gather [hbm4b:s3+s29], $0x80, s20, s29, $0xb8;
	[tilespmem:$0x1E800] =	vst v63  }
0x1ce: {  	s11 =	simm.s32 $0x1C000;
	s7 =	sadd.s32 s2, s17;
	s2 =	sadd.s32 s2, s19  }
0x1cf: {  	[tilespmem:s16], [sflag:$0x8] =	stream.linear.gather [hbm4b:s7+s4], $0x50, $0x38;
	[tilespmem:$0x1E800] =	vst v63  }
0x1d0: {  	[tilespmem:s26], [sflag:$0x8] =	stream.linear.gather [hbm4b:s2+s4], $0x50, $0x38;
	[tilespmem:$0x1E800] =	vst v63  }
0x1d1: {  	s10 =	simm.s32 $0x1  }
0x1d2: {  	_ =	swait.ge [sflag:s10], $0x2800  }
0x1d3: {  	[sflag:s10] =	ssyncset.done $0x0  }
0x1d4: {  	[sflag:s10] =	ssyncadd.s32 $0xFFFFD800  }
0x1d5: {  	s21 =	simm.s32 $0x14800;
	s1 =	simm.s32 $0x14400;
	s3 =	rddreg [dreg:$0x2]  }
0x1d6: {  	[spmem:s3] =	stream.indirect.scatter.add.f32 [tilespmem:s21], [sflag:$0x9], $0x80, s1, s29, $0xb8;
	[tilespmem:$0x1E800] =	vst v63  }
0x1d7: {  	_ =	swait.ge [sflag:s25], $0x2800  }
0x1d8: {  	[sflag:s25] =	ssyncset.done $0x0  }
0x1d9: {  	s13 =	simm.s32 $0x2;
	[sflag:s25] =	ssyncadd.s32 $0xFFFFD800  }
0x1da: {  	_ =	swait.ge [sflag:s13], $0x2800  }
0x1db: {  	[sflag:s13] =	ssyncset.done $0x0  }
0x1dc: {  	s14 =	simm.s32 $0x14480;
	[sflag:s13] =	ssyncadd.s32 $0xFFFFD800  }
0x1dd: {  	[spmem:s3] =	stream.indirect.scatter.add.f32 [tilespmem:s24], [sflag:$0x9], $0x80, s14, s29, $0xb8;
	[tilespmem:$0x1E800] =	vst v63  }
0x1de: {  	_ =	swait.ge [sflag:s25], $0x2800  }
0x1df: {  	[sflag:s25] =	ssyncset.done $0x0  }
0x1e0: {  	s16 =	simm.s32 $0x3;
	[sflag:s25] =	ssyncadd.s32 $0xFFFFD800  }
0x1e1: {  	_ =	swait.ge [sflag:s16], $0x2800  }
0x1e2: {  	[sflag:s16] =	ssyncset.done $0x0  }
0x1e3: {  	s17 =	simm.s32 $0x14500;
	[sflag:s16] =	ssyncadd.s32 $0xFFFFD800  }
0x1e4: {  	[spmem:s3] =	stream.indirect.scatter.add.f32 [tilespmem:s8], [sflag:$0x9], $0x80, s17, s29, $0xb8;
	[tilespmem:$0x1E800] =	vst v63  }
0x1e5: {  	_ =	swait.ge [sflag:s25], $0x2800  }
0x1e6: {  	[sflag:s25] =	ssyncset.done $0x0  }
0x1e7: {  	s19 =	simm.s32 $0x4;
	[sflag:s25] =	ssyncadd.s32 $0xFFFFD800  }
0x1e8: {  	_ =	swait.ge [sflag:s19], $0x2800  }
0x1e9: {  	[sflag:s19] =	ssyncset.done $0x0  }
0x1ea: {  	s24 =	simm.s32 $0x14580;
	[sflag:s19] =	ssyncadd.s32 $0xFFFFD800  }
0x1eb: {  	[spmem:s3] =	stream.indirect.scatter.add.f32 [tilespmem:s11], [sflag:$0x9], $0x80, s24, s29, $0xb8;
	[tilespmem:$0x1E800] =	vst v63  }
0x1ec: {  	_ =	swait.ge [sflag:s25], $0x2800  }
0x1ed: {  	[sflag:s25] =	ssyncset.done $0x0  }
0x1ee: {  	[sflag:s25] =	ssyncadd.s32 $0xFFFFD800  }
0x1ef: {  	_ =	swait.ge [sflag:s22], $0x50  }
0x1f0: {  	[sflag:s22] =	ssyncset.done $0x0  }
0x1f1: {  	[sflag:s22] =	ssyncadd.s32 $0xFFFFFFB0  }
0x1f2: {  	_ =	swait.ge [sflag:s22], $0x50  }
0x1f3: {  	[sflag:s22] =	ssyncset.done $0x0  }
0x1f4: {  	[sflag:s22] =	ssyncadd.s32 $0xFFFFFFB0  }
0x1f5: {  	_ =	swait.ge [sflag:s15], $0x50  }
0x1f6: {  	[sflag:s15] =	ssyncset.done $0x0  }
0x1f7: {  	[sflag:s15] =	ssyncadd.s32 $0xFFFFFFB0  }
0x1f8: {  	_ =	swait.ge [sflag:s15], $0x50  }
0x1f9: {  	[sflag:s15] =	ssyncset.done $0x0  }
0x1fa: {  	[sflag:s15] =	ssyncadd.s32 $0xFFFFFFB0  }
0x1fb: {  	_ =	swait.ge [sflag:s6], $0x50  }
0x1fc: {  	[sflag:s6] =	ssyncset.done $0x0  }
0x1fd: {  	[sflag:s6] =	ssyncadd.s32 $0xFFFFFFB0  }
0x1fe: {  	_ =	swait.ge [sflag:s6], $0x50  }
0x1ff: {  	[sflag:s6] =	ssyncset.done $0x0  }
0x200: {  	[sflag:s6] =	ssyncadd.s32 $0xFFFFFFB0  }
0x201: {  	_ =	swait.ge [sflag:s28], $0x50  }
0x202: {  	[sflag:s28] =	ssyncset.done $0x0  }
0x203: {  	[sflag:s28] =	ssyncadd.s32 $0xFFFFFFB0  }
0x204: {  	_ =	swait.ge [sflag:s28], $0x50  }
0x205: {  	[sflag:s28] =	ssyncset.done $0x0  }
0x206: {  	[sflag:s28] =	ssyncadd.s32 $0xFFFFFFB0  }
0x207: {  	s26 =	rddreg [dreg:$0x0]  }
0x208: {  	[tilespmem:s21], [sflag:$0x1] =	stream.indirect.gather [hbm4b:s26+s29], $0x80, s12, s29, $0xb8;
	[tilespmem:$0x1E800] =	vst v63  }
0x209: {  	_ =	swait.ge [sflag:s10], $0x2800  }
0x20a: {  	[sflag:s10] =	ssyncset.done $0x0  }
0x20b: {  	[sflag:s10] =	ssyncadd.s32 $0xFFFFD800  }
0x20c: {  	[spmem:s3] =	stream.indirect.scatter.add.f32 [tilespmem:s21], [sflag:$0x9], $0x80, s0, s29, $0xb8;
	[tilespmem:$0x1E800] =	vst v63  }
0x20d: {  	_ =	swait.ge [sflag:s25], $0x2800  }
0x20e: {  	[sflag:s25] =	ssyncset.done $0x0  }
0x20f: {  	[sflag:s25] =	ssyncadd.s32 $0xFFFFD800  }
0x210: {  	[bflag:$0x0] =	sbarrier.arrive $0xFFFF  }
0x211: {  	s16 =	rddreg [dreg:$0x1c]  }
0x212: {  	[tilespmem:s21], [sflag:$0x9] =	stream.linear.gather [spmem:s16], $0x2800, $0x38;
	[tilespmem:$0x1E800] =	vst v63  }
0x213: {  	_ =	swait.ge [sflag:s25], $0x2800  }
0x214: {  	[sflag:s25] =	ssyncset.done $0x0  }
0x215: {  	s5 =	rddreg [dreg:$0x13];
	[sflag:s25] =	ssyncadd.s32 $0xFFFFD800  }
0x216: {  	[hbm4b:s5+s4] =	stream.linear.scatter [tilespmem:s21], [sflag:$0x9], $0x2800, $0x38;
	[tilespmem:$0x1E800] =	vst v63  }
0x217: {  	_ =	swait.ge [sflag:s25], $0x2800  }
0x218: {  	[sflag:s25] =	ssyncset.done $0x0  }
0x219: {  	s14 =	rddreg [dreg:$0x1d];
	[sflag:s25] =	ssyncadd.s32 $0xFFFFD800  }
0x21a: {  	[tilespmem:s21], [sflag:$0x9] =	stream.linear.gather [spmem:s14], $0x2800, $0x38;
	[tilespmem:$0x1E800] =	vst v63  }
0x21b: {  	_ =	swait.ge [sflag:s25], $0x2800  }
0x21c: {  	[sflag:s25] =	ssyncset.done $0x0  }
0x21d: {  	s7 =	rddreg [dreg:$0x14];
	[sflag:s25] =	ssyncadd.s32 $0xFFFFD800  }
0x21e: {  	[hbm4b:s7+s4] =	stream.linear.scatter [tilespmem:s21], [sflag:$0x9], $0x2800, $0x38;
	[tilespmem:$0x1E800] =	vst v63  }
0x21f: {  	_ =	swait.ge [sflag:s25], $0x2800  }
0x220: {  	[sflag:s25] =	ssyncset.done $0x0  }
0x221: {  	s3 =	rddreg [dreg:$0x1e];
	[sflag:s25] =	ssyncadd.s32 $0xFFFFD800  }
0x222: {  	[tilespmem:s21], [sflag:$0x9] =	stream.linear.gather [spmem:s3], $0x2800, $0x38;
	[tilespmem:$0x1E800] =	vst v63  }
0x223: {  	_ =	swait.ge [sflag:s25], $0x2800  }
0x224: {  	[sflag:s25] =	ssyncset.done $0x0  }
0x225: {  	s8 =	rddreg [dreg:$0x15];
	[sflag:s25] =	ssyncadd.s32 $0xFFFFD800  }
0x226: {  	[hbm4b:s8+s4] =	stream.linear.scatter [tilespmem:s21], [sflag:$0x9], $0x2800, $0x38;
	[tilespmem:$0x1E800] =	vst v63  }
0x227: {  	_ =	swait.ge [sflag:s25], $0x2800  }
0x228: {  	[sflag:s25] =	ssyncset.done $0x0  }
0x229: {  	s12 =	rddreg [dreg:$0x1f];
	[sflag:s25] =	ssyncadd.s32 $0xFFFFD800  }
0x22a: {  	[tilespmem:s21], [sflag:$0x9] =	stream.linear.gather [spmem:s12], $0x2800, $0x38;
	[tilespmem:$0x1E800] =	vst v63  }
0x22b: {  	_ =	swait.ge [sflag:s25], $0x2800  }
0x22c: {  	[sflag:s25] =	ssyncset.done $0x0  }
0x22d: {  	s10 =	rddreg [dreg:$0x16];
	[sflag:s25] =	ssyncadd.s32 $0xFFFFD800  }
0x22e: {  	[hbm4b:s10+s4] =	stream.linear.scatter [tilespmem:s21], [sflag:$0x9], $0x2800, $0x38;
	[tilespmem:$0x1E800] =	vst v63  }
0x22f: {  	_ =	swait.ge [sflag:s25], $0x2800  }
0x230: {  	s31 =	sld [smem:$0x7FA]  }
0x231: {  	[sflag:s25] =	ssyncset.done $0x0  }
0x232: {  	[sflag:s25] =	ssyncadd.s32 $0xFFFFD800  }
0x233: {  	[tilespmem:s21], [sflag:$0x9] =	stream.linear.gather [spmem:s31], $0x2800, $0x38;
	[tilespmem:$0x1E800] =	vst v63  }
0x234: {  	_ =	swait.ge [sflag:s25], $0x2800  }
0x235: {  	[sflag:s25] =	ssyncset.done $0x0  }
0x236: {  	s11 =	rddreg [dreg:$0x17];
	[sflag:s25] =	ssyncadd.s32 $0xFFFFD800  }
0x237: {  	[hbm4b:s11+s4] =	stream.linear.scatter [tilespmem:s21], [sflag:$0x9], $0x2800, $0x38;
	[tilespmem:$0x1E800] =	vst v63  }
0x238: {  	_ =	swait.ge [sflag:s25], $0x2800  }
0x239: {  	s30 =	sld [smem:$0x7FB]  }
0x23a: {  	[sflag:s25] =	ssyncset.done $0x0  }
0x23b: {  	[sflag:s25] =	ssyncadd.s32 $0xFFFFD800  }
0x23c: {  	[tilespmem:s21], [sflag:$0x9] =	stream.linear.gather [spmem:s30], $0x2800, $0x38;
	[tilespmem:$0x1E800] =	vst v63  }
0x23d: {  	_ =	swait.ge [sflag:s25], $0x2800  }
0x23e: {  	[sflag:s25] =	ssyncset.done $0x0  }
0x23f: {  	s13 =	rddreg [dreg:$0x18];
	[sflag:s25] =	ssyncadd.s32 $0xFFFFD800  }
0x240: {  	[hbm4b:s13+s4] =	stream.linear.scatter [tilespmem:s21], [sflag:$0x9], $0x2800, $0x38;
	[tilespmem:$0x1E800] =	vst v63  }
0x241: {  	_ =	swait.ge [sflag:s25], $0x2800  }
0x242: {  	s7 =	sld [smem:$0x7FC]  }
0x243: {  	[sflag:s25] =	ssyncset.done $0x0  }
0x244: {  	[sflag:s25] =	ssyncadd.s32 $0xFFFFD800  }
0x245: {  	[tilespmem:s21], [sflag:$0x9] =	stream.linear.gather [spmem:s7], $0x2800, $0x38;
	[tilespmem:$0x1E800] =	vst v63  }
0x246: {  	_ =	swait.ge [sflag:s25], $0x2800  }
0x247: {  	[sflag:s25] =	ssyncset.done $0x0  }
0x248: {  	s17 =	rddreg [dreg:$0x19];
	[sflag:s25] =	ssyncadd.s32 $0xFFFFD800  }
0x249: {  	[hbm4b:s17+s4] =	stream.linear.scatter [tilespmem:s21], [sflag:$0x9], $0x2800, $0x38;
	[tilespmem:$0x1E800] =	vst v63  }
0x24a: {  	_ =	swait.ge [sflag:s25], $0x2800  }
0x24b: {  	s10 =	sld [smem:$0x7FD]  }
0x24c: {  	[sflag:s25] =	ssyncset.done $0x0  }
0x24d: {  	[sflag:s25] =	ssyncadd.s32 $0xFFFFD800  }
0x24e: {  	[tilespmem:s21], [sflag:$0x9] =	stream.linear.gather [spmem:s10], $0x2800, $0x38;
	[tilespmem:$0x1E800] =	vst v63  }
0x24f: {  	_ =	swait.ge [sflag:s25], $0x2800  }
0x250: {  	[sflag:s25] =	ssyncset.done $0x0  }
0x251: {  	s19 =	rddreg [dreg:$0x1a];
	[sflag:s25] =	ssyncadd.s32 $0xFFFFD800  }
0x252: {  	[hbm4b:s19+s4] =	stream.linear.scatter [tilespmem:s21], [sflag:$0x9], $0x2800, $0x38;
	[tilespmem:$0x1E800] =	vst v63  }
0x253: {  	_ =	swait.ge [sflag:s25], $0x2800  }
0x254: {  	s24 =	sld [smem:$0x7E7]  }
0x255: {  	s26 =	sld [smem:$0x7F8];
	_ =	sdelay $0x1  }
0x256: {  	s0 =	sadd.s32 $0x1, s24  }
0x257: {  	p0 =	sne.s32 s0, s26  }
.Ltmp1:
0x258: {  	_ = 	snop;
	(pc) =	sbr.rel @p0 .LBB2_1-.Ltmp1, $3  }
0x259: {  	_ =	sdelay $0x1  }
0x25a: {  	[sflag:s25] =	ssyncset.done $0x0  }
0x25b: {  	s1 =	rddreg [dreg:$0x12];
	[sflag:s25] =	ssyncadd.s32 $0xFFFFD800;
	s24 =	simm.s32 $0x14680  }
0x25c: {  	_ =	sfence.sel $0x180000  }
0x25d: {  	[bflag:$0x0] =	sbarrier.arrive $0xFFFF  }
0x25e: {  	_ =	strace $0x9000004D  }
0x25f: {  	s0 =	stileid.u32;
	[bflag:$0x2] =	sbarrier.arrive $0xFFFF  }
0x260: {  	p0 =	sne.s32 s0, $0x0;
	s0 =	rddreg [dreg:$0x3]  }
0x261: {  	s0 =	sadd.s32 @!p0 $0x100000, s0  }
0x262: {  	[sflag:s0] =	ssyncadd.tile.s32 @!p0 $0x1;
	_ =	shalt  }
.Lfunc_end2:
_tile_overlayer_lowered:
.L_overlay_start_2:
0x263: {  	(tag) =	ssettag $0x2  }
0x264: {  	s0 =	rddreg [dreg:$0x0];
	s2 =	stileid.u32  }
0x265: {  	s1 =	rddreg [dreg:$0x1];
	p0 =	sne.s32 s2, $0x0  }
0x266: {  	s3 =	rddreg [dreg:$0x2];
	[bflag:$0x3] =	sbarrier.arrive $0xFFFF;
	s2 =	simm.s32 @!p0 $0x1C09  }
0x267: {  	[timem:s3], [sflag:s2] =	dma.local @!p0 [hbm:s0], s1  }
0x268: {  	s0 =	simm.s32 @!p0 $0x9  }
0x269: {  	_ =	swait.ge @!p0 [sflag:s0], s1  }
0x26a: {  	s1 =	ssub.s32 @!p0 $0x0, s1;
	[sflag:s0] =	ssyncset.done @!p0 $0x0  }
0x26b: {  	[sflag:s0] =	ssyncadd.s32 @!p0 s1  }
0x26c: {  	[bflag:$0x3] =	sbarrier.arrive $0xFFFF  }
0x26d: {  	_ =	shalt  }

// kernel: kernel.8.cloned.1.call-start
scs
__scs_entry_jumppad:
0x0: {  	(pc) =	sbr.rel $0x88, $3  }
0x1: {  	(tag) =	ssettag $0x0;
	lr =	simm.s32 $0x1  }
0x2: {  	[smem:$0x3F99] =	sst lr;
	_ =	strace $0xD0000000  }
0x3: {  	_ = 	snop  }
0x4: {  	_ = 	snop  }
0x5: {  	_ = 	snop  }
0x6: {  	_ = 	snop  }
0x7: {  	_ = 	snop  }
__scs_overlays_trampoline_lowered:
0x8: {  	[smem:$0x3FA8] =	sst s0  }
0x9: {  	[smem:$0x3FA9] =	sst s1  }
0xa: {  	[smem:$0x3FAA] =	sst s2  }
0xb: {  	[smem:$0x3FAB] =	sst s3  }
0xc: {  	[smem:$0x3FAC] =	sst s4  }
0xd: {  	[smem:$0x3FAD] =	sst s5  }
0xe: {  	[smem:$0x3FAE] =	sst s6  }
0xf: {  	[smem:$0x3FAF] =	sst s7  }
0x10: {  	[smem:$0x3FB0] =	sst s8  }
0x11: {  	[smem:$0x3FB1] =	sst s9;
	s0 =	simm.s32 @!p0 $0x0  }
0x12: {  	s1 =	sld [smem:$0x3F97];
	s0 =	simm.s32 @p0 $0x1  }
0x13: {  	[smem:$0x3FB2] =	sst s0;
	s0 =	simm.s32 @!p1 $0x0  }
0x14: {  	s2 =	sld [smem:$0x3F96];
	s0 =	simm.s32 @p1 $0x1  }
0x15: {  	[smem:$0x3FB3] =	sst s0;
	s0 =	simm.s32 @!p2 $0x0  }
0x16: {  	s3 =	sld [smem:$0x3FDB];
	s0 =	simm.s32 @p2 $0x1  }
0x17: {  	s4 =	simm.s32 $0x1BF5;
	[smem:$0x3FB5] =	sst s0  }
0x18: {  	s0 =	sld [smem:$0x3F98];
	_ =	swait.ge [sflag:s4], $0x0  }
0x19: {  	s7 =	sld [smem:$0x3F99]  }
0x1a: {  	s8 =	sadd.s32 $0xFFFFE003, lr  }
0x1b: {  	s9 =	sadd.s32 $0xFFFFFEF7, lr;
	s5 =	simm.s32 $0xFFFFFFFF;
	p2 =	slt.u32 s8, $0xFFFFF086  }
0x1c: {  	p1 =	slt.u32 s9, $0xF7A;
	s5 =	simm.s32 @!p2 $0x0  }
0x1d: {  	s5 =	simm.s32 @p1 $0x1;
	p0 =	seq.s32 s7, s2  }
0x1e: {  	s7 =	smul.u32 @!p0 $0xF7A, s2;
	p2 =	seq.s32 @!p0 s5, $0x0  }
0x1f: {  	s9 =	smul.u32 $0xF7A, s1;
	s8 =	simm.s32 @!p0 $0x1BF5;
	p2 =	por !p2, p0  }
0x20: {  	[sflag:s8] =	ssyncset.s32 @!p0 $0xFFFFF086;
	s6 =	sadd.s32 @!p0 s3, s7;
	s7 =	simm.s32 @!p0 $0x108  }
0x21: {  	s3 =	sadd.s32 s3, s9;
	s6 =	sadd.s32 @!p0 $0x88, s6;
	s7 =	simm.s32 @p2 $0x1082  }
0x22: {  	[simem:s7], [sflag:s8] =	dma.local @!p0 [hbm:s6], $0xF7A  }
0x23: {  	s9 =	sor.u32 $0xD0000000, s2;
	s6 =	simm.s32 $0x108;
	_ =	swait.ge @!p0 [sflag:s8], $0x0  }
0x24: {  	s3 =	sadd.s32 $0x88, s3;
	s6 =	simm.s32 @!p1 $0x1082;
	[sflag:s4] =	ssyncset.s32 $0xFFFFF086  }
0x25: {  	[simem:s6], [sflag:s4] =	dma.local [hbm:s3], $0xF7A  }
0x26: {  	[smem:$0x3F99] =	sst s1;
	(tag) =	ssettag s2;
	_ =	strace s9  }
0x27: {  	s1 =	sld [smem:$0x3FA9]  }
0x28: {  	s2 =	sld [smem:$0x3FAA]  }
0x29: {  	s4 =	sld [smem:$0x3FAC]  }
0x2a: {  	p0 =	seq.s32 s5, $0x0;
	s5 =	sld [smem:$0x3FAD]  }
0x2b: {  	s6 =	sld [smem:$0x3FAE]  }
0x2c: {  	s7 =	sld [smem:$0x3FAF]  }
0x2d: {  	s3 =	simm.s32 $0x108;
	s8 =	sld [smem:$0x3FB0]  }
0x2e: {  	s3 =	simm.s32 @!p0 $0x1082;
	s9 =	sld [smem:$0x3FB1]  }
0x2f: {  	lr =	sadd.s32 s0, s3;
	s0 =	sld [smem:$0x3FA8]  }
0x30: {  	s3 =	sld [smem:$0x3FAB]  }
0x31: {  	[smem:$0x3FB4] =	sst s10  }
0x32: {  	s10 =	sld [smem:$0x3FB2];
	_ =	sdelay $0x3  }
0x33: {  	p0 =	seq.s32 s10, $0x1;
	s10 =	sld [smem:$0x3FB4];
	_ =	sdelay $0x3  }
0x34: {  	[smem:$0x3FB4] =	sst s10  }
0x35: {  	s10 =	sld [smem:$0x3FB3];
	_ =	sdelay $0x3  }
0x36: {  	p1 =	seq.s32 s10, $0x1;
	s10 =	sld [smem:$0x3FB4];
	_ =	sdelay $0x3  }
0x37: {  	[smem:$0x3FB4] =	sst s10  }
0x38: {  	s10 =	sld [smem:$0x3FB5]  }
0x39: {  	_ = 	snop;
	(pc) =	sbr.ind lr, $3  }
0x3a: {  	_ = 	snop  }
0x3b: {  	_ = 	snop  }
0x3c: {  	p2 =	seq.s32 s10, $0x1;
	s10 =	sld [smem:$0x3FB4]  }
0x3d: {  	_ =	shalt  }
0x3e: {  	_ =	shalt  }
0x3f: {  	_ =	shalt  }
0x40: {  	_ =	shalt  }
0x41: {  	_ =	shalt  }
0x42: {  	_ =	shalt  }
0x43: {  	_ =	shalt  }
0x44: {  	_ =	shalt  }
0x45: {  	_ =	shalt  }
0x46: {  	_ =	shalt  }
0x47: {  	_ =	shalt  }
0x48: {  	_ =	shalt  }
0x49: {  	_ =	shalt  }
0x4a: {  	_ =	shalt  }
0x4b: {  	_ =	shalt  }
0x4c: {  	_ =	shalt  }
0x4d: {  	_ =	shalt  }
0x4e: {  	_ =	shalt  }
0x4f: {  	_ =	shalt  }
0x50: {  	_ =	shalt  }
0x51: {  	_ =	shalt  }
0x52: {  	_ =	shalt  }
0x53: {  	_ =	shalt  }
0x54: {  	_ =	shalt  }
0x55: {  	_ =	shalt  }
0x56: {  	_ =	shalt  }
0x57: {  	_ =	shalt  }
0x58: {  	_ =	shalt  }
0x59: {  	_ =	shalt  }
0x5a: {  	_ =	shalt  }
0x5b: {  	_ =	shalt  }
0x5c: {  	_ =	shalt  }
0x5d: {  	_ =	shalt  }
0x5e: {  	_ =	shalt  }
0x5f: {  	_ =	shalt  }
0x60: {  	_ =	shalt  }
0x61: {  	_ =	shalt  }
0x62: {  	_ =	shalt  }
0x63: {  	_ =	shalt  }
0x64: {  	_ =	shalt  }
0x65: {  	_ =	shalt  }
0x66: {  	_ =	shalt  }
0x67: {  	_ =	shalt  }
0x68: {  	_ =	shalt  }
0x69: {  	_ =	shalt  }
0x6a: {  	_ =	shalt  }
0x6b: {  	_ =	shalt  }
0x6c: {  	_ =	shalt  }
0x6d: {  	_ =	shalt  }
0x6e: {  	_ =	shalt  }
0x6f: {  	_ =	shalt  }
0x70: {  	_ =	shalt  }
0x71: {  	_ =	shalt  }
0x72: {  	_ =	shalt  }
0x73: {  	_ =	shalt  }
0x74: {  	_ =	shalt  }
0x75: {  	_ =	shalt  }
0x76: {  	_ =	shalt  }
0x77: {  	_ =	shalt  }
0x78: {  	_ =	shalt  }
0x79: {  	_ =	shalt  }
0x7a: {  	_ =	shalt  }
0x7b: {  	_ =	shalt  }
0x7c: {  	_ =	shalt  }
0x7d: {  	_ =	shalt  }
0x7e: {  	_ =	shalt  }
0x7f: {  	_ =	shalt  }
0x80: {  	_ =	shalt  }
0x81: {  	_ =	shalt  }
0x82: {  	_ =	shalt  }
0x83: {  	_ =	shalt  }
0x84: {  	_ =	shalt  }
0x85: {  	_ =	shalt  }
0x86: {  	_ =	shalt  }
0x87: {  	_ =	shalt  }
.Lfunc_end0:
.L_simem_size_0:
called_computation_lowered:
.L_overlay_start_0:
0x88: {  	s2 =	sld [smem:$0x3FD9]  }
0x89: {  	s3 =	sld [smem:$0x3FFE];
	_ =	sdelay $0x1  }
0x8a: {  	s1 =	srdreg.scid  }
0x8b: {  	s0 =	sand.u32 $0x1, s1  }
0x8c: {  	s17 =	sshll.u32 s0, $0xA;
	s2 =	sadd.s32 s3, s2  }
0x8d: {  	s2 =	sadd.s32 s2, s17  }
0x8e: {  	[smem:$0x3FC0] =	sst s2  }
0x8f: {  	_ = 	snop  }
0x90: {  	(tm) =	ssettm $0x1  }
0x91: {  	s18 =	sld [smem:$0x3FFB];
	_ =	sdelay $0x3  }
0x92: {  	_ =	strace s18  }
0x93: {  	s2 =	sld [smem:$0x3FFC];
	_ =	sdelay $0x3  }
0x94: {  	_ =	strace s2  }
0x95: {  	s2 =	sld [smem:$0x3FFD];
	_ =	sdelay $0x3  }
0x96: {  	_ =	strace s2  }
0x97: {  	_ =	strace $0x8FFFFFFF  }
0x98: {  	s19 =	sld [smem:$0x3FDB];
	_ =	sdelay $0x1  }
0x99: {  	s20 =	simm.s32 $_scs_section_size  }
0x9a: {  	s4 =	simm.s32 $_size__tile_overlayer_lowered;
	s5 =	simm.s32 $_tile_overlayer_lowered  }
0x9b: {  	s6 =	simm.s32 $0x1BFF;
	s21 =	sshll.u32 s5, $0x1;
	s3 =	sadd.s32 s20, s19  }
0x9c: {  	s22 =	simm.s32 $0x0;
	s4 =	sshll.u32 s4, $0x1;
	s5 =	sadd.s32 s21, s3  }
0x9d: {  	[timem:s22], [sflag:s6] =	dma.local [hbm:s5], s4  }
0x9e: {  	_ =	swait.ge [sflag:s6], s4  }
0x9f: {  	s4 =	ssub.s32 $0x0, s4;
	[sflag:s6] =	ssyncset.done $0x0  }
0xa0: {  	[sflag:s6] =	ssyncadd.s32 s4;
	_ =	sdelay $0x1  }
0xa1: {  	s23 =	simm.s32 $0x1B8B  }
0xa2: {  	_ =	swait.ge [sflag:s23], $0x1  }
0xa3: {  	[sflag:s23] =	ssyncset.done $0x0  }
0xa4: {  	[sflag:s23] =	ssyncadd.s32 $0xFFFFFFFF  }
0xa5: {  	s4 =	sld [smem:$0x0]  }
0xa6: {  	s5 =	sand.u32 $0xFFFFFFFE, s1  }
0xa7: {  	p0 =	sne.s32 s1, s5  }
0xa8: {  	s5 =	sshll.u32 @p0 s5, $0xE  }
0xa9: {  	s5 =	sadd.s32 @p0 $0x11B8D, s5;
	s6 =	sshll.u32 @p0 s4, $0x11  }
0xaa: {  	s5 =	sor.u32 @p0 s6, s5  }
0xab: {  	[sflag:s5] =	ssyncadd.remote.s32 @p0 $0x1;
	_ =	sdelay $0x1  }
0xac: {  	s5 =	simm.s32 @p0 $0x1B8D  }
0xad: {  	_ =	swait.eq @p0 [sflag:s5], $0x1  }
0xae: {  	[sflag:s5] =	ssyncadd.s32 @p0 $0xFFFFFFFF  }
0xaf: {  	s6 =	sshll.u32 @!p0 s1, $0xE  }
0xb0: {  	s6 =	sor.u32 @!p0 $0x4000, s6;
	s5 =	simm.s32 @!p0 $0x1B8D  }
0xb1: {  	s4 =	sshll.u32 @!p0 s4, $0x11;
	s6 =	sadd.s32 @!p0 $0x11B8D, s6;
	_ =	swait.eq @!p0 [sflag:s5], $0x1  }
0xb2: {  	s4 =	sor.u32 @!p0 s4, s6;
	[sflag:s5] =	ssyncadd.s32 @!p0 $0xFFFFFFFF  }
0xb3: {  	s25 =	simm.s32 $0x1B8E;
	s24 =	sld [smem:$0x3FFE];
	[sflag:s4] =	ssyncadd.remote.s32 @!p0 $0x1  }
0xb4: {  	s26 =	simm.s32 $execute0_lowered;
	[smem:$0x3FD2] =	sst s25  }
0xb5: {  	s5 =	sshll.u32 s26, $0x1;
	_ =	strace $0x80000049;
	[dreg:$0x1] =	wrdreg $0xFFFFFFFF  }
0xb6: {  	s28 =	simm.s32 $_size_execute0_lowered;
	s3 =	sadd.s32 s3, s5;
	[dreg:$0x0] =	wrdreg $0x0  }
0xb7: {  	s5 =	sshll.u32 s28, $0x1;
	[dreg:$0x2] =	wrdreg s3  }
0xb8: {  	[dreg:$0x3] =	wrdreg s5  }
0xb9: {  	[dreg:$0x4] =	wrdreg $0xC0  }
0xba: {  	_ =	task [dreg:s22], $0x5FFFF  }
0xbb: {  	[dreg:$0x1] =	wrdreg $0xFFFFFFFF  }
0xbc: {  	[dreg:$0x0] =	wrdreg $0x60  }
0xbd: {  	[dreg:$0x2] =	wrdreg s24  }
0xbe: {  	[dreg:$0x3] =	wrdreg $0x0  }
0xbf: {  	[dreg:$0x4] =	wrdreg $0x9  }
0xc0: {  	_ =	task.clear_ibuf [dreg:s22], $0x5FFFF;
	_ =	strace $0x90000049  }
0xc1: {  	s29 =	simm.s32 $0x9;
	_ =	strace $0x8000004B  }
0xc2: {  	_ =	swait.ge [sflag:s29], $0x1  }
0xc3: {  	[sflag:s29] =	ssyncadd.s32 $0xFFFFFFFF  }
0xc4: {  	_ =	strace $0x9000004B  }
0xc5: {  	_ =	sfence  }
0xc6: {  	s30 =	sld [smem:$0x0];
	_ =	sdelay $0x2  }
0xc7: {  	s31 =	sshll.u32 s1, $0xD;
	s1 =	sshrl.u32 s1, $0x2  }
0xc8: {  	s4 =	sand.u32 $0x4000, s31;
	s1 =	sadd.s32 s1, s30  }
0xc9: {  	s0 =	sor.u32 s4, s0;
	s1 =	sshll.u32 s1, $0x11  }
0xca: {  	s0 =	sor.u32 s1, s0  }
0xcb: {  	s0 =	sadd.s32 $0x8F2B, s0  }
0xcc: {  	[sflag:s0] =	ssyncadd.remote.s32 $0x1  }
0xcd: {  	_ =	sfence.sel $0xFFFF  }
0xce: {  	[dreg:$0x0] =	wrdreg $0xFFFFFFFF;
	(pc) =	sbr.abs _section_cstart, $3  }
0xcf: {  	[dreg:$0x1] =	wrdreg $0xFFFFFFFF  }
0xd0: {  	_ =	task.clear_ibuf [dreg:s22], $0x2FFFF;
	_ =	strace $0x9FFFFFFF  }
0xd1: {  	(tm) =	ssettm $0x7FFFFFFF  }
tec
execute0_lowered:
.L_overlay_start_1:
0x0: {  	(tag) =	ssettag $0x1  }
0x1: {  	s0 =	rddreg [dreg:$0x0]  }
0x2: {  	s2 =	rddreg [dreg:$0x1]  }
0x3: {  	s1 =	srdreg.scid;
	s3 =	simm.s32 $0x0;
	s17 =	stileid.u32  }
0x4: {  	s29 =	simm.s32 $0x14100;
	s30 =	simm.s32 $0x3;
	s31 =	simm.s32 $0x16900  }
0x5: {  	s1 =	sand.u32 $0x1, s1;
	[smem:$0x7FF] =	sst s3;
	s5 =	smul.u32 $0x14000, s17  }
0x6: {  	s6 =	sadd.s32 $0x8E400, s0;
	s4 =	ssub.s32 $0x2, s1;
	s11 =	smul.u32 $0x140000, s1  }
0x7: {  	_ =	strace $0x8000004A;
	s25 =	smul.u32 $0x27100, s1;
	s1 =	sshll.u32 s1, $0x4  }
0x8: {  	s7 =	sshrl.u32 s4, $0x1;
	s8 =	sor.u32 $0x2800, s5;
	s9 =	sadd.s32 $0x5000, s5  }
0x9: {  	s10 =	sadd.s32 $0x7800, s5;
	s19 =	sadd.s32 $0xA000, s5;
	s20 =	sadd.s32 $0xC800, s5  }
0xa: {  	s21 =	sadd.s32 $0xF000, s5;
	s22 =	sadd.s32 $0x11800, s5;
	s4 =	ssub.s32 s4, s7  }
0xb: {  	s7 =	smul.u32 $0x50000, s17;
	s5 =	sadd.s32 s5, s11;
	s12 =	sadd.s32 s11, s8  }
0xc: {  	s13 =	sadd.s32 s11, s9;
	s14 =	sadd.s32 s11, s10;
	s15 =	sadd.s32 s11, s19  }
0xd: {  	s16 =	sadd.s32 s11, s20;
	s24 =	sadd.s32 s11, s21;
	s11 =	sadd.s32 s11, s22  }
0xe: {  	s19 =	sadd.s32 s19, s2;
	s20 =	sadd.s32 s20, s2;
	s21 =	sadd.s32 s21, s2  }
0xf: {  	s22 =	sadd.s32 s22, s2;
	s5 =	sshrl.u32 s5, $0x3;
	s12 =	sshrl.u32 s12, $0x3  }
0x10: {  	s13 =	sshrl.u32 s13, $0x3;
	s23 =	sshrl.u32 s16, $0x3;
	s5 =	sadd.s32 s6, s5  }
0x11: {  	s11 =	sshrl.u32 s11, $0x3;
	s12 =	sadd.s32 s6, s12;
	[dreg:$0x3] =	wrdreg s5  }
0x12: {  	s16 =	sadd.s32 s8, s2;
	[dreg:$0x4] =	wrdreg s12;
	s5 =	sadd.s32 s6, s13  }
0x13: {  	s12 =	sshrl.u32 s15, $0x3;
	s13 =	sadd.s32 $0x8DE00, s0;
	[dreg:$0x5] =	wrdreg s5  }
0x14: {  	s5 =	sshrl.u32 s14, $0x3;
	s18 =	sadd.s32 s6, s12;
	s12 =	sshrl.u32 s24, $0x3  }
0x15: {  	s14 =	smul.u32 $0x2710, s17;
	s24 =	sor.u32 s17, s1;
	s17 =	sadd.s32 s9, s2  }
0x16: {  	s1 =	simm.s32 $0x14080;
	s5 =	sadd.s32 s6, s5;
	[dreg:$0x7] =	wrdreg s18  }
0x17: {  	s26 =	sadd.s32 s6, s12;
	s12 =	sadd.s32 $0x1C00, s0;
	[dreg:$0x6] =	wrdreg s5  }
0x18: {  	s18 =	sadd.s32 s10, s2;
	s5 =	sadd.s32 s6, s23;
	[dreg:$0x9] =	wrdreg s26  }
0x19: {  	s6 =	sadd.s32 s6, s11;
	s11 =	sadd.s32 s14, s25;
	s14 =	sadd.s32 $0x8D800, s0  }
0x1a: {  	s23 =	sshrl.u32 s7, $0x2;
	s0 =	smul.u32 $0x2710, s24;
	s24 =	smax.u32 s4, $0x1  }
0x1b: {  	s4 =	simm.s32 $0x1;
	s7 =	simm.s32 $0x0;
	[dreg:$0x8] =	wrdreg s5  }
0x1c: {  	[dreg:$0xa] =	wrdreg s6;
	s15 =	sadd.s32 s23, s2;
	s25 =	sadd.s32 $0xF0, s11  }
0x1d: {  	s5 =	simm.s32 $0x50;
	s0 =	sshrl.u32 s0, $0x3;
	s26 =	sshrl.u32 s25, $0x3  }
0x1e: {  	s6 =	simm.s32 $0x2;
	s23 =	sadd.s32 s12, s0;
	s25 =	sadd.s32 s26, s12  }
0x1f: {  	s26 =	sadd.s32 $0xA0, s11;
	s0 =	simm.s32 $0x14000;
	s28 =	sadd.s32 $0xA, s23  }
.LBB2_1:
0x20: {  	[tilespmem:s29], [sflag:$0x3] =	stream.linear.gather [hbm4b:s13+s3], $0x2800, $0x38;
	[tilespmem:$0x19100] =	vst v63  }
0x21: {  	_ =	swait.ge [sflag:s30], $0x2800  }
0x22: {  	[sflag:s30] =	ssyncset.done $0x0  }
0x23: {  	[sflag:s30] =	ssyncadd.s32 $0xFFFFD800  }
0x24: {  	[spmem:s15] =	stream.linear.scatter [tilespmem:s29], [sflag:$0x3], $0x2800, $0x38;
	[tilespmem:$0x19100] =	vst v63  }
0x25: {  	_ =	swait.ge [sflag:s30], $0x2800  }
0x26: {  	[sflag:s30] =	ssyncset.done $0x0  }
0x27: {  	[sflag:s30] =	ssyncadd.s32 $0xFFFFD800  }
0x28: {  	[spmem:s16] =	stream.linear.scatter [tilespmem:s29], [sflag:$0x3], $0x2800, $0x38;
	[tilespmem:$0x19100] =	vst v63  }
0x29: {  	_ =	swait.ge [sflag:s30], $0x2800  }
0x2a: {  	[sflag:s30] =	ssyncset.done $0x0  }
0x2b: {  	[sflag:s30] =	ssyncadd.s32 $0xFFFFD800  }
0x2c: {  	[spmem:s17] =	stream.linear.scatter [tilespmem:s29], [sflag:$0x3], $0x2800, $0x38;
	[tilespmem:$0x19100] =	vst v63  }
0x2d: {  	_ =	swait.ge [sflag:s30], $0x2800  }
0x2e: {  	[sflag:s30] =	ssyncset.done $0x0  }
0x2f: {  	[sflag:s30] =	ssyncadd.s32 $0xFFFFD800  }
0x30: {  	[spmem:s18] =	stream.linear.scatter [tilespmem:s29], [sflag:$0x3], $0x2800, $0x38;
	[tilespmem:$0x19100] =	vst v63  }
0x31: {  	_ =	swait.ge [sflag:s30], $0x2800  }
0x32: {  	[sflag:s30] =	ssyncset.done $0x0  }
0x33: {  	[sflag:s30] =	ssyncadd.s32 $0xFFFFD800  }
0x34: {  	[spmem:s19] =	stream.linear.scatter [tilespmem:s29], [sflag:$0x3], $0x2800, $0x38;
	[tilespmem:$0x19100] =	vst v63  }
0x35: {  	_ =	swait.ge [sflag:s30], $0x2800  }
0x36: {  	[sflag:s30] =	ssyncset.done $0x0  }
0x37: {  	[sflag:s30] =	ssyncadd.s32 $0xFFFFD800  }
0x38: {  	[spmem:s20] =	stream.linear.scatter [tilespmem:s29], [sflag:$0x3], $0x2800, $0x38;
	[tilespmem:$0x19100] =	vst v63  }
0x39: {  	_ =	swait.ge [sflag:s30], $0x2800  }
0x3a: {  	[sflag:s30] =	ssyncset.done $0x0  }
0x3b: {  	[sflag:s30] =	ssyncadd.s32 $0xFFFFD800  }
0x3c: {  	[spmem:s21] =	stream.linear.scatter [tilespmem:s29], [sflag:$0x3], $0x2800, $0x38;
	[tilespmem:$0x19100] =	vst v63  }
0x3d: {  	_ =	swait.ge [sflag:s30], $0x2800  }
0x3e: {  	[sflag:s30] =	ssyncset.done $0x0  }
0x3f: {  	[sflag:s30] =	ssyncadd.s32 $0xFFFFD800  }
0x40: {  	[spmem:s22] =	stream.linear.scatter [tilespmem:s29], [sflag:$0x3], $0x2800, $0x38;
	[tilespmem:$0x19100] =	vst v63  }
0x41: {  	_ =	swait.ge [sflag:s30], $0x2800  }
0x42: {  	[sflag:s30] =	ssyncset.done $0x0  }
0x43: {  	[sflag:s30] =	ssyncadd.s32 $0xFFFFD800  }
0x44: {  	[tilespmem:s31], [sflag:$0x3] =	stream.linear.gather [hbm4b:s14+s3], $0x2800, $0x38;
	[tilespmem:$0x19100] =	vst v63  }
0x45: {  	_ =	swait.ge [sflag:s30], $0x2800  }
0x46: {  	[sflag:s30] =	ssyncset.done $0x0  }
0x47: {  	[sflag:s30] =	ssyncadd.s32 $0xFFFFD800  }
0x48: {  	[bflag:$0x0] =	sbarrier.arrive $0xFFFF  }
0x49: {  	[tilespmem:s0], [sflag:$0x1] =	stream.linear.gather [hbm4b:s23+s3], $0x50, $0x38;
	[tilespmem:$0x19100] =	vst v63  }
0x4a: {  	_ = 	snop  }
0x4b: {  	[tilespmem:s1], [sflag:$0x2] =	stream.linear.gather [hbm4b:s28+s3], $0x50, $0x38;
	[tilespmem:$0x19100] =	vst v63  }
0x4c: {  	_ =	swait.ge [sflag:s4], $0x50  }
0x4d: {  	[sflag:s4] =	ssyncset.done $0x0  }
0x4e: {  	[sflag:s4] =	ssyncadd.s32 $0xFFFFFFB0  }
0x4f: {  	[spmem:s2] =	stream.indirect.scatter.add.f32 [tilespmem:s31], [sflag:$0x3], $0x80, s0, s5, $0xb8;
	[tilespmem:$0x19100] =	vst v63  }
0x50: {  	_ =	swait.ge [sflag:s30], $0x2800  }
0x51: {  	s8 =	sshrl.u32 s26, $0x3;
	[sflag:s30] =	ssyncset.done $0x0  }
0x52: {  	s8 =	sadd.s32 s12, s8;
	[sflag:s30] =	ssyncadd.s32 $0xFFFFD800  }
0x53: {  	[tilespmem:s0], [sflag:$0x1] =	stream.linear.gather [hbm4b:s8+s3], $0x50, $0x38;
	[tilespmem:$0x19100] =	vst v63  }
0x54: {  	_ =	swait.ge [sflag:s6], $0x50  }
0x55: {  	[sflag:s6] =	ssyncset.done $0x0  }
0x56: {  	[sflag:s6] =	ssyncadd.s32 $0xFFFFFFB0  }
0x57: {  	[spmem:s2] =	stream.indirect.scatter.add.f32 [tilespmem:s31], [sflag:$0x3], $0x80, s1, s5, $0xb8;
	[tilespmem:$0x19100] =	vst v63  }
0x58: {  	_ =	swait.ge [sflag:s30], $0x2800  }
0x59: {  	s10 =	sadd.s32 $0x0, s25;
	[sflag:s30] =	ssyncset.done $0x0  }
0x5a: {  	s9 =	sadd.s32 $0xA0, s26;
	s8 =	simm.s32 $0x14;
	[sflag:s30] =	ssyncadd.s32 $0xFFFFD800  }
.LBB2_2:
0x5b: {  	[tilespmem:s1], [sflag:$0x2] =	stream.linear.gather [hbm4b:s10+s3], $0x50, $0x38;
	[tilespmem:$0x19100] =	vst v63  }
0x5c: {  	s10 =	smov.u32 s8  }
0x5d: {  	p0 =	sne.s32 s8, $0x4C4;
	s8 =	sadd.s32 $0x14, s8;
	_ =	swait.ge [sflag:s4], $0x50  }
0x5e: {  	[sflag:s4] =	ssyncset.done $0x0  }
0x5f: {  	[sflag:s4] =	ssyncadd.s32 $0xFFFFFFB0  }
0x60: {  	[spmem:s2] =	stream.indirect.scatter.add.f32 [tilespmem:s31], [sflag:$0x3], $0x80, s0, s5, $0xb8;
	[tilespmem:$0x19100] =	vst v63  }
0x61: {  	_ =	swait.ge [sflag:s30], $0x2800  }
0x62: {  	s11 =	sshrl.u32 s9, $0x3;
	[sflag:s30] =	ssyncset.done $0x0  }
0x63: {  	s11 =	sadd.s32 s12, s11;
	[sflag:s30] =	ssyncadd.s32 $0xFFFFD800  }
0x64: {  	[tilespmem:s0], [sflag:$0x1] =	stream.linear.gather [hbm4b:s11+s3], $0x50, $0x38;
	[tilespmem:$0x19100] =	vst v63  }
0x65: {  	_ =	swait.ge [sflag:s6], $0x50  }
0x66: {  	[sflag:s6] =	ssyncset.done $0x0  }
.Ltmp0:
0x67: {  	[sflag:s6] =	ssyncadd.s32 $0xFFFFFFB0;
	(pc) =	sbr.rel @p0 .LBB2_2-.Ltmp0, $4  }
0x68: {  	[spmem:s2] =	stream.indirect.scatter.add.f32 [tilespmem:s31], [sflag:$0x3], $0x80, s1, s5, $0xb8;
	[tilespmem:$0x19100] =	vst v63  }
0x69: {  	_ =	swait.ge [sflag:s30], $0x2800  }
0x6a: {  	[sflag:s30] =	ssyncset.done $0x0  }
0x6b: {  	s9 =	sadd.s32 $0xA0, s9;
	s10 =	sadd.s32 s10, s25;
	[sflag:s30] =	ssyncadd.s32 $0xFFFFD800  }
0x6c: {  	[tilespmem:s1], [sflag:$0x2] =	stream.linear.gather [hbm4b:s10+s3], $0x50, $0x38;
	[tilespmem:$0x19100] =	vst v63  }
0x6d: {  	_ =	swait.ge [sflag:s4], $0x50  }
0x6e: {  	[sflag:s4] =	ssyncset.done $0x0  }
0x6f: {  	[sflag:s4] =	ssyncadd.s32 $0xFFFFFFB0  }
0x70: {  	[spmem:s2] =	stream.indirect.scatter.add.f32 [tilespmem:s31], [sflag:$0x3], $0x80, s0, s5, $0xb8;
	[tilespmem:$0x19100] =	vst v63  }
0x71: {  	_ =	swait.ge [sflag:s30], $0x2800  }
0x72: {  	[sflag:s30] =	ssyncset.done $0x0  }
0x73: {  	[sflag:s30] =	ssyncadd.s32 $0xFFFFD800  }
0x74: {  	_ =	swait.ge [sflag:s6], $0x50  }
0x75: {  	[sflag:s6] =	ssyncset.done $0x0  }
0x76: {  	[sflag:s6] =	ssyncadd.s32 $0xFFFFFFB0  }
0x77: {  	[bflag:$0x0] =	sbarrier.arrive $0xFFFF  }
0x78: {  	[tilespmem:s29], [sflag:$0x3] =	stream.linear.gather [spmem:s15], $0x2800, $0x38;
	[tilespmem:$0x19100] =	vst v63  }
0x79: {  	_ =	swait.ge [sflag:s30], $0x2800  }
0x7a: {  	[sflag:s30] =	ssyncset.done $0x0  }
0x7b: {  	s8 =	rddreg [dreg:$0x3];
	[sflag:s30] =	ssyncadd.s32 $0xFFFFD800  }
0x7c: {  	[hbm4b:s8+s3] =	stream.linear.scatter [tilespmem:s29], [sflag:$0x3], $0x2800, $0x38;
	[tilespmem:$0x19100] =	vst v63  }
0x7d: {  	_ =	swait.ge [sflag:s30], $0x2800  }
0x7e: {  	[sflag:s30] =	ssyncset.done $0x0  }
0x7f: {  	[sflag:s30] =	ssyncadd.s32 $0xFFFFD800  }
0x80: {  	[tilespmem:s29], [sflag:$0x3] =	stream.linear.gather [spmem:s16], $0x2800, $0x38;
	[tilespmem:$0x19100] =	vst v63  }
0x81: {  	_ =	swait.ge [sflag:s30], $0x2800  }
0x82: {  	[sflag:s30] =	ssyncset.done $0x0  }
0x83: {  	s11 =	rddreg [dreg:$0x4];
	[sflag:s30] =	ssyncadd.s32 $0xFFFFD800  }
0x84: {  	[hbm4b:s11+s3] =	stream.linear.scatter [tilespmem:s29], [sflag:$0x3], $0x2800, $0x38;
	[tilespmem:$0x19100] =	vst v63  }
0x85: {  	_ =	swait.ge [sflag:s30], $0x2800  }
0x86: {  	[sflag:s30] =	ssyncset.done $0x0  }
0x87: {  	[sflag:s30] =	ssyncadd.s32 $0xFFFFD800  }
0x88: {  	[tilespmem:s29], [sflag:$0x3] =	stream.linear.gather [spmem:s17], $0x2800, $0x38;
	[tilespmem:$0x19100] =	vst v63  }
0x89: {  	_ =	swait.ge [sflag:s30], $0x2800  }
0x8a: {  	[sflag:s30] =	ssyncset.done $0x0  }
0x8b: {  	s9 =	rddreg [dreg:$0x5];
	[sflag:s30] =	ssyncadd.s32 $0xFFFFD800  }
0x8c: {  	[hbm4b:s9+s3] =	stream.linear.scatter [tilespmem:s29], [sflag:$0x3], $0x2800, $0x38;
	[tilespmem:$0x19100] =	vst v63  }
0x8d: {  	_ =	swait.ge [sflag:s30], $0x2800  }
0x8e: {  	[sflag:s30] =	ssyncset.done $0x0  }
0x8f: {  	[sflag:s30] =	ssyncadd.s32 $0xFFFFD800  }
0x90: {  	[tilespmem:s29], [sflag:$0x3] =	stream.linear.gather [spmem:s18], $0x2800, $0x38;
	[tilespmem:$0x19100] =	vst v63  }
0x91: {  	_ =	swait.ge [sflag:s30], $0x2800  }
0x92: {  	[sflag:s30] =	ssyncset.done $0x0  }
0x93: {  	s10 =	rddreg [dreg:$0x6];
	[sflag:s30] =	ssyncadd.s32 $0xFFFFD800  }
0x94: {  	[hbm4b:s10+s3] =	stream.linear.scatter [tilespmem:s29], [sflag:$0x3], $0x2800, $0x38;
	[tilespmem:$0x19100] =	vst v63  }
0x95: {  	_ =	swait.ge [sflag:s30], $0x2800  }
0x96: {  	[sflag:s30] =	ssyncset.done $0x0  }
0x97: {  	[sflag:s30] =	ssyncadd.s32 $0xFFFFD800  }
0x98: {  	[tilespmem:s29], [sflag:$0x3] =	stream.linear.gather [spmem:s19], $0x2800, $0x38;
	[tilespmem:$0x19100] =	vst v63  }
0x99: {  	_ =	swait.ge [sflag:s30], $0x2800  }
0x9a: {  	[sflag:s30] =	ssyncset.done $0x0  }
0x9b: {  	s11 =	rddreg [dreg:$0x7];
	[sflag:s30] =	ssyncadd.s32 $0xFFFFD800  }
0x9c: {  	[hbm4b:s11+s3] =	stream.linear.scatter [tilespmem:s29], [sflag:$0x3], $0x2800, $0x38;
	[tilespmem:$0x19100] =	vst v63  }
0x9d: {  	_ =	swait.ge [sflag:s30], $0x2800  }
0x9e: {  	[sflag:s30] =	ssyncset.done $0x0  }
0x9f: {  	[sflag:s30] =	ssyncadd.s32 $0xFFFFD800  }
0xa0: {  	[tilespmem:s29], [sflag:$0x3] =	stream.linear.gather [spmem:s20], $0x2800, $0x38;
	[tilespmem:$0x19100] =	vst v63  }
0xa1: {  	_ =	swait.ge [sflag:s30], $0x2800  }
0xa2: {  	[sflag:s30] =	ssyncset.done $0x0  }
0xa3: {  	s9 =	rddreg [dreg:$0x8];
	[sflag:s30] =	ssyncadd.s32 $0xFFFFD800  }
0xa4: {  	[hbm4b:s9+s3] =	stream.linear.scatter [tilespmem:s29], [sflag:$0x3], $0x2800, $0x38;
	[tilespmem:$0x19100] =	vst v63  }
0xa5: {  	_ =	swait.ge [sflag:s30], $0x2800  }
0xa6: {  	[sflag:s30] =	ssyncset.done $0x0  }
0xa7: {  	[sflag:s30] =	ssyncadd.s32 $0xFFFFD800  }
0xa8: {  	[tilespmem:s29], [sflag:$0x3] =	stream.linear.gather [spmem:s21], $0x2800, $0x38;
	[tilespmem:$0x19100] =	vst v63  }
0xa9: {  	_ =	swait.ge [sflag:s30], $0x2800  }
0xaa: {  	[sflag:s30] =	ssyncset.done $0x0  }
0xab: {  	s10 =	rddreg [dreg:$0x9];
	[sflag:s30] =	ssyncadd.s32 $0xFFFFD800  }
0xac: {  	[hbm4b:s10+s3] =	stream.linear.scatter [tilespmem:s29], [sflag:$0x3], $0x2800, $0x38;
	[tilespmem:$0x19100] =	vst v63  }
0xad: {  	_ =	swait.ge [sflag:s30], $0x2800  }
0xae: {  	[sflag:s30] =	ssyncset.done $0x0  }
0xaf: {  	[sflag:s30] =	ssyncadd.s32 $0xFFFFD800  }
0xb0: {  	[tilespmem:s29], [sflag:$0x3] =	stream.linear.gather [spmem:s22], $0x2800, $0x38;
	[tilespmem:$0x19100] =	vst v63  }
0xb1: {  	s7 =	sadd.s32 $0x1, s7;
	_ =	swait.ge [sflag:s30], $0x2800  }
0xb2: {  	p0 =	sne.s32 s7, s24;
	[sflag:s30] =	ssyncset.done $0x0  }
.Ltmp1:
0xb3: {  	s11 =	rddreg [dreg:$0xa];
	[sflag:s30] =	ssyncadd.s32 $0xFFFFD800;
	(pc) =	sbr.rel @p0 .LBB2_1-.Ltmp1, $4  }
0xb4: {  	[hbm4b:s11+s3] =	stream.linear.scatter [tilespmem:s29], [sflag:$0x3], $0x2800, $0x38;
	[tilespmem:$0x19100] =	vst v63  }
0xb5: {  	_ =	swait.ge [sflag:s30], $0x2800  }
0xb6: {  	[sflag:s30] =	ssyncset.done $0x0  }
0xb7: {  	[sflag:s30] =	ssyncadd.s32 $0xFFFFD800  }
0xb8: {  	_ =	sfence.sel $0x180000  }
0xb9: {  	[bflag:$0x0] =	sbarrier.arrive $0xFFFF  }
0xba: {  	_ =	strace $0x9000004A  }
0xbb: {  	s0 =	stileid.u32;
	[bflag:$0x2] =	sbarrier.arrive $0xFFFF  }
0xbc: {  	p0 =	sne.s32 s0, $0x0;
	s0 =	rddreg [dreg:$0x2]  }
0xbd: {  	s0 =	sadd.s32 @!p0 $0x100000, s0  }
0xbe: {  	[sflag:s0] =	ssyncadd.tile.s32 @!p0 $0x1;
	_ =	shalt  }
.Lfunc_end2:
_tile_overlayer_lowered:
.L_overlay_start_2:
0xbf: {  	(tag) =	ssettag $0x2  }
0xc0: {  	s0 =	rddreg [dreg:$0x0];
	s2 =	stileid.u32  }
0xc1: {  	s1 =	rddreg [dreg:$0x1];
	p0 =	sne.s32 s2, $0x0  }
0xc2: {  	s3 =	rddreg [dreg:$0x2];
	[bflag:$0x3] =	sbarrier.arrive $0xFFFF;
	s2 =	simm.s32 @!p0 $0x1C03  }
0xc3: {  	[timem:s3], [sflag:s2] =	dma.local @!p0 [hbm:s0], s1  }
0xc4: {  	s0 =	simm.s32 @!p0 $0x3  }
0xc5: {  	_ =	swait.ge @!p0 [sflag:s0], s1  }
0xc6: {  	s1 =	ssub.s32 @!p0 $0x0, s1;
	[sflag:s0] =	ssyncset.done @!p0 $0x0  }
0xc7: {  	[sflag:s0] =	ssyncadd.s32 @!p0 s1  }
0xc8: {  	[bflag:$0x3] =	sbarrier.arrive $0xFFFF  }
0xc9: {  	_ =	shalt  }

</sc_bundles>
